<compile_context>
chip_gen: v7x
topology: tpu7x:2x2x1
jax: 0.10.2.dev20260603
libtpu: 0.0.44.dev20260713+nightly
codegen_flags: <defaults>
</compile_context>

<pallas_src>
import functools

import jax
import jax.numpy as jnp
from jax import lax
from jax.experimental import pallas as pl
from jax.experimental.pallas import tpu as pltpu
from jax.experimental.pallas import tpu_sc as plsc

_NC = 2
_NS = 16
_IW = 128
_KB = 8


def _sc_hist(src2d, dst2d, ones, zeros):
  R = src2d.shape[0]
  NP = zeros.shape[0]
  n_tiles = _NC * _NS
  rt = R // n_tiles
  mesh = plsc.VectorSubcoreMesh(core_axis_name="c", subcore_axis_name="s")
  out = jax.ShapeDtypeStruct((_NC, NP), jnp.float32)

  @functools.partial(
      pl.kernel, mesh=mesh, out_type=(out, out),
      scratch_types=[
          pltpu.VMEM_SHARED((NP,), jnp.float32),
          pltpu.VMEM_SHARED((NP,), jnp.float32),
          pltpu.VMEM((2 * _KB, _IW), jnp.int32),
          pltpu.VMEM((2 * _KB, _IW), jnp.int32),
          pltpu.VMEM((_KB, _IW), jnp.float32),
          pltpu.SemaphoreType.DMA,
      ])
  def k(src_h, dst_h, ones_h, zeros_h, os_h, od_h,
        acc_s, acc_d, idx_s, idx_d, ones_v, isem):
    c = lax.axis_index("c")
    s = lax.axis_index("s")
    wid = c * _NS + s
    nt = rt // _KB
    @pl.when(s == 0)
    def _():
      pltpu.sync_copy(zeros_h, acc_s)
      pltpu.sync_copy(zeros_h, acc_d)
    pltpu.sync_copy(ones_h, ones_v)
    base0 = wid * rt
    pltpu.sync_copy(src_h.at[pl.ds(base0, _KB)], idx_s.at[pl.ds(0, _KB)])
    pltpu.sync_copy(dst_h.at[pl.ds(base0, _KB)], idx_d.at[pl.ds(0, _KB)])
    plsc.subcore_barrier()

    @pl.loop(0, nt)
    def _(t):
      par = lax.rem(t, 2)
      pb = par * _KB
      nb = (1 - par) * _KB
      nbase = wid * rt + (t + 1) * _KB
      not_last = t < (nt - 1)

      @pl.when(not_last)
      def _():
        pltpu.make_async_copy(src_h.at[pl.ds(nbase, _KB)],
                              idx_s.at[pl.ds(nb, _KB)], isem).start()
        pltpu.make_async_copy(dst_h.at[pl.ds(nbase, _KB)],
                              idx_d.at[pl.ds(nb, _KB)], isem).start()
      for j in range(_KB):
        pltpu.sync_copy(ones_v.at[j], acc_s.at[idx_s.at[pb + j]], add=True)
        pltpu.sync_copy(ones_v.at[j], acc_d.at[idx_d.at[pb + j]], add=True)
      @pl.when(not_last)
      def _():
        pltpu.make_async_copy(src_h.at[pl.ds(nbase, _KB)],
                              idx_s.at[pl.ds(nb, _KB)], isem).wait()
        pltpu.make_async_copy(dst_h.at[pl.ds(nbase, _KB)],
                              idx_d.at[pl.ds(nb, _KB)], isem).wait()

    plsc.subcore_barrier()
    @pl.when(s == 0)
    def _():
      pltpu.sync_copy(acc_s, os_h.at[c])
      pltpu.sync_copy(acc_d, od_h.at[c])

  return k(src2d, dst2d, ones, zeros)


def _sc_spmm(table, src3d, dst3d, zeros):
  NP, D = table.shape
  R = src3d.shape[0]
  n_tiles = _NC * _NS
  rt = R // n_tiles
  rpt = NP // _NS
  mesh = plsc.VectorSubcoreMesh(core_axis_name="c", subcore_axis_name="s")
  out = jax.ShapeDtypeStruct((_NC, NP, D), jnp.float32)

  nt = rt // _KB
  nblk = 2 * _KB

  @functools.partial(
      pl.kernel, mesh=mesh, out_type=out,
      scratch_types=[
          pltpu.VMEM_SHARED((NP, D), jnp.float32),
          pltpu.VMEM((2 * _KB, 2, 64), jnp.int32),
          pltpu.VMEM((2 * _KB, 2, 64), jnp.int32),
          pltpu.VMEM((4 * 64, D), jnp.float32),
          pltpu.SemaphoreType.DMA,
          pltpu.SemaphoreType.DMA,
          pltpu.SemaphoreType.DMA,
      ])
  def k(tab_h, src_h, dst_h, zeros_h, o_h,
        acc, idx_s, idx_d, rows, gsem, isem, zsem):
    c = lax.axis_index("c")
    s = lax.axis_index("s")
    wid = c * _NS + s
    zb = s * rpt

    def sidx(base, b):
      return idx_s.at[base + b // 2, b % 2]

    def didx(base, b):
      return idx_d.at[base + b // 2, b % 2]

    def quarter(b):
      return rows.at[pl.ds((b % 4) * 64, 64)]

    zcp = pltpu.make_async_copy(zeros_h.at[pl.ds(zb, rpt)],
                                acc.at[pl.ds(zb, rpt)], zsem)
    zcp.start()
    base0 = wid * rt
    pltpu.sync_copy(src_h.at[pl.ds(base0, _KB)], idx_s.at[pl.ds(0, _KB)])
    pltpu.sync_copy(dst_h.at[pl.ds(base0, _KB)], idx_d.at[pl.ds(0, _KB)])
    for b in range(3):
      pltpu.make_async_copy(tab_h.at[sidx(0, b)], quarter(b), gsem).start()
    zcp.wait()
    plsc.subcore_barrier()

    @pl.loop(0, nt)
    def _(t):
      par = lax.rem(t, 2)
      pb = par * _KB
      nb = (1 - par) * _KB
      nbase = wid * rt + (t + 1) * _KB
      not_last = t < (nt - 1)

      @pl.when(not_last)
      def _():
        pltpu.make_async_copy(src_h.at[pl.ds(nbase, _KB)],
                              idx_s.at[pl.ds(nb, _KB)], isem).start()
        pltpu.make_async_copy(dst_h.at[pl.ds(nbase, _KB)],
                              idx_d.at[pl.ds(nb, _KB)], isem).start()

      for b in range(nblk):
        pltpu.make_async_copy(tab_h.at[sidx(pb, b)], quarter(b), gsem).wait()
        bn = b + 3
        if bn < nblk:
          pltpu.make_async_copy(
              tab_h.at[sidx(pb, bn)], quarter(bn), gsem).start()
        else:
          if bn == nblk:
            @pl.when(not_last)
            def _():
              pltpu.make_async_copy(src_h.at[pl.ds(nbase, _KB)],
                                    idx_s.at[pl.ds(nb, _KB)], isem).wait()
              pltpu.make_async_copy(dst_h.at[pl.ds(nbase, _KB)],
                                    idx_d.at[pl.ds(nb, _KB)], isem).wait()
          @pl.when(not_last)
          def _():
            pltpu.make_async_copy(
                tab_h.at[sidx(nb, bn - nblk)], quarter(bn), gsem).start()
        pltpu.sync_copy(quarter(b), acc.at[didx(pb, b)], add=True)

    plsc.subcore_barrier()
    pltpu.sync_copy(acc.at[pl.ds(zb, rpt)], o_h.at[c, pl.ds(zb, rpt)])

  return k(table, src3d, dst3d, zeros)


_BT = 1264


def _tc_matmul(x, w):
  n, din = x.shape
  dout = w.shape[1]

  def body(x_ref, w_ref, o_ref):
    o_ref[...] = jnp.dot(x_ref[...], w_ref[...],
                         preferred_element_type=jnp.float32,
                         precision=lax.Precision.HIGHEST)

  return pl.pallas_call(
      body,
      grid=(n // _BT,),
      in_specs=[pl.BlockSpec((_BT, din), lambda i: (i, 0)),
                pl.BlockSpec((din, dout), lambda i: (0, 0))],
      out_specs=pl.BlockSpec((_BT, dout), lambda i: (i, 0)),
      out_shape=jax.ShapeDtypeStruct((n, dout), jnp.float32),
  )(x, w)


def _tc_norms(hs, hd, z):
  n, d = z.shape

  def body(hs_ref, hd_ref, z_ref, h1_ref, ns_ref, nd_ref):
    deg_out = hs_ref[0] + hs_ref[1]
    deg_in = hd_ref[0] + hd_ref[1]
    ns = jnp.where(deg_out > 0, lax.rsqrt(jnp.maximum(deg_out, 1.0)), 0.0)
    nd = jnp.where(deg_in > 0, lax.rsqrt(jnp.maximum(deg_in, 1.0)), 0.0)
    ns_ref[...] = ns
    nd_ref[...] = nd
    h1_ref[...] = z_ref[...] * ns

  return pl.pallas_call(
      body,
      grid=(n // _BT,),
      in_specs=[pl.BlockSpec((_NC, _BT, 1), lambda i: (0, i, 0)),
                pl.BlockSpec((_NC, _BT, 1), lambda i: (0, i, 0)),
                pl.BlockSpec((_BT, d), lambda i: (i, 0))],
      out_specs=[pl.BlockSpec((_BT, d), lambda i: (i, 0)),
                 pl.BlockSpec((_BT, 1), lambda i: (i, 0)),
                 pl.BlockSpec((_BT, 1), lambda i: (i, 0))],
      out_shape=[jax.ShapeDtypeStruct((n, d), jnp.float32),
                 jax.ShapeDtypeStruct((n, 1), jnp.float32),
                 jax.ShapeDtypeStruct((n, 1), jnp.float32)],
  )(hs, hd, z)


def _tc_layer(p, nd, ns, b1):
  n = p.shape[1]
  dh = p.shape[2]

  def body(p_ref, nd_ref, ns_ref, b1_ref, o_ref):
    a = (p_ref[0] + p_ref[1]) * nd_ref[...]
    x1 = jnp.maximum(a + b1_ref[...], 0.0)
    o_ref[...] = x1 * ns_ref[...]

  return pl.pallas_call(
      body,
      grid=(n // _BT,),
      in_specs=[pl.BlockSpec((_NC, _BT, dh), lambda i: (0, i, 0)),
                pl.BlockSpec((_BT, 1), lambda i: (i, 0)),
                pl.BlockSpec((_BT, 1), lambda i: (i, 0)),
                pl.BlockSpec((1, dh), lambda i: (0, 0))],
      out_specs=pl.BlockSpec((_BT, dh), lambda i: (i, 0)),
      out_shape=jax.ShapeDtypeStruct((n, dh), jnp.float32),
  )(p, nd, ns, b1)


def _tc_final(q, nd, w2, b2, n):
  dh = q.shape[2]
  do = w2.shape[1]
  bf = 2000

  def body(q_ref, nd_ref, w2_ref, b2_ref, o_ref):
    agg = (q_ref[0] + q_ref[1]) * nd_ref[...]
    o_ref[...] = jnp.dot(agg, w2_ref[...],
                         preferred_element_type=jnp.float32,
                         precision=lax.Precision.HIGHEST) + b2_ref[...]

  return pl.pallas_call(
      body,
      grid=(n // bf,),
      in_specs=[pl.BlockSpec((_NC, bf, dh), lambda i: (0, i, 0)),
                pl.BlockSpec((bf, 1), lambda i: (i, 0)),
                pl.BlockSpec((dh, do), lambda i: (0, 0)),
                pl.BlockSpec((1, do), lambda i: (0, 0))],
      out_specs=pl.BlockSpec((bf, do), lambda i: (i, 0)),
      out_shape=jax.ShapeDtypeStruct((n, do), jnp.float32),
  )(q, nd, w2, b2)


def kernel(features, edge_index, W1, b1, W2, b2):
  n, din = features.shape
  e = edge_index.shape[1]

  np_ = ((n + _NS * 8 - 1) // (_NS * 8)) * (_NS * 8)
  slab = _IW * _NC * _NS * _KB
  ep = ((e + slab - 1) // slab) * slab
  pad_n = np_ - n
  pad_e = ep - e

  xp = jnp.concatenate(
      [features, jnp.zeros((pad_n, din), jnp.float32)], axis=0)
  pad_idx = n + (jnp.arange(pad_e, dtype=jnp.int32) % pad_n)
  src2d = jnp.concatenate([edge_index[0], pad_idx]).reshape(-1, _IW)
  dst2d = jnp.concatenate([edge_index[1], pad_idx]).reshape(-1, _IW)
  ones1 = jnp.ones((_KB, _IW), jnp.float32)
  zeros1 = jnp.zeros((np_,), jnp.float32)
  zeros = jnp.zeros((np_, 128), jnp.float32)

  src3d = src2d.reshape(-1, 2, 64)
  dst3d = dst2d.reshape(-1, 2, 64)

  hs, hd = _sc_hist(src2d, dst2d, ones1, zeros1)
  z = _tc_matmul(xp, W1)
  h1, ns, nd = _tc_norms(hs.reshape(_NC, np_, 1), hd.reshape(_NC, np_, 1), z)
  p = _sc_spmm(h1, src3d, dst3d, zeros)
  t2 = _tc_layer(p, nd, ns, b1.reshape(1, -1))
  q = _sc_spmm(t2, src3d, dst3d, zeros)
  return _tc_final(q, nd, W2, b2.reshape(1, -1), n)

# --- scband reference (transcript-rebuilt; emitter-appended) ---
"""Pipeline reference for scband-gnn-31851477467287 (READ-ONLY COPY).

The authoritative reference and input builder live on the scoring server;
editing this copy changes nothing except your own understanding.
"""

import jax, jax.numpy as jnp
import numpy as np

N = 10000
E = 320000
D_IN = 128
D_H = 128
D_OUT = 64


def setup_inputs(seed: int = 0) -> dict:
    key = jax.random.key(seed)
    k1, k2, k3, k4, k5, k6 = jax.random.split(key, 6)
    features = jax.random.normal(k1, (N, D_IN), dtype=jnp.float32)
    edge_index = jax.random.randint(k2, (2, E), 0, N, dtype=jnp.int32)
    # GraphConv weights (glorot-ish init) and biases
    W1 = jax.random.normal(k3, (D_IN, D_H), dtype=jnp.float32) * (1.0 / np.sqrt(D_IN))
    b1 = jnp.zeros((D_H,), dtype=jnp.float32)
    W2 = jax.random.normal(k4, (D_H, D_OUT), dtype=jnp.float32) * (1.0 / np.sqrt(D_H))
    b2 = jnp.zeros((D_OUT,), dtype=jnp.float32)
    return {"features": features, "edge_index": edge_index, "W1": W1, "b1": b1, "W2": W2, "b2": b2}


def _graph_conv(x, W, b, src, dst, norm_src, norm_dst):
    # DGL GraphConv with norm='both': h = D_dst^{-1/2} A D_src^{-1/2} x W + b
    h = x * norm_src[:, None]
    msg = jnp.take(h, src, axis=0)                      # gather on src nodes
    agg = jax.ops.segment_sum(msg, dst, num_segments=N)  # scatter-add to dst nodes
    agg = agg * norm_dst[:, None]
    return agg @ W + b


def reference(features, edge_index, W1, b1, W2, b2):
    src = edge_index[0]
    dst = edge_index[1]
    ones = jnp.ones((E,), dtype=jnp.float32)
    deg_out = jax.ops.segment_sum(ones, src, num_segments=N)
    deg_in = jax.ops.segment_sum(ones, dst, num_segments=N)
    norm_src = jnp.where(deg_out > 0, jax.lax.rsqrt(jnp.maximum(deg_out, 1.0)), 0.0)
    norm_dst = jnp.where(deg_in > 0, jax.lax.rsqrt(jnp.maximum(deg_in, 1.0)), 0.0)

    x = _graph_conv(features, W1, b1, src, dst, norm_src, norm_dst)
    x = jax.nn.relu(x)
    x = _graph_conv(x, W2, b2, src, dst, norm_src, norm_dst)
    return x

if __name__ == "__main__":
    import jax
    _d = setup_inputs()
    print(jax.jit(kernel)(*tuple(_d.values())))

</pallas_src>

<mosaic_0001>
#map = affine_map<(d0, d1) -> (0, 0)>
#map1 = affine_map<(d0, d1) -> (0, 0, 0)>
module attributes {stable_mosaic.version = 14 : i64} {
  func.func @k(%arg0: i32, %arg1: i32, %arg2: memref<10112x128xf32, #tpu.memory_space<hbm>>, %arg3: memref<2560x2x64xi32, #tpu.memory_space<hbm>>, %arg4: memref<2560x2x64xi32, #tpu.memory_space<hbm>>, %arg5: memref<10112x128xf32, #tpu.memory_space<hbm>>, %arg6: memref<2x10112x128xf32, #tpu.memory_space<hbm>>, %arg7: memref<10112x128xf32, #tpu.memory_space<vmem_shared>>, %arg8: memref<16x2x64xi32, #tpu.memory_space<vmem>>, %arg9: memref<16x2x64xi32, #tpu.memory_space<vmem>>, %arg10: memref<256x128xf32, #tpu.memory_space<vmem>>, %arg11: memref<!tpu.dma_semaphore, #tpu.memory_space<semaphore_mem>>, %arg12: memref<!tpu.dma_semaphore, #tpu.memory_space<semaphore_mem>>, %arg13: memref<!tpu.dma_semaphore, #tpu.memory_space<semaphore_mem>>) attributes {dimension_semantics = [#tpu.dimension_semantics<core_parallel>, #tpu.dimension_semantics<subcore_parallel>], iteration_bounds = array<i64: 2, 16>, scalar_prefetch = 0 : i64, scratch_operands = 7 : i64, tpu.core_type = #tpu.core_type<sc_vector_subcore>, window_params = [{transform_indices = #map}, {transform_indices = #map1}, {transform_indices = #map1}, {transform_indices = #map}, {transform_indices = #map1}]} {
    %mul3A = arith.constant 16 : i32
    %mul3A_0 = arith.muli %arg0, %mul3A : i32
    %add3A = arith.addi %mul3A_0, %arg1 : i32
    %mul3A_1 = arith.constant 632 : i32
    %mul3A_2 = arith.muli %arg1, %mul3A_1 : i32
    %dma_start3A = arith.constant 0 : i32
    %dma_start3A_3 = tpu.memref_slice %arg7[%mul3A_2, %dma_start3A] : memref<10112x128xf32, #tpu.memory_space<vmem_shared>> -> memref<632x128xf32, #tpu.memory_space<vmem_shared>>
    %dma_start3A_4 = arith.constant 0 : i32
    %dma_start3A_5 = tpu.memref_slice %arg5[%mul3A_2, %dma_start3A_4] : memref<10112x128xf32, #tpu.memory_space<hbm>> -> memref<632x128xf32, #tpu.memory_space<hbm>>
    tpu.enqueue_dma source(%dma_start3A_5 : memref<632x128xf32, #tpu.memory_space<hbm>>) target(%dma_start3A_3 : memref<632x128xf32, #tpu.memory_space<vmem_shared>>) target_semaphore(%arg13 : memref<!tpu.dma_semaphore, #tpu.memory_space<semaphore_mem>>)
    %mul3A_6 = arith.constant 80 : i32
    %mul3A_7 = arith.muli %add3A, %mul3A_6 : i32
    "tpu.region"() ({
      %run_scoped3A = tpu.sem_alloc : memref<!tpu.dma_semaphore, #tpu.memory_space<semaphore_mem>>
      %dma_start3A_49 = arith.constant 0 : i32
      %dma_start3A_50 = arith.constant 0 : i32
      %dma_start3A_51 = arith.constant 0 : i32
      %dma_start3A_52 = tpu.memref_slice %arg8[%dma_start3A_49, %dma_start3A_50, %dma_start3A_51] : memref<16x2x64xi32, #tpu.memory_space<vmem>> -> memref<8x2x64xi32, #tpu.memory_space<vmem>>
      %dma_start3A_53 = arith.constant 0 : i32
      %dma_start3A_54 = arith.constant 0 : i32
      %dma_start3A_55 = tpu.memref_slice %arg3[%mul3A_7, %dma_start3A_53, %dma_start3A_54] : memref<2560x2x64xi32, #tpu.memory_space<hbm>> -> memref<8x2x64xi32, #tpu.memory_space<hbm>>
      %dma_start3A_56 = arith.constant 0 : i32
      %dma_start3A_57 = arith.constant 0 : i32
      %dma_start3A_58 = arith.constant 0 : i32
      %dma_start3A_59 = tpu.memref_slice %arg8[%dma_start3A_56, %dma_start3A_57, %dma_start3A_58] : memref<16x2x64xi32, #tpu.memory_space<vmem>> -> memref<8x2x64xi32, #tpu.memory_space<vmem>>
      %dma_start3A_60 = arith.constant 0 : i32
      %dma_start3A_61 = arith.constant 0 : i32
      %dma_start3A_62 = tpu.memref_slice %arg3[%mul3A_7, %dma_start3A_60, %dma_start3A_61] : memref<2560x2x64xi32, #tpu.memory_space<hbm>> -> memref<8x2x64xi32, #tpu.memory_space<hbm>>
      tpu.enqueue_dma source(%dma_start3A_62 : memref<8x2x64xi32, #tpu.memory_space<hbm>>) target(%dma_start3A_59 : memref<8x2x64xi32, #tpu.memory_space<vmem>>) target_semaphore(%run_scoped3A : memref<!tpu.dma_semaphore, #tpu.memory_space<semaphore_mem>>)
      %dma_wait3A_63 = arith.constant 0 : i32
      %dma_wait3A_64 = arith.constant 0 : i32
      %dma_wait3A_65 = arith.constant 0 : i32
      %dma_wait3A_66 = tpu.memref_slice %arg8[%dma_wait3A_63, %dma_wait3A_64, %dma_wait3A_65] : memref<16x2x64xi32, #tpu.memory_space<vmem>> -> memref<8x2x64xi32, #tpu.memory_space<vmem>>
      %dma_wait3A_67 = arith.constant 0 : i32
      %dma_wait3A_68 = arith.constant 0 : i32
      %dma_wait3A_69 = tpu.memref_slice %arg3[%mul3A_7, %dma_wait3A_67, %dma_wait3A_68] : memref<2560x2x64xi32, #tpu.memory_space<hbm>> -> memref<8x2x64xi32, #tpu.memory_space<hbm>>
      %dma_wait3A_70 = arith.constant 0 : i32
      %dma_wait3A_71 = arith.constant 0 : i32
      %dma_wait3A_72 = arith.constant 0 : i32
      %dma_wait3A_73 = tpu.memref_slice %arg8[%dma_wait3A_70, %dma_wait3A_71, %dma_wait3A_72] : memref<16x2x64xi32, #tpu.memory_space<vmem>> -> memref<8x2x64xi32, #tpu.memory_space<vmem>>
      %dma_wait3A_74 = arith.constant 0 : i32
      %dma_wait3A_75 = arith.constant 0 : i32
      %dma_wait3A_76 = tpu.memref_slice %arg3[%mul3A_7, %dma_wait3A_74, %dma_wait3A_75] : memref<2560x2x64xi32, #tpu.memory_space<hbm>> -> memref<8x2x64xi32, #tpu.memory_space<hbm>>
      tpu.wait_dma2 semaphore(%run_scoped3A : memref<!tpu.dma_semaphore, #tpu.memory_space<semaphore_mem>>) src(%dma_wait3A_76 : memref<8x2x64xi32, #tpu.memory_space<hbm>>) dst(%dma_wait3A_73 : memref<8x2x64xi32, #tpu.memory_space<vmem>>)
      tpu.yield
    }) : () -> ()
    "tpu.region"() ({
      %run_scoped3A = tpu.sem_alloc : memref<!tpu.dma_semaphore, #tpu.memory_space<semaphore_mem>>
      %dma_start3A_49 = arith.constant 0 : i32
      %dma_start3A_50 = arith.constant 0 : i32
      %dma_start3A_51 = arith.constant 0 : i32
      %dma_start3A_52 = tpu.memref_slice %arg9[%dma_start3A_49, %dma_start3A_50, %dma_start3A_51] : memref<16x2x64xi32, #tpu.memory_space<vmem>> -> memref<8x2x64xi32, #tpu.memory_space<vmem>>
      %dma_start3A_53 = arith.constant 0 : i32
      %dma_start3A_54 = arith.constant 0 : i32
      %dma_start3A_55 = tpu.memref_slice %arg4[%mul3A_7, %dma_start3A_53, %dma_start3A_54] : memref<2560x2x64xi32, #tpu.memory_space<hbm>> -> memref<8x2x64xi32, #tpu.memory_space<hbm>>
      %dma_start3A_56 = arith.constant 0 : i32
      %dma_start3A_57 = arith.constant 0 : i32
      %dma_start3A_58 = arith.constant 0 : i32
      %dma_start3A_59 = tpu.memref_slice %arg9[%dma_start3A_56, %dma_start3A_57, %dma_start3A_58] : memref<16x2x64xi32, #tpu.memory_space<vmem>> -> memref<8x2x64xi32, #tpu.memory_space<vmem>>
      %dma_start3A_60 = arith.constant 0 : i32
      %dma_start3A_61 = arith.constant 0 : i32
      %dma_start3A_62 = tpu.memref_slice %arg4[%mul3A_7, %dma_start3A_60, %dma_start3A_61] : memref<2560x2x64xi32, #tpu.memory_space<hbm>> -> memref<8x2x64xi32, #tpu.memory_space<hbm>>
      tpu.enqueue_dma source(%dma_start3A_62 : memref<8x2x64xi32, #tpu.memory_space<hbm>>) target(%dma_start3A_59 : memref<8x2x64xi32, #tpu.memory_space<vmem>>) target_semaphore(%run_scoped3A : memref<!tpu.dma_semaphore, #tpu.memory_space<semaphore_mem>>)
      %dma_wait3A_63 = arith.constant 0 : i32
      %dma_wait3A_64 = arith.constant 0 : i32
      %dma_wait3A_65 = arith.constant 0 : i32
      %dma_wait3A_66 = tpu.memref_slice %arg9[%dma_wait3A_63, %dma_wait3A_64, %dma_wait3A_65] : memref<16x2x64xi32, #tpu.memory_space<vmem>> -> memref<8x2x64xi32, #tpu.memory_space<vmem>>
      %dma_wait3A_67 = arith.constant 0 : i32
      %dma_wait3A_68 = arith.constant 0 : i32
      %dma_wait3A_69 = tpu.memref_slice %arg4[%mul3A_7, %dma_wait3A_67, %dma_wait3A_68] : memref<2560x2x64xi32, #tpu.memory_space<hbm>> -> memref<8x2x64xi32, #tpu.memory_space<hbm>>
      %dma_wait3A_70 = arith.constant 0 : i32
      %dma_wait3A_71 = arith.constant 0 : i32
      %dma_wait3A_72 = arith.constant 0 : i32
      %dma_wait3A_73 = tpu.memref_slice %arg9[%dma_wait3A_70, %dma_wait3A_71, %dma_wait3A_72] : memref<16x2x64xi32, #tpu.memory_space<vmem>> -> memref<8x2x64xi32, #tpu.memory_space<vmem>>
      %dma_wait3A_74 = arith.constant 0 : i32
      %dma_wait3A_75 = arith.constant 0 : i32
      %dma_wait3A_76 = tpu.memref_slice %arg4[%mul3A_7, %dma_wait3A_74, %dma_wait3A_75] : memref<2560x2x64xi32, #tpu.memory_space<hbm>> -> memref<8x2x64xi32, #tpu.memory_space<hbm>>
      tpu.wait_dma2 semaphore(%run_scoped3A : memref<!tpu.dma_semaphore, #tpu.memory_space<semaphore_mem>>) src(%dma_wait3A_76 : memref<8x2x64xi32, #tpu.memory_space<hbm>>) dst(%dma_wait3A_73 : memref<8x2x64xi32, #tpu.memory_space<vmem>>)
      tpu.yield
    }) : () -> ()
    %dma_start3A_8 = arith.constant 0 : i32
    %dma_start3A_9 = arith.constant 0 : i32
    %dma_start3A_10 = arith.constant 0 : i32
    %dma_start3A_11 = arith.constant 0 : i32
    %dma_start3A_12 = tpu.memref_slice %arg10[%dma_start3A_10, %dma_start3A_11] : memref<256x128xf32, #tpu.memory_space<vmem>> -> memref<64x128xf32, #tpu.memory_space<vmem>>
    %dma_start3A_13 = arith.constant 0 : i32
    %dma_start3A_14 = tpu.memref_slice %arg8[%dma_start3A_8, %dma_start3A_9, %dma_start3A_13] : memref<16x2x64xi32, #tpu.memory_space<vmem>> -> memref<1x1x64xi32, #tpu.memory_space<vmem>>
    %dma_start3A_15 = tpu.memref_squeeze %dma_start3A_14 : memref<1x1x64xi32, #tpu.memory_space<vmem>> -> memref<64xi32, #tpu.memory_space<vmem>>
    %dma_start3A_16 = arith.constant 0 : i32
    %dma_start3A_17 = arith.constant 0 : i32
    %dma_start3A_18 = tpu.memref_slice %arg2[%dma_start3A_16, %dma_start3A_17] : memref<10112x128xf32, #tpu.memory_space<hbm>> -> memref<10112x128xf32, #tpu.memory_space<hbm>>
    tpu.enqueue_indirect_dma source(%dma_start3A_18 : memref<10112x128xf32, #tpu.memory_space<hbm>>) target(%dma_start3A_12 : memref<64x128xf32, #tpu.memory_space<vmem>>) offsets(%dma_start3A_15 : memref<64xi32, #tpu.memory_space<vmem>>) semaphore(%arg11 : memref<!tpu.dma_semaphore, #tpu.memory_space<semaphore_mem>>)
    %dma_start3A_19 = arith.constant 0 : i32
    %dma_start3A_20 = arith.constant 1 : i32
    %dma_start3A_21 = arith.constant 64 : i32
    %dma_start3A_22 = arith.constant 0 : i32
    %dma_start3A_23 = tpu.memref_slice %arg10[%dma_start3A_21, %dma_start3A_22] : memref<256x128xf32, #tpu.memory_space<vmem>> -> memref<64x128xf32, #tpu.memory_space<vmem>>
    %dma_start3A_24 = arith.constant 0 : i32
    %dma_start3A_25 = tpu.memref_slice %arg8[%dma_start3A_19, %dma_start3A_20, %dma_start3A_24] : memref<16x2x64xi32, #tpu.memory_space<vmem>> -> memref<1x1x64xi32, #tpu.memory_space<vmem>>
    %dma_start3A_26 = tpu.memref_squeeze %dma_start3A_25 : memref<1x1x64xi32, #tpu.memory_space<vmem>> -> memref<64xi32, #tpu.memory_space<vmem>>
    %dma_start3A_27 = arith.constant 0 : i32
    %dma_start3A_28 = arith.constant 0 : i32
    %dma_start3A_29 = tpu.memref_slice %arg2[%dma_start3A_27, %dma_start3A_28] : memref<10112x128xf32, #tpu.memory_space<hbm>> -> memref<10112x128xf32, #tpu.memory_space<hbm>>
    tpu.enqueue_indirect_dma source(%dma_start3A_29 : memref<10112x128xf32, #tpu.memory_space<hbm>>) target(%dma_start3A_23 : memref<64x128xf32, #tpu.memory_space<vmem>>) offsets(%dma_start3A_26 : memref<64xi32, #tpu.memory_space<vmem>>) semaphore(%arg11 : memref<!tpu.dma_semaphore, #tpu.memory_space<semaphore_mem>>)
    %dma_start3A_30 = arith.constant 1 : i32
    %dma_start3A_31 = arith.constant 0 : i32
    %dma_start3A_32 = arith.constant 128 : i32
    %dma_start3A_33 = arith.constant 0 : i32
    %dma_start3A_34 = tpu.memref_slice %arg10[%dma_start3A_32, %dma_start3A_33] : memref<256x128xf32, #tpu.memory_space<vmem>> -> memref<64x128xf32, #tpu.memory_space<vmem>>
    %dma_start3A_35 = arith.constant 0 : i32
    %dma_start3A_36 = tpu.memref_slice %arg8[%dma_start3A_30, %dma_start3A_31, %dma_start3A_35] : memref<16x2x64xi32, #tpu.memory_space<vmem>> -> memref<1x1x64xi32, #tpu.memory_space<vmem>>
    %dma_start3A_37 = tpu.memref_squeeze %dma_start3A_36 : memref<1x1x64xi32, #tpu.memory_space<vmem>> -> memref<64xi32, #tpu.memory_space<vmem>>
    %dma_start3A_38 = arith.constant 0 : i32
    %dma_start3A_39 = arith.constant 0 : i32
    %dma_start3A_40 = tpu.memref_slice %arg2[%dma_start3A_38, %dma_start3A_39] : memref<10112x128xf32, #tpu.memory_space<hbm>> -> memref<10112x128xf32, #tpu.memory_space<hbm>>
    tpu.enqueue_indirect_dma source(%dma_start3A_40 : memref<10112x128xf32, #tpu.memory_space<hbm>>) target(%dma_start3A_34 : memref<64x128xf32, #tpu.memory_space<vmem>>) offsets(%dma_start3A_37 : memref<64xi32, #tpu.memory_space<vmem>>) semaphore(%arg11 : memref<!tpu.dma_semaphore, #tpu.memory_space<semaphore_mem>>)
    %dma_wait3A = arith.constant 0 : i32
    %dma_wait3A_41 = tpu.memref_slice %arg7[%mul3A_2, %dma_wait3A] : memref<10112x128xf32, #tpu.memory_space<vmem_shared>> -> memref<632x128xf32, #tpu.memory_space<vmem_shared>>
    %dma_wait3A_42 = arith.constant 0 : i32
    %dma_wait3A_43 = tpu.memref_slice %arg5[%mul3A_2, %dma_wait3A_42] : memref<10112x128xf32, #tpu.memory_space<hbm>> -> memref<632x128xf32, #tpu.memory_space<hbm>>
    tpu.wait_dma2 semaphore(%arg13 : memref<!tpu.dma_semaphore, #tpu.memory_space<semaphore_mem>>) src(%dma_wait3A_43 : memref<632x128xf32, #tpu.memory_space<hbm>>) dst(%dma_wait3A_41 : memref<632x128xf32, #tpu.memory_space<vmem_shared>>)
    %barrier3A = arith.constant 0 : index
    tpu.barrier barrier_id(%barrier3A)
    %scan3A = arith.constant 0 : i32
    %scan3A_44 = arith.constant 10 : i32
    %scan3A_45 = arith.addi %scan3A, %scan3A_44 : i32
    %scan3A_46 = arith.constant 1 : i32
    scf.for %scan3A_49 = %scan3A to %scan3A_45 step %scan3A_46  : i32 {
      %mul3A_50 = arith.constant 1 : i32
      %mul3A_51 = arith.muli %scan3A_49, %mul3A_50 : i32
      %add3A_52 = arith.constant 0 : i32
      %add3A_53 = arith.addi %add3A_52, %mul3A_51 : i32
      %rem3A = arith.constant 2 : i32
      %rem3A_54 = arith.remsi %add3A_53, %rem3A : i32
      %mul3A_55 = arith.constant 8 : i32
      %mul3A_56 = arith.muli %rem3A_54, %mul3A_55 : i32
      %sub3A = arith.constant 1 : i32
      %sub3A_57 = arith.subi %sub3A, %rem3A_54 : i32
      %mul3A_58 = arith.constant 8 : i32
      %mul3A_59 = arith.muli %sub3A_57, %mul3A_58 : i32
      %mul3A_60 = arith.constant 80 : i32
      %mul3A_61 = arith.muli %add3A, %mul3A_60 : i32
      %add3A_62 = arith.constant 1 : i32
      %add3A_63 = arith.addi %add3A_53, %add3A_62 : i32
      %mul3A_64 = arith.constant 8 : i32
      %mul3A_65 = arith.muli %add3A_63, %mul3A_64 : i32
      %add3A_66 = arith.addi %mul3A_61, %mul3A_65 : i32
      %lt3A = arith.constant 9 : i32
      %lt3A_67 = arith.cmpi slt, %add3A_53, %lt3A : i32
      %convert_element_type3A = arith.extui %lt3A_67 : i1 to i32
      %cond3A = arith.constant 0 : i32
      %cond3A_68 = arith.cmpi ne, %convert_element_type3A, %cond3A : i32
      scf.if %cond3A_68 {
        %dma_start3A_476 = arith.constant 0 : i32
        %dma_start3A_477 = arith.constant 0 : i32
        %dma_start3A_478 = tpu.memref_slice %arg8[%mul3A_59, %dma_start3A_476, %dma_start3A_477] : memref<16x2x64xi32, #tpu.memory_space<vmem>> -> memref<8x2x64xi32, #tpu.memory_space<vmem>>
        %dma_start3A_479 = arith.constant 0 : i32
        %dma_start3A_480 = arith.constant 0 : i32
        %dma_start3A_481 = tpu.memref_slice %arg3[%add3A_66, %dma_start3A_479, %dma_start3A_480] : memref<2560x2x64xi32, #tpu.memory_space<hbm>> -> memref<8x2x64xi32, #tpu.memory_space<hbm>>
        %dma_start3A_482 = arith.constant 0 : i32
        %dma_start3A_483 = arith.constant 0 : i32
        %dma_start3A_484 = tpu.memref_slice %arg8[%mul3A_59, %dma_start3A_482, %dma_start3A_483] : memref<16x2x64xi32, #tpu.memory_space<vmem>> -> memref<8x2x64xi32, #tpu.memory_space<vmem>>
        %dma_start3A_485 = arith.constant 0 : i32
        %dma_start3A_486 = arith.constant 0 : i32
        %dma_start3A_487 = tpu.memref_slice %arg3[%add3A_66, %dma_start3A_485, %dma_start3A_486] : memref<2560x2x64xi32, #tpu.memory_space<hbm>> -> memref<8x2x64xi32, #tpu.memory_space<hbm>>
        tpu.enqueue_dma source(%dma_start3A_487 : memref<8x2x64xi32, #tpu.memory_space<hbm>>) target(%dma_start3A_484 : memref<8x2x64xi32, #tpu.memory_space<vmem>>) target_semaphore(%arg12 : memref<!tpu.dma_semaphore, #tpu.memory_space<semaphore_mem>>)
        %dma_start3A_488 = arith.constant 0 : i32
        %dma_start3A_489 = arith.constant 0 : i32
        %dma_start3A_490 = tpu.memref_slice %arg9[%mul3A_59, %dma_start3A_488, %dma_start3A_489] : memref<16x2x64xi32, #tpu.memory_space<vmem>> -> memref<8x2x64xi32, #tpu.memory_space<vmem>>
        %dma_start3A_491 = arith.constant 0 : i32
        %dma_start3A_492 = arith.constant 0 : i32
        %dma_start3A_493 = tpu.memref_slice %arg4[%add3A_66, %dma_start3A_491, %dma_start3A_492] : memref<2560x2x64xi32, #tpu.memory_space<hbm>> -> memref<8x2x64xi32, #tpu.memory_space<hbm>>
        %dma_start3A_494 = arith.constant 0 : i32
        %dma_start3A_495 = arith.constant 0 : i32
        %dma_start3A_496 = tpu.memref_slice %arg9[%mul3A_59, %dma_start3A_494, %dma_start3A_495] : memref<16x2x64xi32, #tpu.memory_space<vmem>> -> memref<8x2x64xi32, #tpu.memory_space<vmem>>
        %dma_start3A_497 = arith.constant 0 : i32
        %dma_start3A_498 = arith.constant 0 : i32
        %dma_start3A_499 = tpu.memref_slice %arg4[%add3A_66, %dma_start3A_497, %dma_start3A_498] : memref<2560x2x64xi32, #tpu.memory_space<hbm>> -> memref<8x2x64xi32, #tpu.memory_space<hbm>>
        tpu.enqueue_dma source(%dma_start3A_499 : memref<8x2x64xi32, #tpu.memory_space<hbm>>) target(%dma_start3A_496 : memref<8x2x64xi32, #tpu.memory_space<vmem>>) target_semaphore(%arg12 : memref<!tpu.dma_semaphore, #tpu.memory_space<semaphore_mem>>)
      } else {
      }
      %add3A_69 = arith.constant 0 : i32
      %add3A_70 = arith.addi %mul3A_56, %add3A_69 : i32
      %dma_wait3A_71 = arith.constant 0 : i32
      %dma_wait3A_72 = arith.constant 0 : i32
      %dma_wait3A_73 = arith.constant 0 : i32
      %dma_wait3A_74 = tpu.memref_slice %arg10[%dma_wait3A_72, %dma_wait3A_73] : memref<256x128xf32, #tpu.memory_space<vmem>> -> memref<64x128xf32, #tpu.memory_space<vmem>>
      %dma_wait3A_75 = arith.constant 0 : i32
      %dma_wait3A_76 = tpu.memref_slice %arg8[%add3A_70, %dma_wait3A_71, %dma_wait3A_75] : memref<16x2x64xi32, #tpu.memory_space<vmem>> -> memref<1x1x64xi32, #tpu.memory_space<vmem>>
      %dma_wait3A_77 = tpu.memref_squeeze %dma_wait3A_76 : memref<1x1x64xi32, #tpu.memory_space<vmem>> -> memref<64xi32, #tpu.memory_space<vmem>>
      %dma_wait3A_78 = arith.constant 0 : i32
      %dma_wait3A_79 = arith.constant 0 : i32
      %dma_wait3A_80 = tpu.memref_slice %arg2[%dma_wait3A_78, %dma_wait3A_79] : memref<10112x128xf32, #tpu.memory_space<hbm>> -> memref<10112x128xf32, #tpu.memory_space<hbm>>
      tpu.wait_indirect_dma semaphore(%arg11 : memref<!tpu.dma_semaphore, #tpu.memory_space<semaphore_mem>>) src(%dma_wait3A_80 : memref<10112x128xf32, #tpu.memory_space<hbm>>) dst(%dma_wait3A_74 : memref<64x128xf32, #tpu.memory_space<vmem>>)
      %add3A_81 = arith.constant 1 : i32
      %add3A_82 = arith.addi %mul3A_56, %add3A_81 : i32
      %dma_start3A_83 = arith.constant 1 : i32
      %dma_start3A_84 = arith.constant 192 : i32
      %dma_start3A_85 = arith.constant 0 : i32
      %dma_start3A_86 = tpu.memref_slice %arg10[%dma_start3A_84, %dma_start3A_85] : memref<256x128xf32, #tpu.memory_space<vmem>> -> memref<64x128xf32, #tpu.memory_space<vmem>>
      %dma_start3A_87 = arith.constant 0 : i32
      %dma_start3A_88 = tpu.memref_slice %arg8[%add3A_82, %dma_start3A_83, %dma_start3A_87] : memref<16x2x64xi32, #tpu.memory_space<vmem>> -> memref<1x1x64xi32, #tpu.memory_space<vmem>>
      %dma_start3A_89 = tpu.memref_squeeze %dma_start3A_88 : memref<1x1x64xi32, #tpu.memory_space<vmem>> -> memref<64xi32, #tpu.memory_space<vmem>>
      %dma_start3A_90 = arith.constant 0 : i32
      %dma_start3A_91 = arith.constant 0 : i32
      %dma_start3A_92 = tpu.memref_slice %arg2[%dma_start3A_90, %dma_start3A_91] : memref<10112x128xf32, #tpu.memory_space<hbm>> -> memref<10112x128xf32, #tpu.memory_space<hbm>>
      tpu.enqueue_indirect_dma source(%dma_start3A_92 : memref<10112x128xf32, #tpu.memory_space<hbm>>) target(%dma_start3A_86 : memref<64x128xf32, #tpu.memory_space<vmem>>) offsets(%dma_start3A_89 : memref<64xi32, #tpu.memory_space<vmem>>) semaphore(%arg11 : memref<!tpu.dma_semaphore, #tpu.memory_space<semaphore_mem>>)
      %add3A_93 = arith.constant 0 : i32
      %add3A_94 = arith.addi %mul3A_56, %add3A_93 : i32
      %run_scoped3A = arith.constant 0 : i32
      "tpu.region"() ({
        %run_scoped3A_476 = tpu.sem_alloc : memref<!tpu.dma_semaphore, #tpu.memory_space<semaphore_mem>>
        %dma_start3A_477 = arith.constant 0 : i32
        %dma_start3A_478 = arith.constant 0 : i32
        %dma_start3A_479 = tpu.memref_slice %arg10[%dma_start3A_477, %dma_start3A_478] : memref<256x128xf32, #tpu.memory_space<vmem>> -> memref<64x128xf32, #tpu.memory_space<vmem>>
        %dma_start3A_480 = arith.constant 0 : i32
        %dma_start3A_481 = tpu.memref_slice %arg9[%add3A_94, %run_scoped3A, %dma_start3A_480] : memref<16x2x64xi32, #tpu.memory_space<vmem>> -> memref<1x1x64xi32, #tpu.memory_space<vmem>>
        %dma_start3A_482 = tpu.memref_squeeze %dma_start3A_481 : memref<1x1x64xi32, #tpu.memory_space<vmem>> -> memref<64xi32, #tpu.memory_space<vmem>>
        %dma_start3A_483 = arith.constant 0 : i32
        %dma_start3A_484 = arith.constant 0 : i32
        %dma_start3A_485 = tpu.memref_slice %arg7[%dma_start3A_483, %dma_start3A_484] : memref<10112x128xf32, #tpu.memory_space<vmem_shared>> -> memref<10112x128xf32, #tpu.memory_space<vmem_shared>>
        tpu.enqueue_indirect_dma source(%dma_start3A_479 : memref<64x128xf32, #tpu.memory_space<vmem>>) target(%dma_start3A_485 : memref<10112x128xf32, #tpu.memory_space<vmem_shared>>) offsets(%dma_start3A_482 : memref<64xi32, #tpu.memory_space<vmem>>) semaphore(%run_scoped3A_476 : memref<!tpu.dma_semaphore, #tpu.memory_space<semaphore_mem>>) {add = true}
        %dma_wait3A_486 = arith.constant 0 : i32
        %dma_wait3A_487 = arith.constant 0 : i32
        %dma_wait3A_488 = tpu.memref_slice %arg10[%dma_wait3A_486, %dma_wait3A_487] : memref<256x128xf32, #tpu.memory_space<vmem>> -> memref<64x128xf32, #tpu.memory_space<vmem>>
        %dma_wait3A_489 = arith.constant 0 : i32
        %dma_wait3A_490 = tpu.memref_slice %arg9[%add3A_94, %run_scoped3A, %dma_wait3A_489] : memref<16x2x64xi32, #tpu.memory_space<vmem>> -> memref<1x1x64xi32, #tpu.memory_space<vmem>>
        %dma_wait3A_491 = tpu.memref_squeeze %dma_wait3A_490 : memref<1x1x64xi32, #tpu.memory_space<vmem>> -> memref<64xi32, #tpu.memory_space<vmem>>
        %dma_wait3A_492 = arith.constant 0 : i32
        %dma_wait3A_493 = arith.constant 0 : i32
        %dma_wait3A_494 = tpu.memref_slice %arg7[%dma_wait3A_492, %dma_wait3A_493] : memref<10112x128xf32, #tpu.memory_space<vmem_shared>> -> memref<10112x128xf32, #tpu.memory_space<vmem_shared>>
        tpu.wait_indirect_dma semaphore(%run_scoped3A_476 : memref<!tpu.dma_semaphore, #tpu.memory_space<semaphore_mem>>) src(%dma_wait3A_488 : memref<64x128xf32, #tpu.memory_space<vmem>>) dst(%dma_wait3A_494 : memref<10112x128xf32, #tpu.memory_space<vmem_shared>>)
        tpu.yield
      }) : () -> ()
      %add3A_95 = arith.constant 0 : i32
      %add3A_96 = arith.addi %mul3A_56, %add3A_95 : i32
      %dma_wait3A_97 = arith.constant 1 : i32
      %dma_wait3A_98 = arith.constant 64 : i32
      %dma_wait3A_99 = arith.constant 0 : i32
      %dma_wait3A_100 = tpu.memref_slice %arg10[%dma_wait3A_98, %dma_wait3A_99] : memref<256x128xf32, #tpu.memory_space<vmem>> -> memref<64x128xf32, #tpu.memory_space<vmem>>
      %dma_wait3A_101 = arith.constant 0 : i32
      %dma_wait3A_102 = tpu.memref_slice %arg8[%add3A_96, %dma_wait3A_97, %dma_wait3A_101] : memref<16x2x64xi32, #tpu.memory_space<vmem>> -> memref<1x1x64xi32, #tpu.memory_space<vmem>>
      %dma_wait3A_103 = tpu.memref_squeeze %dma_wait3A_102 : memref<1x1x64xi32, #tpu.memory_space<vmem>> -> memref<64xi32, #tpu.memory_space<vmem>>
      %dma_wait3A_104 = arith.constant 0 : i32
      %dma_wait3A_105 = arith.constant 0 : i32
      %dma_wait3A_106 = tpu.memref_slice %arg2[%dma_wait3A_104, %dma_wait3A_105] : memref<10112x128xf32, #tpu.memory_space<hbm>> -> memref<10112x128xf32, #tpu.memory_space<hbm>>
      tpu.wait_indirect_dma semaphore(%arg11 : memref<!tpu.dma_semaphore, #tpu.memory_space<semaphore_mem>>) src(%dma_wait3A_106 : memref<10112x128xf32, #tpu.memory_space<hbm>>) dst(%dma_wait3A_100 : memref<64x128xf32, #tpu.memory_space<vmem>>)
      %add3A_107 = arith.constant 2 : i32
      %add3A_108 = arith.addi %mul3A_56, %add3A_107 : i32
      %dma_start3A_109 = arith.constant 0 : i32
      %dma_start3A_110 = arith.constant 0 : i32
      %dma_start3A_111 = arith.constant 0 : i32
      %dma_start3A_112 = tpu.memref_slice %arg10[%dma_start3A_110, %dma_start3A_111] : memref<256x128xf32, #tpu.memory_space<vmem>> -> memref<64x128xf32, #tpu.memory_space<vmem>>
      %dma_start3A_113 = arith.constant 0 : i32
      %dma_start3A_114 = tpu.memref_slice %arg8[%add3A_108, %dma_start3A_109, %dma_start3A_113] : memref<16x2x64xi32, #tpu.memory_space<vmem>> -> memref<1x1x64xi32, #tpu.memory_space<vmem>>
      %dma_start3A_115 = tpu.memref_squeeze %dma_start3A_114 : memref<1x1x64xi32, #tpu.memory_space<vmem>> -> memref<64xi32, #tpu.memory_space<vmem>>
      %dma_start3A_116 = arith.constant 0 : i32
      %dma_start3A_117 = arith.constant 0 : i32
      %dma_start3A_118 = tpu.memref_slice %arg2[%dma_start3A_116, %dma_start3A_117] : memref<10112x128xf32, #tpu.memory_space<hbm>> -> memref<10112x128xf32, #tpu.memory_space<hbm>>
      tpu.enqueue_indirect_dma source(%dma_start3A_118 : memref<10112x128xf32, #tpu.memory_space<hbm>>) target(%dma_start3A_112 : memref<64x128xf32, #tpu.memory_space<vmem>>) offsets(%dma_start3A_115 : memref<64xi32, #tpu.memory_space<vmem>>) semaphore(%arg11 : memref<!tpu.dma_semaphore, #tpu.memory_space<semaphore_mem>>)
      %add3A_119 = arith.constant 0 : i32
      %add3A_120 = arith.addi %mul3A_56, %add3A_119 : i32
      %run_scoped3A_121 = arith.constant 1 : i32
      "tpu.region"() ({
        %run_scoped3A_476 = tpu.sem_alloc : memref<!tpu.dma_semaphore, #tpu.memory_space<semaphore_mem>>
        %dma_start3A_477 = arith.constant 64 : i32
        %dma_start3A_478 = arith.constant 0 : i32
        %dma_start3A_479 = tpu.memref_slice %arg10[%dma_start3A_477, %dma_start3A_478] : memref<256x128xf32, #tpu.memory_space<vmem>> -> memref<64x128xf32, #tpu.memory_space<vmem>>
        %dma_start3A_480 = arith.constant 0 : i32
        %dma_start3A_481 = tpu.memref_slice %arg9[%add3A_120, %run_scoped3A_121, %dma_start3A_480] : memref<16x2x64xi32, #tpu.memory_space<vmem>> -> memref<1x1x64xi32, #tpu.memory_space<vmem>>
        %dma_start3A_482 = tpu.memref_squeeze %dma_start3A_481 : memref<1x1x64xi32, #tpu.memory_space<vmem>> -> memref<64xi32, #tpu.memory_space<vmem>>
        %dma_start3A_483 = arith.constant 0 : i32
        %dma_start3A_484 = arith.constant 0 : i32
        %dma_start3A_485 = tpu.memref_slice %arg7[%dma_start3A_483, %dma_start3A_484] : memref<10112x128xf32, #tpu.memory_space<vmem_shared>> -> memref<10112x128xf32, #tpu.memory_space<vmem_shared>>
        tpu.enqueue_indirect_dma source(%dma_start3A_479 : memref<64x128xf32, #tpu.memory_space<vmem>>) target(%dma_start3A_485 : memref<10112x128xf32, #tpu.memory_space<vmem_shared>>) offsets(%dma_start3A_482 : memref<64xi32, #tpu.memory_space<vmem>>) semaphore(%run_scoped3A_476 : memref<!tpu.dma_semaphore, #tpu.memory_space<semaphore_mem>>) {add = true}
        %dma_wait3A_486 = arith.constant 64 : i32
        %dma_wait3A_487 = arith.constant 0 : i32
        %dma_wait3A_488 = tpu.memref_slice %arg10[%dma_wait3A_486, %dma_wait3A_487] : memref<256x128xf32, #tpu.memory_space<vmem>> -> memref<64x128xf32, #tpu.memory_space<vmem>>
        %dma_wait3A_489 = arith.constant 0 : i32
        %dma_wait3A_490 = tpu.memref_slice %arg9[%add3A_120, %run_scoped3A_121, %dma_wait3A_489] : memref<16x2x64xi32, #tpu.memory_space<vmem>> -> memref<1x1x64xi32, #tpu.memory_space<vmem>>
        %dma_wait3A_491 = tpu.memref_squeeze %dma_wait3A_490 : memref<1x1x64xi32, #tpu.memory_space<vmem>> -> memref<64xi32, #tpu.memory_space<vmem>>
        %dma_wait3A_492 = arith.constant 0 : i32
        %dma_wait3A_493 = arith.constant 0 : i32
        %dma_wait3A_494 = tpu.memref_slice %arg7[%dma_wait3A_492, %dma_wait3A_493] : memref<10112x128xf32, #tpu.memory_space<vmem_shared>> -> memref<10112x128xf32, #tpu.memory_space<vmem_shared>>
        tpu.wait_indirect_dma semaphore(%run_scoped3A_476 : memref<!tpu.dma_semaphore, #tpu.memory_space<semaphore_mem>>) src(%dma_wait3A_488 : memref<64x128xf32, #tpu.memory_space<vmem>>) dst(%dma_wait3A_494 : memref<10112x128xf32, #tpu.memory_space<vmem_shared>>)
        tpu.yield
      }) : () -> ()
      %add3A_122 = arith.constant 1 : i32
      %add3A_123 = arith.addi %mul3A_56, %add3A_122 : i32
      %dma_wait3A_124 = arith.constant 0 : i32
      %dma_wait3A_125 = arith.constant 128 : i32
      %dma_wait3A_126 = arith.constant 0 : i32
      %dma_wait3A_127 = tpu.memref_slice %arg10[%dma_wait3A_125, %dma_wait3A_126] : memref<256x128xf32, #tpu.memory_space<vmem>> -> memref<64x128xf32, #tpu.memory_space<vmem>>
      %dma_wait3A_128 = arith.constant 0 : i32
      %dma_wait3A_129 = tpu.memref_slice %arg8[%add3A_123, %dma_wait3A_124, %dma_wait3A_128] : memref<16x2x64xi32, #tpu.memory_space<vmem>> -> memref<1x1x64xi32, #tpu.memory_space<vmem>>
      %dma_wait3A_130 = tpu.memref_squeeze %dma_wait3A_129 : memref<1x1x64xi32, #tpu.memory_space<vmem>> -> memref<64xi32, #tpu.memory_space<vmem>>
      %dma_wait3A_131 = arith.constant 0 : i32
      %dma_wait3A_132 = arith.constant 0 : i32
      %dma_wait3A_133 = tpu.memref_slice %arg2[%dma_wait3A_131, %dma_wait3A_132] : memref<10112x128xf32, #tpu.memory_space<hbm>> -> memref<10112x128xf32, #tpu.memory_space<hbm>>
      tpu.wait_indirect_dma semaphore(%arg11 : memref<!tpu.dma_semaphore, #tpu.memory_space<semaphore_mem>>) src(%dma_wait3A_133 : memref<10112x128xf32, #tpu.memory_space<hbm>>) dst(%dma_wait3A_127 : memref<64x128xf32, #tpu.memory_space<vmem>>)
      %add3A_134 = arith.constant 2 : i32
      %add3A_135 = arith.addi %mul3A_56, %add3A_134 : i32
      %dma_start3A_136 = arith.constant 1 : i32
      %dma_start3A_137 = arith.constant 64 : i32
      %dma_start3A_138 = arith.constant 0 : i32
      %dma_start3A_139 = tpu.memref_slice %arg10[%dma_start3A_137, %dma_start3A_138] : memref<256x128xf32, #tpu.memory_space<vmem>> -> memref<64x128xf32, #tpu.memory_space<vmem>>
      %dma_start3A_140 = arith.constant 0 : i32
      %dma_start3A_141 = tpu.memref_slice %arg8[%add3A_135, %dma_start3A_136, %dma_start3A_140] : memref<16x2x64xi32, #tpu.memory_space<vmem>> -> memref<1x1x64xi32, #tpu.memory_space<vmem>>
      %dma_start3A_142 = tpu.memref_squeeze %dma_start3A_141 : memref<1x1x64xi32, #tpu.memory_space<vmem>> -> memref<64xi32, #tpu.memory_space<vmem>>
      %dma_start3A_143 = arith.constant 0 : i32
      %dma_start3A_144 = arith.constant 0 : i32
      %dma_start3A_145 = tpu.memref_slice %arg2[%dma_start3A_143, %dma_start3A_144] : memref<10112x128xf32, #tpu.memory_space<hbm>> -> memref<10112x128xf32, #tpu.memory_space<hbm>>
      tpu.enqueue_indirect_dma source(%dma_start3A_145 : memref<10112x128xf32, #tpu.memory_space<hbm>>) target(%dma_start3A_139 : memref<64x128xf32, #tpu.memory_space<vmem>>) offsets(%dma_start3A_142 : memref<64xi32, #tpu.memory_space<vmem>>) semaphore(%arg11 : memref<!tpu.dma_semaphore, #tpu.memory_space<semaphore_mem>>)
      %add3A_146 = arith.constant 1 : i32
      %add3A_147 = arith.addi %mul3A_56, %add3A_146 : i32
      %run_scoped3A_148 = arith.constant 0 : i32
      "tpu.region"() ({
        %run_scoped3A_476 = tpu.sem_alloc : memref<!tpu.dma_semaphore, #tpu.memory_space<semaphore_mem>>
        %dma_start3A_477 = arith.constant 128 : i32
        %dma_start3A_478 = arith.constant 0 : i32
        %dma_start3A_479 = tpu.memref_slice %arg10[%dma_start3A_477, %dma_start3A_478] : memref<256x128xf32, #tpu.memory_space<vmem>> -> memref<64x128xf32, #tpu.memory_space<vmem>>
        %dma_start3A_480 = arith.constant 0 : i32
        %dma_start3A_481 = tpu.memref_slice %arg9[%add3A_147, %run_scoped3A_148, %dma_start3A_480] : memref<16x2x64xi32, #tpu.memory_space<vmem>> -> memref<1x1x64xi32, #tpu.memory_space<vmem>>
        %dma_start3A_482 = tpu.memref_squeeze %dma_start3A_481 : memref<1x1x64xi32, #tpu.memory_space<vmem>> -> memref<64xi32, #tpu.memory_space<vmem>>
        %dma_start3A_483 = arith.constant 0 : i32
        %dma_start3A_484 = arith.constant 0 : i32
        %dma_start3A_485 = tpu.memref_slice %arg7[%dma_start3A_483, %dma_start3A_484] : memref<10112x128xf32, #tpu.memory_space<vmem_shared>> -> memref<10112x128xf32, #tpu.memory_space<vmem_shared>>
        tpu.enqueue_indirect_dma source(%dma_start3A_479 : memref<64x128xf32, #tpu.memory_space<vmem>>) target(%dma_start3A_485 : memref<10112x128xf32, #tpu.memory_space<vmem_shared>>) offsets(%dma_start3A_482 : memref<64xi32, #tpu.memory_space<vmem>>) semaphore(%run_scoped3A_476 : memref<!tpu.dma_semaphore, #tpu.memory_space<semaphore_mem>>) {add = true}
        %dma_wait3A_486 = arith.constant 128 : i32
        %dma_wait3A_487 = arith.constant 0 : i32
        %dma_wait3A_488 = tpu.memref_slice %arg10[%dma_wait3A_486, %dma_wait3A_487] : memref<256x128xf32, #tpu.memory_space<vmem>> -> memref<64x128xf32, #tpu.memory_space<vmem>>
        %dma_wait3A_489 = arith.constant 0 : i32
        %dma_wait3A_490 = tpu.memref_slice %arg9[%add3A_147, %run_scoped3A_148, %dma_wait3A_489] : memref<16x2x64xi32, #tpu.memory_space<vmem>> -> memref<1x1x64xi32, #tpu.memory_space<vmem>>
        %dma_wait3A_491 = tpu.memref_squeeze %dma_wait3A_490 : memref<1x1x64xi32, #tpu.memory_space<vmem>> -> memref<64xi32, #tpu.memory_space<vmem>>
        %dma_wait3A_492 = arith.constant 0 : i32
        %dma_wait3A_493 = arith.constant 0 : i32
        %dma_wait3A_494 = tpu.memref_slice %arg7[%dma_wait3A_492, %dma_wait3A_493] : memref<10112x128xf32, #tpu.memory_space<vmem_shared>> -> memref<10112x128xf32, #tpu.memory_space<vmem_shared>>
        tpu.wait_indirect_dma semaphore(%run_scoped3A_476 : memref<!tpu.dma_semaphore, #tpu.memory_space<semaphore_mem>>) src(%dma_wait3A_488 : memref<64x128xf32, #tpu.memory_space<vmem>>) dst(%dma_wait3A_494 : memref<10112x128xf32, #tpu.memory_space<vmem_shared>>)
        tpu.yield
      }) : () -> ()
      %add3A_149 = arith.constant 1 : i32
      %add3A_150 = arith.addi %mul3A_56, %add3A_149 : i32
      %dma_wait3A_151 = arith.constant 1 : i32
      %dma_wait3A_152 = arith.constant 192 : i32
      %dma_wait3A_153 = arith.constant 0 : i32
      %dma_wait3A_154 = tpu.memref_slice %arg10[%dma_wait3A_152, %dma_wait3A_153] : memref<256x128xf32, #tpu.memory_space<vmem>> -> memref<64x128xf32, #tpu.memory_space<vmem>>
      %dma_wait3A_155 = arith.constant 0 : i32
      %dma_wait3A_156 = tpu.memref_slice %arg8[%add3A_150, %dma_wait3A_151, %dma_wait3A_155] : memref<16x2x64xi32, #tpu.memory_space<vmem>> -> memref<1x1x64xi32, #tpu.memory_space<vmem>>
      %dma_wait3A_157 = tpu.memref_squeeze %dma_wait3A_156 : memref<1x1x64xi32, #tpu.memory_space<vmem>> -> memref<64xi32, #tpu.memory_space<vmem>>
      %dma_wait3A_158 = arith.constant 0 : i32
      %dma_wait3A_159 = arith.constant 0 : i32
      %dma_wait3A_160 = tpu.memref_slice %arg2[%dma_wait3A_158, %dma_wait3A_159] : memref<10112x128xf32, #tpu.memory_space<hbm>> -> memref<10112x128xf32, #tpu.memory_space<hbm>>
      tpu.wait_indirect_dma semaphore(%arg11 : memref<!tpu.dma_semaphore, #tpu.memory_space<semaphore_mem>>) src(%dma_wait3A_160 : memref<10112x128xf32, #tpu.memory_space<hbm>>) dst(%dma_wait3A_154 : memref<64x128xf32, #tpu.memory_space<vmem>>)
      %add3A_161 = arith.constant 3 : i32
      %add3A_162 = arith.addi %mul3A_56, %add3A_161 : i32
      %dma_start3A_163 = arith.constant 0 : i32
      %dma_start3A_164 = arith.constant 128 : i32
      %dma_start3A_165 = arith.constant 0 : i32
      %dma_start3A_166 = tpu.memref_slice %arg10[%dma_start3A_164, %dma_start3A_165] : memref<256x128xf32, #tpu.memory_space<vmem>> -> memref<64x128xf32, #tpu.memory_space<vmem>>
      %dma_start3A_167 = arith.constant 0 : i32
      %dma_start3A_168 = tpu.memref_slice %arg8[%add3A_162, %dma_start3A_163, %dma_start3A_167] : memref<16x2x64xi32, #tpu.memory_space<vmem>> -> memref<1x1x64xi32, #tpu.memory_space<vmem>>
      %dma_start3A_169 = tpu.memref_squeeze %dma_start3A_168 : memref<1x1x64xi32, #tpu.memory_space<vmem>> -> memref<64xi32, #tpu.memory_space<vmem>>
      %dma_start3A_170 = arith.constant 0 : i32
      %dma_start3A_171 = arith.constant 0 : i32
      %dma_start3A_172 = tpu.memref_slice %arg2[%dma_start3A_170, %dma_start3A_171] : memref<10112x128xf32, #tpu.memory_space<hbm>> -> memref<10112x128xf32, #tpu.memory_space<hbm>>
      tpu.enqueue_indirect_dma source(%dma_start3A_172 : memref<10112x128xf32, #tpu.memory_space<hbm>>) target(%dma_start3A_166 : memref<64x128xf32, #tpu.memory_space<vmem>>) offsets(%dma_start3A_169 : memref<64xi32, #tpu.memory_space<vmem>>) semaphore(%arg11 : memref<!tpu.dma_semaphore, #tpu.memory_space<semaphore_mem>>)
      %add3A_173 = arith.constant 1 : i32
      %add3A_174 = arith.addi %mul3A_56, %add3A_173 : i32
      %run_scoped3A_175 = arith.constant 1 : i32
      "tpu.region"() ({
        %run_scoped3A_476 = tpu.sem_alloc : memref<!tpu.dma_semaphore, #tpu.memory_space<semaphore_mem>>
        %dma_start3A_477 = arith.constant 192 : i32
        %dma_start3A_478 = arith.constant 0 : i32
        %dma_start3A_479 = tpu.memref_slice %arg10[%dma_start3A_477, %dma_start3A_478] : memref<256x128xf32, #tpu.memory_space<vmem>> -> memref<64x128xf32, #tpu.memory_space<vmem>>
        %dma_start3A_480 = arith.constant 0 : i32
        %dma_start3A_481 = tpu.memref_slice %arg9[%add3A_174, %run_scoped3A_175, %dma_start3A_480] : memref<16x2x64xi32, #tpu.memory_space<vmem>> -> memref<1x1x64xi32, #tpu.memory_space<vmem>>
        %dma_start3A_482 = tpu.memref_squeeze %dma_start3A_481 : memref<1x1x64xi32, #tpu.memory_space<vmem>> -> memref<64xi32, #tpu.memory_space<vmem>>
        %dma_start3A_483 = arith.constant 0 : i32
        %dma_start3A_484 = arith.constant 0 : i32
        %dma_start3A_485 = tpu.memref_slice %arg7[%dma_start3A_483, %dma_start3A_484] : memref<10112x128xf32, #tpu.memory_space<vmem_shared>> -> memref<10112x128xf32, #tpu.memory_space<vmem_shared>>
        tpu.enqueue_indirect_dma source(%dma_start3A_479 : memref<64x128xf32, #tpu.memory_space<vmem>>) target(%dma_start3A_485 : memref<10112x128xf32, #tpu.memory_space<vmem_shared>>) offsets(%dma_start3A_482 : memref<64xi32, #tpu.memory_space<vmem>>) semaphore(%run_scoped3A_476 : memref<!tpu.dma_semaphore, #tpu.memory_space<semaphore_mem>>) {add = true}
        %dma_wait3A_486 = arith.constant 192 : i32
        %dma_wait3A_487 = arith.constant 0 : i32
        %dma_wait3A_488 = tpu.memref_slice %arg10[%dma_wait3A_486, %dma_wait3A_487] : memref<256x128xf32, #tpu.memory_space<vmem>> -> memref<64x128xf32, #tpu.memory_space<vmem>>
        %dma_wait3A_489 = arith.constant 0 : i32
        %dma_wait3A_490 = tpu.memref_slice %arg9[%add3A_174, %run_scoped3A_175, %dma_wait3A_489] : memref<16x2x64xi32, #tpu.memory_space<vmem>> -> memref<1x1x64xi32, #tpu.memory_space<vmem>>
        %dma_wait3A_491 = tpu.memref_squeeze %dma_wait3A_490 : memref<1x1x64xi32, #tpu.memory_space<vmem>> -> memref<64xi32, #tpu.memory_space<vmem>>
        %dma_wait3A_492 = arith.constant 0 : i32
        %dma_wait3A_493 = arith.constant 0 : i32
        %dma_wait3A_494 = tpu.memref_slice %arg7[%dma_wait3A_492, %dma_wait3A_493] : memref<10112x128xf32, #tpu.memory_space<vmem_shared>> -> memref<10112x128xf32, #tpu.memory_space<vmem_shared>>
        tpu.wait_indirect_dma semaphore(%run_scoped3A_476 : memref<!tpu.dma_semaphore, #tpu.memory_space<semaphore_mem>>) src(%dma_wait3A_488 : memref<64x128xf32, #tpu.memory_space<vmem>>) dst(%dma_wait3A_494 : memref<10112x128xf32, #tpu.memory_space<vmem_shared>>)
        tpu.yield
      }) : () -> ()
      %add3A_176 = arith.constant 2 : i32
      %add3A_177 = arith.addi %mul3A_56, %add3A_176 : i32
      %dma_wait3A_178 = arith.constant 0 : i32
      %dma_wait3A_179 = arith.constant 0 : i32
      %dma_wait3A_180 = arith.constant 0 : i32
      %dma_wait3A_181 = tpu.memref_slice %arg10[%dma_wait3A_179, %dma_wait3A_180] : memref<256x128xf32, #tpu.memory_space<vmem>> -> memref<64x128xf32, #tpu.memory_space<vmem>>
      %dma_wait3A_182 = arith.constant 0 : i32
      %dma_wait3A_183 = tpu.memref_slice %arg8[%add3A_177, %dma_wait3A_178, %dma_wait3A_182] : memref<16x2x64xi32, #tpu.memory_space<vmem>> -> memref<1x1x64xi32, #tpu.memory_space<vmem>>
      %dma_wait3A_184 = tpu.memref_squeeze %dma_wait3A_183 : memref<1x1x64xi32, #tpu.memory_space<vmem>> -> memref<64xi32, #tpu.memory_space<vmem>>
      %dma_wait3A_185 = arith.constant 0 : i32
      %dma_wait3A_186 = arith.constant 0 : i32
      %dma_wait3A_187 = tpu.memref_slice %arg2[%dma_wait3A_185, %dma_wait3A_186] : memref<10112x128xf32, #tpu.memory_space<hbm>> -> memref<10112x128xf32, #tpu.memory_space<hbm>>
      tpu.wait_indirect_dma semaphore(%arg11 : memref<!tpu.dma_semaphore, #tpu.memory_space<semaphore_mem>>) src(%dma_wait3A_187 : memref<10112x128xf32, #tpu.memory_space<hbm>>) dst(%dma_wait3A_181 : memref<64x128xf32, #tpu.memory_space<vmem>>)
      %add3A_188 = arith.constant 3 : i32
      %add3A_189 = arith.addi %mul3A_56, %add3A_188 : i32
      %dma_start3A_190 = arith.constant 1 : i32
      %dma_start3A_191 = arith.constant 192 : i32
      %dma_start3A_192 = arith.constant 0 : i32
      %dma_start3A_193 = tpu.memref_slice %arg10[%dma_start3A_191, %dma_start3A_192] : memref<256x128xf32, #tpu.memory_space<vmem>> -> memref<64x128xf32, #tpu.memory_space<vmem>>
      %dma_start3A_194 = arith.constant 0 : i32
      %dma_start3A_195 = tpu.memref_slice %arg8[%add3A_189, %dma_start3A_190, %dma_start3A_194] : memref<16x2x64xi32, #tpu.memory_space<vmem>> -> memref<1x1x64xi32, #tpu.memory_space<vmem>>
      %dma_start3A_196 = tpu.memref_squeeze %dma_start3A_195 : memref<1x1x64xi32, #tpu.memory_space<vmem>> -> memref<64xi32, #tpu.memory_space<vmem>>
      %dma_start3A_197 = arith.constant 0 : i32
      %dma_start3A_198 = arith.constant 0 : i32
      %dma_start3A_199 = tpu.memref_slice %arg2[%dma_start3A_197, %dma_start3A_198] : memref<10112x128xf32, #tpu.memory_space<hbm>> -> memref<10112x128xf32, #tpu.memory_space<hbm>>
      tpu.enqueue_indirect_dma source(%dma_start3A_199 : memref<10112x128xf32, #tpu.memory_space<hbm>>) target(%dma_start3A_193 : memref<64x128xf32, #tpu.memory_space<vmem>>) offsets(%dma_start3A_196 : memref<64xi32, #tpu.memory_space<vmem>>) semaphore(%arg11 : memref<!tpu.dma_semaphore, #tpu.memory_space<semaphore_mem>>)
      %add3A_200 = arith.constant 2 : i32
      %add3A_201 = arith.addi %mul3A_56, %add3A_200 : i32
      %run_scoped3A_202 = arith.constant 0 : i32
      "tpu.region"() ({
        %run_scoped3A_476 = tpu.sem_alloc : memref<!tpu.dma_semaphore, #tpu.memory_space<semaphore_mem>>
        %dma_start3A_477 = arith.constant 0 : i32
        %dma_start3A_478 = arith.constant 0 : i32
        %dma_start3A_479 = tpu.memref_slice %arg10[%dma_start3A_477, %dma_start3A_478] : memref<256x128xf32, #tpu.memory_space<vmem>> -> memref<64x128xf32, #tpu.memory_space<vmem>>
        %dma_start3A_480 = arith.constant 0 : i32
        %dma_start3A_481 = tpu.memref_slice %arg9[%add3A_201, %run_scoped3A_202, %dma_start3A_480] : memref<16x2x64xi32, #tpu.memory_space<vmem>> -> memref<1x1x64xi32, #tpu.memory_space<vmem>>
        %dma_start3A_482 = tpu.memref_squeeze %dma_start3A_481 : memref<1x1x64xi32, #tpu.memory_space<vmem>> -> memref<64xi32, #tpu.memory_space<vmem>>
        %dma_start3A_483 = arith.constant 0 : i32
        %dma_start3A_484 = arith.constant 0 : i32
        %dma_start3A_485 = tpu.memref_slice %arg7[%dma_start3A_483, %dma_start3A_484] : memref<10112x128xf32, #tpu.memory_space<vmem_shared>> -> memref<10112x128xf32, #tpu.memory_space<vmem_shared>>
        tpu.enqueue_indirect_dma source(%dma_start3A_479 : memref<64x128xf32, #tpu.memory_space<vmem>>) target(%dma_start3A_485 : memref<10112x128xf32, #tpu.memory_space<vmem_shared>>) offsets(%dma_start3A_482 : memref<64xi32, #tpu.memory_space<vmem>>) semaphore(%run_scoped3A_476 : memref<!tpu.dma_semaphore, #tpu.memory_space<semaphore_mem>>) {add = true}
        %dma_wait3A_486 = arith.constant 0 : i32
        %dma_wait3A_487 = arith.constant 0 : i32
        %dma_wait3A_488 = tpu.memref_slice %arg10[%dma_wait3A_486, %dma_wait3A_487] : memref<256x128xf32, #tpu.memory_space<vmem>> -> memref<64x128xf32, #tpu.memory_space<vmem>>
        %dma_wait3A_489 = arith.constant 0 : i32
        %dma_wait3A_490 = tpu.memref_slice %arg9[%add3A_201, %run_scoped3A_202, %dma_wait3A_489] : memref<16x2x64xi32, #tpu.memory_space<vmem>> -> memref<1x1x64xi32, #tpu.memory_space<vmem>>
        %dma_wait3A_491 = tpu.memref_squeeze %dma_wait3A_490 : memref<1x1x64xi32, #tpu.memory_space<vmem>> -> memref<64xi32, #tpu.memory_space<vmem>>
        %dma_wait3A_492 = arith.constant 0 : i32
        %dma_wait3A_493 = arith.constant 0 : i32
        %dma_wait3A_494 = tpu.memref_slice %arg7[%dma_wait3A_492, %dma_wait3A_493] : memref<10112x128xf32, #tpu.memory_space<vmem_shared>> -> memref<10112x128xf32, #tpu.memory_space<vmem_shared>>
        tpu.wait_indirect_dma semaphore(%run_scoped3A_476 : memref<!tpu.dma_semaphore, #tpu.memory_space<semaphore_mem>>) src(%dma_wait3A_488 : memref<64x128xf32, #tpu.memory_space<vmem>>) dst(%dma_wait3A_494 : memref<10112x128xf32, #tpu.memory_space<vmem_shared>>)
        tpu.yield
      }) : () -> ()
      %add3A_203 = arith.constant 2 : i32
      %add3A_204 = arith.addi %mul3A_56, %add3A_203 : i32
      %dma_wait3A_205 = arith.constant 1 : i32
      %dma_wait3A_206 = arith.constant 64 : i32
      %dma_wait3A_207 = arith.constant 0 : i32
      %dma_wait3A_208 = tpu.memref_slice %arg10[%dma_wait3A_206, %dma_wait3A_207] : memref<256x128xf32, #tpu.memory_space<vmem>> -> memref<64x128xf32, #tpu.memory_space<vmem>>
      %dma_wait3A_209 = arith.constant 0 : i32
      %dma_wait3A_210 = tpu.memref_slice %arg8[%add3A_204, %dma_wait3A_205, %dma_wait3A_209] : memref<16x2x64xi32, #tpu.memory_space<vmem>> -> memref<1x1x64xi32, #tpu.memory_space<vmem>>
      %dma_wait3A_211 = tpu.memref_squeeze %dma_wait3A_210 : memref<1x1x64xi32, #tpu.memory_space<vmem>> -> memref<64xi32, #tpu.memory_space<vmem>>
      %dma_wait3A_212 = arith.constant 0 : i32
      %dma_wait3A_213 = arith.constant 0 : i32
      %dma_wait3A_214 = tpu.memref_slice %arg2[%dma_wait3A_212, %dma_wait3A_213] : memref<10112x128xf32, #tpu.memory_space<hbm>> -> memref<10112x128xf32, #tpu.memory_space<hbm>>
      tpu.wait_indirect_dma semaphore(%arg11 : memref<!tpu.dma_semaphore, #tpu.memory_space<semaphore_mem>>) src(%dma_wait3A_214 : memref<10112x128xf32, #tpu.memory_space<hbm>>) dst(%dma_wait3A_208 : memref<64x128xf32, #tpu.memory_space<vmem>>)
      %add3A_215 = arith.constant 4 : i32
      %add3A_216 = arith.addi %mul3A_56, %add3A_215 : i32
      %dma_start3A_217 = arith.constant 0 : i32
      %dma_start3A_218 = arith.constant 0 : i32
      %dma_start3A_219 = arith.constant 0 : i32
      %dma_start3A_220 = tpu.memref_slice %arg10[%dma_start3A_218, %dma_start3A_219] : memref<256x128xf32, #tpu.memory_space<vmem>> -> memref<64x128xf32, #tpu.memory_space<vmem>>
      %dma_start3A_221 = arith.constant 0 : i32
      %dma_start3A_222 = tpu.memref_slice %arg8[%add3A_216, %dma_start3A_217, %dma_start3A_221] : memref<16x2x64xi32, #tpu.memory_space<vmem>> -> memref<1x1x64xi32, #tpu.memory_space<vmem>>
      %dma_start3A_223 = tpu.memref_squeeze %dma_start3A_222 : memref<1x1x64xi32, #tpu.memory_space<vmem>> -> memref<64xi32, #tpu.memory_space<vmem>>
      %dma_start3A_224 = arith.constant 0 : i32
      %dma_start3A_225 = arith.constant 0 : i32
      %dma_start3A_226 = tpu.memref_slice %arg2[%dma_start3A_224, %dma_start3A_225] : memref<10112x128xf32, #tpu.memory_space<hbm>> -> memref<10112x128xf32, #tpu.memory_space<hbm>>
      tpu.enqueue_indirect_dma source(%dma_start3A_226 : memref<10112x128xf32, #tpu.memory_space<hbm>>) target(%dma_start3A_220 : memref<64x128xf32, #tpu.memory_space<vmem>>) offsets(%dma_start3A_223 : memref<64xi32, #tpu.memory_space<vmem>>) semaphore(%arg11 : memref<!tpu.dma_semaphore, #tpu.memory_space<semaphore_mem>>)
      %add3A_227 = arith.constant 2 : i32
      %add3A_228 = arith.addi %mul3A_56, %add3A_227 : i32
      %run_scoped3A_229 = arith.constant 1 : i32
      "tpu.region"() ({
        %run_scoped3A_476 = tpu.sem_alloc : memref<!tpu.dma_semaphore, #tpu.memory_space<semaphore_mem>>
        %dma_start3A_477 = arith.constant 64 : i32
        %dma_start3A_478 = arith.constant 0 : i32
        %dma_start3A_479 = tpu.memref_slice %arg10[%dma_start3A_477, %dma_start3A_478] : memref<256x128xf32, #tpu.memory_space<vmem>> -> memref<64x128xf32, #tpu.memory_space<vmem>>
        %dma_start3A_480 = arith.constant 0 : i32
        %dma_start3A_481 = tpu.memref_slice %arg9[%add3A_228, %run_scoped3A_229, %dma_start3A_480] : memref<16x2x64xi32, #tpu.memory_space<vmem>> -> memref<1x1x64xi32, #tpu.memory_space<vmem>>
        %dma_start3A_482 = tpu.memref_squeeze %dma_start3A_481 : memref<1x1x64xi32, #tpu.memory_space<vmem>> -> memref<64xi32, #tpu.memory_space<vmem>>
        %dma_start3A_483 = arith.constant 0 : i32
        %dma_start3A_484 = arith.constant 0 : i32
        %dma_start3A_485 = tpu.memref_slice %arg7[%dma_start3A_483, %dma_start3A_484] : memref<10112x128xf32, #tpu.memory_space<vmem_shared>> -> memref<10112x128xf32, #tpu.memory_space<vmem_shared>>
        tpu.enqueue_indirect_dma source(%dma_start3A_479 : memref<64x128xf32, #tpu.memory_space<vmem>>) target(%dma_start3A_485 : memref<10112x128xf32, #tpu.memory_space<vmem_shared>>) offsets(%dma_start3A_482 : memref<64xi32, #tpu.memory_space<vmem>>) semaphore(%run_scoped3A_476 : memref<!tpu.dma_semaphore, #tpu.memory_space<semaphore_mem>>) {add = true}
        %dma_wait3A_486 = arith.constant 64 : i32
        %dma_wait3A_487 = arith.constant 0 : i32
        %dma_wait3A_488 = tpu.memref_slice %arg10[%dma_wait3A_486, %dma_wait3A_487] : memref<256x128xf32, #tpu.memory_space<vmem>> -> memref<64x128xf32, #tpu.memory_space<vmem>>
        %dma_wait3A_489 = arith.constant 0 : i32
        %dma_wait3A_490 = tpu.memref_slice %arg9[%add3A_228, %run_scoped3A_229, %dma_wait3A_489] : memref<16x2x64xi32, #tpu.memory_space<vmem>> -> memref<1x1x64xi32, #tpu.memory_space<vmem>>
        %dma_wait3A_491 = tpu.memref_squeeze %dma_wait3A_490 : memref<1x1x64xi32, #tpu.memory_space<vmem>> -> memref<64xi32, #tpu.memory_space<vmem>>
        %dma_wait3A_492 = arith.constant 0 : i32
        %dma_wait3A_493 = arith.constant 0 : i32
        %dma_wait3A_494 = tpu.memref_slice %arg7[%dma_wait3A_492, %dma_wait3A_493] : memref<10112x128xf32, #tpu.memory_space<vmem_shared>> -> memref<10112x128xf32, #tpu.memory_space<vmem_shared>>
        tpu.wait_indirect_dma semaphore(%run_scoped3A_476 : memref<!tpu.dma_semaphore, #tpu.memory_space<semaphore_mem>>) src(%dma_wait3A_488 : memref<64x128xf32, #tpu.memory_space<vmem>>) dst(%dma_wait3A_494 : memref<10112x128xf32, #tpu.memory_space<vmem_shared>>)
        tpu.yield
      }) : () -> ()
      %add3A_230 = arith.constant 3 : i32
      %add3A_231 = arith.addi %mul3A_56, %add3A_230 : i32
      %dma_wait3A_232 = arith.constant 0 : i32
      %dma_wait3A_233 = arith.constant 128 : i32
      %dma_wait3A_234 = arith.constant 0 : i32
      %dma_wait3A_235 = tpu.memref_slice %arg10[%dma_wait3A_233, %dma_wait3A_234] : memref<256x128xf32, #tpu.memory_space<vmem>> -> memref<64x128xf32, #tpu.memory_space<vmem>>
      %dma_wait3A_236 = arith.constant 0 : i32
      %dma_wait3A_237 = tpu.memref_slice %arg8[%add3A_231, %dma_wait3A_232, %dma_wait3A_236] : memref<16x2x64xi32, #tpu.memory_space<vmem>> -> memref<1x1x64xi32, #tpu.memory_space<vmem>>
      %dma_wait3A_238 = tpu.memref_squeeze %dma_wait3A_237 : memref<1x1x64xi32, #tpu.memory_space<vmem>> -> memref<64xi32, #tpu.memory_space<vmem>>
      %dma_wait3A_239 = arith.constant 0 : i32
      %dma_wait3A_240 = arith.constant 0 : i32
      %dma_wait3A_241 = tpu.memref_slice %arg2[%dma_wait3A_239, %dma_wait3A_240] : memref<10112x128xf32, #tpu.memory_space<hbm>> -> memref<10112x128xf32, #tpu.memory_space<hbm>>
      tpu.wait_indirect_dma semaphore(%arg11 : memref<!tpu.dma_semaphore, #tpu.memory_space<semaphore_mem>>) src(%dma_wait3A_241 : memref<10112x128xf32, #tpu.memory_space<hbm>>) dst(%dma_wait3A_235 : memref<64x128xf32, #tpu.memory_space<vmem>>)
      %add3A_242 = arith.constant 4 : i32
      %add3A_243 = arith.addi %mul3A_56, %add3A_242 : i32
      %dma_start3A_244 = arith.constant 1 : i32
      %dma_start3A_245 = arith.constant 64 : i32
      %dma_start3A_246 = arith.constant 0 : i32
      %dma_start3A_247 = tpu.memref_slice %arg10[%dma_start3A_245, %dma_start3A_246] : memref<256x128xf32, #tpu.memory_space<vmem>> -> memref<64x128xf32, #tpu.memory_space<vmem>>
      %dma_start3A_248 = arith.constant 0 : i32
      %dma_start3A_249 = tpu.memref_slice %arg8[%add3A_243, %dma_start3A_244, %dma_start3A_248] : memref<16x2x64xi32, #tpu.memory_space<vmem>> -> memref<1x1x64xi32, #tpu.memory_space<vmem>>
      %dma_start3A_250 = tpu.memref_squeeze %dma_start3A_249 : memref<1x1x64xi32, #tpu.memory_space<vmem>> -> memref<64xi32, #tpu.memory_space<vmem>>
      %dma_start3A_251 = arith.constant 0 : i32
      %dma_start3A_252 = arith.constant 0 : i32
      %dma_start3A_253 = tpu.memref_slice %arg2[%dma_start3A_251, %dma_start3A_252] : memref<10112x128xf32, #tpu.memory_space<hbm>> -> memref<10112x128xf32, #tpu.memory_space<hbm>>
      tpu.enqueue_indirect_dma source(%dma_start3A_253 : memref<10112x128xf32, #tpu.memory_space<hbm>>) target(%dma_start3A_247 : memref<64x128xf32, #tpu.memory_space<vmem>>) offsets(%dma_start3A_250 : memref<64xi32, #tpu.memory_space<vmem>>) semaphore(%arg11 : memref<!tpu.dma_semaphore, #tpu.memory_space<semaphore_mem>>)
      %add3A_254 = arith.constant 3 : i32
      %add3A_255 = arith.addi %mul3A_56, %add3A_254 : i32
      %run_scoped3A_256 = arith.constant 0 : i32
      "tpu.region"() ({
        %run_scoped3A_476 = tpu.sem_alloc : memref<!tpu.dma_semaphore, #tpu.memory_space<semaphore_mem>>
        %dma_start3A_477 = arith.constant 128 : i32
        %dma_start3A_478 = arith.constant 0 : i32
        %dma_start3A_479 = tpu.memref_slice %arg10[%dma_start3A_477, %dma_start3A_478] : memref<256x128xf32, #tpu.memory_space<vmem>> -> memref<64x128xf32, #tpu.memory_space<vmem>>
        %dma_start3A_480 = arith.constant 0 : i32
        %dma_start3A_481 = tpu.memref_slice %arg9[%add3A_255, %run_scoped3A_256, %dma_start3A_480] : memref<16x2x64xi32, #tpu.memory_space<vmem>> -> memref<1x1x64xi32, #tpu.memory_space<vmem>>
        %dma_start3A_482 = tpu.memref_squeeze %dma_start3A_481 : memref<1x1x64xi32, #tpu.memory_space<vmem>> -> memref<64xi32, #tpu.memory_space<vmem>>
        %dma_start3A_483 = arith.constant 0 : i32
        %dma_start3A_484 = arith.constant 0 : i32
        %dma_start3A_485 = tpu.memref_slice %arg7[%dma_start3A_483, %dma_start3A_484] : memref<10112x128xf32, #tpu.memory_space<vmem_shared>> -> memref<10112x128xf32, #tpu.memory_space<vmem_shared>>
        tpu.enqueue_indirect_dma source(%dma_start3A_479 : memref<64x128xf32, #tpu.memory_space<vmem>>) target(%dma_start3A_485 : memref<10112x128xf32, #tpu.memory_space<vmem_shared>>) offsets(%dma_start3A_482 : memref<64xi32, #tpu.memory_space<vmem>>) semaphore(%run_scoped3A_476 : memref<!tpu.dma_semaphore, #tpu.memory_space<semaphore_mem>>) {add = true}
        %dma_wait3A_486 = arith.constant 128 : i32
        %dma_wait3A_487 = arith.constant 0 : i32
        %dma_wait3A_488 = tpu.memref_slice %arg10[%dma_wait3A_486, %dma_wait3A_487] : memref<256x128xf32, #tpu.memory_space<vmem>> -> memref<64x128xf32, #tpu.memory_space<vmem>>
        %dma_wait3A_489 = arith.constant 0 : i32
        %dma_wait3A_490 = tpu.memref_slice %arg9[%add3A_255, %run_scoped3A_256, %dma_wait3A_489] : memref<16x2x64xi32, #tpu.memory_space<vmem>> -> memref<1x1x64xi32, #tpu.memory_space<vmem>>
        %dma_wait3A_491 = tpu.memref_squeeze %dma_wait3A_490 : memref<1x1x64xi32, #tpu.memory_space<vmem>> -> memref<64xi32, #tpu.memory_space<vmem>>
        %dma_wait3A_492 = arith.constant 0 : i32
        %dma_wait3A_493 = arith.constant 0 : i32
        %dma_wait3A_494 = tpu.memref_slice %arg7[%dma_wait3A_492, %dma_wait3A_493] : memref<10112x128xf32, #tpu.memory_space<vmem_shared>> -> memref<10112x128xf32, #tpu.memory_space<vmem_shared>>
        tpu.wait_indirect_dma semaphore(%run_scoped3A_476 : memref<!tpu.dma_semaphore, #tpu.memory_space<semaphore_mem>>) src(%dma_wait3A_488 : memref<64x128xf32, #tpu.memory_space<vmem>>) dst(%dma_wait3A_494 : memref<10112x128xf32, #tpu.memory_space<vmem_shared>>)
        tpu.yield
      }) : () -> ()
      %add3A_257 = arith.constant 3 : i32
      %add3A_258 = arith.addi %mul3A_56, %add3A_257 : i32
      %dma_wait3A_259 = arith.constant 1 : i32
      %dma_wait3A_260 = arith.constant 192 : i32
      %dma_wait3A_261 = arith.constant 0 : i32
      %dma_wait3A_262 = tpu.memref_slice %arg10[%dma_wait3A_260, %dma_wait3A_261] : memref<256x128xf32, #tpu.memory_space<vmem>> -> memref<64x128xf32, #tpu.memory_space<vmem>>
      %dma_wait3A_263 = arith.constant 0 : i32
      %dma_wait3A_264 = tpu.memref_slice %arg8[%add3A_258, %dma_wait3A_259, %dma_wait3A_263] : memref<16x2x64xi32, #tpu.memory_space<vmem>> -> memref<1x1x64xi32, #tpu.memory_space<vmem>>
      %dma_wait3A_265 = tpu.memref_squeeze %dma_wait3A_264 : memref<1x1x64xi32, #tpu.memory_space<vmem>> -> memref<64xi32, #tpu.memory_space<vmem>>
      %dma_wait3A_266 = arith.constant 0 : i32
      %dma_wait3A_267 = arith.constant 0 : i32
      %dma_wait3A_268 = tpu.memref_slice %arg2[%dma_wait3A_266, %dma_wait3A_267] : memref<10112x128xf32, #tpu.memory_space<hbm>> -> memref<10112x128xf32, #tpu.memory_space<hbm>>
      tpu.wait_indirect_dma semaphore(%arg11 : memref<!tpu.dma_semaphore, #tpu.memory_space<semaphore_mem>>) src(%dma_wait3A_268 : memref<10112x128xf32, #tpu.memory_space<hbm>>) dst(%dma_wait3A_262 : memref<64x128xf32, #tpu.memory_space<vmem>>)
      %add3A_269 = arith.constant 5 : i32
      %add3A_270 = arith.addi %mul3A_56, %add3A_269 : i32
      %dma_start3A_271 = arith.constant 0 : i32
      %dma_start3A_272 = arith.constant 128 : i32
      %dma_start3A_273 = arith.constant 0 : i32
      %dma_start3A_274 = tpu.memref_slice %arg10[%dma_start3A_272, %dma_start3A_273] : memref<256x128xf32, #tpu.memory_space<vmem>> -> memref<64x128xf32, #tpu.memory_space<vmem>>
      %dma_start3A_275 = arith.constant 0 : i32
      %dma_start3A_276 = tpu.memref_slice %arg8[%add3A_270, %dma_start3A_271, %dma_start3A_275] : memref<16x2x64xi32, #tpu.memory_space<vmem>> -> memref<1x1x64xi32, #tpu.memory_space<vmem>>
      %dma_start3A_277 = tpu.memref_squeeze %dma_start3A_276 : memref<1x1x64xi32, #tpu.memory_space<vmem>> -> memref<64xi32, #tpu.memory_space<vmem>>
      %dma_start3A_278 = arith.constant 0 : i32
      %dma_start3A_279 = arith.constant 0 : i32
      %dma_start3A_280 = tpu.memref_slice %arg2[%dma_start3A_278, %dma_start3A_279] : memref<10112x128xf32, #tpu.memory_space<hbm>> -> memref<10112x128xf32, #tpu.memory_space<hbm>>
      tpu.enqueue_indirect_dma source(%dma_start3A_280 : memref<10112x128xf32, #tpu.memory_space<hbm>>) target(%dma_start3A_274 : memref<64x128xf32, #tpu.memory_space<vmem>>) offsets(%dma_start3A_277 : memref<64xi32, #tpu.memory_space<vmem>>) semaphore(%arg11 : memref<!tpu.dma_semaphore, #tpu.memory_space<semaphore_mem>>)
      %add3A_281 = arith.constant 3 : i32
      %add3A_282 = arith.addi %mul3A_56, %add3A_281 : i32
      %run_scoped3A_283 = arith.constant 1 : i32
      "tpu.region"() ({
        %run_scoped3A_476 = tpu.sem_alloc : memref<!tpu.dma_semaphore, #tpu.memory_space<semaphore_mem>>
        %dma_start3A_477 = arith.constant 192 : i32
        %dma_start3A_478 = arith.constant 0 : i32
        %dma_start3A_479 = tpu.memref_slice %arg10[%dma_start3A_477, %dma_start3A_478] : memref<256x128xf32, #tpu.memory_space<vmem>> -> memref<64x128xf32, #tpu.memory_space<vmem>>
        %dma_start3A_480 = arith.constant 0 : i32
        %dma_start3A_481 = tpu.memref_slice %arg9[%add3A_282, %run_scoped3A_283, %dma_start3A_480] : memref<16x2x64xi32, #tpu.memory_space<vmem>> -> memref<1x1x64xi32, #tpu.memory_space<vmem>>
        %dma_start3A_482 = tpu.memref_squeeze %dma_start3A_481 : memref<1x1x64xi32, #tpu.memory_space<vmem>> -> memref<64xi32, #tpu.memory_space<vmem>>
        %dma_start3A_483 = arith.constant 0 : i32
        %dma_start3A_484 = arith.constant 0 : i32
        %dma_start3A_485 = tpu.memref_slice %arg7[%dma_start3A_483, %dma_start3A_484] : memref<10112x128xf32, #tpu.memory_space<vmem_shared>> -> memref<10112x128xf32, #tpu.memory_space<vmem_shared>>
        tpu.enqueue_indirect_dma source(%dma_start3A_479 : memref<64x128xf32, #tpu.memory_space<vmem>>) target(%dma_start3A_485 : memref<10112x128xf32, #tpu.memory_space<vmem_shared>>) offsets(%dma_start3A_482 : memref<64xi32, #tpu.memory_space<vmem>>) semaphore(%run_scoped3A_476 : memref<!tpu.dma_semaphore, #tpu.memory_space<semaphore_mem>>) {add = true}
        %dma_wait3A_486 = arith.constant 192 : i32
        %dma_wait3A_487 = arith.constant 0 : i32
        %dma_wait3A_488 = tpu.memref_slice %arg10[%dma_wait3A_486, %dma_wait3A_487] : memref<256x128xf32, #tpu.memory_space<vmem>> -> memref<64x128xf32, #tpu.memory_space<vmem>>
        %dma_wait3A_489 = arith.constant 0 : i32
        %dma_wait3A_490 = tpu.memref_slice %arg9[%add3A_282, %run_scoped3A_283, %dma_wait3A_489] : memref<16x2x64xi32, #tpu.memory_space<vmem>> -> memref<1x1x64xi32, #tpu.memory_space<vmem>>
        %dma_wait3A_491 = tpu.memref_squeeze %dma_wait3A_490 : memref<1x1x64xi32, #tpu.memory_space<vmem>> -> memref<64xi32, #tpu.memory_space<vmem>>
        %dma_wait3A_492 = arith.constant 0 : i32
        %dma_wait3A_493 = arith.constant 0 : i32
        %dma_wait3A_494 = tpu.memref_slice %arg7[%dma_wait3A_492, %dma_wait3A_493] : memref<10112x128xf32, #tpu.memory_space<vmem_shared>> -> memref<10112x128xf32, #tpu.memory_space<vmem_shared>>
        tpu.wait_indirect_dma semaphore(%run_scoped3A_476 : memref<!tpu.dma_semaphore, #tpu.memory_space<semaphore_mem>>) src(%dma_wait3A_488 : memref<64x128xf32, #tpu.memory_space<vmem>>) dst(%dma_wait3A_494 : memref<10112x128xf32, #tpu.memory_space<vmem_shared>>)
        tpu.yield
      }) : () -> ()
      %add3A_284 = arith.constant 4 : i32
      %add3A_285 = arith.addi %mul3A_56, %add3A_284 : i32
      %dma_wait3A_286 = arith.constant 0 : i32
      %dma_wait3A_287 = arith.constant 0 : i32
      %dma_wait3A_288 = arith.constant 0 : i32
      %dma_wait3A_289 = tpu.memref_slice %arg10[%dma_wait3A_287, %dma_wait3A_288] : memref<256x128xf32, #tpu.memory_space<vmem>> -> memref<64x128xf32, #tpu.memory_space<vmem>>
      %dma_wait3A_290 = arith.constant 0 : i32
      %dma_wait3A_291 = tpu.memref_slice %arg8[%add3A_285, %dma_wait3A_286, %dma_wait3A_290] : memref<16x2x64xi32, #tpu.memory_space<vmem>> -> memref<1x1x64xi32, #tpu.memory_space<vmem>>
      %dma_wait3A_292 = tpu.memref_squeeze %dma_wait3A_291 : memref<1x1x64xi32, #tpu.memory_space<vmem>> -> memref<64xi32, #tpu.memory_space<vmem>>
      %dma_wait3A_293 = arith.constant 0 : i32
      %dma_wait3A_294 = arith.constant 0 : i32
      %dma_wait3A_295 = tpu.memref_slice %arg2[%dma_wait3A_293, %dma_wait3A_294] : memref<10112x128xf32, #tpu.memory_space<hbm>> -> memref<10112x128xf32, #tpu.memory_space<hbm>>
      tpu.wait_indirect_dma semaphore(%arg11 : memref<!tpu.dma_semaphore, #tpu.memory_space<semaphore_mem>>) src(%dma_wait3A_295 : memref<10112x128xf32, #tpu.memory_space<hbm>>) dst(%dma_wait3A_289 : memref<64x128xf32, #tpu.memory_space<vmem>>)
      %add3A_296 = arith.constant 5 : i32
      %add3A_297 = arith.addi %mul3A_56, %add3A_296 : i32
      %dma_start3A_298 = arith.constant 1 : i32
      %dma_start3A_299 = arith.constant 192 : i32
      %dma_start3A_300 = arith.constant 0 : i32
      %dma_start3A_301 = tpu.memref_slice %arg10[%dma_start3A_299, %dma_start3A_300] : memref<256x128xf32, #tpu.memory_space<vmem>> -> memref<64x128xf32, #tpu.memory_space<vmem>>
      %dma_start3A_302 = arith.constant 0 : i32
      %dma_start3A_303 = tpu.memref_slice %arg8[%add3A_297, %dma_start3A_298, %dma_start3A_302] : memref<16x2x64xi32, #tpu.memory_space<vmem>> -> memref<1x1x64xi32, #tpu.memory_space<vmem>>
      %dma_start3A_304 = tpu.memref_squeeze %dma_start3A_303 : memref<1x1x64xi32, #tpu.memory_space<vmem>> -> memref<64xi32, #tpu.memory_space<vmem>>
      %dma_start3A_305 = arith.constant 0 : i32
      %dma_start3A_306 = arith.constant 0 : i32
      %dma_start3A_307 = tpu.memref_slice %arg2[%dma_start3A_305, %dma_start3A_306] : memref<10112x128xf32, #tpu.memory_space<hbm>> -> memref<10112x128xf32, #tpu.memory_space<hbm>>
      tpu.enqueue_indirect_dma source(%dma_start3A_307 : memref<10112x128xf32, #tpu.memory_space<hbm>>) target(%dma_start3A_301 : memref<64x128xf32, #tpu.memory_space<vmem>>) offsets(%dma_start3A_304 : memref<64xi32, #tpu.memory_space<vmem>>) semaphore(%arg11 : memref<!tpu.dma_semaphore, #tpu.memory_space<semaphore_mem>>)
      %add3A_308 = arith.constant 4 : i32
      %add3A_309 = arith.addi %mul3A_56, %add3A_308 : i32
      %run_scoped3A_310 = arith.constant 0 : i32
      "tpu.region"() ({
        %run_scoped3A_476 = tpu.sem_alloc : memref<!tpu.dma_semaphore, #tpu.memory_space<semaphore_mem>>
        %dma_start3A_477 = arith.constant 0 : i32
        %dma_start3A_478 = arith.constant 0 : i32
        %dma_start3A_479 = tpu.memref_slice %arg10[%dma_start3A_477, %dma_start3A_478] : memref<256x128xf32, #tpu.memory_space<vmem>> -> memref<64x128xf32, #tpu.memory_space<vmem>>
        %dma_start3A_480 = arith.constant 0 : i32
        %dma_start3A_481 = tpu.memref_slice %arg9[%add3A_309, %run_scoped3A_310, %dma_start3A_480] : memref<16x2x64xi32, #tpu.memory_space<vmem>> -> memref<1x1x64xi32, #tpu.memory_space<vmem>>
        %dma_start3A_482 = tpu.memref_squeeze %dma_start3A_481 : memref<1x1x64xi32, #tpu.memory_space<vmem>> -> memref<64xi32, #tpu.memory_space<vmem>>
        %dma_start3A_483 = arith.constant 0 : i32
        %dma_start3A_484 = arith.constant 0 : i32
        %dma_start3A_485 = tpu.memref_slice %arg7[%dma_start3A_483, %dma_start3A_484] : memref<10112x128xf32, #tpu.memory_space<vmem_shared>> -> memref<10112x128xf32, #tpu.memory_space<vmem_shared>>
        tpu.enqueue_indirect_dma source(%dma_start3A_479 : memref<64x128xf32, #tpu.memory_space<vmem>>) target(%dma_start3A_485 : memref<10112x128xf32, #tpu.memory_space<vmem_shared>>) offsets(%dma_start3A_482 : memref<64xi32, #tpu.memory_space<vmem>>) semaphore(%run_scoped3A_476 : memref<!tpu.dma_semaphore, #tpu.memory_space<semaphore_mem>>) {add = true}
        %dma_wait3A_486 = arith.constant 0 : i32
        %dma_wait3A_487 = arith.constant 0 : i32
        %dma_wait3A_488 = tpu.memref_slice %arg10[%dma_wait3A_486, %dma_wait3A_487] : memref<256x128xf32, #tpu.memory_space<vmem>> -> memref<64x128xf32, #tpu.memory_space<vmem>>
        %dma_wait3A_489 = arith.constant 0 : i32
        %dma_wait3A_490 = tpu.memref_slice %arg9[%add3A_309, %run_scoped3A_310, %dma_wait3A_489] : memref<16x2x64xi32, #tpu.memory_space<vmem>> -> memref<1x1x64xi32, #tpu.memory_space<vmem>>
        %dma_wait3A_491 = tpu.memref_squeeze %dma_wait3A_490 : memref<1x1x64xi32, #tpu.memory_space<vmem>> -> memref<64xi32, #tpu.memory_space<vmem>>
        %dma_wait3A_492 = arith.constant 0 : i32
        %dma_wait3A_493 = arith.constant 0 : i32
        %dma_wait3A_494 = tpu.memref_slice %arg7[%dma_wait3A_492, %dma_wait3A_493] : memref<10112x128xf32, #tpu.memory_space<vmem_shared>> -> memref<10112x128xf32, #tpu.memory_space<vmem_shared>>
        tpu.wait_indirect_dma semaphore(%run_scoped3A_476 : memref<!tpu.dma_semaphore, #tpu.memory_space<semaphore_mem>>) src(%dma_wait3A_488 : memref<64x128xf32, #tpu.memory_space<vmem>>) dst(%dma_wait3A_494 : memref<10112x128xf32, #tpu.memory_space<vmem_shared>>)
        tpu.yield
      }) : () -> ()
      %add3A_311 = arith.constant 4 : i32
      %add3A_312 = arith.addi %mul3A_56, %add3A_311 : i32
      %dma_wait3A_313 = arith.constant 1 : i32
      %dma_wait3A_314 = arith.constant 64 : i32
      %dma_wait3A_315 = arith.constant 0 : i32
      %dma_wait3A_316 = tpu.memref_slice %arg10[%dma_wait3A_314, %dma_wait3A_315] : memref<256x128xf32, #tpu.memory_space<vmem>> -> memref<64x128xf32, #tpu.memory_space<vmem>>
      %dma_wait3A_317 = arith.constant 0 : i32
      %dma_wait3A_318 = tpu.memref_slice %arg8[%add3A_312, %dma_wait3A_313, %dma_wait3A_317] : memref<16x2x64xi32, #tpu.memory_space<vmem>> -> memref<1x1x64xi32, #tpu.memory_space<vmem>>
      %dma_wait3A_319 = tpu.memref_squeeze %dma_wait3A_318 : memref<1x1x64xi32, #tpu.memory_space<vmem>> -> memref<64xi32, #tpu.memory_space<vmem>>
      %dma_wait3A_320 = arith.constant 0 : i32
      %dma_wait3A_321 = arith.constant 0 : i32
      %dma_wait3A_322 = tpu.memref_slice %arg2[%dma_wait3A_320, %dma_wait3A_321] : memref<10112x128xf32, #tpu.memory_space<hbm>> -> memref<10112x128xf32, #tpu.memory_space<hbm>>
      tpu.wait_indirect_dma semaphore(%arg11 : memref<!tpu.dma_semaphore, #tpu.memory_space<semaphore_mem>>) src(%dma_wait3A_322 : memref<10112x128xf32, #tpu.memory_space<hbm>>) dst(%dma_wait3A_316 : memref<64x128xf32, #tpu.memory_space<vmem>>)
      %add3A_323 = arith.constant 6 : i32
      %add3A_324 = arith.addi %mul3A_56, %add3A_323 : i32
      %dma_start3A_325 = arith.constant 0 : i32
      %dma_start3A_326 = arith.constant 0 : i32
      %dma_start3A_327 = arith.constant 0 : i32
      %dma_start3A_328 = tpu.memref_slice %arg10[%dma_start3A_326, %dma_start3A_327] : memref<256x128xf32, #tpu.memory_space<vmem>> -> memref<64x128xf32, #tpu.memory_space<vmem>>
      %dma_start3A_329 = arith.constant 0 : i32
      %dma_start3A_330 = tpu.memref_slice %arg8[%add3A_324, %dma_start3A_325, %dma_start3A_329] : memref<16x2x64xi32, #tpu.memory_space<vmem>> -> memref<1x1x64xi32, #tpu.memory_space<vmem>>
      %dma_start3A_331 = tpu.memref_squeeze %dma_start3A_330 : memref<1x1x64xi32, #tpu.memory_space<vmem>> -> memref<64xi32, #tpu.memory_space<vmem>>
      %dma_start3A_332 = arith.constant 0 : i32
      %dma_start3A_333 = arith.constant 0 : i32
      %dma_start3A_334 = tpu.memref_slice %arg2[%dma_start3A_332, %dma_start3A_333] : memref<10112x128xf32, #tpu.memory_space<hbm>> -> memref<10112x128xf32, #tpu.memory_space<hbm>>
      tpu.enqueue_indirect_dma source(%dma_start3A_334 : memref<10112x128xf32, #tpu.memory_space<hbm>>) target(%dma_start3A_328 : memref<64x128xf32, #tpu.memory_space<vmem>>) offsets(%dma_start3A_331 : memref<64xi32, #tpu.memory_space<vmem>>) semaphore(%arg11 : memref<!tpu.dma_semaphore, #tpu.memory_space<semaphore_mem>>)
      %add3A_335 = arith.constant 4 : i32
      %add3A_336 = arith.addi %mul3A_56, %add3A_335 : i32
      %run_scoped3A_337 = arith.constant 1 : i32
      "tpu.region"() ({
        %run_scoped3A_476 = tpu.sem_alloc : memref<!tpu.dma_semaphore, #tpu.memory_space<semaphore_mem>>
        %dma_start3A_477 = arith.constant 64 : i32
        %dma_start3A_478 = arith.constant 0 : i32
        %dma_start3A_479 = tpu.memref_slice %arg10[%dma_start3A_477, %dma_start3A_478] : memref<256x128xf32, #tpu.memory_space<vmem>> -> memref<64x128xf32, #tpu.memory_space<vmem>>
        %dma_start3A_480 = arith.constant 0 : i32
        %dma_start3A_481 = tpu.memref_slice %arg9[%add3A_336, %run_scoped3A_337, %dma_start3A_480] : memref<16x2x64xi32, #tpu.memory_space<vmem>> -> memref<1x1x64xi32, #tpu.memory_space<vmem>>
        %dma_start3A_482 = tpu.memref_squeeze %dma_start3A_481 : memref<1x1x64xi32, #tpu.memory_space<vmem>> -> memref<64xi32, #tpu.memory_space<vmem>>
        %dma_start3A_483 = arith.constant 0 : i32
        %dma_start3A_484 = arith.constant 0 : i32
        %dma_start3A_485 = tpu.memref_slice %arg7[%dma_start3A_483, %dma_start3A_484] : memref<10112x128xf32, #tpu.memory_space<vmem_shared>> -> memref<10112x128xf32, #tpu.memory_space<vmem_shared>>
        tpu.enqueue_indirect_dma source(%dma_start3A_479 : memref<64x128xf32, #tpu.memory_space<vmem>>) target(%dma_start3A_485 : memref<10112x128xf32, #tpu.memory_space<vmem_shared>>) offsets(%dma_start3A_482 : memref<64xi32, #tpu.memory_space<vmem>>) semaphore(%run_scoped3A_476 : memref<!tpu.dma_semaphore, #tpu.memory_space<semaphore_mem>>) {add = true}
        %dma_wait3A_486 = arith.constant 64 : i32
        %dma_wait3A_487 = arith.constant 0 : i32
        %dma_wait3A_488 = tpu.memref_slice %arg10[%dma_wait3A_486, %dma_wait3A_487] : memref<256x128xf32, #tpu.memory_space<vmem>> -> memref<64x128xf32, #tpu.memory_space<vmem>>
        %dma_wait3A_489 = arith.constant 0 : i32
        %dma_wait3A_490 = tpu.memref_slice %arg9[%add3A_336, %run_scoped3A_337, %dma_wait3A_489] : memref<16x2x64xi32, #tpu.memory_space<vmem>> -> memref<1x1x64xi32, #tpu.memory_space<vmem>>
        %dma_wait3A_491 = tpu.memref_squeeze %dma_wait3A_490 : memref<1x1x64xi32, #tpu.memory_space<vmem>> -> memref<64xi32, #tpu.memory_space<vmem>>
        %dma_wait3A_492 = arith.constant 0 : i32
        %dma_wait3A_493 = arith.constant 0 : i32
        %dma_wait3A_494 = tpu.memref_slice %arg7[%dma_wait3A_492, %dma_wait3A_493] : memref<10112x128xf32, #tpu.memory_space<vmem_shared>> -> memref<10112x128xf32, #tpu.memory_space<vmem_shared>>
        tpu.wait_indirect_dma semaphore(%run_scoped3A_476 : memref<!tpu.dma_semaphore, #tpu.memory_space<semaphore_mem>>) src(%dma_wait3A_488 : memref<64x128xf32, #tpu.memory_space<vmem>>) dst(%dma_wait3A_494 : memref<10112x128xf32, #tpu.memory_space<vmem_shared>>)
        tpu.yield
      }) : () -> ()
      %add3A_338 = arith.constant 5 : i32
      %add3A_339 = arith.addi %mul3A_56, %add3A_338 : i32
      %dma_wait3A_340 = arith.constant 0 : i32
      %dma_wait3A_341 = arith.constant 128 : i32
      %dma_wait3A_342 = arith.constant 0 : i32
      %dma_wait3A_343 = tpu.memref_slice %arg10[%dma_wait3A_341, %dma_wait3A_342] : memref<256x128xf32, #tpu.memory_space<vmem>> -> memref<64x128xf32, #tpu.memory_space<vmem>>
      %dma_wait3A_344 = arith.constant 0 : i32
      %dma_wait3A_345 = tpu.memref_slice %arg8[%add3A_339, %dma_wait3A_340, %dma_wait3A_344] : memref<16x2x64xi32, #tpu.memory_space<vmem>> -> memref<1x1x64xi32, #tpu.memory_space<vmem>>
      %dma_wait3A_346 = tpu.memref_squeeze %dma_wait3A_345 : memref<1x1x64xi32, #tpu.memory_space<vmem>> -> memref<64xi32, #tpu.memory_space<vmem>>
      %dma_wait3A_347 = arith.constant 0 : i32
      %dma_wait3A_348 = arith.constant 0 : i32
      %dma_wait3A_349 = tpu.memref_slice %arg2[%dma_wait3A_347, %dma_wait3A_348] : memref<10112x128xf32, #tpu.memory_space<hbm>> -> memref<10112x128xf32, #tpu.memory_space<hbm>>
      tpu.wait_indirect_dma semaphore(%arg11 : memref<!tpu.dma_semaphore, #tpu.memory_space<semaphore_mem>>) src(%dma_wait3A_349 : memref<10112x128xf32, #tpu.memory_space<hbm>>) dst(%dma_wait3A_343 : memref<64x128xf32, #tpu.memory_space<vmem>>)
      %add3A_350 = arith.constant 6 : i32
      %add3A_351 = arith.addi %mul3A_56, %add3A_350 : i32
      %dma_start3A_352 = arith.constant 1 : i32
      %dma_start3A_353 = arith.constant 64 : i32
      %dma_start3A_354 = arith.constant 0 : i32
      %dma_start3A_355 = tpu.memref_slice %arg10[%dma_start3A_353, %dma_start3A_354] : memref<256x128xf32, #tpu.memory_space<vmem>> -> memref<64x128xf32, #tpu.memory_space<vmem>>
      %dma_start3A_356 = arith.constant 0 : i32
      %dma_start3A_357 = tpu.memref_slice %arg8[%add3A_351, %dma_start3A_352, %dma_start3A_356] : memref<16x2x64xi32, #tpu.memory_space<vmem>> -> memref<1x1x64xi32, #tpu.memory_space<vmem>>
      %dma_start3A_358 = tpu.memref_squeeze %dma_start3A_357 : memref<1x1x64xi32, #tpu.memory_space<vmem>> -> memref<64xi32, #tpu.memory_space<vmem>>
      %dma_start3A_359 = arith.constant 0 : i32
      %dma_start3A_360 = arith.constant 0 : i32
      %dma_start3A_361 = tpu.memref_slice %arg2[%dma_start3A_359, %dma_start3A_360] : memref<10112x128xf32, #tpu.memory_space<hbm>> -> memref<10112x128xf32, #tpu.memory_space<hbm>>
      tpu.enqueue_indirect_dma source(%dma_start3A_361 : memref<10112x128xf32, #tpu.memory_space<hbm>>) target(%dma_start3A_355 : memref<64x128xf32, #tpu.memory_space<vmem>>) offsets(%dma_start3A_358 : memref<64xi32, #tpu.memory_space<vmem>>) semaphore(%arg11 : memref<!tpu.dma_semaphore, #tpu.memory_space<semaphore_mem>>)
      %add3A_362 = arith.constant 5 : i32
      %add3A_363 = arith.addi %mul3A_56, %add3A_362 : i32
      %run_scoped3A_364 = arith.constant 0 : i32
      "tpu.region"() ({
        %run_scoped3A_476 = tpu.sem_alloc : memref<!tpu.dma_semaphore, #tpu.memory_space<semaphore_mem>>
        %dma_start3A_477 = arith.constant 128 : i32
        %dma_start3A_478 = arith.constant 0 : i32
        %dma_start3A_479 = tpu.memref_slice %arg10[%dma_start3A_477, %dma_start3A_478] : memref<256x128xf32, #tpu.memory_space<vmem>> -> memref<64x128xf32, #tpu.memory_space<vmem>>
        %dma_start3A_480 = arith.constant 0 : i32
        %dma_start3A_481 = tpu.memref_slice %arg9[%add3A_363, %run_scoped3A_364, %dma_start3A_480] : memref<16x2x64xi32, #tpu.memory_space<vmem>> -> memref<1x1x64xi32, #tpu.memory_space<vmem>>
        %dma_start3A_482 = tpu.memref_squeeze %dma_start3A_481 : memref<1x1x64xi32, #tpu.memory_space<vmem>> -> memref<64xi32, #tpu.memory_space<vmem>>
        %dma_start3A_483 = arith.constant 0 : i32
        %dma_start3A_484 = arith.constant 0 : i32
        %dma_start3A_485 = tpu.memref_slice %arg7[%dma_start3A_483, %dma_start3A_484] : memref<10112x128xf32, #tpu.memory_space<vmem_shared>> -> memref<10112x128xf32, #tpu.memory_space<vmem_shared>>
        tpu.enqueue_indirect_dma source(%dma_start3A_479 : memref<64x128xf32, #tpu.memory_space<vmem>>) target(%dma_start3A_485 : memref<10112x128xf32, #tpu.memory_space<vmem_shared>>) offsets(%dma_start3A_482 : memref<64xi32, #tpu.memory_space<vmem>>) semaphore(%run_scoped3A_476 : memref<!tpu.dma_semaphore, #tpu.memory_space<semaphore_mem>>) {add = true}
        %dma_wait3A_486 = arith.constant 128 : i32
        %dma_wait3A_487 = arith.constant 0 : i32
        %dma_wait3A_488 = tpu.memref_slice %arg10[%dma_wait3A_486, %dma_wait3A_487] : memref<256x128xf32, #tpu.memory_space<vmem>> -> memref<64x128xf32, #tpu.memory_space<vmem>>
        %dma_wait3A_489 = arith.constant 0 : i32
        %dma_wait3A_490 = tpu.memref_slice %arg9[%add3A_363, %run_scoped3A_364, %dma_wait3A_489] : memref<16x2x64xi32, #tpu.memory_space<vmem>> -> memref<1x1x64xi32, #tpu.memory_space<vmem>>
        %dma_wait3A_491 = tpu.memref_squeeze %dma_wait3A_490 : memref<1x1x64xi32, #tpu.memory_space<vmem>> -> memref<64xi32, #tpu.memory_space<vmem>>
        %dma_wait3A_492 = arith.constant 0 : i32
        %dma_wait3A_493 = arith.constant 0 : i32
        %dma_wait3A_494 = tpu.memref_slice %arg7[%dma_wait3A_492, %dma_wait3A_493] : memref<10112x128xf32, #tpu.memory_space<vmem_shared>> -> memref<10112x128xf32, #tpu.memory_space<vmem_shared>>
        tpu.wait_indirect_dma semaphore(%run_scoped3A_476 : memref<!tpu.dma_semaphore, #tpu.memory_space<semaphore_mem>>) src(%dma_wait3A_488 : memref<64x128xf32, #tpu.memory_space<vmem>>) dst(%dma_wait3A_494 : memref<10112x128xf32, #tpu.memory_space<vmem_shared>>)
        tpu.yield
      }) : () -> ()
      %add3A_365 = arith.constant 5 : i32
      %add3A_366 = arith.addi %mul3A_56, %add3A_365 : i32
      %dma_wait3A_367 = arith.constant 1 : i32
      %dma_wait3A_368 = arith.constant 192 : i32
      %dma_wait3A_369 = arith.constant 0 : i32
      %dma_wait3A_370 = tpu.memref_slice %arg10[%dma_wait3A_368, %dma_wait3A_369] : memref<256x128xf32, #tpu.memory_space<vmem>> -> memref<64x128xf32, #tpu.memory_space<vmem>>
      %dma_wait3A_371 = arith.constant 0 : i32
      %dma_wait3A_372 = tpu.memref_slice %arg8[%add3A_366, %dma_wait3A_367, %dma_wait3A_371] : memref<16x2x64xi32, #tpu.memory_space<vmem>> -> memref<1x1x64xi32, #tpu.memory_space<vmem>>
      %dma_wait3A_373 = tpu.memref_squeeze %dma_wait3A_372 : memref<1x1x64xi32, #tpu.memory_space<vmem>> -> memref<64xi32, #tpu.memory_space<vmem>>
      %dma_wait3A_374 = arith.constant 0 : i32
      %dma_wait3A_375 = arith.constant 0 : i32
      %dma_wait3A_376 = tpu.memref_slice %arg2[%dma_wait3A_374, %dma_wait3A_375] : memref<10112x128xf32, #tpu.memory_space<hbm>> -> memref<10112x128xf32, #tpu.memory_space<hbm>>
      tpu.wait_indirect_dma semaphore(%arg11 : memref<!tpu.dma_semaphore, #tpu.memory_space<semaphore_mem>>) src(%dma_wait3A_376 : memref<10112x128xf32, #tpu.memory_space<hbm>>) dst(%dma_wait3A_370 : memref<64x128xf32, #tpu.memory_space<vmem>>)
      %add3A_377 = arith.constant 7 : i32
      %add3A_378 = arith.addi %mul3A_56, %add3A_377 : i32
      %dma_start3A_379 = arith.constant 0 : i32
      %dma_start3A_380 = arith.constant 128 : i32
      %dma_start3A_381 = arith.constant 0 : i32
      %dma_start3A_382 = tpu.memref_slice %arg10[%dma_start3A_380, %dma_start3A_381] : memref<256x128xf32, #tpu.memory_space<vmem>> -> memref<64x128xf32, #tpu.memory_space<vmem>>
      %dma_start3A_383 = arith.constant 0 : i32
      %dma_start3A_384 = tpu.memref_slice %arg8[%add3A_378, %dma_start3A_379, %dma_start3A_383] : memref<16x2x64xi32, #tpu.memory_space<vmem>> -> memref<1x1x64xi32, #tpu.memory_space<vmem>>
      %dma_start3A_385 = tpu.memref_squeeze %dma_start3A_384 : memref<1x1x64xi32, #tpu.memory_space<vmem>> -> memref<64xi32, #tpu.memory_space<vmem>>
      %dma_start3A_386 = arith.constant 0 : i32
      %dma_start3A_387 = arith.constant 0 : i32
      %dma_start3A_388 = tpu.memref_slice %arg2[%dma_start3A_386, %dma_start3A_387] : memref<10112x128xf32, #tpu.memory_space<hbm>> -> memref<10112x128xf32, #tpu.memory_space<hbm>>
      tpu.enqueue_indirect_dma source(%dma_start3A_388 : memref<10112x128xf32, #tpu.memory_space<hbm>>) target(%dma_start3A_382 : memref<64x128xf32, #tpu.memory_space<vmem>>) offsets(%dma_start3A_385 : memref<64xi32, #tpu.memory_space<vmem>>) semaphore(%arg11 : memref<!tpu.dma_semaphore, #tpu.memory_space<semaphore_mem>>)
      %add3A_389 = arith.constant 5 : i32
      %add3A_390 = arith.addi %mul3A_56, %add3A_389 : i32
      %run_scoped3A_391 = arith.constant 1 : i32
      "tpu.region"() ({
        %run_scoped3A_476 = tpu.sem_alloc : memref<!tpu.dma_semaphore, #tpu.memory_space<semaphore_mem>>
        %dma_start3A_477 = arith.constant 192 : i32
        %dma_start3A_478 = arith.constant 0 : i32
        %dma_start3A_479 = tpu.memref_slice %arg10[%dma_start3A_477, %dma_start3A_478] : memref<256x128xf32, #tpu.memory_space<vmem>> -> memref<64x128xf32, #tpu.memory_space<vmem>>
        %dma_start3A_480 = arith.constant 0 : i32
        %dma_start3A_481 = tpu.memref_slice %arg9[%add3A_390, %run_scoped3A_391, %dma_start3A_480] : memref<16x2x64xi32, #tpu.memory_space<vmem>> -> memref<1x1x64xi32, #tpu.memory_space<vmem>>
        %dma_start3A_482 = tpu.memref_squeeze %dma_start3A_481 : memref<1x1x64xi32, #tpu.memory_space<vmem>> -> memref<64xi32, #tpu.memory_space<vmem>>
        %dma_start3A_483 = arith.constant 0 : i32
        %dma_start3A_484 = arith.constant 0 : i32
        %dma_start3A_485 = tpu.memref_slice %arg7[%dma_start3A_483, %dma_start3A_484] : memref<10112x128xf32, #tpu.memory_space<vmem_shared>> -> memref<10112x128xf32, #tpu.memory_space<vmem_shared>>
        tpu.enqueue_indirect_dma source(%dma_start3A_479 : memref<64x128xf32, #tpu.memory_space<vmem>>) target(%dma_start3A_485 : memref<10112x128xf32, #tpu.memory_space<vmem_shared>>) offsets(%dma_start3A_482 : memref<64xi32, #tpu.memory_space<vmem>>) semaphore(%run_scoped3A_476 : memref<!tpu.dma_semaphore, #tpu.memory_space<semaphore_mem>>) {add = true}
        %dma_wait3A_486 = arith.constant 192 : i32
        %dma_wait3A_487 = arith.constant 0 : i32
        %dma_wait3A_488 = tpu.memref_slice %arg10[%dma_wait3A_486, %dma_wait3A_487] : memref<256x128xf32, #tpu.memory_space<vmem>> -> memref<64x128xf32, #tpu.memory_space<vmem>>
        %dma_wait3A_489 = arith.constant 0 : i32
        %dma_wait3A_490 = tpu.memref_slice %arg9[%add3A_390, %run_scoped3A_391, %dma_wait3A_489] : memref<16x2x64xi32, #tpu.memory_space<vmem>> -> memref<1x1x64xi32, #tpu.memory_space<vmem>>
        %dma_wait3A_491 = tpu.memref_squeeze %dma_wait3A_490 : memref<1x1x64xi32, #tpu.memory_space<vmem>> -> memref<64xi32, #tpu.memory_space<vmem>>
        %dma_wait3A_492 = arith.constant 0 : i32
        %dma_wait3A_493 = arith.constant 0 : i32
        %dma_wait3A_494 = tpu.memref_slice %arg7[%dma_wait3A_492, %dma_wait3A_493] : memref<10112x128xf32, #tpu.memory_space<vmem_shared>> -> memref<10112x128xf32, #tpu.memory_space<vmem_shared>>
        tpu.wait_indirect_dma semaphore(%run_scoped3A_476 : memref<!tpu.dma_semaphore, #tpu.memory_space<semaphore_mem>>) src(%dma_wait3A_488 : memref<64x128xf32, #tpu.memory_space<vmem>>) dst(%dma_wait3A_494 : memref<10112x128xf32, #tpu.memory_space<vmem_shared>>)
        tpu.yield
      }) : () -> ()
      %add3A_392 = arith.constant 6 : i32
      %add3A_393 = arith.addi %mul3A_56, %add3A_392 : i32
      %dma_wait3A_394 = arith.constant 0 : i32
      %dma_wait3A_395 = arith.constant 0 : i32
      %dma_wait3A_396 = arith.constant 0 : i32
      %dma_wait3A_397 = tpu.memref_slice %arg10[%dma_wait3A_395, %dma_wait3A_396] : memref<256x128xf32, #tpu.memory_space<vmem>> -> memref<64x128xf32, #tpu.memory_space<vmem>>
      %dma_wait3A_398 = arith.constant 0 : i32
      %dma_wait3A_399 = tpu.memref_slice %arg8[%add3A_393, %dma_wait3A_394, %dma_wait3A_398] : memref<16x2x64xi32, #tpu.memory_space<vmem>> -> memref<1x1x64xi32, #tpu.memory_space<vmem>>
      %dma_wait3A_400 = tpu.memref_squeeze %dma_wait3A_399 : memref<1x1x64xi32, #tpu.memory_space<vmem>> -> memref<64xi32, #tpu.memory_space<vmem>>
      %dma_wait3A_401 = arith.constant 0 : i32
      %dma_wait3A_402 = arith.constant 0 : i32
      %dma_wait3A_403 = tpu.memref_slice %arg2[%dma_wait3A_401, %dma_wait3A_402] : memref<10112x128xf32, #tpu.memory_space<hbm>> -> memref<10112x128xf32, #tpu.memory_space<hbm>>
      tpu.wait_indirect_dma semaphore(%arg11 : memref<!tpu.dma_semaphore, #tpu.memory_space<semaphore_mem>>) src(%dma_wait3A_403 : memref<10112x128xf32, #tpu.memory_space<hbm>>) dst(%dma_wait3A_397 : memref<64x128xf32, #tpu.memory_space<vmem>>)
      %add3A_404 = arith.constant 7 : i32
      %add3A_405 = arith.addi %mul3A_56, %add3A_404 : i32
      %dma_start3A_406 = arith.constant 1 : i32
      %dma_start3A_407 = arith.constant 192 : i32
      %dma_start3A_408 = arith.constant 0 : i32
      %dma_start3A_409 = tpu.memref_slice %arg10[%dma_start3A_407, %dma_start3A_408] : memref<256x128xf32, #tpu.memory_space<vmem>> -> memref<64x128xf32, #tpu.memory_space<vmem>>
      %dma_start3A_410 = arith.constant 0 : i32
      %dma_start3A_411 = tpu.memref_slice %arg8[%add3A_405, %dma_start3A_406, %dma_start3A_410] : memref<16x2x64xi32, #tpu.memory_space<vmem>> -> memref<1x1x64xi32, #tpu.memory_space<vmem>>
      %dma_start3A_412 = tpu.memref_squeeze %dma_start3A_411 : memref<1x1x64xi32, #tpu.memory_space<vmem>> -> memref<64xi32, #tpu.memory_space<vmem>>
      %dma_start3A_413 = arith.constant 0 : i32
      %dma_start3A_414 = arith.constant 0 : i32
      %dma_start3A_415 = tpu.memref_slice %arg2[%dma_start3A_413, %dma_start3A_414] : memref<10112x128xf32, #tpu.memory_space<hbm>> -> memref<10112x128xf32, #tpu.memory_space<hbm>>
      tpu.enqueue_indirect_dma source(%dma_start3A_415 : memref<10112x128xf32, #tpu.memory_space<hbm>>) target(%dma_start3A_409 : memref<64x128xf32, #tpu.memory_space<vmem>>) offsets(%dma_start3A_412 : memref<64xi32, #tpu.memory_space<vmem>>) semaphore(%arg11 : memref<!tpu.dma_semaphore, #tpu.memory_space<semaphore_mem>>)
      %add3A_416 = arith.constant 6 : i32
      %add3A_417 = arith.addi %mul3A_56, %add3A_416 : i32
      %run_scoped3A_418 = arith.constant 0 : i32
      "tpu.region"() ({
        %run_scoped3A_476 = tpu.sem_alloc : memref<!tpu.dma_semaphore, #tpu.memory_space<semaphore_mem>>
        %dma_start3A_477 = arith.constant 0 : i32
        %dma_start3A_478 = arith.constant 0 : i32
        %dma_start3A_479 = tpu.memref_slice %arg10[%dma_start3A_477, %dma_start3A_478] : memref<256x128xf32, #tpu.memory_space<vmem>> -> memref<64x128xf32, #tpu.memory_space<vmem>>
        %dma_start3A_480 = arith.constant 0 : i32
        %dma_start3A_481 = tpu.memref_slice %arg9[%add3A_417, %run_scoped3A_418, %dma_start3A_480] : memref<16x2x64xi32, #tpu.memory_space<vmem>> -> memref<1x1x64xi32, #tpu.memory_space<vmem>>
        %dma_start3A_482 = tpu.memref_squeeze %dma_start3A_481 : memref<1x1x64xi32, #tpu.memory_space<vmem>> -> memref<64xi32, #tpu.memory_space<vmem>>
        %dma_start3A_483 = arith.constant 0 : i32
        %dma_start3A_484 = arith.constant 0 : i32
        %dma_start3A_485 = tpu.memref_slice %arg7[%dma_start3A_483, %dma_start3A_484] : memref<10112x128xf32, #tpu.memory_space<vmem_shared>> -> memref<10112x128xf32, #tpu.memory_space<vmem_shared>>
        tpu.enqueue_indirect_dma source(%dma_start3A_479 : memref<64x128xf32, #tpu.memory_space<vmem>>) target(%dma_start3A_485 : memref<10112x128xf32, #tpu.memory_space<vmem_shared>>) offsets(%dma_start3A_482 : memref<64xi32, #tpu.memory_space<vmem>>) semaphore(%run_scoped3A_476 : memref<!tpu.dma_semaphore, #tpu.memory_space<semaphore_mem>>) {add = true}
        %dma_wait3A_486 = arith.constant 0 : i32
        %dma_wait3A_487 = arith.constant 0 : i32
        %dma_wait3A_488 = tpu.memref_slice %arg10[%dma_wait3A_486, %dma_wait3A_487] : memref<256x128xf32, #tpu.memory_space<vmem>> -> memref<64x128xf32, #tpu.memory_space<vmem>>
        %dma_wait3A_489 = arith.constant 0 : i32
        %dma_wait3A_490 = tpu.memref_slice %arg9[%add3A_417, %run_scoped3A_418, %dma_wait3A_489] : memref<16x2x64xi32, #tpu.memory_space<vmem>> -> memref<1x1x64xi32, #tpu.memory_space<vmem>>
        %dma_wait3A_491 = tpu.memref_squeeze %dma_wait3A_490 : memref<1x1x64xi32, #tpu.memory_space<vmem>> -> memref<64xi32, #tpu.memory_space<vmem>>
        %dma_wait3A_492 = arith.constant 0 : i32
        %dma_wait3A_493 = arith.constant 0 : i32
        %dma_wait3A_494 = tpu.memref_slice %arg7[%dma_wait3A_492, %dma_wait3A_493] : memref<10112x128xf32, #tpu.memory_space<vmem_shared>> -> memref<10112x128xf32, #tpu.memory_space<vmem_shared>>
        tpu.wait_indirect_dma semaphore(%run_scoped3A_476 : memref<!tpu.dma_semaphore, #tpu.memory_space<semaphore_mem>>) src(%dma_wait3A_488 : memref<64x128xf32, #tpu.memory_space<vmem>>) dst(%dma_wait3A_494 : memref<10112x128xf32, #tpu.memory_space<vmem_shared>>)
        tpu.yield
      }) : () -> ()
      %add3A_419 = arith.constant 6 : i32
      %add3A_420 = arith.addi %mul3A_56, %add3A_419 : i32
      %dma_wait3A_421 = arith.constant 1 : i32
      %dma_wait3A_422 = arith.constant 64 : i32
      %dma_wait3A_423 = arith.constant 0 : i32
      %dma_wait3A_424 = tpu.memref_slice %arg10[%dma_wait3A_422, %dma_wait3A_423] : memref<256x128xf32, #tpu.memory_space<vmem>> -> memref<64x128xf32, #tpu.memory_space<vmem>>
      %dma_wait3A_425 = arith.constant 0 : i32
      %dma_wait3A_426 = tpu.memref_slice %arg8[%add3A_420, %dma_wait3A_421, %dma_wait3A_425] : memref<16x2x64xi32, #tpu.memory_space<vmem>> -> memref<1x1x64xi32, #tpu.memory_space<vmem>>
      %dma_wait3A_427 = tpu.memref_squeeze %dma_wait3A_426 : memref<1x1x64xi32, #tpu.memory_space<vmem>> -> memref<64xi32, #tpu.memory_space<vmem>>
      %dma_wait3A_428 = arith.constant 0 : i32
      %dma_wait3A_429 = arith.constant 0 : i32
      %dma_wait3A_430 = tpu.memref_slice %arg2[%dma_wait3A_428, %dma_wait3A_429] : memref<10112x128xf32, #tpu.memory_space<hbm>> -> memref<10112x128xf32, #tpu.memory_space<hbm>>
      tpu.wait_indirect_dma semaphore(%arg11 : memref<!tpu.dma_semaphore, #tpu.memory_space<semaphore_mem>>) src(%dma_wait3A_430 : memref<10112x128xf32, #tpu.memory_space<hbm>>) dst(%dma_wait3A_424 : memref<64x128xf32, #tpu.memory_space<vmem>>)
      %convert_element_type3A_431 = arith.extui %lt3A_67 : i1 to i32
      %cond3A_432 = arith.constant 0 : i32
      %cond3A_433 = arith.cmpi ne, %convert_element_type3A_431, %cond3A_432 : i32
      scf.if %cond3A_433 {
        %dma_wait3A_476 = arith.constant 0 : i32
        %dma_wait3A_477 = arith.constant 0 : i32
        %dma_wait3A_478 = tpu.memref_slice %arg8[%mul3A_59, %dma_wait3A_476, %dma_wait3A_477] : memref<16x2x64xi32, #tpu.memory_space<vmem>> -> memref<8x2x64xi32, #tpu.memory_space<vmem>>
        %dma_wait3A_479 = arith.constant 0 : i32
        %dma_wait3A_480 = arith.constant 0 : i32
        %dma_wait3A_481 = tpu.memref_slice %arg3[%add3A_66, %dma_wait3A_479, %dma_wait3A_480] : memref<2560x2x64xi32, #tpu.memory_space<hbm>> -> memref<8x2x64xi32, #tpu.memory_space<hbm>>
        %dma_wait3A_482 = arith.constant 0 : i32
        %dma_wait3A_483 = arith.constant 0 : i32
        %dma_wait3A_484 = tpu.memref_slice %arg8[%mul3A_59, %dma_wait3A_482, %dma_wait3A_483] : memref<16x2x64xi32, #tpu.memory_space<vmem>> -> memref<8x2x64xi32, #tpu.memory_space<vmem>>
        %dma_wait3A_485 = arith.constant 0 : i32
        %dma_wait3A_486 = arith.constant 0 : i32
        %dma_wait3A_487 = tpu.memref_slice %arg3[%add3A_66, %dma_wait3A_485, %dma_wait3A_486] : memref<2560x2x64xi32, #tpu.memory_space<hbm>> -> memref<8x2x64xi32, #tpu.memory_space<hbm>>
        tpu.wait_dma2 semaphore(%arg12 : memref<!tpu.dma_semaphore, #tpu.memory_space<semaphore_mem>>) src(%dma_wait3A_487 : memref<8x2x64xi32, #tpu.memory_space<hbm>>) dst(%dma_wait3A_484 : memref<8x2x64xi32, #tpu.memory_space<vmem>>)
        %dma_wait3A_488 = arith.constant 0 : i32
        %dma_wait3A_489 = arith.constant 0 : i32
        %dma_wait3A_490 = tpu.memref_slice %arg9[%mul3A_59, %dma_wait3A_488, %dma_wait3A_489] : memref<16x2x64xi32, #tpu.memory_space<vmem>> -> memref<8x2x64xi32, #tpu.memory_space<vmem>>
        %dma_wait3A_491 = arith.constant 0 : i32
        %dma_wait3A_492 = arith.constant 0 : i32
        %dma_wait3A_493 = tpu.memref_slice %arg4[%add3A_66, %dma_wait3A_491, %dma_wait3A_492] : memref<2560x2x64xi32, #tpu.memory_space<hbm>> -> memref<8x2x64xi32, #tpu.memory_space<hbm>>
        %dma_wait3A_494 = arith.constant 0 : i32
        %dma_wait3A_495 = arith.constant 0 : i32
        %dma_wait3A_496 = tpu.memref_slice %arg9[%mul3A_59, %dma_wait3A_494, %dma_wait3A_495] : memref<16x2x64xi32, #tpu.memory_space<vmem>> -> memref<8x2x64xi32, #tpu.memory_space<vmem>>
        %dma_wait3A_497 = arith.constant 0 : i32
        %dma_wait3A_498 = arith.constant 0 : i32
        %dma_wait3A_499 = tpu.memref_slice %arg4[%add3A_66, %dma_wait3A_497, %dma_wait3A_498] : memref<2560x2x64xi32, #tpu.memory_space<hbm>> -> memref<8x2x64xi32, #tpu.memory_space<hbm>>
        tpu.wait_dma2 semaphore(%arg12 : memref<!tpu.dma_semaphore, #tpu.memory_space<semaphore_mem>>) src(%dma_wait3A_499 : memref<8x2x64xi32, #tpu.memory_space<hbm>>) dst(%dma_wait3A_496 : memref<8x2x64xi32, #tpu.memory_space<vmem>>)
      } else {
      }
      %convert_element_type3A_434 = arith.extui %lt3A_67 : i1 to i32
      %cond3A_435 = arith.constant 0 : i32
      %cond3A_436 = arith.cmpi ne, %convert_element_type3A_434, %cond3A_435 : i32
      scf.if %cond3A_436 {
        %add3A_476 = arith.constant 0 : i32
        %add3A_477 = arith.addi %mul3A_59, %add3A_476 : i32
        %dma_start3A_478 = arith.constant 0 : i32
        %dma_start3A_479 = arith.constant 0 : i32
        %dma_start3A_480 = arith.constant 0 : i32
        %dma_start3A_481 = tpu.memref_slice %arg10[%dma_start3A_479, %dma_start3A_480] : memref<256x128xf32, #tpu.memory_space<vmem>> -> memref<64x128xf32, #tpu.memory_space<vmem>>
        %dma_start3A_482 = arith.constant 0 : i32
        %dma_start3A_483 = tpu.memref_slice %arg8[%add3A_477, %dma_start3A_478, %dma_start3A_482] : memref<16x2x64xi32, #tpu.memory_space<vmem>> -> memref<1x1x64xi32, #tpu.memory_space<vmem>>
        %dma_start3A_484 = tpu.memref_squeeze %dma_start3A_483 : memref<1x1x64xi32, #tpu.memory_space<vmem>> -> memref<64xi32, #tpu.memory_space<vmem>>
        %dma_start3A_485 = arith.constant 0 : i32
        %dma_start3A_486 = arith.constant 0 : i32
        %dma_start3A_487 = tpu.memref_slice %arg2[%dma_start3A_485, %dma_start3A_486] : memref<10112x128xf32, #tpu.memory_space<hbm>> -> memref<10112x128xf32, #tpu.memory_space<hbm>>
        tpu.enqueue_indirect_dma source(%dma_start3A_487 : memref<10112x128xf32, #tpu.memory_space<hbm>>) target(%dma_start3A_481 : memref<64x128xf32, #tpu.memory_space<vmem>>) offsets(%dma_start3A_484 : memref<64xi32, #tpu.memory_space<vmem>>) semaphore(%arg11 : memref<!tpu.dma_semaphore, #tpu.memory_space<semaphore_mem>>)
      } else {
      }
      %add3A_437 = arith.constant 6 : i32
      %add3A_438 = arith.addi %mul3A_56, %add3A_437 : i32
      %run_scoped3A_439 = arith.constant 1 : i32
      "tpu.region"() ({
        %run_scoped3A_476 = tpu.sem_alloc : memref<!tpu.dma_semaphore, #tpu.memory_space<semaphore_mem>>
        %dma_start3A_477 = arith.constant 64 : i32
        %dma_start3A_478 = arith.constant 0 : i32
        %dma_start3A_479 = tpu.memref_slice %arg10[%dma_start3A_477, %dma_start3A_478] : memref<256x128xf32, #tpu.memory_space<vmem>> -> memref<64x128xf32, #tpu.memory_space<vmem>>
        %dma_start3A_480 = arith.constant 0 : i32
        %dma_start3A_481 = tpu.memref_slice %arg9[%add3A_438, %run_scoped3A_439, %dma_start3A_480] : memref<16x2x64xi32, #tpu.memory_space<vmem>> -> memref<1x1x64xi32, #tpu.memory_space<vmem>>
        %dma_start3A_482 = tpu.memref_squeeze %dma_start3A_481 : memref<1x1x64xi32, #tpu.memory_space<vmem>> -> memref<64xi32, #tpu.memory_space<vmem>>
        %dma_start3A_483 = arith.constant 0 : i32
        %dma_start3A_484 = arith.constant 0 : i32
        %dma_start3A_485 = tpu.memref_slice %arg7[%dma_start3A_483, %dma_start3A_484] : memref<10112x128xf32, #tpu.memory_space<vmem_shared>> -> memref<10112x128xf32, #tpu.memory_space<vmem_shared>>
        tpu.enqueue_indirect_dma source(%dma_start3A_479 : memref<64x128xf32, #tpu.memory_space<vmem>>) target(%dma_start3A_485 : memref<10112x128xf32, #tpu.memory_space<vmem_shared>>) offsets(%dma_start3A_482 : memref<64xi32, #tpu.memory_space<vmem>>) semaphore(%run_scoped3A_476 : memref<!tpu.dma_semaphore, #tpu.memory_space<semaphore_mem>>) {add = true}
        %dma_wait3A_486 = arith.constant 64 : i32
        %dma_wait3A_487 = arith.constant 0 : i32
        %dma_wait3A_488 = tpu.memref_slice %arg10[%dma_wait3A_486, %dma_wait3A_487] : memref<256x128xf32, #tpu.memory_space<vmem>> -> memref<64x128xf32, #tpu.memory_space<vmem>>
        %dma_wait3A_489 = arith.constant 0 : i32
        %dma_wait3A_490 = tpu.memref_slice %arg9[%add3A_438, %run_scoped3A_439, %dma_wait3A_489] : memref<16x2x64xi32, #tpu.memory_space<vmem>> -> memref<1x1x64xi32, #tpu.memory_space<vmem>>
        %dma_wait3A_491 = tpu.memref_squeeze %dma_wait3A_490 : memref<1x1x64xi32, #tpu.memory_space<vmem>> -> memref<64xi32, #tpu.memory_space<vmem>>
        %dma_wait3A_492 = arith.constant 0 : i32
        %dma_wait3A_493 = arith.constant 0 : i32
        %dma_wait3A_494 = tpu.memref_slice %arg7[%dma_wait3A_492, %dma_wait3A_493] : memref<10112x128xf32, #tpu.memory_space<vmem_shared>> -> memref<10112x128xf32, #tpu.memory_space<vmem_shared>>
        tpu.wait_indirect_dma semaphore(%run_scoped3A_476 : memref<!tpu.dma_semaphore, #tpu.memory_space<semaphore_mem>>) src(%dma_wait3A_488 : memref<64x128xf32, #tpu.memory_space<vmem>>) dst(%dma_wait3A_494 : memref<10112x128xf32, #tpu.memory_space<vmem_shared>>)
        tpu.yield
      }) : () -> ()
      %add3A_440 = arith.constant 7 : i32
      %add3A_441 = arith.addi %mul3A_56, %add3A_440 : i32
      %dma_wait3A_442 = arith.constant 0 : i32
      %dma_wait3A_443 = arith.constant 128 : i32
      %dma_wait3A_444 = arith.constant 0 : i32
      %dma_wait3A_445 = tpu.memref_slice %arg10[%dma_wait3A_443, %dma_wait3A_444] : memref<256x128xf32, #tpu.memory_space<vmem>> -> memref<64x128xf32, #tpu.memory_space<vmem>>
      %dma_wait3A_446 = arith.constant 0 : i32
      %dma_wait3A_447 = tpu.memref_slice %arg8[%add3A_441, %dma_wait3A_442, %dma_wait3A_446] : memref<16x2x64xi32, #tpu.memory_space<vmem>> -> memref<1x1x64xi32, #tpu.memory_space<vmem>>
      %dma_wait3A_448 = tpu.memref_squeeze %dma_wait3A_447 : memref<1x1x64xi32, #tpu.memory_space<vmem>> -> memref<64xi32, #tpu.memory_space<vmem>>
      %dma_wait3A_449 = arith.constant 0 : i32
      %dma_wait3A_450 = arith.constant 0 : i32
      %dma_wait3A_451 = tpu.memref_slice %arg2[%dma_wait3A_449, %dma_wait3A_450] : memref<10112x128xf32, #tpu.memory_space<hbm>> -> memref<10112x128xf32, #tpu.memory_space<hbm>>
      tpu.wait_indirect_dma semaphore(%arg11 : memref<!tpu.dma_semaphore, #tpu.memory_space<semaphore_mem>>) src(%dma_wait3A_451 : memref<10112x128xf32, #tpu.memory_space<hbm>>) dst(%dma_wait3A_445 : memref<64x128xf32, #tpu.memory_space<vmem>>)
      %convert_element_type3A_452 = arith.extui %lt3A_67 : i1 to i32
      %cond3A_453 = arith.constant 0 : i32
      %cond3A_454 = arith.cmpi ne, %convert_element_type3A_452, %cond3A_453 : i32
      scf.if %cond3A_454 {
        %add3A_476 = arith.constant 0 : i32
        %add3A_477 = arith.addi %mul3A_59, %add3A_476 : i32
        %dma_start3A_478 = arith.constant 1 : i32
        %dma_start3A_479 = arith.constant 64 : i32
        %dma_start3A_480 = arith.constant 0 : i32
        %dma_start3A_481 = tpu.memref_slice %arg10[%dma_start3A_479, %dma_start3A_480] : memref<256x128xf32, #tpu.memory_space<vmem>> -> memref<64x128xf32, #tpu.memory_space<vmem>>
        %dma_start3A_482 = arith.constant 0 : i32
        %dma_start3A_483 = tpu.memref_slice %arg8[%add3A_477, %dma_start3A_478, %dma_start3A_482] : memref<16x2x64xi32, #tpu.memory_space<vmem>> -> memref<1x1x64xi32, #tpu.memory_space<vmem>>
        %dma_start3A_484 = tpu.memref_squeeze %dma_start3A_483 : memref<1x1x64xi32, #tpu.memory_space<vmem>> -> memref<64xi32, #tpu.memory_space<vmem>>
        %dma_start3A_485 = arith.constant 0 : i32
        %dma_start3A_486 = arith.constant 0 : i32
        %dma_start3A_487 = tpu.memref_slice %arg2[%dma_start3A_485, %dma_start3A_486] : memref<10112x128xf32, #tpu.memory_space<hbm>> -> memref<10112x128xf32, #tpu.memory_space<hbm>>
        tpu.enqueue_indirect_dma source(%dma_start3A_487 : memref<10112x128xf32, #tpu.memory_space<hbm>>) target(%dma_start3A_481 : memref<64x128xf32, #tpu.memory_space<vmem>>) offsets(%dma_start3A_484 : memref<64xi32, #tpu.memory_space<vmem>>) semaphore(%arg11 : memref<!tpu.dma_semaphore, #tpu.memory_space<semaphore_mem>>)
      } else {
      }
      %add3A_455 = arith.constant 7 : i32
      %add3A_456 = arith.addi %mul3A_56, %add3A_455 : i32
      %run_scoped3A_457 = arith.constant 0 : i32
      "tpu.region"() ({
        %run_scoped3A_476 = tpu.sem_alloc : memref<!tpu.dma_semaphore, #tpu.memory_space<semaphore_mem>>
        %dma_start3A_477 = arith.constant 128 : i32
        %dma_start3A_478 = arith.constant 0 : i32
        %dma_start3A_479 = tpu.memref_slice %arg10[%dma_start3A_477, %dma_start3A_478] : memref<256x128xf32, #tpu.memory_space<vmem>> -> memref<64x128xf32, #tpu.memory_space<vmem>>
        %dma_start3A_480 = arith.constant 0 : i32
        %dma_start3A_481 = tpu.memref_slice %arg9[%add3A_456, %run_scoped3A_457, %dma_start3A_480] : memref<16x2x64xi32, #tpu.memory_space<vmem>> -> memref<1x1x64xi32, #tpu.memory_space<vmem>>
        %dma_start3A_482 = tpu.memref_squeeze %dma_start3A_481 : memref<1x1x64xi32, #tpu.memory_space<vmem>> -> memref<64xi32, #tpu.memory_space<vmem>>
        %dma_start3A_483 = arith.constant 0 : i32
        %dma_start3A_484 = arith.constant 0 : i32
        %dma_start3A_485 = tpu.memref_slice %arg7[%dma_start3A_483, %dma_start3A_484] : memref<10112x128xf32, #tpu.memory_space<vmem_shared>> -> memref<10112x128xf32, #tpu.memory_space<vmem_shared>>
        tpu.enqueue_indirect_dma source(%dma_start3A_479 : memref<64x128xf32, #tpu.memory_space<vmem>>) target(%dma_start3A_485 : memref<10112x128xf32, #tpu.memory_space<vmem_shared>>) offsets(%dma_start3A_482 : memref<64xi32, #tpu.memory_space<vmem>>) semaphore(%run_scoped3A_476 : memref<!tpu.dma_semaphore, #tpu.memory_space<semaphore_mem>>) {add = true}
        %dma_wait3A_486 = arith.constant 128 : i32
        %dma_wait3A_487 = arith.constant 0 : i32
        %dma_wait3A_488 = tpu.memref_slice %arg10[%dma_wait3A_486, %dma_wait3A_487] : memref<256x128xf32, #tpu.memory_space<vmem>> -> memref<64x128xf32, #tpu.memory_space<vmem>>
        %dma_wait3A_489 = arith.constant 0 : i32
        %dma_wait3A_490 = tpu.memref_slice %arg9[%add3A_456, %run_scoped3A_457, %dma_wait3A_489] : memref<16x2x64xi32, #tpu.memory_space<vmem>> -> memref<1x1x64xi32, #tpu.memory_space<vmem>>
        %dma_wait3A_491 = tpu.memref_squeeze %dma_wait3A_490 : memref<1x1x64xi32, #tpu.memory_space<vmem>> -> memref<64xi32, #tpu.memory_space<vmem>>
        %dma_wait3A_492 = arith.constant 0 : i32
        %dma_wait3A_493 = arith.constant 0 : i32
        %dma_wait3A_494 = tpu.memref_slice %arg7[%dma_wait3A_492, %dma_wait3A_493] : memref<10112x128xf32, #tpu.memory_space<vmem_shared>> -> memref<10112x128xf32, #tpu.memory_space<vmem_shared>>
        tpu.wait_indirect_dma semaphore(%run_scoped3A_476 : memref<!tpu.dma_semaphore, #tpu.memory_space<semaphore_mem>>) src(%dma_wait3A_488 : memref<64x128xf32, #tpu.memory_space<vmem>>) dst(%dma_wait3A_494 : memref<10112x128xf32, #tpu.memory_space<vmem_shared>>)
        tpu.yield
      }) : () -> ()
      %add3A_458 = arith.constant 7 : i32
      %add3A_459 = arith.addi %mul3A_56, %add3A_458 : i32
      %dma_wait3A_460 = arith.constant 1 : i32
      %dma_wait3A_461 = arith.constant 192 : i32
      %dma_wait3A_462 = arith.constant 0 : i32
      %dma_wait3A_463 = tpu.memref_slice %arg10[%dma_wait3A_461, %dma_wait3A_462] : memref<256x128xf32, #tpu.memory_space<vmem>> -> memref<64x128xf32, #tpu.memory_space<vmem>>
      %dma_wait3A_464 = arith.constant 0 : i32
      %dma_wait3A_465 = tpu.memref_slice %arg8[%add3A_459, %dma_wait3A_460, %dma_wait3A_464] : memref<16x2x64xi32, #tpu.memory_space<vmem>> -> memref<1x1x64xi32, #tpu.memory_space<vmem>>
      %dma_wait3A_466 = tpu.memref_squeeze %dma_wait3A_465 : memref<1x1x64xi32, #tpu.memory_space<vmem>> -> memref<64xi32, #tpu.memory_space<vmem>>
      %dma_wait3A_467 = arith.constant 0 : i32
      %dma_wait3A_468 = arith.constant 0 : i32
      %dma_wait3A_469 = tpu.memref_slice %arg2[%dma_wait3A_467, %dma_wait3A_468] : memref<10112x128xf32, #tpu.memory_space<hbm>> -> memref<10112x128xf32, #tpu.memory_space<hbm>>
      tpu.wait_indirect_dma semaphore(%arg11 : memref<!tpu.dma_semaphore, #tpu.memory_space<semaphore_mem>>) src(%dma_wait3A_469 : memref<10112x128xf32, #tpu.memory_space<hbm>>) dst(%dma_wait3A_463 : memref<64x128xf32, #tpu.memory_space<vmem>>)
      %convert_element_type3A_470 = arith.extui %lt3A_67 : i1 to i32
      %cond3A_471 = arith.constant 0 : i32
      %cond3A_472 = arith.cmpi ne, %convert_element_type3A_470, %cond3A_471 : i32
      scf.if %cond3A_472 {
        %add3A_476 = arith.constant 1 : i32
        %add3A_477 = arith.addi %mul3A_59, %add3A_476 : i32
        %dma_start3A_478 = arith.constant 0 : i32
        %dma_start3A_479 = arith.constant 128 : i32
        %dma_start3A_480 = arith.constant 0 : i32
        %dma_start3A_481 = tpu.memref_slice %arg10[%dma_start3A_479, %dma_start3A_480] : memref<256x128xf32, #tpu.memory_space<vmem>> -> memref<64x128xf32, #tpu.memory_space<vmem>>
        %dma_start3A_482 = arith.constant 0 : i32
        %dma_start3A_483 = tpu.memref_slice %arg8[%add3A_477, %dma_start3A_478, %dma_start3A_482] : memref<16x2x64xi32, #tpu.memory_space<vmem>> -> memref<1x1x64xi32, #tpu.memory_space<vmem>>
        %dma_start3A_484 = tpu.memref_squeeze %dma_start3A_483 : memref<1x1x64xi32, #tpu.memory_space<vmem>> -> memref<64xi32, #tpu.memory_space<vmem>>
        %dma_start3A_485 = arith.constant 0 : i32
        %dma_start3A_486 = arith.constant 0 : i32
        %dma_start3A_487 = tpu.memref_slice %arg2[%dma_start3A_485, %dma_start3A_486] : memref<10112x128xf32, #tpu.memory_space<hbm>> -> memref<10112x128xf32, #tpu.memory_space<hbm>>
        tpu.enqueue_indirect_dma source(%dma_start3A_487 : memref<10112x128xf32, #tpu.memory_space<hbm>>) target(%dma_start3A_481 : memref<64x128xf32, #tpu.memory_space<vmem>>) offsets(%dma_start3A_484 : memref<64xi32, #tpu.memory_space<vmem>>) semaphore(%arg11 : memref<!tpu.dma_semaphore, #tpu.memory_space<semaphore_mem>>)
      } else {
      }
      %add3A_473 = arith.constant 7 : i32
      %add3A_474 = arith.addi %mul3A_56, %add3A_473 : i32
      %run_scoped3A_475 = arith.constant 1 : i32
      "tpu.region"() ({
        %run_scoped3A_476 = tpu.sem_alloc : memref<!tpu.dma_semaphore, #tpu.memory_space<semaphore_mem>>
        %dma_start3A_477 = arith.constant 192 : i32
        %dma_start3A_478 = arith.constant 0 : i32
        %dma_start3A_479 = tpu.memref_slice %arg10[%dma_start3A_477, %dma_start3A_478] : memref<256x128xf32, #tpu.memory_space<vmem>> -> memref<64x128xf32, #tpu.memory_space<vmem>>
        %dma_start3A_480 = arith.constant 0 : i32
        %dma_start3A_481 = tpu.memref_slice %arg9[%add3A_474, %run_scoped3A_475, %dma_start3A_480] : memref<16x2x64xi32, #tpu.memory_space<vmem>> -> memref<1x1x64xi32, #tpu.memory_space<vmem>>
        %dma_start3A_482 = tpu.memref_squeeze %dma_start3A_481 : memref<1x1x64xi32, #tpu.memory_space<vmem>> -> memref<64xi32, #tpu.memory_space<vmem>>
        %dma_start3A_483 = arith.constant 0 : i32
        %dma_start3A_484 = arith.constant 0 : i32
        %dma_start3A_485 = tpu.memref_slice %arg7[%dma_start3A_483, %dma_start3A_484] : memref<10112x128xf32, #tpu.memory_space<vmem_shared>> -> memref<10112x128xf32, #tpu.memory_space<vmem_shared>>
        tpu.enqueue_indirect_dma source(%dma_start3A_479 : memref<64x128xf32, #tpu.memory_space<vmem>>) target(%dma_start3A_485 : memref<10112x128xf32, #tpu.memory_space<vmem_shared>>) offsets(%dma_start3A_482 : memref<64xi32, #tpu.memory_space<vmem>>) semaphore(%run_scoped3A_476 : memref<!tpu.dma_semaphore, #tpu.memory_space<semaphore_mem>>) {add = true}
        %dma_wait3A_486 = arith.constant 192 : i32
        %dma_wait3A_487 = arith.constant 0 : i32
        %dma_wait3A_488 = tpu.memref_slice %arg10[%dma_wait3A_486, %dma_wait3A_487] : memref<256x128xf32, #tpu.memory_space<vmem>> -> memref<64x128xf32, #tpu.memory_space<vmem>>
        %dma_wait3A_489 = arith.constant 0 : i32
        %dma_wait3A_490 = tpu.memref_slice %arg9[%add3A_474, %run_scoped3A_475, %dma_wait3A_489] : memref<16x2x64xi32, #tpu.memory_space<vmem>> -> memref<1x1x64xi32, #tpu.memory_space<vmem>>
        %dma_wait3A_491 = tpu.memref_squeeze %dma_wait3A_490 : memref<1x1x64xi32, #tpu.memory_space<vmem>> -> memref<64xi32, #tpu.memory_space<vmem>>
        %dma_wait3A_492 = arith.constant 0 : i32
        %dma_wait3A_493 = arith.constant 0 : i32
        %dma_wait3A_494 = tpu.memref_slice %arg7[%dma_wait3A_492, %dma_wait3A_493] : memref<10112x128xf32, #tpu.memory_space<vmem_shared>> -> memref<10112x128xf32, #tpu.memory_space<vmem_shared>>
        tpu.wait_indirect_dma semaphore(%run_scoped3A_476 : memref<!tpu.dma_semaphore, #tpu.memory_space<semaphore_mem>>) src(%dma_wait3A_488 : memref<64x128xf32, #tpu.memory_space<vmem>>) dst(%dma_wait3A_494 : memref<10112x128xf32, #tpu.memory_space<vmem_shared>>)
        tpu.yield
      }) : () -> ()
    }
    %scan3A_47 = arith.constant 10 : i32
    %barrier3A_48 = arith.constant 0 : index
    tpu.barrier barrier_id(%barrier3A_48)
    "tpu.region"() ({
      %run_scoped3A = tpu.sem_alloc : memref<!tpu.dma_semaphore, #tpu.memory_space<semaphore_mem>>
      %dma_start3A_49 = arith.constant 0 : i32
      %dma_start3A_50 = tpu.memref_slice %arg6[%arg0, %mul3A_2, %dma_start3A_49] : memref<2x10112x128xf32, #tpu.memory_space<hbm>> -> memref<1x632x128xf32, #tpu.memory_space<hbm>>
      %dma_start3A_51 = tpu.memref_squeeze %dma_start3A_50 : memref<1x632x128xf32, #tpu.memory_space<hbm>> -> memref<632x128xf32, #tpu.memory_space<hbm>>
      %dma_start3A_52 = arith.constant 0 : i32
      %dma_start3A_53 = tpu.memref_slice %arg7[%mul3A_2, %dma_start3A_52] : memref<10112x128xf32, #tpu.memory_space<vmem_shared>> -> memref<632x128xf32, #tpu.memory_space<vmem_shared>>
      tpu.enqueue_dma source(%dma_start3A_53 : memref<632x128xf32, #tpu.memory_space<vmem_shared>>) target(%dma_start3A_51 : memref<632x128xf32, #tpu.memory_space<hbm>>) target_semaphore(%run_scoped3A : memref<!tpu.dma_semaphore, #tpu.memory_space<semaphore_mem>>)
      %dma_wait3A_54 = arith.constant 0 : i32
      %dma_wait3A_55 = tpu.memref_slice %arg6[%arg0, %mul3A_2, %dma_wait3A_54] : memref<2x10112x128xf32, #tpu.memory_space<hbm>> -> memref<1x632x128xf32, #tpu.memory_space<hbm>>
      %dma_wait3A_56 = tpu.memref_squeeze %dma_wait3A_55 : memref<1x632x128xf32, #tpu.memory_space<hbm>> -> memref<632x128xf32, #tpu.memory_space<hbm>>
      %dma_wait3A_57 = arith.constant 0 : i32
      %dma_wait3A_58 = tpu.memref_slice %arg7[%mul3A_2, %dma_wait3A_57] : memref<10112x128xf32, #tpu.memory_space<vmem_shared>> -> memref<632x128xf32, #tpu.memory_space<vmem_shared>>
      tpu.wait_dma2 semaphore(%run_scoped3A : memref<!tpu.dma_semaphore, #tpu.memory_space<semaphore_mem>>) src(%dma_wait3A_58 : memref<632x128xf32, #tpu.memory_space<vmem_shared>>) dst(%dma_wait3A_56 : memref<632x128xf32, #tpu.memory_space<hbm>>)
      tpu.yield
    }) : () -> ()
    return
  }
}

#map = affine_map<(d0, d1) -> (0, 0)>
#map1 = affine_map<(d0, d1) -> (0)>
module attributes {stable_mosaic.version = 14 : i64} {
  func.func @k(%arg0: i32, %arg1: i32, %arg2: memref<2560x128xi32, #tpu.memory_space<hbm>>, %arg3: memref<2560x128xi32, #tpu.memory_space<hbm>>, %arg4: memref<8x128xf32, #tpu.memory_space<hbm>>, %arg5: memref<10112xf32, #tpu.memory_space<hbm>>, %arg6: memref<2x10112xf32, #tpu.memory_space<hbm>>, %arg7: memref<2x10112xf32, #tpu.memory_space<hbm>>, %arg8: memref<10112xf32, #tpu.memory_space<vmem_shared>>, %arg9: memref<10112xf32, #tpu.memory_space<vmem_shared>>, %arg10: memref<16x128xi32, #tpu.memory_space<vmem>>, %arg11: memref<16x128xi32, #tpu.memory_space<vmem>>, %arg12: memref<8x128xf32, #tpu.memory_space<vmem>>, %arg13: memref<!tpu.dma_semaphore, #tpu.memory_space<semaphore_mem>>) attributes {dimension_semantics = [#tpu.dimension_semantics<core_parallel>, #tpu.dimension_semantics<subcore_parallel>], iteration_bounds = array<i64: 2, 16>, scalar_prefetch = 0 : i64, scratch_operands = 6 : i64, tpu.core_type = #tpu.core_type<sc_vector_subcore>, window_params = [{transform_indices = #map}, {transform_indices = #map}, {transform_indices = #map}, {transform_indices = #map1}, {transform_indices = #map}, {transform_indices = #map}]} {
    %mul3A = arith.constant 16 : i32
    %mul3A_0 = arith.muli %arg0, %mul3A : i32
    %add3A = arith.addi %mul3A_0, %arg1 : i32
    %eq3A = arith.constant 0 : i32
    %eq3A_1 = arith.cmpi eq, %arg1, %eq3A : i32
    %convert_element_type3A = arith.extui %eq3A_1 : i1 to i32
    %cond3A = arith.constant 0 : i32
    %cond3A_2 = arith.cmpi ne, %convert_element_type3A, %cond3A : i32
    scf.if %cond3A_2 {
      "tpu.region"() ({
        %run_scoped3A = tpu.sem_alloc : memref<!tpu.dma_semaphore, #tpu.memory_space<semaphore_mem>>
        tpu.enqueue_dma source(%arg5 : memref<10112xf32, #tpu.memory_space<hbm>>) target(%arg8 : memref<10112xf32, #tpu.memory_space<vmem_shared>>) target_semaphore(%run_scoped3A : memref<!tpu.dma_semaphore, #tpu.memory_space<semaphore_mem>>)
        tpu.wait_dma2 semaphore(%run_scoped3A : memref<!tpu.dma_semaphore, #tpu.memory_space<semaphore_mem>>) src(%arg5 : memref<10112xf32, #tpu.memory_space<hbm>>) dst(%arg8 : memref<10112xf32, #tpu.memory_space<vmem_shared>>)
        tpu.yield
      }) : () -> ()
      "tpu.region"() ({
        %run_scoped3A = tpu.sem_alloc : memref<!tpu.dma_semaphore, #tpu.memory_space<semaphore_mem>>
        tpu.enqueue_dma source(%arg5 : memref<10112xf32, #tpu.memory_space<hbm>>) target(%arg9 : memref<10112xf32, #tpu.memory_space<vmem_shared>>) target_semaphore(%run_scoped3A : memref<!tpu.dma_semaphore, #tpu.memory_space<semaphore_mem>>)
        tpu.wait_dma2 semaphore(%run_scoped3A : memref<!tpu.dma_semaphore, #tpu.memory_space<semaphore_mem>>) src(%arg5 : memref<10112xf32, #tpu.memory_space<hbm>>) dst(%arg9 : memref<10112xf32, #tpu.memory_space<vmem_shared>>)
        tpu.yield
      }) : () -> ()
    } else {
    }
    "tpu.region"() ({
      %run_scoped3A = tpu.sem_alloc : memref<!tpu.dma_semaphore, #tpu.memory_space<semaphore_mem>>
      tpu.enqueue_dma source(%arg4 : memref<8x128xf32, #tpu.memory_space<hbm>>) target(%arg12 : memref<8x128xf32, #tpu.memory_space<vmem>>) target_semaphore(%run_scoped3A : memref<!tpu.dma_semaphore, #tpu.memory_space<semaphore_mem>>)
      tpu.wait_dma2 semaphore(%run_scoped3A : memref<!tpu.dma_semaphore, #tpu.memory_space<semaphore_mem>>) src(%arg4 : memref<8x128xf32, #tpu.memory_space<hbm>>) dst(%arg12 : memref<8x128xf32, #tpu.memory_space<vmem>>)
      tpu.yield
    }) : () -> ()
    %mul3A_3 = arith.constant 80 : i32
    %mul3A_4 = arith.muli %add3A, %mul3A_3 : i32
    "tpu.region"() ({
      %run_scoped3A = tpu.sem_alloc : memref<!tpu.dma_semaphore, #tpu.memory_space<semaphore_mem>>
      %dma_start3A = arith.constant 0 : i32
      %dma_start3A_15 = arith.constant 0 : i32
      %dma_start3A_16 = tpu.memref_slice %arg10[%dma_start3A, %dma_start3A_15] : memref<16x128xi32, #tpu.memory_space<vmem>> -> memref<8x128xi32, #tpu.memory_space<vmem>>
      %dma_start3A_17 = arith.constant 0 : i32
      %dma_start3A_18 = tpu.memref_slice %arg2[%mul3A_4, %dma_start3A_17] : memref<2560x128xi32, #tpu.memory_space<hbm>> -> memref<8x128xi32, #tpu.memory_space<hbm>>
      %dma_start3A_19 = arith.constant 0 : i32
      %dma_start3A_20 = arith.constant 0 : i32
      %dma_start3A_21 = tpu.memref_slice %arg10[%dma_start3A_19, %dma_start3A_20] : memref<16x128xi32, #tpu.memory_space<vmem>> -> memref<8x128xi32, #tpu.memory_space<vmem>>
      %dma_start3A_22 = arith.constant 0 : i32
      %dma_start3A_23 = tpu.memref_slice %arg2[%mul3A_4, %dma_start3A_22] : memref<2560x128xi32, #tpu.memory_space<hbm>> -> memref<8x128xi32, #tpu.memory_space<hbm>>
      tpu.enqueue_dma source(%dma_start3A_23 : memref<8x128xi32, #tpu.memory_space<hbm>>) target(%dma_start3A_21 : memref<8x128xi32, #tpu.memory_space<vmem>>) target_semaphore(%run_scoped3A : memref<!tpu.dma_semaphore, #tpu.memory_space<semaphore_mem>>)
      %dma_wait3A = arith.constant 0 : i32
      %dma_wait3A_24 = arith.constant 0 : i32
      %dma_wait3A_25 = tpu.memref_slice %arg10[%dma_wait3A, %dma_wait3A_24] : memref<16x128xi32, #tpu.memory_space<vmem>> -> memref<8x128xi32, #tpu.memory_space<vmem>>
      %dma_wait3A_26 = arith.constant 0 : i32
      %dma_wait3A_27 = tpu.memref_slice %arg2[%mul3A_4, %dma_wait3A_26] : memref<2560x128xi32, #tpu.memory_space<hbm>> -> memref<8x128xi32, #tpu.memory_space<hbm>>
      %dma_wait3A_28 = arith.constant 0 : i32
      %dma_wait3A_29 = arith.constant 0 : i32
      %dma_wait3A_30 = tpu.memref_slice %arg10[%dma_wait3A_28, %dma_wait3A_29] : memref<16x128xi32, #tpu.memory_space<vmem>> -> memref<8x128xi32, #tpu.memory_space<vmem>>
      %dma_wait3A_31 = arith.constant 0 : i32
      %dma_wait3A_32 = tpu.memref_slice %arg2[%mul3A_4, %dma_wait3A_31] : memref<2560x128xi32, #tpu.memory_space<hbm>> -> memref<8x128xi32, #tpu.memory_space<hbm>>
      tpu.wait_dma2 semaphore(%run_scoped3A : memref<!tpu.dma_semaphore, #tpu.memory_space<semaphore_mem>>) src(%dma_wait3A_32 : memref<8x128xi32, #tpu.memory_space<hbm>>) dst(%dma_wait3A_30 : memref<8x128xi32, #tpu.memory_space<vmem>>)
      tpu.yield
    }) : () -> ()
    "tpu.region"() ({
      %run_scoped3A = tpu.sem_alloc : memref<!tpu.dma_semaphore, #tpu.memory_space<semaphore_mem>>
      %dma_start3A = arith.constant 0 : i32
      %dma_start3A_15 = arith.constant 0 : i32
      %dma_start3A_16 = tpu.memref_slice %arg11[%dma_start3A, %dma_start3A_15] : memref<16x128xi32, #tpu.memory_space<vmem>> -> memref<8x128xi32, #tpu.memory_space<vmem>>
      %dma_start3A_17 = arith.constant 0 : i32
      %dma_start3A_18 = tpu.memref_slice %arg3[%mul3A_4, %dma_start3A_17] : memref<2560x128xi32, #tpu.memory_space<hbm>> -> memref<8x128xi32, #tpu.memory_space<hbm>>
      %dma_start3A_19 = arith.constant 0 : i32
      %dma_start3A_20 = arith.constant 0 : i32
      %dma_start3A_21 = tpu.memref_slice %arg11[%dma_start3A_19, %dma_start3A_20] : memref<16x128xi32, #tpu.memory_space<vmem>> -> memref<8x128xi32, #tpu.memory_space<vmem>>
      %dma_start3A_22 = arith.constant 0 : i32
      %dma_start3A_23 = tpu.memref_slice %arg3[%mul3A_4, %dma_start3A_22] : memref<2560x128xi32, #tpu.memory_space<hbm>> -> memref<8x128xi32, #tpu.memory_space<hbm>>
      tpu.enqueue_dma source(%dma_start3A_23 : memref<8x128xi32, #tpu.memory_space<hbm>>) target(%dma_start3A_21 : memref<8x128xi32, #tpu.memory_space<vmem>>) target_semaphore(%run_scoped3A : memref<!tpu.dma_semaphore, #tpu.memory_space<semaphore_mem>>)
      %dma_wait3A = arith.constant 0 : i32
      %dma_wait3A_24 = arith.constant 0 : i32
      %dma_wait3A_25 = tpu.memref_slice %arg11[%dma_wait3A, %dma_wait3A_24] : memref<16x128xi32, #tpu.memory_space<vmem>> -> memref<8x128xi32, #tpu.memory_space<vmem>>
      %dma_wait3A_26 = arith.constant 0 : i32
      %dma_wait3A_27 = tpu.memref_slice %arg3[%mul3A_4, %dma_wait3A_26] : memref<2560x128xi32, #tpu.memory_space<hbm>> -> memref<8x128xi32, #tpu.memory_space<hbm>>
      %dma_wait3A_28 = arith.constant 0 : i32
      %dma_wait3A_29 = arith.constant 0 : i32
      %dma_wait3A_30 = tpu.memref_slice %arg11[%dma_wait3A_28, %dma_wait3A_29] : memref<16x128xi32, #tpu.memory_space<vmem>> -> memref<8x128xi32, #tpu.memory_space<vmem>>
      %dma_wait3A_31 = arith.constant 0 : i32
      %dma_wait3A_32 = tpu.memref_slice %arg3[%mul3A_4, %dma_wait3A_31] : memref<2560x128xi32, #tpu.memory_space<hbm>> -> memref<8x128xi32, #tpu.memory_space<hbm>>
      tpu.wait_dma2 semaphore(%run_scoped3A : memref<!tpu.dma_semaphore, #tpu.memory_space<semaphore_mem>>) src(%dma_wait3A_32 : memref<8x128xi32, #tpu.memory_space<hbm>>) dst(%dma_wait3A_30 : memref<8x128xi32, #tpu.memory_space<vmem>>)
      tpu.yield
    }) : () -> ()
    %barrier3A = arith.constant 0 : index
    tpu.barrier barrier_id(%barrier3A)
    %scan3A = arith.constant 0 : i32
    %scan3A_5 = arith.constant 10 : i32
    %scan3A_6 = arith.addi %scan3A, %scan3A_5 : i32
    %scan3A_7 = arith.constant 1 : i32
    scf.for %scan3A_15 = %scan3A to %scan3A_6 step %scan3A_7  : i32 {
      %mul3A_16 = arith.constant 1 : i32
      %mul3A_17 = arith.muli %scan3A_15, %mul3A_16 : i32
      %add3A_18 = arith.constant 0 : i32
      %add3A_19 = arith.addi %add3A_18, %mul3A_17 : i32
      %rem3A = arith.constant 2 : i32
      %rem3A_20 = arith.remsi %add3A_19, %rem3A : i32
      %mul3A_21 = arith.constant 8 : i32
      %mul3A_22 = arith.muli %rem3A_20, %mul3A_21 : i32
      %sub3A = arith.constant 1 : i32
      %sub3A_23 = arith.subi %sub3A, %rem3A_20 : i32
      %mul3A_24 = arith.constant 8 : i32
      %mul3A_25 = arith.muli %sub3A_23, %mul3A_24 : i32
      %mul3A_26 = arith.constant 80 : i32
      %mul3A_27 = arith.muli %add3A, %mul3A_26 : i32
      %add3A_28 = arith.constant 1 : i32
      %add3A_29 = arith.addi %add3A_19, %add3A_28 : i32
      %mul3A_30 = arith.constant 8 : i32
      %mul3A_31 = arith.muli %add3A_29, %mul3A_30 : i32
      %add3A_32 = arith.addi %mul3A_27, %mul3A_31 : i32
      %lt3A = arith.constant 9 : i32
      %lt3A_33 = arith.cmpi slt, %add3A_19, %lt3A : i32
      %convert_element_type3A_34 = arith.extui %lt3A_33 : i1 to i32
      %cond3A_35 = arith.constant 0 : i32
      %cond3A_36 = arith.cmpi ne, %convert_element_type3A_34, %cond3A_35 : i32
      scf.if %cond3A_36 {
        %dma_start3A = arith.constant 0 : i32
        %dma_start3A_87 = tpu.memref_slice %arg10[%mul3A_25, %dma_start3A] : memref<16x128xi32, #tpu.memory_space<vmem>> -> memref<8x128xi32, #tpu.memory_space<vmem>>
        %dma_start3A_88 = arith.constant 0 : i32
        %dma_start3A_89 = tpu.memref_slice %arg2[%add3A_32, %dma_start3A_88] : memref<2560x128xi32, #tpu.memory_space<hbm>> -> memref<8x128xi32, #tpu.memory_space<hbm>>
        %dma_start3A_90 = arith.constant 0 : i32
        %dma_start3A_91 = tpu.memref_slice %arg10[%mul3A_25, %dma_start3A_90] : memref<16x128xi32, #tpu.memory_space<vmem>> -> memref<8x128xi32, #tpu.memory_space<vmem>>
        %dma_start3A_92 = arith.constant 0 : i32
        %dma_start3A_93 = tpu.memref_slice %arg2[%add3A_32, %dma_start3A_92] : memref<2560x128xi32, #tpu.memory_space<hbm>> -> memref<8x128xi32, #tpu.memory_space<hbm>>
        tpu.enqueue_dma source(%dma_start3A_93 : memref<8x128xi32, #tpu.memory_space<hbm>>) target(%dma_start3A_91 : memref<8x128xi32, #tpu.memory_space<vmem>>) target_semaphore(%arg13 : memref<!tpu.dma_semaphore, #tpu.memory_space<semaphore_mem>>)
        %dma_start3A_94 = arith.constant 0 : i32
        %dma_start3A_95 = tpu.memref_slice %arg11[%mul3A_25, %dma_start3A_94] : memref<16x128xi32, #tpu.memory_space<vmem>> -> memref<8x128xi32, #tpu.memory_space<vmem>>
        %dma_start3A_96 = arith.constant 0 : i32
        %dma_start3A_97 = tpu.memref_slice %arg3[%add3A_32, %dma_start3A_96] : memref<2560x128xi32, #tpu.memory_space<hbm>> -> memref<8x128xi32, #tpu.memory_space<hbm>>
        %dma_start3A_98 = arith.constant 0 : i32
        %dma_start3A_99 = tpu.memref_slice %arg11[%mul3A_25, %dma_start3A_98] : memref<16x128xi32, #tpu.memory_space<vmem>> -> memref<8x128xi32, #tpu.memory_space<vmem>>
        %dma_start3A_100 = arith.constant 0 : i32
        %dma_start3A_101 = tpu.memref_slice %arg3[%add3A_32, %dma_start3A_100] : memref<2560x128xi32, #tpu.memory_space<hbm>> -> memref<8x128xi32, #tpu.memory_space<hbm>>
        tpu.enqueue_dma source(%dma_start3A_101 : memref<8x128xi32, #tpu.memory_space<hbm>>) target(%dma_start3A_99 : memref<8x128xi32, #tpu.memory_space<vmem>>) target_semaphore(%arg13 : memref<!tpu.dma_semaphore, #tpu.memory_space<semaphore_mem>>)
      } else {
      }
      %add3A_37 = arith.constant 0 : i32
      %add3A_38 = arith.addi %mul3A_22, %add3A_37 : i32
      %run_scoped3A = arith.constant 0 : i32
      "tpu.region"() ({
        %run_scoped3A_87 = tpu.sem_alloc : memref<!tpu.dma_semaphore, #tpu.memory_space<semaphore_mem>>
        %dma_start3A = arith.constant 0 : i32
        %dma_start3A_88 = tpu.memref_slice %arg12[%run_scoped3A, %dma_start3A] : memref<8x128xf32, #tpu.memory_space<vmem>> -> memref<1x128xf32, #tpu.memory_space<vmem>>
        %dma_start3A_89 = tpu.memref_squeeze %dma_start3A_88 : memref<1x128xf32, #tpu.memory_space<vmem>> -> memref<128xf32, #tpu.memory_space<vmem>>
        %dma_start3A_90 = arith.constant 0 : i32
        %dma_start3A_91 = tpu.memref_slice %arg10[%add3A_38, %dma_start3A_90] : memref<16x128xi32, #tpu.memory_space<vmem>> -> memref<1x128xi32, #tpu.memory_space<vmem>>
        %dma_start3A_92 = tpu.memref_squeeze %dma_start3A_91 : memref<1x128xi32, #tpu.memory_space<vmem>> -> memref<128xi32, #tpu.memory_space<vmem>>
        %dma_start3A_93 = arith.constant 0 : i32
        %dma_start3A_94 = tpu.memref_slice %arg8[%dma_start3A_93] : memref<10112xf32, #tpu.memory_space<vmem_shared>> -> memref<10112xf32, #tpu.memory_space<vmem_shared>>
        tpu.enqueue_indirect_dma source(%dma_start3A_89 : memref<128xf32, #tpu.memory_space<vmem>>) target(%dma_start3A_94 : memref<10112xf32, #tpu.memory_space<vmem_shared>>) offsets(%dma_start3A_92 : memref<128xi32, #tpu.memory_space<vmem>>) semaphore(%run_scoped3A_87 : memref<!tpu.dma_semaphore, #tpu.memory_space<semaphore_mem>>) {add = true}
        %dma_wait3A = arith.constant 0 : i32
        %dma_wait3A_95 = tpu.memref_slice %arg12[%run_scoped3A, %dma_wait3A] : memref<8x128xf32, #tpu.memory_space<vmem>> -> memref<1x128xf32, #tpu.memory_space<vmem>>
        %dma_wait3A_96 = tpu.memref_squeeze %dma_wait3A_95 : memref<1x128xf32, #tpu.memory_space<vmem>> -> memref<128xf32, #tpu.memory_space<vmem>>
        %dma_wait3A_97 = arith.constant 0 : i32
        %dma_wait3A_98 = tpu.memref_slice %arg10[%add3A_38, %dma_wait3A_97] : memref<16x128xi32, #tpu.memory_space<vmem>> -> memref<1x128xi32, #tpu.memory_space<vmem>>
        %dma_wait3A_99 = tpu.memref_squeeze %dma_wait3A_98 : memref<1x128xi32, #tpu.memory_space<vmem>> -> memref<128xi32, #tpu.memory_space<vmem>>
        %dma_wait3A_100 = arith.constant 0 : i32
        %dma_wait3A_101 = tpu.memref_slice %arg8[%dma_wait3A_100] : memref<10112xf32, #tpu.memory_space<vmem_shared>> -> memref<10112xf32, #tpu.memory_space<vmem_shared>>
        tpu.wait_indirect_dma semaphore(%run_scoped3A_87 : memref<!tpu.dma_semaphore, #tpu.memory_space<semaphore_mem>>) src(%dma_wait3A_96 : memref<128xf32, #tpu.memory_space<vmem>>) dst(%dma_wait3A_101 : memref<10112xf32, #tpu.memory_space<vmem_shared>>)
        tpu.yield
      }) : () -> ()
      %add3A_39 = arith.constant 0 : i32
      %add3A_40 = arith.addi %mul3A_22, %add3A_39 : i32
      %run_scoped3A_41 = arith.constant 0 : i32
      "tpu.region"() ({
        %run_scoped3A_87 = tpu.sem_alloc : memref<!tpu.dma_semaphore, #tpu.memory_space<semaphore_mem>>
        %dma_start3A = arith.constant 0 : i32
        %dma_start3A_88 = tpu.memref_slice %arg12[%run_scoped3A_41, %dma_start3A] : memref<8x128xf32, #tpu.memory_space<vmem>> -> memref<1x128xf32, #tpu.memory_space<vmem>>
        %dma_start3A_89 = tpu.memref_squeeze %dma_start3A_88 : memref<1x128xf32, #tpu.memory_space<vmem>> -> memref<128xf32, #tpu.memory_space<vmem>>
        %dma_start3A_90 = arith.constant 0 : i32
        %dma_start3A_91 = tpu.memref_slice %arg11[%add3A_40, %dma_start3A_90] : memref<16x128xi32, #tpu.memory_space<vmem>> -> memref<1x128xi32, #tpu.memory_space<vmem>>
        %dma_start3A_92 = tpu.memref_squeeze %dma_start3A_91 : memref<1x128xi32, #tpu.memory_space<vmem>> -> memref<128xi32, #tpu.memory_space<vmem>>
        %dma_start3A_93 = arith.constant 0 : i32
        %dma_start3A_94 = tpu.memref_slice %arg9[%dma_start3A_93] : memref<10112xf32, #tpu.memory_space<vmem_shared>> -> memref<10112xf32, #tpu.memory_space<vmem_shared>>
        tpu.enqueue_indirect_dma source(%dma_start3A_89 : memref<128xf32, #tpu.memory_space<vmem>>) target(%dma_start3A_94 : memref<10112xf32, #tpu.memory_space<vmem_shared>>) offsets(%dma_start3A_92 : memref<128xi32, #tpu.memory_space<vmem>>) semaphore(%run_scoped3A_87 : memref<!tpu.dma_semaphore, #tpu.memory_space<semaphore_mem>>) {add = true}
        %dma_wait3A = arith.constant 0 : i32
        %dma_wait3A_95 = tpu.memref_slice %arg12[%run_scoped3A_41, %dma_wait3A] : memref<8x128xf32, #tpu.memory_space<vmem>> -> memref<1x128xf32, #tpu.memory_space<vmem>>
        %dma_wait3A_96 = tpu.memref_squeeze %dma_wait3A_95 : memref<1x128xf32, #tpu.memory_space<vmem>> -> memref<128xf32, #tpu.memory_space<vmem>>
        %dma_wait3A_97 = arith.constant 0 : i32
        %dma_wait3A_98 = tpu.memref_slice %arg11[%add3A_40, %dma_wait3A_97] : memref<16x128xi32, #tpu.memory_space<vmem>> -> memref<1x128xi32, #tpu.memory_space<vmem>>
        %dma_wait3A_99 = tpu.memref_squeeze %dma_wait3A_98 : memref<1x128xi32, #tpu.memory_space<vmem>> -> memref<128xi32, #tpu.memory_space<vmem>>
        %dma_wait3A_100 = arith.constant 0 : i32
        %dma_wait3A_101 = tpu.memref_slice %arg9[%dma_wait3A_100] : memref<10112xf32, #tpu.memory_space<vmem_shared>> -> memref<10112xf32, #tpu.memory_space<vmem_shared>>
        tpu.wait_indirect_dma semaphore(%run_scoped3A_87 : memref<!tpu.dma_semaphore, #tpu.memory_space<semaphore_mem>>) src(%dma_wait3A_96 : memref<128xf32, #tpu.memory_space<vmem>>) dst(%dma_wait3A_101 : memref<10112xf32, #tpu.memory_space<vmem_shared>>)
        tpu.yield
      }) : () -> ()
      %add3A_42 = arith.constant 1 : i32
      %add3A_43 = arith.addi %mul3A_22, %add3A_42 : i32
      %run_scoped3A_44 = arith.constant 1 : i32
      "tpu.region"() ({
        %run_scoped3A_87 = tpu.sem_alloc : memref<!tpu.dma_semaphore, #tpu.memory_space<semaphore_mem>>
        %dma_start3A = arith.constant 0 : i32
        %dma_start3A_88 = tpu.memref_slice %arg12[%run_scoped3A_44, %dma_start3A] : memref<8x128xf32, #tpu.memory_space<vmem>> -> memref<1x128xf32, #tpu.memory_space<vmem>>
        %dma_start3A_89 = tpu.memref_squeeze %dma_start3A_88 : memref<1x128xf32, #tpu.memory_space<vmem>> -> memref<128xf32, #tpu.memory_space<vmem>>
        %dma_start3A_90 = arith.constant 0 : i32
        %dma_start3A_91 = tpu.memref_slice %arg10[%add3A_43, %dma_start3A_90] : memref<16x128xi32, #tpu.memory_space<vmem>> -> memref<1x128xi32, #tpu.memory_space<vmem>>
        %dma_start3A_92 = tpu.memref_squeeze %dma_start3A_91 : memref<1x128xi32, #tpu.memory_space<vmem>> -> memref<128xi32, #tpu.memory_space<vmem>>
        %dma_start3A_93 = arith.constant 0 : i32
        %dma_start3A_94 = tpu.memref_slice %arg8[%dma_start3A_93] : memref<10112xf32, #tpu.memory_space<vmem_shared>> -> memref<10112xf32, #tpu.memory_space<vmem_shared>>
        tpu.enqueue_indirect_dma source(%dma_start3A_89 : memref<128xf32, #tpu.memory_space<vmem>>) target(%dma_start3A_94 : memref<10112xf32, #tpu.memory_space<vmem_shared>>) offsets(%dma_start3A_92 : memref<128xi32, #tpu.memory_space<vmem>>) semaphore(%run_scoped3A_87 : memref<!tpu.dma_semaphore, #tpu.memory_space<semaphore_mem>>) {add = true}
        %dma_wait3A = arith.constant 0 : i32
        %dma_wait3A_95 = tpu.memref_slice %arg12[%run_scoped3A_44, %dma_wait3A] : memref<8x128xf32, #tpu.memory_space<vmem>> -> memref<1x128xf32, #tpu.memory_space<vmem>>
        %dma_wait3A_96 = tpu.memref_squeeze %dma_wait3A_95 : memref<1x128xf32, #tpu.memory_space<vmem>> -> memref<128xf32, #tpu.memory_space<vmem>>
        %dma_wait3A_97 = arith.constant 0 : i32
        %dma_wait3A_98 = tpu.memref_slice %arg10[%add3A_43, %dma_wait3A_97] : memref<16x128xi32, #tpu.memory_space<vmem>> -> memref<1x128xi32, #tpu.memory_space<vmem>>
        %dma_wait3A_99 = tpu.memref_squeeze %dma_wait3A_98 : memref<1x128xi32, #tpu.memory_space<vmem>> -> memref<128xi32, #tpu.memory_space<vmem>>
        %dma_wait3A_100 = arith.constant 0 : i32
        %dma_wait3A_101 = tpu.memref_slice %arg8[%dma_wait3A_100] : memref<10112xf32, #tpu.memory_space<vmem_shared>> -> memref<10112xf32, #tpu.memory_space<vmem_shared>>
        tpu.wait_indirect_dma semaphore(%run_scoped3A_87 : memref<!tpu.dma_semaphore, #tpu.memory_space<semaphore_mem>>) src(%dma_wait3A_96 : memref<128xf32, #tpu.memory_space<vmem>>) dst(%dma_wait3A_101 : memref<10112xf32, #tpu.memory_space<vmem_shared>>)
        tpu.yield
      }) : () -> ()
      %add3A_45 = arith.constant 1 : i32
      %add3A_46 = arith.addi %mul3A_22, %add3A_45 : i32
      %run_scoped3A_47 = arith.constant 1 : i32
      "tpu.region"() ({
        %run_scoped3A_87 = tpu.sem_alloc : memref<!tpu.dma_semaphore, #tpu.memory_space<semaphore_mem>>
        %dma_start3A = arith.constant 0 : i32
        %dma_start3A_88 = tpu.memref_slice %arg12[%run_scoped3A_47, %dma_start3A] : memref<8x128xf32, #tpu.memory_space<vmem>> -> memref<1x128xf32, #tpu.memory_space<vmem>>
        %dma_start3A_89 = tpu.memref_squeeze %dma_start3A_88 : memref<1x128xf32, #tpu.memory_space<vmem>> -> memref<128xf32, #tpu.memory_space<vmem>>
        %dma_start3A_90 = arith.constant 0 : i32
        %dma_start3A_91 = tpu.memref_slice %arg11[%add3A_46, %dma_start3A_90] : memref<16x128xi32, #tpu.memory_space<vmem>> -> memref<1x128xi32, #tpu.memory_space<vmem>>
        %dma_start3A_92 = tpu.memref_squeeze %dma_start3A_91 : memref<1x128xi32, #tpu.memory_space<vmem>> -> memref<128xi32, #tpu.memory_space<vmem>>
        %dma_start3A_93 = arith.constant 0 : i32
        %dma_start3A_94 = tpu.memref_slice %arg9[%dma_start3A_93] : memref<10112xf32, #tpu.memory_space<vmem_shared>> -> memref<10112xf32, #tpu.memory_space<vmem_shared>>
        tpu.enqueue_indirect_dma source(%dma_start3A_89 : memref<128xf32, #tpu.memory_space<vmem>>) target(%dma_start3A_94 : memref<10112xf32, #tpu.memory_space<vmem_shared>>) offsets(%dma_start3A_92 : memref<128xi32, #tpu.memory_space<vmem>>) semaphore(%run_scoped3A_87 : memref<!tpu.dma_semaphore, #tpu.memory_space<semaphore_mem>>) {add = true}
        %dma_wait3A = arith.constant 0 : i32
        %dma_wait3A_95 = tpu.memref_slice %arg12[%run_scoped3A_47, %dma_wait3A] : memref<8x128xf32, #tpu.memory_space<vmem>> -> memref<1x128xf32, #tpu.memory_space<vmem>>
        %dma_wait3A_96 = tpu.memref_squeeze %dma_wait3A_95 : memref<1x128xf32, #tpu.memory_space<vmem>> -> memref<128xf32, #tpu.memory_space<vmem>>
        %dma_wait3A_97 = arith.constant 0 : i32
        %dma_wait3A_98 = tpu.memref_slice %arg11[%add3A_46, %dma_wait3A_97] : memref<16x128xi32, #tpu.memory_space<vmem>> -> memref<1x128xi32, #tpu.memory_space<vmem>>
        %dma_wait3A_99 = tpu.memref_squeeze %dma_wait3A_98 : memref<1x128xi32, #tpu.memory_space<vmem>> -> memref<128xi32, #tpu.memory_space<vmem>>
        %dma_wait3A_100 = arith.constant 0 : i32
        %dma_wait3A_101 = tpu.memref_slice %arg9[%dma_wait3A_100] : memref<10112xf32, #tpu.memory_space<vmem_shared>> -> memref<10112xf32, #tpu.memory_space<vmem_shared>>
        tpu.wait_indirect_dma semaphore(%run_scoped3A_87 : memref<!tpu.dma_semaphore, #tpu.memory_space<semaphore_mem>>) src(%dma_wait3A_96 : memref<128xf32, #tpu.memory_space<vmem>>) dst(%dma_wait3A_101 : memref<10112xf32, #tpu.memory_space<vmem_shared>>)
        tpu.yield
      }) : () -> ()
      %add3A_48 = arith.constant 2 : i32
      %add3A_49 = arith.addi %mul3A_22, %add3A_48 : i32
      %run_scoped3A_50 = arith.constant 2 : i32
      "tpu.region"() ({
        %run_scoped3A_87 = tpu.sem_alloc : memref<!tpu.dma_semaphore, #tpu.memory_space<semaphore_mem>>
        %dma_start3A = arith.constant 0 : i32
        %dma_start3A_88 = tpu.memref_slice %arg12[%run_scoped3A_50, %dma_start3A] : memref<8x128xf32, #tpu.memory_space<vmem>> -> memref<1x128xf32, #tpu.memory_space<vmem>>
        %dma_start3A_89 = tpu.memref_squeeze %dma_start3A_88 : memref<1x128xf32, #tpu.memory_space<vmem>> -> memref<128xf32, #tpu.memory_space<vmem>>
        %dma_start3A_90 = arith.constant 0 : i32
        %dma_start3A_91 = tpu.memref_slice %arg10[%add3A_49, %dma_start3A_90] : memref<16x128xi32, #tpu.memory_space<vmem>> -> memref<1x128xi32, #tpu.memory_space<vmem>>
        %dma_start3A_92 = tpu.memref_squeeze %dma_start3A_91 : memref<1x128xi32, #tpu.memory_space<vmem>> -> memref<128xi32, #tpu.memory_space<vmem>>
        %dma_start3A_93 = arith.constant 0 : i32
        %dma_start3A_94 = tpu.memref_slice %arg8[%dma_start3A_93] : memref<10112xf32, #tpu.memory_space<vmem_shared>> -> memref<10112xf32, #tpu.memory_space<vmem_shared>>
        tpu.enqueue_indirect_dma source(%dma_start3A_89 : memref<128xf32, #tpu.memory_space<vmem>>) target(%dma_start3A_94 : memref<10112xf32, #tpu.memory_space<vmem_shared>>) offsets(%dma_start3A_92 : memref<128xi32, #tpu.memory_space<vmem>>) semaphore(%run_scoped3A_87 : memref<!tpu.dma_semaphore, #tpu.memory_space<semaphore_mem>>) {add = true}
        %dma_wait3A = arith.constant 0 : i32
        %dma_wait3A_95 = tpu.memref_slice %arg12[%run_scoped3A_50, %dma_wait3A] : memref<8x128xf32, #tpu.memory_space<vmem>> -> memref<1x128xf32, #tpu.memory_space<vmem>>
        %dma_wait3A_96 = tpu.memref_squeeze %dma_wait3A_95 : memref<1x128xf32, #tpu.memory_space<vmem>> -> memref<128xf32, #tpu.memory_space<vmem>>
        %dma_wait3A_97 = arith.constant 0 : i32
        %dma_wait3A_98 = tpu.memref_slice %arg10[%add3A_49, %dma_wait3A_97] : memref<16x128xi32, #tpu.memory_space<vmem>> -> memref<1x128xi32, #tpu.memory_space<vmem>>
        %dma_wait3A_99 = tpu.memref_squeeze %dma_wait3A_98 : memref<1x128xi32, #tpu.memory_space<vmem>> -> memref<128xi32, #tpu.memory_space<vmem>>
        %dma_wait3A_100 = arith.constant 0 : i32
        %dma_wait3A_101 = tpu.memref_slice %arg8[%dma_wait3A_100] : memref<10112xf32, #tpu.memory_space<vmem_shared>> -> memref<10112xf32, #tpu.memory_space<vmem_shared>>
        tpu.wait_indirect_dma semaphore(%run_scoped3A_87 : memref<!tpu.dma_semaphore, #tpu.memory_space<semaphore_mem>>) src(%dma_wait3A_96 : memref<128xf32, #tpu.memory_space<vmem>>) dst(%dma_wait3A_101 : memref<10112xf32, #tpu.memory_space<vmem_shared>>)
        tpu.yield
      }) : () -> ()
      %add3A_51 = arith.constant 2 : i32
      %add3A_52 = arith.addi %mul3A_22, %add3A_51 : i32
      %run_scoped3A_53 = arith.constant 2 : i32
      "tpu.region"() ({
        %run_scoped3A_87 = tpu.sem_alloc : memref<!tpu.dma_semaphore, #tpu.memory_space<semaphore_mem>>
        %dma_start3A = arith.constant 0 : i32
        %dma_start3A_88 = tpu.memref_slice %arg12[%run_scoped3A_53, %dma_start3A] : memref<8x128xf32, #tpu.memory_space<vmem>> -> memref<1x128xf32, #tpu.memory_space<vmem>>
        %dma_start3A_89 = tpu.memref_squeeze %dma_start3A_88 : memref<1x128xf32, #tpu.memory_space<vmem>> -> memref<128xf32, #tpu.memory_space<vmem>>
        %dma_start3A_90 = arith.constant 0 : i32
        %dma_start3A_91 = tpu.memref_slice %arg11[%add3A_52, %dma_start3A_90] : memref<16x128xi32, #tpu.memory_space<vmem>> -> memref<1x128xi32, #tpu.memory_space<vmem>>
        %dma_start3A_92 = tpu.memref_squeeze %dma_start3A_91 : memref<1x128xi32, #tpu.memory_space<vmem>> -> memref<128xi32, #tpu.memory_space<vmem>>
        %dma_start3A_93 = arith.constant 0 : i32
        %dma_start3A_94 = tpu.memref_slice %arg9[%dma_start3A_93] : memref<10112xf32, #tpu.memory_space<vmem_shared>> -> memref<10112xf32, #tpu.memory_space<vmem_shared>>
        tpu.enqueue_indirect_dma source(%dma_start3A_89 : memref<128xf32, #tpu.memory_space<vmem>>) target(%dma_start3A_94 : memref<10112xf32, #tpu.memory_space<vmem_shared>>) offsets(%dma_start3A_92 : memref<128xi32, #tpu.memory_space<vmem>>) semaphore(%run_scoped3A_87 : memref<!tpu.dma_semaphore, #tpu.memory_space<semaphore_mem>>) {add = true}
        %dma_wait3A = arith.constant 0 : i32
        %dma_wait3A_95 = tpu.memref_slice %arg12[%run_scoped3A_53, %dma_wait3A] : memref<8x128xf32, #tpu.memory_space<vmem>> -> memref<1x128xf32, #tpu.memory_space<vmem>>
        %dma_wait3A_96 = tpu.memref_squeeze %dma_wait3A_95 : memref<1x128xf32, #tpu.memory_space<vmem>> -> memref<128xf32, #tpu.memory_space<vmem>>
        %dma_wait3A_97 = arith.constant 0 : i32
        %dma_wait3A_98 = tpu.memref_slice %arg11[%add3A_52, %dma_wait3A_97] : memref<16x128xi32, #tpu.memory_space<vmem>> -> memref<1x128xi32, #tpu.memory_space<vmem>>
        %dma_wait3A_99 = tpu.memref_squeeze %dma_wait3A_98 : memref<1x128xi32, #tpu.memory_space<vmem>> -> memref<128xi32, #tpu.memory_space<vmem>>
        %dma_wait3A_100 = arith.constant 0 : i32
        %dma_wait3A_101 = tpu.memref_slice %arg9[%dma_wait3A_100] : memref<10112xf32, #tpu.memory_space<vmem_shared>> -> memref<10112xf32, #tpu.memory_space<vmem_shared>>
        tpu.wait_indirect_dma semaphore(%run_scoped3A_87 : memref<!tpu.dma_semaphore, #tpu.memory_space<semaphore_mem>>) src(%dma_wait3A_96 : memref<128xf32, #tpu.memory_space<vmem>>) dst(%dma_wait3A_101 : memref<10112xf32, #tpu.memory_space<vmem_shared>>)
        tpu.yield
      }) : () -> ()
      %add3A_54 = arith.constant 3 : i32
      %add3A_55 = arith.addi %mul3A_22, %add3A_54 : i32
      %run_scoped3A_56 = arith.constant 3 : i32
      "tpu.region"() ({
        %run_scoped3A_87 = tpu.sem_alloc : memref<!tpu.dma_semaphore, #tpu.memory_space<semaphore_mem>>
        %dma_start3A = arith.constant 0 : i32
        %dma_start3A_88 = tpu.memref_slice %arg12[%run_scoped3A_56, %dma_start3A] : memref<8x128xf32, #tpu.memory_space<vmem>> -> memref<1x128xf32, #tpu.memory_space<vmem>>
        %dma_start3A_89 = tpu.memref_squeeze %dma_start3A_88 : memref<1x128xf32, #tpu.memory_space<vmem>> -> memref<128xf32, #tpu.memory_space<vmem>>
        %dma_start3A_90 = arith.constant 0 : i32
        %dma_start3A_91 = tpu.memref_slice %arg10[%add3A_55, %dma_start3A_90] : memref<16x128xi32, #tpu.memory_space<vmem>> -> memref<1x128xi32, #tpu.memory_space<vmem>>
        %dma_start3A_92 = tpu.memref_squeeze %dma_start3A_91 : memref<1x128xi32, #tpu.memory_space<vmem>> -> memref<128xi32, #tpu.memory_space<vmem>>
        %dma_start3A_93 = arith.constant 0 : i32
        %dma_start3A_94 = tpu.memref_slice %arg8[%dma_start3A_93] : memref<10112xf32, #tpu.memory_space<vmem_shared>> -> memref<10112xf32, #tpu.memory_space<vmem_shared>>
        tpu.enqueue_indirect_dma source(%dma_start3A_89 : memref<128xf32, #tpu.memory_space<vmem>>) target(%dma_start3A_94 : memref<10112xf32, #tpu.memory_space<vmem_shared>>) offsets(%dma_start3A_92 : memref<128xi32, #tpu.memory_space<vmem>>) semaphore(%run_scoped3A_87 : memref<!tpu.dma_semaphore, #tpu.memory_space<semaphore_mem>>) {add = true}
        %dma_wait3A = arith.constant 0 : i32
        %dma_wait3A_95 = tpu.memref_slice %arg12[%run_scoped3A_56, %dma_wait3A] : memref<8x128xf32, #tpu.memory_space<vmem>> -> memref<1x128xf32, #tpu.memory_space<vmem>>
        %dma_wait3A_96 = tpu.memref_squeeze %dma_wait3A_95 : memref<1x128xf32, #tpu.memory_space<vmem>> -> memref<128xf32, #tpu.memory_space<vmem>>
        %dma_wait3A_97 = arith.constant 0 : i32
        %dma_wait3A_98 = tpu.memref_slice %arg10[%add3A_55, %dma_wait3A_97] : memref<16x128xi32, #tpu.memory_space<vmem>> -> memref<1x128xi32, #tpu.memory_space<vmem>>
        %dma_wait3A_99 = tpu.memref_squeeze %dma_wait3A_98 : memref<1x128xi32, #tpu.memory_space<vmem>> -> memref<128xi32, #tpu.memory_space<vmem>>
        %dma_wait3A_100 = arith.constant 0 : i32
        %dma_wait3A_101 = tpu.memref_slice %arg8[%dma_wait3A_100] : memref<10112xf32, #tpu.memory_space<vmem_shared>> -> memref<10112xf32, #tpu.memory_space<vmem_shared>>
        tpu.wait_indirect_dma semaphore(%run_scoped3A_87 : memref<!tpu.dma_semaphore, #tpu.memory_space<semaphore_mem>>) src(%dma_wait3A_96 : memref<128xf32, #tpu.memory_space<vmem>>) dst(%dma_wait3A_101 : memref<10112xf32, #tpu.memory_space<vmem_shared>>)
        tpu.yield
      }) : () -> ()
      %add3A_57 = arith.constant 3 : i32
      %add3A_58 = arith.addi %mul3A_22, %add3A_57 : i32
      %run_scoped3A_59 = arith.constant 3 : i32
      "tpu.region"() ({
        %run_scoped3A_87 = tpu.sem_alloc : memref<!tpu.dma_semaphore, #tpu.memory_space<semaphore_mem>>
        %dma_start3A = arith.constant 0 : i32
        %dma_start3A_88 = tpu.memref_slice %arg12[%run_scoped3A_59, %dma_start3A] : memref<8x128xf32, #tpu.memory_space<vmem>> -> memref<1x128xf32, #tpu.memory_space<vmem>>
        %dma_start3A_89 = tpu.memref_squeeze %dma_start3A_88 : memref<1x128xf32, #tpu.memory_space<vmem>> -> memref<128xf32, #tpu.memory_space<vmem>>
        %dma_start3A_90 = arith.constant 0 : i32
        %dma_start3A_91 = tpu.memref_slice %arg11[%add3A_58, %dma_start3A_90] : memref<16x128xi32, #tpu.memory_space<vmem>> -> memref<1x128xi32, #tpu.memory_space<vmem>>
        %dma_start3A_92 = tpu.memref_squeeze %dma_start3A_91 : memref<1x128xi32, #tpu.memory_space<vmem>> -> memref<128xi32, #tpu.memory_space<vmem>>
        %dma_start3A_93 = arith.constant 0 : i32
        %dma_start3A_94 = tpu.memref_slice %arg9[%dma_start3A_93] : memref<10112xf32, #tpu.memory_space<vmem_shared>> -> memref<10112xf32, #tpu.memory_space<vmem_shared>>
        tpu.enqueue_indirect_dma source(%dma_start3A_89 : memref<128xf32, #tpu.memory_space<vmem>>) target(%dma_start3A_94 : memref<10112xf32, #tpu.memory_space<vmem_shared>>) offsets(%dma_start3A_92 : memref<128xi32, #tpu.memory_space<vmem>>) semaphore(%run_scoped3A_87 : memref<!tpu.dma_semaphore, #tpu.memory_space<semaphore_mem>>) {add = true}
        %dma_wait3A = arith.constant 0 : i32
        %dma_wait3A_95 = tpu.memref_slice %arg12[%run_scoped3A_59, %dma_wait3A] : memref<8x128xf32, #tpu.memory_space<vmem>> -> memref<1x128xf32, #tpu.memory_space<vmem>>
        %dma_wait3A_96 = tpu.memref_squeeze %dma_wait3A_95 : memref<1x128xf32, #tpu.memory_space<vmem>> -> memref<128xf32, #tpu.memory_space<vmem>>
        %dma_wait3A_97 = arith.constant 0 : i32
        %dma_wait3A_98 = tpu.memref_slice %arg11[%add3A_58, %dma_wait3A_97] : memref<16x128xi32, #tpu.memory_space<vmem>> -> memref<1x128xi32, #tpu.memory_space<vmem>>
        %dma_wait3A_99 = tpu.memref_squeeze %dma_wait3A_98 : memref<1x128xi32, #tpu.memory_space<vmem>> -> memref<128xi32, #tpu.memory_space<vmem>>
        %dma_wait3A_100 = arith.constant 0 : i32
        %dma_wait3A_101 = tpu.memref_slice %arg9[%dma_wait3A_100] : memref<10112xf32, #tpu.memory_space<vmem_shared>> -> memref<10112xf32, #tpu.memory_space<vmem_shared>>
        tpu.wait_indirect_dma semaphore(%run_scoped3A_87 : memref<!tpu.dma_semaphore, #tpu.memory_space<semaphore_mem>>) src(%dma_wait3A_96 : memref<128xf32, #tpu.memory_space<vmem>>) dst(%dma_wait3A_101 : memref<10112xf32, #tpu.memory_space<vmem_shared>>)
        tpu.yield
      }) : () -> ()
      %add3A_60 = arith.constant 4 : i32
      %add3A_61 = arith.addi %mul3A_22, %add3A_60 : i32
      %run_scoped3A_62 = arith.constant 4 : i32
      "tpu.region"() ({
        %run_scoped3A_87 = tpu.sem_alloc : memref<!tpu.dma_semaphore, #tpu.memory_space<semaphore_mem>>
        %dma_start3A = arith.constant 0 : i32
        %dma_start3A_88 = tpu.memref_slice %arg12[%run_scoped3A_62, %dma_start3A] : memref<8x128xf32, #tpu.memory_space<vmem>> -> memref<1x128xf32, #tpu.memory_space<vmem>>
        %dma_start3A_89 = tpu.memref_squeeze %dma_start3A_88 : memref<1x128xf32, #tpu.memory_space<vmem>> -> memref<128xf32, #tpu.memory_space<vmem>>
        %dma_start3A_90 = arith.constant 0 : i32
        %dma_start3A_91 = tpu.memref_slice %arg10[%add3A_61, %dma_start3A_90] : memref<16x128xi32, #tpu.memory_space<vmem>> -> memref<1x128xi32, #tpu.memory_space<vmem>>
        %dma_start3A_92 = tpu.memref_squeeze %dma_start3A_91 : memref<1x128xi32, #tpu.memory_space<vmem>> -> memref<128xi32, #tpu.memory_space<vmem>>
        %dma_start3A_93 = arith.constant 0 : i32
        %dma_start3A_94 = tpu.memref_slice %arg8[%dma_start3A_93] : memref<10112xf32, #tpu.memory_space<vmem_shared>> -> memref<10112xf32, #tpu.memory_space<vmem_shared>>
        tpu.enqueue_indirect_dma source(%dma_start3A_89 : memref<128xf32, #tpu.memory_space<vmem>>) target(%dma_start3A_94 : memref<10112xf32, #tpu.memory_space<vmem_shared>>) offsets(%dma_start3A_92 : memref<128xi32, #tpu.memory_space<vmem>>) semaphore(%run_scoped3A_87 : memref<!tpu.dma_semaphore, #tpu.memory_space<semaphore_mem>>) {add = true}
        %dma_wait3A = arith.constant 0 : i32
        %dma_wait3A_95 = tpu.memref_slice %arg12[%run_scoped3A_62, %dma_wait3A] : memref<8x128xf32, #tpu.memory_space<vmem>> -> memref<1x128xf32, #tpu.memory_space<vmem>>
        %dma_wait3A_96 = tpu.memref_squeeze %dma_wait3A_95 : memref<1x128xf32, #tpu.memory_space<vmem>> -> memref<128xf32, #tpu.memory_space<vmem>>
        %dma_wait3A_97 = arith.constant 0 : i32
        %dma_wait3A_98 = tpu.memref_slice %arg10[%add3A_61, %dma_wait3A_97] : memref<16x128xi32, #tpu.memory_space<vmem>> -> memref<1x128xi32, #tpu.memory_space<vmem>>
        %dma_wait3A_99 = tpu.memref_squeeze %dma_wait3A_98 : memref<1x128xi32, #tpu.memory_space<vmem>> -> memref<128xi32, #tpu.memory_space<vmem>>
        %dma_wait3A_100 = arith.constant 0 : i32
        %dma_wait3A_101 = tpu.memref_slice %arg8[%dma_wait3A_100] : memref<10112xf32, #tpu.memory_space<vmem_shared>> -> memref<10112xf32, #tpu.memory_space<vmem_shared>>
        tpu.wait_indirect_dma semaphore(%run_scoped3A_87 : memref<!tpu.dma_semaphore, #tpu.memory_space<semaphore_mem>>) src(%dma_wait3A_96 : memref<128xf32, #tpu.memory_space<vmem>>) dst(%dma_wait3A_101 : memref<10112xf32, #tpu.memory_space<vmem_shared>>)
        tpu.yield
      }) : () -> ()
      %add3A_63 = arith.constant 4 : i32
      %add3A_64 = arith.addi %mul3A_22, %add3A_63 : i32
      %run_scoped3A_65 = arith.constant 4 : i32
      "tpu.region"() ({
        %run_scoped3A_87 = tpu.sem_alloc : memref<!tpu.dma_semaphore, #tpu.memory_space<semaphore_mem>>
        %dma_start3A = arith.constant 0 : i32
        %dma_start3A_88 = tpu.memref_slice %arg12[%run_scoped3A_65, %dma_start3A] : memref<8x128xf32, #tpu.memory_space<vmem>> -> memref<1x128xf32, #tpu.memory_space<vmem>>
        %dma_start3A_89 = tpu.memref_squeeze %dma_start3A_88 : memref<1x128xf32, #tpu.memory_space<vmem>> -> memref<128xf32, #tpu.memory_space<vmem>>
        %dma_start3A_90 = arith.constant 0 : i32
        %dma_start3A_91 = tpu.memref_slice %arg11[%add3A_64, %dma_start3A_90] : memref<16x128xi32, #tpu.memory_space<vmem>> -> memref<1x128xi32, #tpu.memory_space<vmem>>
        %dma_start3A_92 = tpu.memref_squeeze %dma_start3A_91 : memref<1x128xi32, #tpu.memory_space<vmem>> -> memref<128xi32, #tpu.memory_space<vmem>>
        %dma_start3A_93 = arith.constant 0 : i32
        %dma_start3A_94 = tpu.memref_slice %arg9[%dma_start3A_93] : memref<10112xf32, #tpu.memory_space<vmem_shared>> -> memref<10112xf32, #tpu.memory_space<vmem_shared>>
        tpu.enqueue_indirect_dma source(%dma_start3A_89 : memref<128xf32, #tpu.memory_space<vmem>>) target(%dma_start3A_94 : memref<10112xf32, #tpu.memory_space<vmem_shared>>) offsets(%dma_start3A_92 : memref<128xi32, #tpu.memory_space<vmem>>) semaphore(%run_scoped3A_87 : memref<!tpu.dma_semaphore, #tpu.memory_space<semaphore_mem>>) {add = true}
        %dma_wait3A = arith.constant 0 : i32
        %dma_wait3A_95 = tpu.memref_slice %arg12[%run_scoped3A_65, %dma_wait3A] : memref<8x128xf32, #tpu.memory_space<vmem>> -> memref<1x128xf32, #tpu.memory_space<vmem>>
        %dma_wait3A_96 = tpu.memref_squeeze %dma_wait3A_95 : memref<1x128xf32, #tpu.memory_space<vmem>> -> memref<128xf32, #tpu.memory_space<vmem>>
        %dma_wait3A_97 = arith.constant 0 : i32
        %dma_wait3A_98 = tpu.memref_slice %arg11[%add3A_64, %dma_wait3A_97] : memref<16x128xi32, #tpu.memory_space<vmem>> -> memref<1x128xi32, #tpu.memory_space<vmem>>
        %dma_wait3A_99 = tpu.memref_squeeze %dma_wait3A_98 : memref<1x128xi32, #tpu.memory_space<vmem>> -> memref<128xi32, #tpu.memory_space<vmem>>
        %dma_wait3A_100 = arith.constant 0 : i32
        %dma_wait3A_101 = tpu.memref_slice %arg9[%dma_wait3A_100] : memref<10112xf32, #tpu.memory_space<vmem_shared>> -> memref<10112xf32, #tpu.memory_space<vmem_shared>>
        tpu.wait_indirect_dma semaphore(%run_scoped3A_87 : memref<!tpu.dma_semaphore, #tpu.memory_space<semaphore_mem>>) src(%dma_wait3A_96 : memref<128xf32, #tpu.memory_space<vmem>>) dst(%dma_wait3A_101 : memref<10112xf32, #tpu.memory_space<vmem_shared>>)
        tpu.yield
      }) : () -> ()
      %add3A_66 = arith.constant 5 : i32
      %add3A_67 = arith.addi %mul3A_22, %add3A_66 : i32
      %run_scoped3A_68 = arith.constant 5 : i32
      "tpu.region"() ({
        %run_scoped3A_87 = tpu.sem_alloc : memref<!tpu.dma_semaphore, #tpu.memory_space<semaphore_mem>>
        %dma_start3A = arith.constant 0 : i32
        %dma_start3A_88 = tpu.memref_slice %arg12[%run_scoped3A_68, %dma_start3A] : memref<8x128xf32, #tpu.memory_space<vmem>> -> memref<1x128xf32, #tpu.memory_space<vmem>>
        %dma_start3A_89 = tpu.memref_squeeze %dma_start3A_88 : memref<1x128xf32, #tpu.memory_space<vmem>> -> memref<128xf32, #tpu.memory_space<vmem>>
        %dma_start3A_90 = arith.constant 0 : i32
        %dma_start3A_91 = tpu.memref_slice %arg10[%add3A_67, %dma_start3A_90] : memref<16x128xi32, #tpu.memory_space<vmem>> -> memref<1x128xi32, #tpu.memory_space<vmem>>
        %dma_start3A_92 = tpu.memref_squeeze %dma_start3A_91 : memref<1x128xi32, #tpu.memory_space<vmem>> -> memref<128xi32, #tpu.memory_space<vmem>>
        %dma_start3A_93 = arith.constant 0 : i32
        %dma_start3A_94 = tpu.memref_slice %arg8[%dma_start3A_93] : memref<10112xf32, #tpu.memory_space<vmem_shared>> -> memref<10112xf32, #tpu.memory_space<vmem_shared>>
        tpu.enqueue_indirect_dma source(%dma_start3A_89 : memref<128xf32, #tpu.memory_space<vmem>>) target(%dma_start3A_94 : memref<10112xf32, #tpu.memory_space<vmem_shared>>) offsets(%dma_start3A_92 : memref<128xi32, #tpu.memory_space<vmem>>) semaphore(%run_scoped3A_87 : memref<!tpu.dma_semaphore, #tpu.memory_space<semaphore_mem>>) {add = true}
        %dma_wait3A = arith.constant 0 : i32
        %dma_wait3A_95 = tpu.memref_slice %arg12[%run_scoped3A_68, %dma_wait3A] : memref<8x128xf32, #tpu.memory_space<vmem>> -> memref<1x128xf32, #tpu.memory_space<vmem>>
        %dma_wait3A_96 = tpu.memref_squeeze %dma_wait3A_95 : memref<1x128xf32, #tpu.memory_space<vmem>> -> memref<128xf32, #tpu.memory_space<vmem>>
        %dma_wait3A_97 = arith.constant 0 : i32
        %dma_wait3A_98 = tpu.memref_slice %arg10[%add3A_67, %dma_wait3A_97] : memref<16x128xi32, #tpu.memory_space<vmem>> -> memref<1x128xi32, #tpu.memory_space<vmem>>
        %dma_wait3A_99 = tpu.memref_squeeze %dma_wait3A_98 : memref<1x128xi32, #tpu.memory_space<vmem>> -> memref<128xi32, #tpu.memory_space<vmem>>
        %dma_wait3A_100 = arith.constant 0 : i32
        %dma_wait3A_101 = tpu.memref_slice %arg8[%dma_wait3A_100] : memref<10112xf32, #tpu.memory_space<vmem_shared>> -> memref<10112xf32, #tpu.memory_space<vmem_shared>>
        tpu.wait_indirect_dma semaphore(%run_scoped3A_87 : memref<!tpu.dma_semaphore, #tpu.memory_space<semaphore_mem>>) src(%dma_wait3A_96 : memref<128xf32, #tpu.memory_space<vmem>>) dst(%dma_wait3A_101 : memref<10112xf32, #tpu.memory_space<vmem_shared>>)
        tpu.yield
      }) : () -> ()
      %add3A_69 = arith.constant 5 : i32
      %add3A_70 = arith.addi %mul3A_22, %add3A_69 : i32
      %run_scoped3A_71 = arith.constant 5 : i32
      "tpu.region"() ({
        %run_scoped3A_87 = tpu.sem_alloc : memref<!tpu.dma_semaphore, #tpu.memory_space<semaphore_mem>>
        %dma_start3A = arith.constant 0 : i32
        %dma_start3A_88 = tpu.memref_slice %arg12[%run_scoped3A_71, %dma_start3A] : memref<8x128xf32, #tpu.memory_space<vmem>> -> memref<1x128xf32, #tpu.memory_space<vmem>>
        %dma_start3A_89 = tpu.memref_squeeze %dma_start3A_88 : memref<1x128xf32, #tpu.memory_space<vmem>> -> memref<128xf32, #tpu.memory_space<vmem>>
        %dma_start3A_90 = arith.constant 0 : i32
        %dma_start3A_91 = tpu.memref_slice %arg11[%add3A_70, %dma_start3A_90] : memref<16x128xi32, #tpu.memory_space<vmem>> -> memref<1x128xi32, #tpu.memory_space<vmem>>
        %dma_start3A_92 = tpu.memref_squeeze %dma_start3A_91 : memref<1x128xi32, #tpu.memory_space<vmem>> -> memref<128xi32, #tpu.memory_space<vmem>>
        %dma_start3A_93 = arith.constant 0 : i32
        %dma_start3A_94 = tpu.memref_slice %arg9[%dma_start3A_93] : memref<10112xf32, #tpu.memory_space<vmem_shared>> -> memref<10112xf32, #tpu.memory_space<vmem_shared>>
        tpu.enqueue_indirect_dma source(%dma_start3A_89 : memref<128xf32, #tpu.memory_space<vmem>>) target(%dma_start3A_94 : memref<10112xf32, #tpu.memory_space<vmem_shared>>) offsets(%dma_start3A_92 : memref<128xi32, #tpu.memory_space<vmem>>) semaphore(%run_scoped3A_87 : memref<!tpu.dma_semaphore, #tpu.memory_space<semaphore_mem>>) {add = true}
        %dma_wait3A = arith.constant 0 : i32
        %dma_wait3A_95 = tpu.memref_slice %arg12[%run_scoped3A_71, %dma_wait3A] : memref<8x128xf32, #tpu.memory_space<vmem>> -> memref<1x128xf32, #tpu.memory_space<vmem>>
        %dma_wait3A_96 = tpu.memref_squeeze %dma_wait3A_95 : memref<1x128xf32, #tpu.memory_space<vmem>> -> memref<128xf32, #tpu.memory_space<vmem>>
        %dma_wait3A_97 = arith.constant 0 : i32
        %dma_wait3A_98 = tpu.memref_slice %arg11[%add3A_70, %dma_wait3A_97] : memref<16x128xi32, #tpu.memory_space<vmem>> -> memref<1x128xi32, #tpu.memory_space<vmem>>
        %dma_wait3A_99 = tpu.memref_squeeze %dma_wait3A_98 : memref<1x128xi32, #tpu.memory_space<vmem>> -> memref<128xi32, #tpu.memory_space<vmem>>
        %dma_wait3A_100 = arith.constant 0 : i32
        %dma_wait3A_101 = tpu.memref_slice %arg9[%dma_wait3A_100] : memref<10112xf32, #tpu.memory_space<vmem_shared>> -> memref<10112xf32, #tpu.memory_space<vmem_shared>>
        tpu.wait_indirect_dma semaphore(%run_scoped3A_87 : memref<!tpu.dma_semaphore, #tpu.memory_space<semaphore_mem>>) src(%dma_wait3A_96 : memref<128xf32, #tpu.memory_space<vmem>>) dst(%dma_wait3A_101 : memref<10112xf32, #tpu.memory_space<vmem_shared>>)
        tpu.yield
      }) : () -> ()
      %add3A_72 = arith.constant 6 : i32
      %add3A_73 = arith.addi %mul3A_22, %add3A_72 : i32
      %run_scoped3A_74 = arith.constant 6 : i32
      "tpu.region"() ({
        %run_scoped3A_87 = tpu.sem_alloc : memref<!tpu.dma_semaphore, #tpu.memory_space<semaphore_mem>>
        %dma_start3A = arith.constant 0 : i32
        %dma_start3A_88 = tpu.memref_slice %arg12[%run_scoped3A_74, %dma_start3A] : memref<8x128xf32, #tpu.memory_space<vmem>> -> memref<1x128xf32, #tpu.memory_space<vmem>>
        %dma_start3A_89 = tpu.memref_squeeze %dma_start3A_88 : memref<1x128xf32, #tpu.memory_space<vmem>> -> memref<128xf32, #tpu.memory_space<vmem>>
        %dma_start3A_90 = arith.constant 0 : i32
        %dma_start3A_91 = tpu.memref_slice %arg10[%add3A_73, %dma_start3A_90] : memref<16x128xi32, #tpu.memory_space<vmem>> -> memref<1x128xi32, #tpu.memory_space<vmem>>
        %dma_start3A_92 = tpu.memref_squeeze %dma_start3A_91 : memref<1x128xi32, #tpu.memory_space<vmem>> -> memref<128xi32, #tpu.memory_space<vmem>>
        %dma_start3A_93 = arith.constant 0 : i32
        %dma_start3A_94 = tpu.memref_slice %arg8[%dma_start3A_93] : memref<10112xf32, #tpu.memory_space<vmem_shared>> -> memref<10112xf32, #tpu.memory_space<vmem_shared>>
        tpu.enqueue_indirect_dma source(%dma_start3A_89 : memref<128xf32, #tpu.memory_space<vmem>>) target(%dma_start3A_94 : memref<10112xf32, #tpu.memory_space<vmem_shared>>) offsets(%dma_start3A_92 : memref<128xi32, #tpu.memory_space<vmem>>) semaphore(%run_scoped3A_87 : memref<!tpu.dma_semaphore, #tpu.memory_space<semaphore_mem>>) {add = true}
        %dma_wait3A = arith.constant 0 : i32
        %dma_wait3A_95 = tpu.memref_slice %arg12[%run_scoped3A_74, %dma_wait3A] : memref<8x128xf32, #tpu.memory_space<vmem>> -> memref<1x128xf32, #tpu.memory_space<vmem>>
        %dma_wait3A_96 = tpu.memref_squeeze %dma_wait3A_95 : memref<1x128xf32, #tpu.memory_space<vmem>> -> memref<128xf32, #tpu.memory_space<vmem>>
        %dma_wait3A_97 = arith.constant 0 : i32
        %dma_wait3A_98 = tpu.memref_slice %arg10[%add3A_73, %dma_wait3A_97] : memref<16x128xi32, #tpu.memory_space<vmem>> -> memref<1x128xi32, #tpu.memory_space<vmem>>
        %dma_wait3A_99 = tpu.memref_squeeze %dma_wait3A_98 : memref<1x128xi32, #tpu.memory_space<vmem>> -> memref<128xi32, #tpu.memory_space<vmem>>
        %dma_wait3A_100 = arith.constant 0 : i32
        %dma_wait3A_101 = tpu.memref_slice %arg8[%dma_wait3A_100] : memref<10112xf32, #tpu.memory_space<vmem_shared>> -> memref<10112xf32, #tpu.memory_space<vmem_shared>>
        tpu.wait_indirect_dma semaphore(%run_scoped3A_87 : memref<!tpu.dma_semaphore, #tpu.memory_space<semaphore_mem>>) src(%dma_wait3A_96 : memref<128xf32, #tpu.memory_space<vmem>>) dst(%dma_wait3A_101 : memref<10112xf32, #tpu.memory_space<vmem_shared>>)
        tpu.yield
      }) : () -> ()
      %add3A_75 = arith.constant 6 : i32
      %add3A_76 = arith.addi %mul3A_22, %add3A_75 : i32
      %run_scoped3A_77 = arith.constant 6 : i32
      "tpu.region"() ({
        %run_scoped3A_87 = tpu.sem_alloc : memref<!tpu.dma_semaphore, #tpu.memory_space<semaphore_mem>>
        %dma_start3A = arith.constant 0 : i32
        %dma_start3A_88 = tpu.memref_slice %arg12[%run_scoped3A_77, %dma_start3A] : memref<8x128xf32, #tpu.memory_space<vmem>> -> memref<1x128xf32, #tpu.memory_space<vmem>>
        %dma_start3A_89 = tpu.memref_squeeze %dma_start3A_88 : memref<1x128xf32, #tpu.memory_space<vmem>> -> memref<128xf32, #tpu.memory_space<vmem>>
        %dma_start3A_90 = arith.constant 0 : i32
        %dma_start3A_91 = tpu.memref_slice %arg11[%add3A_76, %dma_start3A_90] : memref<16x128xi32, #tpu.memory_space<vmem>> -> memref<1x128xi32, #tpu.memory_space<vmem>>
        %dma_start3A_92 = tpu.memref_squeeze %dma_start3A_91 : memref<1x128xi32, #tpu.memory_space<vmem>> -> memref<128xi32, #tpu.memory_space<vmem>>
        %dma_start3A_93 = arith.constant 0 : i32
        %dma_start3A_94 = tpu.memref_slice %arg9[%dma_start3A_93] : memref<10112xf32, #tpu.memory_space<vmem_shared>> -> memref<10112xf32, #tpu.memory_space<vmem_shared>>
        tpu.enqueue_indirect_dma source(%dma_start3A_89 : memref<128xf32, #tpu.memory_space<vmem>>) target(%dma_start3A_94 : memref<10112xf32, #tpu.memory_space<vmem_shared>>) offsets(%dma_start3A_92 : memref<128xi32, #tpu.memory_space<vmem>>) semaphore(%run_scoped3A_87 : memref<!tpu.dma_semaphore, #tpu.memory_space<semaphore_mem>>) {add = true}
        %dma_wait3A = arith.constant 0 : i32
        %dma_wait3A_95 = tpu.memref_slice %arg12[%run_scoped3A_77, %dma_wait3A] : memref<8x128xf32, #tpu.memory_space<vmem>> -> memref<1x128xf32, #tpu.memory_space<vmem>>
        %dma_wait3A_96 = tpu.memref_squeeze %dma_wait3A_95 : memref<1x128xf32, #tpu.memory_space<vmem>> -> memref<128xf32, #tpu.memory_space<vmem>>
        %dma_wait3A_97 = arith.constant 0 : i32
        %dma_wait3A_98 = tpu.memref_slice %arg11[%add3A_76, %dma_wait3A_97] : memref<16x128xi32, #tpu.memory_space<vmem>> -> memref<1x128xi32, #tpu.memory_space<vmem>>
        %dma_wait3A_99 = tpu.memref_squeeze %dma_wait3A_98 : memref<1x128xi32, #tpu.memory_space<vmem>> -> memref<128xi32, #tpu.memory_space<vmem>>
        %dma_wait3A_100 = arith.constant 0 : i32
        %dma_wait3A_101 = tpu.memref_slice %arg9[%dma_wait3A_100] : memref<10112xf32, #tpu.memory_space<vmem_shared>> -> memref<10112xf32, #tpu.memory_space<vmem_shared>>
        tpu.wait_indirect_dma semaphore(%run_scoped3A_87 : memref<!tpu.dma_semaphore, #tpu.memory_space<semaphore_mem>>) src(%dma_wait3A_96 : memref<128xf32, #tpu.memory_space<vmem>>) dst(%dma_wait3A_101 : memref<10112xf32, #tpu.memory_space<vmem_shared>>)
        tpu.yield
      }) : () -> ()
      %add3A_78 = arith.constant 7 : i32
      %add3A_79 = arith.addi %mul3A_22, %add3A_78 : i32
      %run_scoped3A_80 = arith.constant 7 : i32
      "tpu.region"() ({
        %run_scoped3A_87 = tpu.sem_alloc : memref<!tpu.dma_semaphore, #tpu.memory_space<semaphore_mem>>
        %dma_start3A = arith.constant 0 : i32
        %dma_start3A_88 = tpu.memref_slice %arg12[%run_scoped3A_80, %dma_start3A] : memref<8x128xf32, #tpu.memory_space<vmem>> -> memref<1x128xf32, #tpu.memory_space<vmem>>
        %dma_start3A_89 = tpu.memref_squeeze %dma_start3A_88 : memref<1x128xf32, #tpu.memory_space<vmem>> -> memref<128xf32, #tpu.memory_space<vmem>>
        %dma_start3A_90 = arith.constant 0 : i32
        %dma_start3A_91 = tpu.memref_slice %arg10[%add3A_79, %dma_start3A_90] : memref<16x128xi32, #tpu.memory_space<vmem>> -> memref<1x128xi32, #tpu.memory_space<vmem>>
        %dma_start3A_92 = tpu.memref_squeeze %dma_start3A_91 : memref<1x128xi32, #tpu.memory_space<vmem>> -> memref<128xi32, #tpu.memory_space<vmem>>
        %dma_start3A_93 = arith.constant 0 : i32
        %dma_start3A_94 = tpu.memref_slice %arg8[%dma_start3A_93] : memref<10112xf32, #tpu.memory_space<vmem_shared>> -> memref<10112xf32, #tpu.memory_space<vmem_shared>>
        tpu.enqueue_indirect_dma source(%dma_start3A_89 : memref<128xf32, #tpu.memory_space<vmem>>) target(%dma_start3A_94 : memref<10112xf32, #tpu.memory_space<vmem_shared>>) offsets(%dma_start3A_92 : memref<128xi32, #tpu.memory_space<vmem>>) semaphore(%run_scoped3A_87 : memref<!tpu.dma_semaphore, #tpu.memory_space<semaphore_mem>>) {add = true}
        %dma_wait3A = arith.constant 0 : i32
        %dma_wait3A_95 = tpu.memref_slice %arg12[%run_scoped3A_80, %dma_wait3A] : memref<8x128xf32, #tpu.memory_space<vmem>> -> memref<1x128xf32, #tpu.memory_space<vmem>>
        %dma_wait3A_96 = tpu.memref_squeeze %dma_wait3A_95 : memref<1x128xf32, #tpu.memory_space<vmem>> -> memref<128xf32, #tpu.memory_space<vmem>>
        %dma_wait3A_97 = arith.constant 0 : i32
        %dma_wait3A_98 = tpu.memref_slice %arg10[%add3A_79, %dma_wait3A_97] : memref<16x128xi32, #tpu.memory_space<vmem>> -> memref<1x128xi32, #tpu.memory_space<vmem>>
        %dma_wait3A_99 = tpu.memref_squeeze %dma_wait3A_98 : memref<1x128xi32, #tpu.memory_space<vmem>> -> memref<128xi32, #tpu.memory_space<vmem>>
        %dma_wait3A_100 = arith.constant 0 : i32
        %dma_wait3A_101 = tpu.memref_slice %arg8[%dma_wait3A_100] : memref<10112xf32, #tpu.memory_space<vmem_shared>> -> memref<10112xf32, #tpu.memory_space<vmem_shared>>
        tpu.wait_indirect_dma semaphore(%run_scoped3A_87 : memref<!tpu.dma_semaphore, #tpu.memory_space<semaphore_mem>>) src(%dma_wait3A_96 : memref<128xf32, #tpu.memory_space<vmem>>) dst(%dma_wait3A_101 : memref<10112xf32, #tpu.memory_space<vmem_shared>>)
        tpu.yield
      }) : () -> ()
      %add3A_81 = arith.constant 7 : i32
      %add3A_82 = arith.addi %mul3A_22, %add3A_81 : i32
      %run_scoped3A_83 = arith.constant 7 : i32
      "tpu.region"() ({
        %run_scoped3A_87 = tpu.sem_alloc : memref<!tpu.dma_semaphore, #tpu.memory_space<semaphore_mem>>
        %dma_start3A = arith.constant 0 : i32
        %dma_start3A_88 = tpu.memref_slice %arg12[%run_scoped3A_83, %dma_start3A] : memref<8x128xf32, #tpu.memory_space<vmem>> -> memref<1x128xf32, #tpu.memory_space<vmem>>
        %dma_start3A_89 = tpu.memref_squeeze %dma_start3A_88 : memref<1x128xf32, #tpu.memory_space<vmem>> -> memref<128xf32, #tpu.memory_space<vmem>>
        %dma_start3A_90 = arith.constant 0 : i32
        %dma_start3A_91 = tpu.memref_slice %arg11[%add3A_82, %dma_start3A_90] : memref<16x128xi32, #tpu.memory_space<vmem>> -> memref<1x128xi32, #tpu.memory_space<vmem>>
        %dma_start3A_92 = tpu.memref_squeeze %dma_start3A_91 : memref<1x128xi32, #tpu.memory_space<vmem>> -> memref<128xi32, #tpu.memory_space<vmem>>
        %dma_start3A_93 = arith.constant 0 : i32
        %dma_start3A_94 = tpu.memref_slice %arg9[%dma_start3A_93] : memref<10112xf32, #tpu.memory_space<vmem_shared>> -> memref<10112xf32, #tpu.memory_space<vmem_shared>>
        tpu.enqueue_indirect_dma source(%dma_start3A_89 : memref<128xf32, #tpu.memory_space<vmem>>) target(%dma_start3A_94 : memref<10112xf32, #tpu.memory_space<vmem_shared>>) offsets(%dma_start3A_92 : memref<128xi32, #tpu.memory_space<vmem>>) semaphore(%run_scoped3A_87 : memref<!tpu.dma_semaphore, #tpu.memory_space<semaphore_mem>>) {add = true}
        %dma_wait3A = arith.constant 0 : i32
        %dma_wait3A_95 = tpu.memref_slice %arg12[%run_scoped3A_83, %dma_wait3A] : memref<8x128xf32, #tpu.memory_space<vmem>> -> memref<1x128xf32, #tpu.memory_space<vmem>>
        %dma_wait3A_96 = tpu.memref_squeeze %dma_wait3A_95 : memref<1x128xf32, #tpu.memory_space<vmem>> -> memref<128xf32, #tpu.memory_space<vmem>>
        %dma_wait3A_97 = arith.constant 0 : i32
        %dma_wait3A_98 = tpu.memref_slice %arg11[%add3A_82, %dma_wait3A_97] : memref<16x128xi32, #tpu.memory_space<vmem>> -> memref<1x128xi32, #tpu.memory_space<vmem>>
        %dma_wait3A_99 = tpu.memref_squeeze %dma_wait3A_98 : memref<1x128xi32, #tpu.memory_space<vmem>> -> memref<128xi32, #tpu.memory_space<vmem>>
        %dma_wait3A_100 = arith.constant 0 : i32
        %dma_wait3A_101 = tpu.memref_slice %arg9[%dma_wait3A_100] : memref<10112xf32, #tpu.memory_space<vmem_shared>> -> memref<10112xf32, #tpu.memory_space<vmem_shared>>
        tpu.wait_indirect_dma semaphore(%run_scoped3A_87 : memref<!tpu.dma_semaphore, #tpu.memory_space<semaphore_mem>>) src(%dma_wait3A_96 : memref<128xf32, #tpu.memory_space<vmem>>) dst(%dma_wait3A_101 : memref<10112xf32, #tpu.memory_space<vmem_shared>>)
        tpu.yield
      }) : () -> ()
      %convert_element_type3A_84 = arith.extui %lt3A_33 : i1 to i32
      %cond3A_85 = arith.constant 0 : i32
      %cond3A_86 = arith.cmpi ne, %convert_element_type3A_84, %cond3A_85 : i32
      scf.if %cond3A_86 {
        %dma_wait3A = arith.constant 0 : i32
        %dma_wait3A_87 = tpu.memref_slice %arg10[%mul3A_25, %dma_wait3A] : memref<16x128xi32, #tpu.memory_space<vmem>> -> memref<8x128xi32, #tpu.memory_space<vmem>>
        %dma_wait3A_88 = arith.constant 0 : i32
        %dma_wait3A_89 = tpu.memref_slice %arg2[%add3A_32, %dma_wait3A_88] : memref<2560x128xi32, #tpu.memory_space<hbm>> -> memref<8x128xi32, #tpu.memory_space<hbm>>
        %dma_wait3A_90 = arith.constant 0 : i32
        %dma_wait3A_91 = tpu.memref_slice %arg10[%mul3A_25, %dma_wait3A_90] : memref<16x128xi32, #tpu.memory_space<vmem>> -> memref<8x128xi32, #tpu.memory_space<vmem>>
        %dma_wait3A_92 = arith.constant 0 : i32
        %dma_wait3A_93 = tpu.memref_slice %arg2[%add3A_32, %dma_wait3A_92] : memref<2560x128xi32, #tpu.memory_space<hbm>> -> memref<8x128xi32, #tpu.memory_space<hbm>>
        tpu.wait_dma2 semaphore(%arg13 : memref<!tpu.dma_semaphore, #tpu.memory_space<semaphore_mem>>) src(%dma_wait3A_93 : memref<8x128xi32, #tpu.memory_space<hbm>>) dst(%dma_wait3A_91 : memref<8x128xi32, #tpu.memory_space<vmem>>)
        %dma_wait3A_94 = arith.constant 0 : i32
        %dma_wait3A_95 = tpu.memref_slice %arg11[%mul3A_25, %dma_wait3A_94] : memref<16x128xi32, #tpu.memory_space<vmem>> -> memref<8x128xi32, #tpu.memory_space<vmem>>
        %dma_wait3A_96 = arith.constant 0 : i32
        %dma_wait3A_97 = tpu.memref_slice %arg3[%add3A_32, %dma_wait3A_96] : memref<2560x128xi32, #tpu.memory_space<hbm>> -> memref<8x128xi32, #tpu.memory_space<hbm>>
        %dma_wait3A_98 = arith.constant 0 : i32
        %dma_wait3A_99 = tpu.memref_slice %arg11[%mul3A_25, %dma_wait3A_98] : memref<16x128xi32, #tpu.memory_space<vmem>> -> memref<8x128xi32, #tpu.memory_space<vmem>>
        %dma_wait3A_100 = arith.constant 0 : i32
        %dma_wait3A_101 = tpu.memref_slice %arg3[%add3A_32, %dma_wait3A_100] : memref<2560x128xi32, #tpu.memory_space<hbm>> -> memref<8x128xi32, #tpu.memory_space<hbm>>
        tpu.wait_dma2 semaphore(%arg13 : memref<!tpu.dma_semaphore, #tpu.memory_space<semaphore_mem>>) src(%dma_wait3A_101 : memref<8x128xi32, #tpu.memory_space<hbm>>) dst(%dma_wait3A_99 : memref<8x128xi32, #tpu.memory_space<vmem>>)
      } else {
      }
    }
    %scan3A_8 = arith.constant 10 : i32
    %barrier3A_9 = arith.constant 0 : index
    tpu.barrier barrier_id(%barrier3A_9)
    %eq3A_10 = arith.constant 0 : i32
    %eq3A_11 = arith.cmpi eq, %arg1, %eq3A_10 : i32
    %convert_element_type3A_12 = arith.extui %eq3A_11 : i1 to i32
    %cond3A_13 = arith.constant 0 : i32
    %cond3A_14 = arith.cmpi ne, %convert_element_type3A_12, %cond3A_13 : i32
    scf.if %cond3A_14 {
      "tpu.region"() ({
        %run_scoped3A = tpu.sem_alloc : memref<!tpu.dma_semaphore, #tpu.memory_space<semaphore_mem>>
        %dma_start3A = arith.constant 0 : i32
        %dma_start3A_15 = tpu.memref_slice %arg6[%arg0, %dma_start3A] : memref<2x10112xf32, #tpu.memory_space<hbm>> -> memref<1x10112xf32, #tpu.memory_space<hbm>>
        %dma_start3A_16 = tpu.memref_squeeze %dma_start3A_15 : memref<1x10112xf32, #tpu.memory_space<hbm>> -> memref<10112xf32, #tpu.memory_space<hbm>>
        tpu.enqueue_dma source(%arg8 : memref<10112xf32, #tpu.memory_space<vmem_shared>>) target(%dma_start3A_16 : memref<10112xf32, #tpu.memory_space<hbm>>) target_semaphore(%run_scoped3A : memref<!tpu.dma_semaphore, #tpu.memory_space<semaphore_mem>>)
        %dma_wait3A = arith.constant 0 : i32
        %dma_wait3A_17 = tpu.memref_slice %arg6[%arg0, %dma_wait3A] : memref<2x10112xf32, #tpu.memory_space<hbm>> -> memref<1x10112xf32, #tpu.memory_space<hbm>>
        %dma_wait3A_18 = tpu.memref_squeeze %dma_wait3A_17 : memref<1x10112xf32, #tpu.memory_space<hbm>> -> memref<10112xf32, #tpu.memory_space<hbm>>
        tpu.wait_dma2 semaphore(%run_scoped3A : memref<!tpu.dma_semaphore, #tpu.memory_space<semaphore_mem>>) src(%arg8 : memref<10112xf32, #tpu.memory_space<vmem_shared>>) dst(%dma_wait3A_18 : memref<10112xf32, #tpu.memory_space<hbm>>)
        tpu.yield
      }) : () -> ()
      "tpu.region"() ({
        %run_scoped3A = tpu.sem_alloc : memref<!tpu.dma_semaphore, #tpu.memory_space<semaphore_mem>>
        %dma_start3A = arith.constant 0 : i32
        %dma_start3A_15 = tpu.memref_slice %arg7[%arg0, %dma_start3A] : memref<2x10112xf32, #tpu.memory_space<hbm>> -> memref<1x10112xf32, #tpu.memory_space<hbm>>
        %dma_start3A_16 = tpu.memref_squeeze %dma_start3A_15 : memref<1x10112xf32, #tpu.memory_space<hbm>> -> memref<10112xf32, #tpu.memory_space<hbm>>
        tpu.enqueue_dma source(%arg9 : memref<10112xf32, #tpu.memory_space<vmem_shared>>) target(%dma_start3A_16 : memref<10112xf32, #tpu.memory_space<hbm>>) target_semaphore(%run_scoped3A : memref<!tpu.dma_semaphore, #tpu.memory_space<semaphore_mem>>)
        %dma_wait3A = arith.constant 0 : i32
        %dma_wait3A_17 = tpu.memref_slice %arg7[%arg0, %dma_wait3A] : memref<2x10112xf32, #tpu.memory_space<hbm>> -> memref<1x10112xf32, #tpu.memory_space<hbm>>
        %dma_wait3A_18 = tpu.memref_squeeze %dma_wait3A_17 : memref<1x10112xf32, #tpu.memory_space<hbm>> -> memref<10112xf32, #tpu.memory_space<hbm>>
        tpu.wait_dma2 semaphore(%run_scoped3A : memref<!tpu.dma_semaphore, #tpu.memory_space<semaphore_mem>>) src(%arg9 : memref<10112xf32, #tpu.memory_space<vmem_shared>>) dst(%dma_wait3A_18 : memref<10112xf32, #tpu.memory_space<hbm>>)
        tpu.yield
      }) : () -> ()
    } else {
    }
    return
  }
}

#map = affine_map<(d0, d1) -> (0, 0)>
#map1 = affine_map<(d0, d1) -> (0, 0, 0)>
module attributes {stable_mosaic.version = 14 : i64} {
  func.func @k(%arg0: i32, %arg1: i32, %arg2: memref<10112x128xf32, #tpu.memory_space<hbm>>, %arg3: memref<2560x2x64xi32, #tpu.memory_space<hbm>>, %arg4: memref<2560x2x64xi32, #tpu.memory_space<hbm>>, %arg5: memref<10112x128xf32, #tpu.memory_space<hbm>>, %arg6: memref<2x10112x128xf32, #tpu.memory_space<hbm>>, %arg7: memref<10112x128xf32, #tpu.memory_space<vmem_shared>>, %arg8: memref<16x2x64xi32, #tpu.memory_space<vmem>>, %arg9: memref<16x2x64xi32, #tpu.memory_space<vmem>>, %arg10: memref<256x128xf32, #tpu.memory_space<vmem>>, %arg11: memref<!tpu.dma_semaphore, #tpu.memory_space<semaphore_mem>>, %arg12: memref<!tpu.dma_semaphore, #tpu.memory_space<semaphore_mem>>, %arg13: memref<!tpu.dma_semaphore, #tpu.memory_space<semaphore_mem>>) attributes {dimension_semantics = [#tpu.dimension_semantics<core_parallel>, #tpu.dimension_semantics<subcore_parallel>], iteration_bounds = array<i64: 2, 16>, scalar_prefetch = 0 : i64, scratch_operands = 7 : i64, tpu.core_type = #tpu.core_type<sc_vector_subcore>, window_params = [{transform_indices = #map}, {transform_indices = #map1}, {transform_indices = #map1}, {transform_indices = #map}, {transform_indices = #map1}]} {
    %mul3A = arith.constant 16 : i32
    %mul3A_0 = arith.muli %arg0, %mul3A : i32
    %add3A = arith.addi %mul3A_0, %arg1 : i32
    %mul3A_1 = arith.constant 632 : i32
    %mul3A_2 = arith.muli %arg1, %mul3A_1 : i32
    %dma_start3A = arith.constant 0 : i32
    %dma_start3A_3 = tpu.memref_slice %arg7[%mul3A_2, %dma_start3A] : memref<10112x128xf32, #tpu.memory_space<vmem_shared>> -> memref<632x128xf32, #tpu.memory_space<vmem_shared>>
    %dma_start3A_4 = arith.constant 0 : i32
    %dma_start3A_5 = tpu.memref_slice %arg5[%mul3A_2, %dma_start3A_4] : memref<10112x128xf32, #tpu.memory_space<hbm>> -> memref<632x128xf32, #tpu.memory_space<hbm>>
    tpu.enqueue_dma source(%dma_start3A_5 : memref<632x128xf32, #tpu.memory_space<hbm>>) target(%dma_start3A_3 : memref<632x128xf32, #tpu.memory_space<vmem_shared>>) target_semaphore(%arg13 : memref<!tpu.dma_semaphore, #tpu.memory_space<semaphore_mem>>)
    %mul3A_6 = arith.constant 80 : i32
    %mul3A_7 = arith.muli %add3A, %mul3A_6 : i32
    "tpu.region"() ({
      %run_scoped3A = tpu.sem_alloc : memref<!tpu.dma_semaphore, #tpu.memory_space<semaphore_mem>>
      %dma_start3A_49 = arith.constant 0 : i32
      %dma_start3A_50 = arith.constant 0 : i32
      %dma_start3A_51 = arith.constant 0 : i32
      %dma_start3A_52 = tpu.memref_slice %arg8[%dma_start3A_49, %dma_start3A_50, %dma_start3A_51] : memref<16x2x64xi32, #tpu.memory_space<vmem>> -> memref<8x2x64xi32, #tpu.memory_space<vmem>>
      %dma_start3A_53 = arith.constant 0 : i32
      %dma_start3A_54 = arith.constant 0 : i32
      %dma_start3A_55 = tpu.memref_slice %arg3[%mul3A_7, %dma_start3A_53, %dma_start3A_54] : memref<2560x2x64xi32, #tpu.memory_space<hbm>> -> memref<8x2x64xi32, #tpu.memory_space<hbm>>
      %dma_start3A_56 = arith.constant 0 : i32
      %dma_start3A_57 = arith.constant 0 : i32
      %dma_start3A_58 = arith.constant 0 : i32
      %dma_start3A_59 = tpu.memref_slice %arg8[%dma_start3A_56, %dma_start3A_57, %dma_start3A_58] : memref<16x2x64xi32, #tpu.memory_space<vmem>> -> memref<8x2x64xi32, #tpu.memory_space<vmem>>
      %dma_start3A_60 = arith.constant 0 : i32
      %dma_start3A_61 = arith.constant 0 : i32
      %dma_start3A_62 = tpu.memref_slice %arg3[%mul3A_7, %dma_start3A_60, %dma_start3A_61] : memref<2560x2x64xi32, #tpu.memory_space<hbm>> -> memref<8x2x64xi32, #tpu.memory_space<hbm>>
      tpu.enqueue_dma source(%dma_start3A_62 : memref<8x2x64xi32, #tpu.memory_space<hbm>>) target(%dma_start3A_59 : memref<8x2x64xi32, #tpu.memory_space<vmem>>) target_semaphore(%run_scoped3A : memref<!tpu.dma_semaphore, #tpu.memory_space<semaphore_mem>>)
      %dma_wait3A_63 = arith.constant 0 : i32
      %dma_wait3A_64 = arith.constant 0 : i32
      %dma_wait3A_65 = arith.constant 0 : i32
      %dma_wait3A_66 = tpu.memref_slice %arg8[%dma_wait3A_63, %dma_wait3A_64, %dma_wait3A_65] : memref<16x2x64xi32, #tpu.memory_space<vmem>> -> memref<8x2x64xi32, #tpu.memory_space<vmem>>
      %dma_wait3A_67 = arith.constant 0 : i32
      %dma_wait3A_68 = arith.constant 0 : i32
      %dma_wait3A_69 = tpu.memref_slice %arg3[%mul3A_7, %dma_wait3A_67, %dma_wait3A_68] : memref<2560x2x64xi32, #tpu.memory_space<hbm>> -> memref<8x2x64xi32, #tpu.memory_space<hbm>>
      %dma_wait3A_70 = arith.constant 0 : i32
      %dma_wait3A_71 = arith.constant 0 : i32
      %dma_wait3A_72 = arith.constant 0 : i32
      %dma_wait3A_73 = tpu.memref_slice %arg8[%dma_wait3A_70, %dma_wait3A_71, %dma_wait3A_72] : memref<16x2x64xi32, #tpu.memory_space<vmem>> -> memref<8x2x64xi32, #tpu.memory_space<vmem>>
      %dma_wait3A_74 = arith.constant 0 : i32
      %dma_wait3A_75 = arith.constant 0 : i32
      %dma_wait3A_76 = tpu.memref_slice %arg3[%mul3A_7, %dma_wait3A_74, %dma_wait3A_75] : memref<2560x2x64xi32, #tpu.memory_space<hbm>> -> memref<8x2x64xi32, #tpu.memory_space<hbm>>
      tpu.wait_dma2 semaphore(%run_scoped3A : memref<!tpu.dma_semaphore, #tpu.memory_space<semaphore_mem>>) src(%dma_wait3A_76 : memref<8x2x64xi32, #tpu.memory_space<hbm>>) dst(%dma_wait3A_73 : memref<8x2x64xi32, #tpu.memory_space<vmem>>)
      tpu.yield
    }) : () -> ()
    "tpu.region"() ({
      %run_scoped3A = tpu.sem_alloc : memref<!tpu.dma_semaphore, #tpu.memory_space<semaphore_mem>>
      %dma_start3A_49 = arith.constant 0 : i32
      %dma_start3A_50 = arith.constant 0 : i32
      %dma_start3A_51 = arith.constant 0 : i32
      %dma_start3A_52 = tpu.memref_slice %arg9[%dma_start3A_49, %dma_start3A_50, %dma_start3A_51] : memref<16x2x64xi32, #tpu.memory_space<vmem>> -> memref<8x2x64xi32, #tpu.memory_space<vmem>>
      %dma_start3A_53 = arith.constant 0 : i32
      %dma_start3A_54 = arith.constant 0 : i32
      %dma_start3A_55 = tpu.memref_slice %arg4[%mul3A_7, %dma_start3A_53, %dma_start3A_54] : memref<2560x2x64xi32, #tpu.memory_space<hbm>> -> memref<8x2x64xi32, #tpu.memory_space<hbm>>
      %dma_start3A_56 = arith.constant 0 : i32
      %dma_start3A_57 = arith.constant 0 : i32
      %dma_start3A_58 = arith.constant 0 : i32
      %dma_start3A_59 = tpu.memref_slice %arg9[%dma_start3A_56, %dma_start3A_57, %dma_start3A_58] : memref<16x2x64xi32, #tpu.memory_space<vmem>> -> memref<8x2x64xi32, #tpu.memory_space<vmem>>
      %dma_start3A_60 = arith.constant 0 : i32
      %dma_start3A_61 = arith.constant 0 : i32
      %dma_start3A_62 = tpu.memref_slice %arg4[%mul3A_7, %dma_start3A_60, %dma_start3A_61] : memref<2560x2x64xi32, #tpu.memory_space<hbm>> -> memref<8x2x64xi32, #tpu.memory_space<hbm>>
      tpu.enqueue_dma source(%dma_start3A_62 : memref<8x2x64xi32, #tpu.memory_space<hbm>>) target(%dma_start3A_59 : memref<8x2x64xi32, #tpu.memory_space<vmem>>) target_semaphore(%run_scoped3A : memref<!tpu.dma_semaphore, #tpu.memory_space<semaphore_mem>>)
      %dma_wait3A_63 = arith.constant 0 : i32
      %dma_wait3A_64 = arith.constant 0 : i32
      %dma_wait3A_65 = arith.constant 0 : i32
      %dma_wait3A_66 = tpu.memref_slice %arg9[%dma_wait3A_63, %dma_wait3A_64, %dma_wait3A_65] : memref<16x2x64xi32, #tpu.memory_space<vmem>> -> memref<8x2x64xi32, #tpu.memory_space<vmem>>
      %dma_wait3A_67 = arith.constant 0 : i32
      %dma_wait3A_68 = arith.constant 0 : i32
      %dma_wait3A_69 = tpu.memref_slice %arg4[%mul3A_7, %dma_wait3A_67, %dma_wait3A_68] : memref<2560x2x64xi32, #tpu.memory_space<hbm>> -> memref<8x2x64xi32, #tpu.memory_space<hbm>>
      %dma_wait3A_70 = arith.constant 0 : i32
      %dma_wait3A_71 = arith.constant 0 : i32
      %dma_wait3A_72 = arith.constant 0 : i32
      %dma_wait3A_73 = tpu.memref_slice %arg9[%dma_wait3A_70, %dma_wait3A_71, %dma_wait3A_72] : memref<16x2x64xi32, #tpu.memory_space<vmem>> -> memref<8x2x64xi32, #tpu.memory_space<vmem>>
      %dma_wait3A_74 = arith.constant 0 : i32
      %dma_wait3A_75 = arith.constant 0 : i32
      %dma_wait3A_76 = tpu.memref_slice %arg4[%mul3A_7, %dma_wait3A_74, %dma_wait3A_75] : memref<2560x2x64xi32, #tpu.memory_space<hbm>> -> memref<8x2x64xi32, #tpu.memory_space<hbm>>
      tpu.wait_dma2 semaphore(%run_scoped3A : memref<!tpu.dma_semaphore, #tpu.memory_space<semaphore_mem>>) src(%dma_wait3A_76 : memref<8x2x64xi32, #tpu.memory_space<hbm>>) dst(%dma_wait3A_73 : memref<8x2x64xi32, #tpu.memory_space<vmem>>)
      tpu.yield
    }) : () -> ()
    %dma_start3A_8 = arith.constant 0 : i32
    %dma_start3A_9 = arith.constant 0 : i32
    %dma_start3A_10 = arith.constant 0 : i32
    %dma_start3A_11 = arith.constant 0 : i32
    %dma_start3A_12 = tpu.memref_slice %arg10[%dma_start3A_10, %dma_start3A_11] : memref<256x128xf32, #tpu.memory_space<vmem>> -> memref<64x128xf32, #tpu.memory_space<vmem>>
    %dma_start3A_13 = arith.constant 0 : i32
    %dma_start3A_14 = tpu.memref_slice %arg8[%dma_start3A_8, %dma_start3A_9, %dma_start3A_13] : memref<16x2x64xi32, #tpu.memory_space<vmem>> -> memref<1x1x64xi32, #tpu.memory_space<vmem>>
    %dma_start3A_15 = tpu.memref_squeeze %dma_start3A_14 : memref<1x1x64xi32, #tpu.memory_space<vmem>> -> memref<64xi32, #tpu.memory_space<vmem>>
    %dma_start3A_16 = arith.constant 0 : i32
    %dma_start3A_17 = arith.constant 0 : i32
    %dma_start3A_18 = tpu.memref_slice %arg2[%dma_start3A_16, %dma_start3A_17] : memref<10112x128xf32, #tpu.memory_space<hbm>> -> memref<10112x128xf32, #tpu.memory_space<hbm>>
    tpu.enqueue_indirect_dma source(%dma_start3A_18 : memref<10112x128xf32, #tpu.memory_space<hbm>>) target(%dma_start3A_12 : memref<64x128xf32, #tpu.memory_space<vmem>>) offsets(%dma_start3A_15 : memref<64xi32, #tpu.memory_space<vmem>>) semaphore(%arg11 : memref<!tpu.dma_semaphore, #tpu.memory_space<semaphore_mem>>)
    %dma_start3A_19 = arith.constant 0 : i32
    %dma_start3A_20 = arith.constant 1 : i32
    %dma_start3A_21 = arith.constant 64 : i32
    %dma_start3A_22 = arith.constant 0 : i32
    %dma_start3A_23 = tpu.memref_slice %arg10[%dma_start3A_21, %dma_start3A_22] : memref<256x128xf32, #tpu.memory_space<vmem>> -> memref<64x128xf32, #tpu.memory_space<vmem>>
    %dma_start3A_24 = arith.constant 0 : i32
    %dma_start3A_25 = tpu.memref_slice %arg8[%dma_start3A_19, %dma_start3A_20, %dma_start3A_24] : memref<16x2x64xi32, #tpu.memory_space<vmem>> -> memref<1x1x64xi32, #tpu.memory_space<vmem>>
    %dma_start3A_26 = tpu.memref_squeeze %dma_start3A_25 : memref<1x1x64xi32, #tpu.memory_space<vmem>> -> memref<64xi32, #tpu.memory_space<vmem>>
    %dma_start3A_27 = arith.constant 0 : i32
    %dma_start3A_28 = arith.constant 0 : i32
    %dma_start3A_29 = tpu.memref_slice %arg2[%dma_start3A_27, %dma_start3A_28] : memref<10112x128xf32, #tpu.memory_space<hbm>> -> memref<10112x128xf32, #tpu.memory_space<hbm>>
    tpu.enqueue_indirect_dma source(%dma_start3A_29 : memref<10112x128xf32, #tpu.memory_space<hbm>>) target(%dma_start3A_23 : memref<64x128xf32, #tpu.memory_space<vmem>>) offsets(%dma_start3A_26 : memref<64xi32, #tpu.memory_space<vmem>>) semaphore(%arg11 : memref<!tpu.dma_semaphore, #tpu.memory_space<semaphore_mem>>)
    %dma_start3A_30 = arith.constant 1 : i32
    %dma_start3A_31 = arith.constant 0 : i32
    %dma_start3A_32 = arith.constant 128 : i32
    %dma_start3A_33 = arith.constant 0 : i32
    %dma_start3A_34 = tpu.memref_slice %arg10[%dma_start3A_32, %dma_start3A_33] : memref<256x128xf32, #tpu.memory_space<vmem>> -> memref<64x128xf32, #tpu.memory_space<vmem>>
    %dma_start3A_35 = arith.constant 0 : i32
    %dma_start3A_36 = tpu.memref_slice %arg8[%dma_start3A_30, %dma_start3A_31, %dma_start3A_35] : memref<16x2x64xi32, #tpu.memory_space<vmem>> -> memref<1x1x64xi32, #tpu.memory_space<vmem>>
    %dma_start3A_37 = tpu.memref_squeeze %dma_start3A_36 : memref<1x1x64xi32, #tpu.memory_space<vmem>> -> memref<64xi32, #tpu.memory_space<vmem>>
    %dma_start3A_38 = arith.constant 0 : i32
    %dma_start3A_39 = arith.constant 0 : i32
    %dma_start3A_40 = tpu.memref_slice %arg2[%dma_start3A_38, %dma_start3A_39] : memref<10112x128xf32, #tpu.memory_space<hbm>> -> memref<10112x128xf32, #tpu.memory_space<hbm>>
    tpu.enqueue_indirect_dma source(%dma_start3A_40 : memref<10112x128xf32, #tpu.memory_space<hbm>>) target(%dma_start3A_34 : memref<64x128xf32, #tpu.memory_space<vmem>>) offsets(%dma_start3A_37 : memref<64xi32, #tpu.memory_space<vmem>>) semaphore(%arg11 : memref<!tpu.dma_semaphore, #tpu.memory_space<semaphore_mem>>)
    %dma_wait3A = arith.constant 0 : i32
    %dma_wait3A_41 = tpu.memref_slice %arg7[%mul3A_2, %dma_wait3A] : memref<10112x128xf32, #tpu.memory_space<vmem_shared>> -> memref<632x128xf32, #tpu.memory_space<vmem_shared>>
    %dma_wait3A_42 = arith.constant 0 : i32
    %dma_wait3A_43 = tpu.memref_slice %arg5[%mul3A_2, %dma_wait3A_42] : memref<10112x128xf32, #tpu.memory_space<hbm>> -> memref<632x128xf32, #tpu.memory_space<hbm>>
    tpu.wait_dma2 semaphore(%arg13 : memref<!tpu.dma_semaphore, #tpu.memory_space<semaphore_mem>>) src(%dma_wait3A_43 : memref<632x128xf32, #tpu.memory_space<hbm>>) dst(%dma_wait3A_41 : memref<632x128xf32, #tpu.memory_space<vmem_shared>>)
    %barrier3A = arith.constant 0 : index
    tpu.barrier barrier_id(%barrier3A)
    %scan3A = arith.constant 0 : i32
    %scan3A_44 = arith.constant 10 : i32
    %scan3A_45 = arith.addi %scan3A, %scan3A_44 : i32
    %scan3A_46 = arith.constant 1 : i32
    scf.for %scan3A_49 = %scan3A to %scan3A_45 step %scan3A_46  : i32 {
      %mul3A_50 = arith.constant 1 : i32
      %mul3A_51 = arith.muli %scan3A_49, %mul3A_50 : i32
      %add3A_52 = arith.constant 0 : i32
      %add3A_53 = arith.addi %add3A_52, %mul3A_51 : i32
      %rem3A = arith.constant 2 : i32
      %rem3A_54 = arith.remsi %add3A_53, %rem3A : i32
      %mul3A_55 = arith.constant 8 : i32
      %mul3A_56 = arith.muli %rem3A_54, %mul3A_55 : i32
      %sub3A = arith.constant 1 : i32
      %sub3A_57 = arith.subi %sub3A, %rem3A_54 : i32
      %mul3A_58 = arith.constant 8 : i32
      %mul3A_59 = arith.muli %sub3A_57, %mul3A_58 : i32
      %mul3A_60 = arith.constant 80 : i32
      %mul3A_61 = arith.muli %add3A, %mul3A_60 : i32
      %add3A_62 = arith.constant 1 : i32
      %add3A_63 = arith.addi %add3A_53, %add3A_62 : i32
      %mul3A_64 = arith.constant 8 : i32
      %mul3A_65 = arith.muli %add3A_63, %mul3A_64 : i32
      %add3A_66 = arith.addi %mul3A_61, %mul3A_65 : i32
      %lt3A = arith.constant 9 : i32
      %lt3A_67 = arith.cmpi slt, %add3A_53, %lt3A : i32
      %convert_element_type3A = arith.extui %lt3A_67 : i1 to i32
      %cond3A = arith.constant 0 : i32
      %cond3A_68 = arith.cmpi ne, %convert_element_type3A, %cond3A : i32
      scf.if %cond3A_68 {
        %dma_start3A_476 = arith.constant 0 : i32
        %dma_start3A_477 = arith.constant 0 : i32
        %dma_start3A_478 = tpu.memref_slice %arg8[%mul3A_59, %dma_start3A_476, %dma_start3A_477] : memref<16x2x64xi32, #tpu.memory_space<vmem>> -> memref<8x2x64xi32, #tpu.memory_space<vmem>>
        %dma_start3A_479 = arith.constant 0 : i32
        %dma_start3A_480 = arith.constant 0 : i32
        %dma_start3A_481 = tpu.memref_slice %arg3[%add3A_66, %dma_start3A_479, %dma_start3A_480] : memref<2560x2x64xi32, #tpu.memory_space<hbm>> -> memref<8x2x64xi32, #tpu.memory_space<hbm>>
        %dma_start3A_482 = arith.constant 0 : i32
        %dma_start3A_483 = arith.constant 0 : i32
        %dma_start3A_484 = tpu.memref_slice %arg8[%mul3A_59, %dma_start3A_482, %dma_start3A_483] : memref<16x2x64xi32, #tpu.memory_space<vmem>> -> memref<8x2x64xi32, #tpu.memory_space<vmem>>
        %dma_start3A_485 = arith.constant 0 : i32
        %dma_start3A_486 = arith.constant 0 : i32
        %dma_start3A_487 = tpu.memref_slice %arg3[%add3A_66, %dma_start3A_485, %dma_start3A_486] : memref<2560x2x64xi32, #tpu.memory_space<hbm>> -> memref<8x2x64xi32, #tpu.memory_space<hbm>>
        tpu.enqueue_dma source(%dma_start3A_487 : memref<8x2x64xi32, #tpu.memory_space<hbm>>) target(%dma_start3A_484 : memref<8x2x64xi32, #tpu.memory_space<vmem>>) target_semaphore(%arg12 : memref<!tpu.dma_semaphore, #tpu.memory_space<semaphore_mem>>)
        %dma_start3A_488 = arith.constant 0 : i32
        %dma_start3A_489 = arith.constant 0 : i32
        %dma_start3A_490 = tpu.memref_slice %arg9[%mul3A_59, %dma_start3A_488, %dma_start3A_489] : memref<16x2x64xi32, #tpu.memory_space<vmem>> -> memref<8x2x64xi32, #tpu.memory_space<vmem>>
        %dma_start3A_491 = arith.constant 0 : i32
        %dma_start3A_492 = arith.constant 0 : i32
        %dma_start3A_493 = tpu.memref_slice %arg4[%add3A_66, %dma_start3A_491, %dma_start3A_492] : memref<2560x2x64xi32, #tpu.memory_space<hbm>> -> memref<8x2x64xi32, #tpu.memory_space<hbm>>
        %dma_start3A_494 = arith.constant 0 : i32
        %dma_start3A_495 = arith.constant 0 : i32
        %dma_start3A_496 = tpu.memref_slice %arg9[%mul3A_59, %dma_start3A_494, %dma_start3A_495] : memref<16x2x64xi32, #tpu.memory_space<vmem>> -> memref<8x2x64xi32, #tpu.memory_space<vmem>>
        %dma_start3A_497 = arith.constant 0 : i32
        %dma_start3A_498 = arith.constant 0 : i32
        %dma_start3A_499 = tpu.memref_slice %arg4[%add3A_66, %dma_start3A_497, %dma_start3A_498] : memref<2560x2x64xi32, #tpu.memory_space<hbm>> -> memref<8x2x64xi32, #tpu.memory_space<hbm>>
        tpu.enqueue_dma source(%dma_start3A_499 : memref<8x2x64xi32, #tpu.memory_space<hbm>>) target(%dma_start3A_496 : memref<8x2x64xi32, #tpu.memory_space<vmem>>) target_semaphore(%arg12 : memref<!tpu.dma_semaphore, #tpu.memory_space<semaphore_mem>>)
      } else {
      }
      %add3A_69 = arith.constant 0 : i32
      %add3A_70 = arith.addi %mul3A_56, %add3A_69 : i32
      %dma_wait3A_71 = arith.constant 0 : i32
      %dma_wait3A_72 = arith.constant 0 : i32
      %dma_wait3A_73 = arith.constant 0 : i32
      %dma_wait3A_74 = tpu.memref_slice %arg10[%dma_wait3A_72, %dma_wait3A_73] : memref<256x128xf32, #tpu.memory_space<vmem>> -> memref<64x128xf32, #tpu.memory_space<vmem>>
      %dma_wait3A_75 = arith.constant 0 : i32
      %dma_wait3A_76 = tpu.memref_slice %arg8[%add3A_70, %dma_wait3A_71, %dma_wait3A_75] : memref<16x2x64xi32, #tpu.memory_space<vmem>> -> memref<1x1x64xi32, #tpu.memory_space<vmem>>
      %dma_wait3A_77 = tpu.memref_squeeze %dma_wait3A_76 : memref<1x1x64xi32, #tpu.memory_space<vmem>> -> memref<64xi32, #tpu.memory_space<vmem>>
      %dma_wait3A_78 = arith.constant 0 : i32
      %dma_wait3A_79 = arith.constant 0 : i32
      %dma_wait3A_80 = tpu.memref_slice %arg2[%dma_wait3A_78, %dma_wait3A_79] : memref<10112x128xf32, #tpu.memory_space<hbm>> -> memref<10112x128xf32, #tpu.memory_space<hbm>>
      tpu.wait_indirect_dma semaphore(%arg11 : memref<!tpu.dma_semaphore, #tpu.memory_space<semaphore_mem>>) src(%dma_wait3A_80 : memref<10112x128xf32, #tpu.memory_space<hbm>>) dst(%dma_wait3A_74 : memref<64x128xf32, #tpu.memory_space<vmem>>)
      %add3A_81 = arith.constant 1 : i32
      %add3A_82 = arith.addi %mul3A_56, %add3A_81 : i32
      %dma_start3A_83 = arith.constant 1 : i32
      %dma_start3A_84 = arith.constant 192 : i32
      %dma_start3A_85 = arith.constant 0 : i32
      %dma_start3A_86 = tpu.memref_slice %arg10[%dma_start3A_84, %dma_start3A_85] : memref<256x128xf32, #tpu.memory_space<vmem>> -> memref<64x128xf32, #tpu.memory_space<vmem>>
      %dma_start3A_87 = arith.constant 0 : i32
      %dma_start3A_88 = tpu.memref_slice %arg8[%add3A_82, %dma_start3A_83, %dma_start3A_87] : memref<16x2x64xi32, #tpu.memory_space<vmem>> -> memref<1x1x64xi32, #tpu.memory_space<vmem>>
      %dma_start3A_89 = tpu.memref_squeeze %dma_start3A_88 : memref<1x1x64xi32, #tpu.memory_space<vmem>> -> memref<64xi32, #tpu.memory_space<vmem>>
      %dma_start3A_90 = arith.constant 0 : i32
      %dma_start3A_91 = arith.constant 0 : i32
      %dma_start3A_92 = tpu.memref_slice %arg2[%dma_start3A_90, %dma_start3A_91] : memref<10112x128xf32, #tpu.memory_space<hbm>> -> memref<10112x128xf32, #tpu.memory_space<hbm>>
      tpu.enqueue_indirect_dma source(%dma_start3A_92 : memref<10112x128xf32, #tpu.memory_space<hbm>>) target(%dma_start3A_86 : memref<64x128xf32, #tpu.memory_space<vmem>>) offsets(%dma_start3A_89 : memref<64xi32, #tpu.memory_space<vmem>>) semaphore(%arg11 : memref<!tpu.dma_semaphore, #tpu.memory_space<semaphore_mem>>)
      %add3A_93 = arith.constant 0 : i32
      %add3A_94 = arith.addi %mul3A_56, %add3A_93 : i32
      %run_scoped3A = arith.constant 0 : i32
      "tpu.region"() ({
        %run_scoped3A_476 = tpu.sem_alloc : memref<!tpu.dma_semaphore, #tpu.memory_space<semaphore_mem>>
        %dma_start3A_477 = arith.constant 0 : i32
        %dma_start3A_478 = arith.constant 0 : i32
        %dma_start3A_479 = tpu.memref_slice %arg10[%dma_start3A_477, %dma_start3A_478] : memref<256x128xf32, #tpu.memory_space<vmem>> -> memref<64x128xf32, #tpu.memory_space<vmem>>
        %dma_start3A_480 = arith.constant 0 : i32
        %dma_start3A_481 = tpu.memref_slice %arg9[%add3A_94, %run_scoped3A, %dma_start3A_480] : memref<16x2x64xi32, #tpu.memory_space<vmem>> -> memref<1x1x64xi32, #tpu.memory_space<vmem>>
        %dma_start3A_482 = tpu.memref_squeeze %dma_start3A_481 : memref<1x1x64xi32, #tpu.memory_space<vmem>> -> memref<64xi32, #tpu.memory_space<vmem>>
        %dma_start3A_483 = arith.constant 0 : i32
        %dma_start3A_484 = arith.constant 0 : i32
        %dma_start3A_485 = tpu.memref_slice %arg7[%dma_start3A_483, %dma_start3A_484] : memref<10112x128xf32, #tpu.memory_space<vmem_shared>> -> memref<10112x128xf32, #tpu.memory_space<vmem_shared>>
        tpu.enqueue_indirect_dma source(%dma_start3A_479 : memref<64x128xf32, #tpu.memory_space<vmem>>) target(%dma_start3A_485 : memref<10112x128xf32, #tpu.memory_space<vmem_shared>>) offsets(%dma_start3A_482 : memref<64xi32, #tpu.memory_space<vmem>>) semaphore(%run_scoped3A_476 : memref<!tpu.dma_semaphore, #tpu.memory_space<semaphore_mem>>) {add = true}
        %dma_wait3A_486 = arith.constant 0 : i32
        %dma_wait3A_487 = arith.constant 0 : i32
        %dma_wait3A_488 = tpu.memref_slice %arg10[%dma_wait3A_486, %dma_wait3A_487] : memref<256x128xf32, #tpu.memory_space<vmem>> -> memref<64x128xf32, #tpu.memory_space<vmem>>
        %dma_wait3A_489 = arith.constant 0 : i32
        %dma_wait3A_490 = tpu.memref_slice %arg9[%add3A_94, %run_scoped3A, %dma_wait3A_489] : memref<16x2x64xi32, #tpu.memory_space<vmem>> -> memref<1x1x64xi32, #tpu.memory_space<vmem>>
        %dma_wait3A_491 = tpu.memref_squeeze %dma_wait3A_490 : memref<1x1x64xi32, #tpu.memory_space<vmem>> -> memref<64xi32, #tpu.memory_space<vmem>>
        %dma_wait3A_492 = arith.constant 0 : i32
        %dma_wait3A_493 = arith.constant 0 : i32
        %dma_wait3A_494 = tpu.memref_slice %arg7[%dma_wait3A_492, %dma_wait3A_493] : memref<10112x128xf32, #tpu.memory_space<vmem_shared>> -> memref<10112x128xf32, #tpu.memory_space<vmem_shared>>
        tpu.wait_indirect_dma semaphore(%run_scoped3A_476 : memref<!tpu.dma_semaphore, #tpu.memory_space<semaphore_mem>>) src(%dma_wait3A_488 : memref<64x128xf32, #tpu.memory_space<vmem>>) dst(%dma_wait3A_494 : memref<10112x128xf32, #tpu.memory_space<vmem_shared>>)
        tpu.yield
      }) : () -> ()
      %add3A_95 = arith.constant 0 : i32
      %add3A_96 = arith.addi %mul3A_56, %add3A_95 : i32
      %dma_wait3A_97 = arith.constant 1 : i32
      %dma_wait3A_98 = arith.constant 64 : i32
      %dma_wait3A_99 = arith.constant 0 : i32
      %dma_wait3A_100 = tpu.memref_slice %arg10[%dma_wait3A_98, %dma_wait3A_99] : memref<256x128xf32, #tpu.memory_space<vmem>> -> memref<64x128xf32, #tpu.memory_space<vmem>>
      %dma_wait3A_101 = arith.constant 0 : i32
      %dma_wait3A_102 = tpu.memref_slice %arg8[%add3A_96, %dma_wait3A_97, %dma_wait3A_101] : memref<16x2x64xi32, #tpu.memory_space<vmem>> -> memref<1x1x64xi32, #tpu.memory_space<vmem>>
      %dma_wait3A_103 = tpu.memref_squeeze %dma_wait3A_102 : memref<1x1x64xi32, #tpu.memory_space<vmem>> -> memref<64xi32, #tpu.memory_space<vmem>>
      %dma_wait3A_104 = arith.constant 0 : i32
      %dma_wait3A_105 = arith.constant 0 : i32
      %dma_wait3A_106 = tpu.memref_slice %arg2[%dma_wait3A_104, %dma_wait3A_105] : memref<10112x128xf32, #tpu.memory_space<hbm>> -> memref<10112x128xf32, #tpu.memory_space<hbm>>
      tpu.wait_indirect_dma semaphore(%arg11 : memref<!tpu.dma_semaphore, #tpu.memory_space<semaphore_mem>>) src(%dma_wait3A_106 : memref<10112x128xf32, #tpu.memory_space<hbm>>) dst(%dma_wait3A_100 : memref<64x128xf32, #tpu.memory_space<vmem>>)
      %add3A_107 = arith.constant 2 : i32
      %add3A_108 = arith.addi %mul3A_56, %add3A_107 : i32
      %dma_start3A_109 = arith.constant 0 : i32
      %dma_start3A_110 = arith.constant 0 : i32
      %dma_start3A_111 = arith.constant 0 : i32
      %dma_start3A_112 = tpu.memref_slice %arg10[%dma_start3A_110, %dma_start3A_111] : memref<256x128xf32, #tpu.memory_space<vmem>> -> memref<64x128xf32, #tpu.memory_space<vmem>>
      %dma_start3A_113 = arith.constant 0 : i32
      %dma_start3A_114 = tpu.memref_slice %arg8[%add3A_108, %dma_start3A_109, %dma_start3A_113] : memref<16x2x64xi32, #tpu.memory_space<vmem>> -> memref<1x1x64xi32, #tpu.memory_space<vmem>>
      %dma_start3A_115 = tpu.memref_squeeze %dma_start3A_114 : memref<1x1x64xi32, #tpu.memory_space<vmem>> -> memref<64xi32, #tpu.memory_space<vmem>>
      %dma_start3A_116 = arith.constant 0 : i32
      %dma_start3A_117 = arith.constant 0 : i32
      %dma_start3A_118 = tpu.memref_slice %arg2[%dma_start3A_116, %dma_start3A_117] : memref<10112x128xf32, #tpu.memory_space<hbm>> -> memref<10112x128xf32, #tpu.memory_space<hbm>>
      tpu.enqueue_indirect_dma source(%dma_start3A_118 : memref<10112x128xf32, #tpu.memory_space<hbm>>) target(%dma_start3A_112 : memref<64x128xf32, #tpu.memory_space<vmem>>) offsets(%dma_start3A_115 : memref<64xi32, #tpu.memory_space<vmem>>) semaphore(%arg11 : memref<!tpu.dma_semaphore, #tpu.memory_space<semaphore_mem>>)
      %add3A_119 = arith.constant 0 : i32
      %add3A_120 = arith.addi %mul3A_56, %add3A_119 : i32
      %run_scoped3A_121 = arith.constant 1 : i32
      "tpu.region"() ({
        %run_scoped3A_476 = tpu.sem_alloc : memref<!tpu.dma_semaphore, #tpu.memory_space<semaphore_mem>>
        %dma_start3A_477 = arith.constant 64 : i32
        %dma_start3A_478 = arith.constant 0 : i32
        %dma_start3A_479 = tpu.memref_slice %arg10[%dma_start3A_477, %dma_start3A_478] : memref<256x128xf32, #tpu.memory_space<vmem>> -> memref<64x128xf32, #tpu.memory_space<vmem>>
        %dma_start3A_480 = arith.constant 0 : i32
        %dma_start3A_481 = tpu.memref_slice %arg9[%add3A_120, %run_scoped3A_121, %dma_start3A_480] : memref<16x2x64xi32, #tpu.memory_space<vmem>> -> memref<1x1x64xi32, #tpu.memory_space<vmem>>
        %dma_start3A_482 = tpu.memref_squeeze %dma_start3A_481 : memref<1x1x64xi32, #tpu.memory_space<vmem>> -> memref<64xi32, #tpu.memory_space<vmem>>
        %dma_start3A_483 = arith.constant 0 : i32
        %dma_start3A_484 = arith.constant 0 : i32
        %dma_start3A_485 = tpu.memref_slice %arg7[%dma_start3A_483, %dma_start3A_484] : memref<10112x128xf32, #tpu.memory_space<vmem_shared>> -> memref<10112x128xf32, #tpu.memory_space<vmem_shared>>
        tpu.enqueue_indirect_dma source(%dma_start3A_479 : memref<64x128xf32, #tpu.memory_space<vmem>>) target(%dma_start3A_485 : memref<10112x128xf32, #tpu.memory_space<vmem_shared>>) offsets(%dma_start3A_482 : memref<64xi32, #tpu.memory_space<vmem>>) semaphore(%run_scoped3A_476 : memref<!tpu.dma_semaphore, #tpu.memory_space<semaphore_mem>>) {add = true}
        %dma_wait3A_486 = arith.constant 64 : i32
        %dma_wait3A_487 = arith.constant 0 : i32
        %dma_wait3A_488 = tpu.memref_slice %arg10[%dma_wait3A_486, %dma_wait3A_487] : memref<256x128xf32, #tpu.memory_space<vmem>> -> memref<64x128xf32, #tpu.memory_space<vmem>>
        %dma_wait3A_489 = arith.constant 0 : i32
        %dma_wait3A_490 = tpu.memref_slice %arg9[%add3A_120, %run_scoped3A_121, %dma_wait3A_489] : memref<16x2x64xi32, #tpu.memory_space<vmem>> -> memref<1x1x64xi32, #tpu.memory_space<vmem>>
        %dma_wait3A_491 = tpu.memref_squeeze %dma_wait3A_490 : memref<1x1x64xi32, #tpu.memory_space<vmem>> -> memref<64xi32, #tpu.memory_space<vmem>>
        %dma_wait3A_492 = arith.constant 0 : i32
        %dma_wait3A_493 = arith.constant 0 : i32
        %dma_wait3A_494 = tpu.memref_slice %arg7[%dma_wait3A_492, %dma_wait3A_493] : memref<10112x128xf32, #tpu.memory_space<vmem_shared>> -> memref<10112x128xf32, #tpu.memory_space<vmem_shared>>
        tpu.wait_indirect_dma semaphore(%run_scoped3A_476 : memref<!tpu.dma_semaphore, #tpu.memory_space<semaphore_mem>>) src(%dma_wait3A_488 : memref<64x128xf32, #tpu.memory_space<vmem>>) dst(%dma_wait3A_494 : memref<10112x128xf32, #tpu.memory_space<vmem_shared>>)
        tpu.yield
      }) : () -> ()
      %add3A_122 = arith.constant 1 : i32
      %add3A_123 = arith.addi %mul3A_56, %add3A_122 : i32
      %dma_wait3A_124 = arith.constant 0 : i32
      %dma_wait3A_125 = arith.constant 128 : i32
      %dma_wait3A_126 = arith.constant 0 : i32
      %dma_wait3A_127 = tpu.memref_slice %arg10[%dma_wait3A_125, %dma_wait3A_126] : memref<256x128xf32, #tpu.memory_space<vmem>> -> memref<64x128xf32, #tpu.memory_space<vmem>>
      %dma_wait3A_128 = arith.constant 0 : i32
      %dma_wait3A_129 = tpu.memref_slice %arg8[%add3A_123, %dma_wait3A_124, %dma_wait3A_128] : memref<16x2x64xi32, #tpu.memory_space<vmem>> -> memref<1x1x64xi32, #tpu.memory_space<vmem>>
      %dma_wait3A_130 = tpu.memref_squeeze %dma_wait3A_129 : memref<1x1x64xi32, #tpu.memory_space<vmem>> -> memref<64xi32, #tpu.memory_space<vmem>>
      %dma_wait3A_131 = arith.constant 0 : i32
      %dma_wait3A_132 = arith.constant 0 : i32
      %dma_wait3A_133 = tpu.memref_slice %arg2[%dma_wait3A_131, %dma_wait3A_132] : memref<10112x128xf32, #tpu.memory_space<hbm>> -> memref<10112x128xf32, #tpu.memory_space<hbm>>
      tpu.wait_indirect_dma semaphore(%arg11 : memref<!tpu.dma_semaphore, #tpu.memory_space<semaphore_mem>>) src(%dma_wait3A_133 : memref<10112x128xf32, #tpu.memory_space<hbm>>) dst(%dma_wait3A_127 : memref<64x128xf32, #tpu.memory_space<vmem>>)
      %add3A_134 = arith.constant 2 : i32
      %add3A_135 = arith.addi %mul3A_56, %add3A_134 : i32
      %dma_start3A_136 = arith.constant 1 : i32
      %dma_start3A_137 = arith.constant 64 : i32
      %dma_start3A_138 = arith.constant 0 : i32
      %dma_start3A_139 = tpu.memref_slice %arg10[%dma_start3A_137, %dma_start3A_138] : memref<256x128xf32, #tpu.memory_space<vmem>> -> memref<64x128xf32, #tpu.memory_space<vmem>>
      %dma_start3A_140 = arith.constant 0 : i32
      %dma_start3A_141 = tpu.memref_slice %arg8[%add3A_135, %dma_start3A_136, %dma_start3A_140] : memref<16x2x64xi32, #tpu.memory_space<vmem>> -> memref<1x1x64xi32, #tpu.memory_space<vmem>>
      %dma_start3A_142 = tpu.memref_squeeze %dma_start3A_141 : memref<1x1x64xi32, #tpu.memory_space<vmem>> -> memref<64xi32, #tpu.memory_space<vmem>>
      %dma_start3A_143 = arith.constant 0 : i32
      %dma_start3A_144 = arith.constant 0 : i32
      %dma_start3A_145 = tpu.memref_slice %arg2[%dma_start3A_143, %dma_start3A_144] : memref<10112x128xf32, #tpu.memory_space<hbm>> -> memref<10112x128xf32, #tpu.memory_space<hbm>>
      tpu.enqueue_indirect_dma source(%dma_start3A_145 : memref<10112x128xf32, #tpu.memory_space<hbm>>) target(%dma_start3A_139 : memref<64x128xf32, #tpu.memory_space<vmem>>) offsets(%dma_start3A_142 : memref<64xi32, #tpu.memory_space<vmem>>) semaphore(%arg11 : memref<!tpu.dma_semaphore, #tpu.memory_space<semaphore_mem>>)
      %add3A_146 = arith.constant 1 : i32
      %add3A_147 = arith.addi %mul3A_56, %add3A_146 : i32
      %run_scoped3A_148 = arith.constant 0 : i32
      "tpu.region"() ({
        %run_scoped3A_476 = tpu.sem_alloc : memref<!tpu.dma_semaphore, #tpu.memory_space<semaphore_mem>>
        %dma_start3A_477 = arith.constant 128 : i32
        %dma_start3A_478 = arith.constant 0 : i32
        %dma_start3A_479 = tpu.memref_slice %arg10[%dma_start3A_477, %dma_start3A_478] : memref<256x128xf32, #tpu.memory_space<vmem>> -> memref<64x128xf32, #tpu.memory_space<vmem>>
        %dma_start3A_480 = arith.constant 0 : i32
        %dma_start3A_481 = tpu.memref_slice %arg9[%add3A_147, %run_scoped3A_148, %dma_start3A_480] : memref<16x2x64xi32, #tpu.memory_space<vmem>> -> memref<1x1x64xi32, #tpu.memory_space<vmem>>
        %dma_start3A_482 = tpu.memref_squeeze %dma_start3A_481 : memref<1x1x64xi32, #tpu.memory_space<vmem>> -> memref<64xi32, #tpu.memory_space<vmem>>
        %dma_start3A_483 = arith.constant 0 : i32
        %dma_start3A_484 = arith.constant 0 : i32
        %dma_start3A_485 = tpu.memref_slice %arg7[%dma_start3A_483, %dma_start3A_484] : memref<10112x128xf32, #tpu.memory_space<vmem_shared>> -> memref<10112x128xf32, #tpu.memory_space<vmem_shared>>
        tpu.enqueue_indirect_dma source(%dma_start3A_479 : memref<64x128xf32, #tpu.memory_space<vmem>>) target(%dma_start3A_485 : memref<10112x128xf32, #tpu.memory_space<vmem_shared>>) offsets(%dma_start3A_482 : memref<64xi32, #tpu.memory_space<vmem>>) semaphore(%run_scoped3A_476 : memref<!tpu.dma_semaphore, #tpu.memory_space<semaphore_mem>>) {add = true}
        %dma_wait3A_486 = arith.constant 128 : i32
        %dma_wait3A_487 = arith.constant 0 : i32
        %dma_wait3A_488 = tpu.memref_slice %arg10[%dma_wait3A_486, %dma_wait3A_487] : memref<256x128xf32, #tpu.memory_space<vmem>> -> memref<64x128xf32, #tpu.memory_space<vmem>>
        %dma_wait3A_489 = arith.constant 0 : i32
        %dma_wait3A_490 = tpu.memref_slice %arg9[%add3A_147, %run_scoped3A_148, %dma_wait3A_489] : memref<16x2x64xi32, #tpu.memory_space<vmem>> -> memref<1x1x64xi32, #tpu.memory_space<vmem>>
        %dma_wait3A_491 = tpu.memref_squeeze %dma_wait3A_490 : memref<1x1x64xi32, #tpu.memory_space<vmem>> -> memref<64xi32, #tpu.memory_space<vmem>>
        %dma_wait3A_492 = arith.constant 0 : i32
        %dma_wait3A_493 = arith.constant 0 : i32
        %dma_wait3A_494 = tpu.memref_slice %arg7[%dma_wait3A_492, %dma_wait3A_493] : memref<10112x128xf32, #tpu.memory_space<vmem_shared>> -> memref<10112x128xf32, #tpu.memory_space<vmem_shared>>
        tpu.wait_indirect_dma semaphore(%run_scoped3A_476 : memref<!tpu.dma_semaphore, #tpu.memory_space<semaphore_mem>>) src(%dma_wait3A_488 : memref<64x128xf32, #tpu.memory_space<vmem>>) dst(%dma_wait3A_494 : memref<10112x128xf32, #tpu.memory_space<vmem_shared>>)
        tpu.yield
      }) : () -> ()
      %add3A_149 = arith.constant 1 : i32
      %add3A_150 = arith.addi %mul3A_56, %add3A_149 : i32
      %dma_wait3A_151 = arith.constant 1 : i32
      %dma_wait3A_152 = arith.constant 192 : i32
      %dma_wait3A_153 = arith.constant 0 : i32
      %dma_wait3A_154 = tpu.memref_slice %arg10[%dma_wait3A_152, %dma_wait3A_153] : memref<256x128xf32, #tpu.memory_space<vmem>> -> memref<64x128xf32, #tpu.memory_space<vmem>>
      %dma_wait3A_155 = arith.constant 0 : i32
      %dma_wait3A_156 = tpu.memref_slice %arg8[%add3A_150, %dma_wait3A_151, %dma_wait3A_155] : memref<16x2x64xi32, #tpu.memory_space<vmem>> -> memref<1x1x64xi32, #tpu.memory_space<vmem>>
      %dma_wait3A_157 = tpu.memref_squeeze %dma_wait3A_156 : memref<1x1x64xi32, #tpu.memory_space<vmem>> -> memref<64xi32, #tpu.memory_space<vmem>>
      %dma_wait3A_158 = arith.constant 0 : i32
      %dma_wait3A_159 = arith.constant 0 : i32
      %dma_wait3A_160 = tpu.memref_slice %arg2[%dma_wait3A_158, %dma_wait3A_159] : memref<10112x128xf32, #tpu.memory_space<hbm>> -> memref<10112x128xf32, #tpu.memory_space<hbm>>
      tpu.wait_indirect_dma semaphore(%arg11 : memref<!tpu.dma_semaphore, #tpu.memory_space<semaphore_mem>>) src(%dma_wait3A_160 : memref<10112x128xf32, #tpu.memory_space<hbm>>) dst(%dma_wait3A_154 : memref<64x128xf32, #tpu.memory_space<vmem>>)
      %add3A_161 = arith.constant 3 : i32
      %add3A_162 = arith.addi %mul3A_56, %add3A_161 : i32
      %dma_start3A_163 = arith.constant 0 : i32
      %dma_start3A_164 = arith.constant 128 : i32
      %dma_start3A_165 = arith.constant 0 : i32
      %dma_start3A_166 = tpu.memref_slice %arg10[%dma_start3A_164, %dma_start3A_165] : memref<256x128xf32, #tpu.memory_space<vmem>> -> memref<64x128xf32, #tpu.memory_space<vmem>>
      %dma_start3A_167 = arith.constant 0 : i32
      %dma_start3A_168 = tpu.memref_slice %arg8[%add3A_162, %dma_start3A_163, %dma_start3A_167] : memref<16x2x64xi32, #tpu.memory_space<vmem>> -> memref<1x1x64xi32, #tpu.memory_space<vmem>>
      %dma_start3A_169 = tpu.memref_squeeze %dma_start3A_168 : memref<1x1x64xi32, #tpu.memory_space<vmem>> -> memref<64xi32, #tpu.memory_space<vmem>>
      %dma_start3A_170 = arith.constant 0 : i32
      %dma_start3A_171 = arith.constant 0 : i32
      %dma_start3A_172 = tpu.memref_slice %arg2[%dma_start3A_170, %dma_start3A_171] : memref<10112x128xf32, #tpu.memory_space<hbm>> -> memref<10112x128xf32, #tpu.memory_space<hbm>>
      tpu.enqueue_indirect_dma source(%dma_start3A_172 : memref<10112x128xf32, #tpu.memory_space<hbm>>) target(%dma_start3A_166 : memref<64x128xf32, #tpu.memory_space<vmem>>) offsets(%dma_start3A_169 : memref<64xi32, #tpu.memory_space<vmem>>) semaphore(%arg11 : memref<!tpu.dma_semaphore, #tpu.memory_space<semaphore_mem>>)
      %add3A_173 = arith.constant 1 : i32
      %add3A_174 = arith.addi %mul3A_56, %add3A_173 : i32
      %run_scoped3A_175 = arith.constant 1 : i32
      "tpu.region"() ({
        %run_scoped3A_476 = tpu.sem_alloc : memref<!tpu.dma_semaphore, #tpu.memory_space<semaphore_mem>>
        %dma_start3A_477 = arith.constant 192 : i32
        %dma_start3A_478 = arith.constant 0 : i32
        %dma_start3A_479 = tpu.memref_slice %arg10[%dma_start3A_477, %dma_start3A_478] : memref<256x128xf32, #tpu.memory_space<vmem>> -> memref<64x128xf32, #tpu.memory_space<vmem>>
        %dma_start3A_480 = arith.constant 0 : i32
        %dma_start3A_481 = tpu.memref_slice %arg9[%add3A_174, %run_scoped3A_175, %dma_start3A_480] : memref<16x2x64xi32, #tpu.memory_space<vmem>> -> memref<1x1x64xi32, #tpu.memory_space<vmem>>
        %dma_start3A_482 = tpu.memref_squeeze %dma_start3A_481 : memref<1x1x64xi32, #tpu.memory_space<vmem>> -> memref<64xi32, #tpu.memory_space<vmem>>
        %dma_start3A_483 = arith.constant 0 : i32
        %dma_start3A_484 = arith.constant 0 : i32
        %dma_start3A_485 = tpu.memref_slice %arg7[%dma_start3A_483, %dma_start3A_484] : memref<10112x128xf32, #tpu.memory_space<vmem_shared>> -> memref<10112x128xf32, #tpu.memory_space<vmem_shared>>
        tpu.enqueue_indirect_dma source(%dma_start3A_479 : memref<64x128xf32, #tpu.memory_space<vmem>>) target(%dma_start3A_485 : memref<10112x128xf32, #tpu.memory_space<vmem_shared>>) offsets(%dma_start3A_482 : memref<64xi32, #tpu.memory_space<vmem>>) semaphore(%run_scoped3A_476 : memref<!tpu.dma_semaphore, #tpu.memory_space<semaphore_mem>>) {add = true}
        %dma_wait3A_486 = arith.constant 192 : i32
        %dma_wait3A_487 = arith.constant 0 : i32
        %dma_wait3A_488 = tpu.memref_slice %arg10[%dma_wait3A_486, %dma_wait3A_487] : memref<256x128xf32, #tpu.memory_space<vmem>> -> memref<64x128xf32, #tpu.memory_space<vmem>>
        %dma_wait3A_489 = arith.constant 0 : i32
        %dma_wait3A_490 = tpu.memref_slice %arg9[%add3A_174, %run_scoped3A_175, %dma_wait3A_489] : memref<16x2x64xi32, #tpu.memory_space<vmem>> -> memref<1x1x64xi32, #tpu.memory_space<vmem>>
        %dma_wait3A_491 = tpu.memref_squeeze %dma_wait3A_490 : memref<1x1x64xi32, #tpu.memory_space<vmem>> -> memref<64xi32, #tpu.memory_space<vmem>>
        %dma_wait3A_492 = arith.constant 0 : i32
        %dma_wait3A_493 = arith.constant 0 : i32
        %dma_wait3A_494 = tpu.memref_slice %arg7[%dma_wait3A_492, %dma_wait3A_493] : memref<10112x128xf32, #tpu.memory_space<vmem_shared>> -> memref<10112x128xf32, #tpu.memory_space<vmem_shared>>
        tpu.wait_indirect_dma semaphore(%run_scoped3A_476 : memref<!tpu.dma_semaphore, #tpu.memory_space<semaphore_mem>>) src(%dma_wait3A_488 : memref<64x128xf32, #tpu.memory_space<vmem>>) dst(%dma_wait3A_494 : memref<10112x128xf32, #tpu.memory_space<vmem_shared>>)
        tpu.yield
      }) : () -> ()
      %add3A_176 = arith.constant 2 : i32
      %add3A_177 = arith.addi %mul3A_56, %add3A_176 : i32
      %dma_wait3A_178 = arith.constant 0 : i32
      %dma_wait3A_179 = arith.constant 0 : i32
      %dma_wait3A_180 = arith.constant 0 : i32
      %dma_wait3A_181 = tpu.memref_slice %arg10[%dma_wait3A_179, %dma_wait3A_180] : memref<256x128xf32, #tpu.memory_space<vmem>> -> memref<64x128xf32, #tpu.memory_space<vmem>>
      %dma_wait3A_182 = arith.constant 0 : i32
      %dma_wait3A_183 = tpu.memref_slice %arg8[%add3A_177, %dma_wait3A_178, %dma_wait3A_182] : memref<16x2x64xi32, #tpu.memory_space<vmem>> -> memref<1x1x64xi32, #tpu.memory_space<vmem>>
      %dma_wait3A_184 = tpu.memref_squeeze %dma_wait3A_183 : memref<1x1x64xi32, #tpu.memory_space<vmem>> -> memref<64xi32, #tpu.memory_space<vmem>>
      %dma_wait3A_185 = arith.constant 0 : i32
      %dma_wait3A_186 = arith.constant 0 : i32
      %dma_wait3A_187 = tpu.memref_slice %arg2[%dma_wait3A_185, %dma_wait3A_186] : memref<10112x128xf32, #tpu.memory_space<hbm>> -> memref<10112x128xf32, #tpu.memory_space<hbm>>
      tpu.wait_indirect_dma semaphore(%arg11 : memref<!tpu.dma_semaphore, #tpu.memory_space<semaphore_mem>>) src(%dma_wait3A_187 : memref<10112x128xf32, #tpu.memory_space<hbm>>) dst(%dma_wait3A_181 : memref<64x128xf32, #tpu.memory_space<vmem>>)
      %add3A_188 = arith.constant 3 : i32
      %add3A_189 = arith.addi %mul3A_56, %add3A_188 : i32
      %dma_start3A_190 = arith.constant 1 : i32
      %dma_start3A_191 = arith.constant 192 : i32
      %dma_start3A_192 = arith.constant 0 : i32
      %dma_start3A_193 = tpu.memref_slice %arg10[%dma_start3A_191, %dma_start3A_192] : memref<256x128xf32, #tpu.memory_space<vmem>> -> memref<64x128xf32, #tpu.memory_space<vmem>>
      %dma_start3A_194 = arith.constant 0 : i32
      %dma_start3A_195 = tpu.memref_slice %arg8[%add3A_189, %dma_start3A_190, %dma_start3A_194] : memref<16x2x64xi32, #tpu.memory_space<vmem>> -> memref<1x1x64xi32, #tpu.memory_space<vmem>>
      %dma_start3A_196 = tpu.memref_squeeze %dma_start3A_195 : memref<1x1x64xi32, #tpu.memory_space<vmem>> -> memref<64xi32, #tpu.memory_space<vmem>>
      %dma_start3A_197 = arith.constant 0 : i32
      %dma_start3A_198 = arith.constant 0 : i32
      %dma_start3A_199 = tpu.memref_slice %arg2[%dma_start3A_197, %dma_start3A_198] : memref<10112x128xf32, #tpu.memory_space<hbm>> -> memref<10112x128xf32, #tpu.memory_space<hbm>>
      tpu.enqueue_indirect_dma source(%dma_start3A_199 : memref<10112x128xf32, #tpu.memory_space<hbm>>) target(%dma_start3A_193 : memref<64x128xf32, #tpu.memory_space<vmem>>) offsets(%dma_start3A_196 : memref<64xi32, #tpu.memory_space<vmem>>) semaphore(%arg11 : memref<!tpu.dma_semaphore, #tpu.memory_space<semaphore_mem>>)
      %add3A_200 = arith.constant 2 : i32
      %add3A_201 = arith.addi %mul3A_56, %add3A_200 : i32
      %run_scoped3A_202 = arith.constant 0 : i32
      "tpu.region"() ({
        %run_scoped3A_476 = tpu.sem_alloc : memref<!tpu.dma_semaphore, #tpu.memory_space<semaphore_mem>>
        %dma_start3A_477 = arith.constant 0 : i32
        %dma_start3A_478 = arith.constant 0 : i32
        %dma_start3A_479 = tpu.memref_slice %arg10[%dma_start3A_477, %dma_start3A_478] : memref<256x128xf32, #tpu.memory_space<vmem>> -> memref<64x128xf32, #tpu.memory_space<vmem>>
        %dma_start3A_480 = arith.constant 0 : i32
        %dma_start3A_481 = tpu.memref_slice %arg9[%add3A_201, %run_scoped3A_202, %dma_start3A_480] : memref<16x2x64xi32, #tpu.memory_space<vmem>> -> memref<1x1x64xi32, #tpu.memory_space<vmem>>
        %dma_start3A_482 = tpu.memref_squeeze %dma_start3A_481 : memref<1x1x64xi32, #tpu.memory_space<vmem>> -> memref<64xi32, #tpu.memory_space<vmem>>
        %dma_start3A_483 = arith.constant 0 : i32
        %dma_start3A_484 = arith.constant 0 : i32
        %dma_start3A_485 = tpu.memref_slice %arg7[%dma_start3A_483, %dma_start3A_484] : memref<10112x128xf32, #tpu.memory_space<vmem_shared>> -> memref<10112x128xf32, #tpu.memory_space<vmem_shared>>
        tpu.enqueue_indirect_dma source(%dma_start3A_479 : memref<64x128xf32, #tpu.memory_space<vmem>>) target(%dma_start3A_485 : memref<10112x128xf32, #tpu.memory_space<vmem_shared>>) offsets(%dma_start3A_482 : memref<64xi32, #tpu.memory_space<vmem>>) semaphore(%run_scoped3A_476 : memref<!tpu.dma_semaphore, #tpu.memory_space<semaphore_mem>>) {add = true}
        %dma_wait3A_486 = arith.constant 0 : i32
        %dma_wait3A_487 = arith.constant 0 : i32
        %dma_wait3A_488 = tpu.memref_slice %arg10[%dma_wait3A_486, %dma_wait3A_487] : memref<256x128xf32, #tpu.memory_space<vmem>> -> memref<64x128xf32, #tpu.memory_space<vmem>>
        %dma_wait3A_489 = arith.constant 0 : i32
        %dma_wait3A_490 = tpu.memref_slice %arg9[%add3A_201, %run_scoped3A_202, %dma_wait3A_489] : memref<16x2x64xi32, #tpu.memory_space<vmem>> -> memref<1x1x64xi32, #tpu.memory_space<vmem>>
        %dma_wait3A_491 = tpu.memref_squeeze %dma_wait3A_490 : memref<1x1x64xi32, #tpu.memory_space<vmem>> -> memref<64xi32, #tpu.memory_space<vmem>>
        %dma_wait3A_492 = arith.constant 0 : i32
        %dma_wait3A_493 = arith.constant 0 : i32
        %dma_wait3A_494 = tpu.memref_slice %arg7[%dma_wait3A_492, %dma_wait3A_493] : memref<10112x128xf32, #tpu.memory_space<vmem_shared>> -> memref<10112x128xf32, #tpu.memory_space<vmem_shared>>
        tpu.wait_indirect_dma semaphore(%run_scoped3A_476 : memref<!tpu.dma_semaphore, #tpu.memory_space<semaphore_mem>>) src(%dma_wait3A_488 : memref<64x128xf32, #tpu.memory_space<vmem>>) dst(%dma_wait3A_494 : memref<10112x128xf32, #tpu.memory_space<vmem_shared>>)
        tpu.yield
      }) : () -> ()
      %add3A_203 = arith.constant 2 : i32
      %add3A_204 = arith.addi %mul3A_56, %add3A_203 : i32
      %dma_wait3A_205 = arith.constant 1 : i32
      %dma_wait3A_206 = arith.constant 64 : i32
      %dma_wait3A_207 = arith.constant 0 : i32
      %dma_wait3A_208 = tpu.memref_slice %arg10[%dma_wait3A_206, %dma_wait3A_207] : memref<256x128xf32, #tpu.memory_space<vmem>> -> memref<64x128xf32, #tpu.memory_space<vmem>>
      %dma_wait3A_209 = arith.constant 0 : i32
      %dma_wait3A_210 = tpu.memref_slice %arg8[%add3A_204, %dma_wait3A_205, %dma_wait3A_209] : memref<16x2x64xi32, #tpu.memory_space<vmem>> -> memref<1x1x64xi32, #tpu.memory_space<vmem>>
      %dma_wait3A_211 = tpu.memref_squeeze %dma_wait3A_210 : memref<1x1x64xi32, #tpu.memory_space<vmem>> -> memref<64xi32, #tpu.memory_space<vmem>>
      %dma_wait3A_212 = arith.constant 0 : i32
      %dma_wait3A_213 = arith.constant 0 : i32
      %dma_wait3A_214 = tpu.memref_slice %arg2[%dma_wait3A_212, %dma_wait3A_213] : memref<10112x128xf32, #tpu.memory_space<hbm>> -> memref<10112x128xf32, #tpu.memory_space<hbm>>
      tpu.wait_indirect_dma semaphore(%arg11 : memref<!tpu.dma_semaphore, #tpu.memory_space<semaphore_mem>>) src(%dma_wait3A_214 : memref<10112x128xf32, #tpu.memory_space<hbm>>) dst(%dma_wait3A_208 : memref<64x128xf32, #tpu.memory_space<vmem>>)
      %add3A_215 = arith.constant 4 : i32
      %add3A_216 = arith.addi %mul3A_56, %add3A_215 : i32
      %dma_start3A_217 = arith.constant 0 : i32
      %dma_start3A_218 = arith.constant 0 : i32
      %dma_start3A_219 = arith.constant 0 : i32
      %dma_start3A_220 = tpu.memref_slice %arg10[%dma_start3A_218, %dma_start3A_219] : memref<256x128xf32, #tpu.memory_space<vmem>> -> memref<64x128xf32, #tpu.memory_space<vmem>>
      %dma_start3A_221 = arith.constant 0 : i32
      %dma_start3A_222 = tpu.memref_slice %arg8[%add3A_216, %dma_start3A_217, %dma_start3A_221] : memref<16x2x64xi32, #tpu.memory_space<vmem>> -> memref<1x1x64xi32, #tpu.memory_space<vmem>>
      %dma_start3A_223 = tpu.memref_squeeze %dma_start3A_222 : memref<1x1x64xi32, #tpu.memory_space<vmem>> -> memref<64xi32, #tpu.memory_space<vmem>>
      %dma_start3A_224 = arith.constant 0 : i32
      %dma_start3A_225 = arith.constant 0 : i32
      %dma_start3A_226 = tpu.memref_slice %arg2[%dma_start3A_224, %dma_start3A_225] : memref<10112x128xf32, #tpu.memory_space<hbm>> -> memref<10112x128xf32, #tpu.memory_space<hbm>>
      tpu.enqueue_indirect_dma source(%dma_start3A_226 : memref<10112x128xf32, #tpu.memory_space<hbm>>) target(%dma_start3A_220 : memref<64x128xf32, #tpu.memory_space<vmem>>) offsets(%dma_start3A_223 : memref<64xi32, #tpu.memory_space<vmem>>) semaphore(%arg11 : memref<!tpu.dma_semaphore, #tpu.memory_space<semaphore_mem>>)
      %add3A_227 = arith.constant 2 : i32
      %add3A_228 = arith.addi %mul3A_56, %add3A_227 : i32
      %run_scoped3A_229 = arith.constant 1 : i32
      "tpu.region"() ({
        %run_scoped3A_476 = tpu.sem_alloc : memref<!tpu.dma_semaphore, #tpu.memory_space<semaphore_mem>>
        %dma_start3A_477 = arith.constant 64 : i32
        %dma_start3A_478 = arith.constant 0 : i32
        %dma_start3A_479 = tpu.memref_slice %arg10[%dma_start3A_477, %dma_start3A_478] : memref<256x128xf32, #tpu.memory_space<vmem>> -> memref<64x128xf32, #tpu.memory_space<vmem>>
        %dma_start3A_480 = arith.constant 0 : i32
        %dma_start3A_481 = tpu.memref_slice %arg9[%add3A_228, %run_scoped3A_229, %dma_start3A_480] : memref<16x2x64xi32, #tpu.memory_space<vmem>> -> memref<1x1x64xi32, #tpu.memory_space<vmem>>
        %dma_start3A_482 = tpu.memref_squeeze %dma_start3A_481 : memref<1x1x64xi32, #tpu.memory_space<vmem>> -> memref<64xi32, #tpu.memory_space<vmem>>
        %dma_start3A_483 = arith.constant 0 : i32
        %dma_start3A_484 = arith.constant 0 : i32
        %dma_start3A_485 = tpu.memref_slice %arg7[%dma_start3A_483, %dma_start3A_484] : memref<10112x128xf32, #tpu.memory_space<vmem_shared>> -> memref<10112x128xf32, #tpu.memory_space<vmem_shared>>
        tpu.enqueue_indirect_dma source(%dma_start3A_479 : memref<64x128xf32, #tpu.memory_space<vmem>>) target(%dma_start3A_485 : memref<10112x128xf32, #tpu.memory_space<vmem_shared>>) offsets(%dma_start3A_482 : memref<64xi32, #tpu.memory_space<vmem>>) semaphore(%run_scoped3A_476 : memref<!tpu.dma_semaphore, #tpu.memory_space<semaphore_mem>>) {add = true}
        %dma_wait3A_486 = arith.constant 64 : i32
        %dma_wait3A_487 = arith.constant 0 : i32
        %dma_wait3A_488 = tpu.memref_slice %arg10[%dma_wait3A_486, %dma_wait3A_487] : memref<256x128xf32, #tpu.memory_space<vmem>> -> memref<64x128xf32, #tpu.memory_space<vmem>>
        %dma_wait3A_489 = arith.constant 0 : i32
        %dma_wait3A_490 = tpu.memref_slice %arg9[%add3A_228, %run_scoped3A_229, %dma_wait3A_489] : memref<16x2x64xi32, #tpu.memory_space<vmem>> -> memref<1x1x64xi32, #tpu.memory_space<vmem>>
        %dma_wait3A_491 = tpu.memref_squeeze %dma_wait3A_490 : memref<1x1x64xi32, #tpu.memory_space<vmem>> -> memref<64xi32, #tpu.memory_space<vmem>>
        %dma_wait3A_492 = arith.constant 0 : i32
        %dma_wait3A_493 = arith.constant 0 : i32
        %dma_wait3A_494 = tpu.memref_slice %arg7[%dma_wait3A_492, %dma_wait3A_493] : memref<10112x128xf32, #tpu.memory_space<vmem_shared>> -> memref<10112x128xf32, #tpu.memory_space<vmem_shared>>
        tpu.wait_indirect_dma semaphore(%run_scoped3A_476 : memref<!tpu.dma_semaphore, #tpu.memory_space<semaphore_mem>>) src(%dma_wait3A_488 : memref<64x128xf32, #tpu.memory_space<vmem>>) dst(%dma_wait3A_494 : memref<10112x128xf32, #tpu.memory_space<vmem_shared>>)
        tpu.yield
      }) : () -> ()
      %add3A_230 = arith.constant 3 : i32
      %add3A_231 = arith.addi %mul3A_56, %add3A_230 : i32
      %dma_wait3A_232 = arith.constant 0 : i32
      %dma_wait3A_233 = arith.constant 128 : i32
      %dma_wait3A_234 = arith.constant 0 : i32
      %dma_wait3A_235 = tpu.memref_slice %arg10[%dma_wait3A_233, %dma_wait3A_234] : memref<256x128xf32, #tpu.memory_space<vmem>> -> memref<64x128xf32, #tpu.memory_space<vmem>>
      %dma_wait3A_236 = arith.constant 0 : i32
      %dma_wait3A_237 = tpu.memref_slice %arg8[%add3A_231, %dma_wait3A_232, %dma_wait3A_236] : memref<16x2x64xi32, #tpu.memory_space<vmem>> -> memref<1x1x64xi32, #tpu.memory_space<vmem>>
      %dma_wait3A_238 = tpu.memref_squeeze %dma_wait3A_237 : memref<1x1x64xi32, #tpu.memory_space<vmem>> -> memref<64xi32, #tpu.memory_space<vmem>>
      %dma_wait3A_239 = arith.constant 0 : i32
      %dma_wait3A_240 = arith.constant 0 : i32
      %dma_wait3A_241 = tpu.memref_slice %arg2[%dma_wait3A_239, %dma_wait3A_240] : memref<10112x128xf32, #tpu.memory_space<hbm>> -> memref<10112x128xf32, #tpu.memory_space<hbm>>
      tpu.wait_indirect_dma semaphore(%arg11 : memref<!tpu.dma_semaphore, #tpu.memory_space<semaphore_mem>>) src(%dma_wait3A_241 : memref<10112x128xf32, #tpu.memory_space<hbm>>) dst(%dma_wait3A_235 : memref<64x128xf32, #tpu.memory_space<vmem>>)
      %add3A_242 = arith.constant 4 : i32
      %add3A_243 = arith.addi %mul3A_56, %add3A_242 : i32
      %dma_start3A_244 = arith.constant 1 : i32
      %dma_start3A_245 = arith.constant 64 : i32
      %dma_start3A_246 = arith.constant 0 : i32
      %dma_start3A_247 = tpu.memref_slice %arg10[%dma_start3A_245, %dma_start3A_246] : memref<256x128xf32, #tpu.memory_space<vmem>> -> memref<64x128xf32, #tpu.memory_space<vmem>>
      %dma_start3A_248 = arith.constant 0 : i32
      %dma_start3A_249 = tpu.memref_slice %arg8[%add3A_243, %dma_start3A_244, %dma_start3A_248] : memref<16x2x64xi32, #tpu.memory_space<vmem>> -> memref<1x1x64xi32, #tpu.memory_space<vmem>>
      %dma_start3A_250 = tpu.memref_squeeze %dma_start3A_249 : memref<1x1x64xi32, #tpu.memory_space<vmem>> -> memref<64xi32, #tpu.memory_space<vmem>>
      %dma_start3A_251 = arith.constant 0 : i32
      %dma_start3A_252 = arith.constant 0 : i32
      %dma_start3A_253 = tpu.memref_slice %arg2[%dma_start3A_251, %dma_start3A_252] : memref<10112x128xf32, #tpu.memory_space<hbm>> -> memref<10112x128xf32, #tpu.memory_space<hbm>>
      tpu.enqueue_indirect_dma source(%dma_start3A_253 : memref<10112x128xf32, #tpu.memory_space<hbm>>) target(%dma_start3A_247 : memref<64x128xf32, #tpu.memory_space<vmem>>) offsets(%dma_start3A_250 : memref<64xi32, #tpu.memory_space<vmem>>) semaphore(%arg11 : memref<!tpu.dma_semaphore, #tpu.memory_space<semaphore_mem>>)
      %add3A_254 = arith.constant 3 : i32
      %add3A_255 = arith.addi %mul3A_56, %add3A_254 : i32
      %run_scoped3A_256 = arith.constant 0 : i32
      "tpu.region"() ({
        %run_scoped3A_476 = tpu.sem_alloc : memref<!tpu.dma_semaphore, #tpu.memory_space<semaphore_mem>>
        %dma_start3A_477 = arith.constant 128 : i32
        %dma_start3A_478 = arith.constant 0 : i32
        %dma_start3A_479 = tpu.memref_slice %arg10[%dma_start3A_477, %dma_start3A_478] : memref<256x128xf32, #tpu.memory_space<vmem>> -> memref<64x128xf32, #tpu.memory_space<vmem>>
        %dma_start3A_480 = arith.constant 0 : i32
        %dma_start3A_481 = tpu.memref_slice %arg9[%add3A_255, %run_scoped3A_256, %dma_start3A_480] : memref<16x2x64xi32, #tpu.memory_space<vmem>> -> memref<1x1x64xi32, #tpu.memory_space<vmem>>
        %dma_start3A_482 = tpu.memref_squeeze %dma_start3A_481 : memref<1x1x64xi32, #tpu.memory_space<vmem>> -> memref<64xi32, #tpu.memory_space<vmem>>
        %dma_start3A_483 = arith.constant 0 : i32
        %dma_start3A_484 = arith.constant 0 : i32
        %dma_start3A_485 = tpu.memref_slice %arg7[%dma_start3A_483, %dma_start3A_484] : memref<10112x128xf32, #tpu.memory_space<vmem_shared>> -> memref<10112x128xf32, #tpu.memory_space<vmem_shared>>
        tpu.enqueue_indirect_dma source(%dma_start3A_479 : memref<64x128xf32, #tpu.memory_space<vmem>>) target(%dma_start3A_485 : memref<10112x128xf32, #tpu.memory_space<vmem_shared>>) offsets(%dma_start3A_482 : memref<64xi32, #tpu.memory_space<vmem>>) semaphore(%run_scoped3A_476 : memref<!tpu.dma_semaphore, #tpu.memory_space<semaphore_mem>>) {add = true}
        %dma_wait3A_486 = arith.constant 128 : i32
        %dma_wait3A_487 = arith.constant 0 : i32
        %dma_wait3A_488 = tpu.memref_slice %arg10[%dma_wait3A_486, %dma_wait3A_487] : memref<256x128xf32, #tpu.memory_space<vmem>> -> memref<64x128xf32, #tpu.memory_space<vmem>>
        %dma_wait3A_489 = arith.constant 0 : i32
        %dma_wait3A_490 = tpu.memref_slice %arg9[%add3A_255, %run_scoped3A_256, %dma_wait3A_489] : memref<16x2x64xi32, #tpu.memory_space<vmem>> -> memref<1x1x64xi32, #tpu.memory_space<vmem>>
        %dma_wait3A_491 = tpu.memref_squeeze %dma_wait3A_490 : memref<1x1x64xi32, #tpu.memory_space<vmem>> -> memref<64xi32, #tpu.memory_space<vmem>>
        %dma_wait3A_492 = arith.constant 0 : i32
        %dma_wait3A_493 = arith.constant 0 : i32
        %dma_wait3A_494 = tpu.memref_slice %arg7[%dma_wait3A_492, %dma_wait3A_493] : memref<10112x128xf32, #tpu.memory_space<vmem_shared>> -> memref<10112x128xf32, #tpu.memory_space<vmem_shared>>
        tpu.wait_indirect_dma semaphore(%run_scoped3A_476 : memref<!tpu.dma_semaphore, #tpu.memory_space<semaphore_mem>>) src(%dma_wait3A_488 : memref<64x128xf32, #tpu.memory_space<vmem>>) dst(%dma_wait3A_494 : memref<10112x128xf32, #tpu.memory_space<vmem_shared>>)
        tpu.yield
      }) : () -> ()
      %add3A_257 = arith.constant 3 : i32
      %add3A_258 = arith.addi %mul3A_56, %add3A_257 : i32
      %dma_wait3A_259 = arith.constant 1 : i32
      %dma_wait3A_260 = arith.constant 192 : i32
      %dma_wait3A_261 = arith.constant 0 : i32
      %dma_wait3A_262 = tpu.memref_slice %arg10[%dma_wait3A_260, %dma_wait3A_261] : memref<256x128xf32, #tpu.memory_space<vmem>> -> memref<64x128xf32, #tpu.memory_space<vmem>>
      %dma_wait3A_263 = arith.constant 0 : i32
      %dma_wait3A_264 = tpu.memref_slice %arg8[%add3A_258, %dma_wait3A_259, %dma_wait3A_263] : memref<16x2x64xi32, #tpu.memory_space<vmem>> -> memref<1x1x64xi32, #tpu.memory_space<vmem>>
      %dma_wait3A_265 = tpu.memref_squeeze %dma_wait3A_264 : memref<1x1x64xi32, #tpu.memory_space<vmem>> -> memref<64xi32, #tpu.memory_space<vmem>>
      %dma_wait3A_266 = arith.constant 0 : i32
      %dma_wait3A_267 = arith.constant 0 : i32
      %dma_wait3A_268 = tpu.memref_slice %arg2[%dma_wait3A_266, %dma_wait3A_267] : memref<10112x128xf32, #tpu.memory_space<hbm>> -> memref<10112x128xf32, #tpu.memory_space<hbm>>
      tpu.wait_indirect_dma semaphore(%arg11 : memref<!tpu.dma_semaphore, #tpu.memory_space<semaphore_mem>>) src(%dma_wait3A_268 : memref<10112x128xf32, #tpu.memory_space<hbm>>) dst(%dma_wait3A_262 : memref<64x128xf32, #tpu.memory_space<vmem>>)
      %add3A_269 = arith.constant 5 : i32
      %add3A_270 = arith.addi %mul3A_56, %add3A_269 : i32
      %dma_start3A_271 = arith.constant 0 : i32
      %dma_start3A_272 = arith.constant 128 : i32
      %dma_start3A_273 = arith.constant 0 : i32
      %dma_start3A_274 = tpu.memref_slice %arg10[%dma_start3A_272, %dma_start3A_273] : memref<256x128xf32, #tpu.memory_space<vmem>> -> memref<64x128xf32, #tpu.memory_space<vmem>>
      %dma_start3A_275 = arith.constant 0 : i32
      %dma_start3A_276 = tpu.memref_slice %arg8[%add3A_270, %dma_start3A_271, %dma_start3A_275] : memref<16x2x64xi32, #tpu.memory_space<vmem>> -> memref<1x1x64xi32, #tpu.memory_space<vmem>>
      %dma_start3A_277 = tpu.memref_squeeze %dma_start3A_276 : memref<1x1x64xi32, #tpu.memory_space<vmem>> -> memref<64xi32, #tpu.memory_space<vmem>>
      %dma_start3A_278 = arith.constant 0 : i32
      %dma_start3A_279 = arith.constant 0 : i32
      %dma_start3A_280 = tpu.memref_slice %arg2[%dma_start3A_278, %dma_start3A_279] : memref<10112x128xf32, #tpu.memory_space<hbm>> -> memref<10112x128xf32, #tpu.memory_space<hbm>>
      tpu.enqueue_indirect_dma source(%dma_start3A_280 : memref<10112x128xf32, #tpu.memory_space<hbm>>) target(%dma_start3A_274 : memref<64x128xf32, #tpu.memory_space<vmem>>) offsets(%dma_start3A_277 : memref<64xi32, #tpu.memory_space<vmem>>) semaphore(%arg11 : memref<!tpu.dma_semaphore, #tpu.memory_space<semaphore_mem>>)
      %add3A_281 = arith.constant 3 : i32
      %add3A_282 = arith.addi %mul3A_56, %add3A_281 : i32
      %run_scoped3A_283 = arith.constant 1 : i32
      "tpu.region"() ({
        %run_scoped3A_476 = tpu.sem_alloc : memref<!tpu.dma_semaphore, #tpu.memory_space<semaphore_mem>>
        %dma_start3A_477 = arith.constant 192 : i32
        %dma_start3A_478 = arith.constant 0 : i32
        %dma_start3A_479 = tpu.memref_slice %arg10[%dma_start3A_477, %dma_start3A_478] : memref<256x128xf32, #tpu.memory_space<vmem>> -> memref<64x128xf32, #tpu.memory_space<vmem>>
        %dma_start3A_480 = arith.constant 0 : i32
        %dma_start3A_481 = tpu.memref_slice %arg9[%add3A_282, %run_scoped3A_283, %dma_start3A_480] : memref<16x2x64xi32, #tpu.memory_space<vmem>> -> memref<1x1x64xi32, #tpu.memory_space<vmem>>
        %dma_start3A_482 = tpu.memref_squeeze %dma_start3A_481 : memref<1x1x64xi32, #tpu.memory_space<vmem>> -> memref<64xi32, #tpu.memory_space<vmem>>
        %dma_start3A_483 = arith.constant 0 : i32
        %dma_start3A_484 = arith.constant 0 : i32
        %dma_start3A_485 = tpu.memref_slice %arg7[%dma_start3A_483, %dma_start3A_484] : memref<10112x128xf32, #tpu.memory_space<vmem_shared>> -> memref<10112x128xf32, #tpu.memory_space<vmem_shared>>
        tpu.enqueue_indirect_dma source(%dma_start3A_479 : memref<64x128xf32, #tpu.memory_space<vmem>>) target(%dma_start3A_485 : memref<10112x128xf32, #tpu.memory_space<vmem_shared>>) offsets(%dma_start3A_482 : memref<64xi32, #tpu.memory_space<vmem>>) semaphore(%run_scoped3A_476 : memref<!tpu.dma_semaphore, #tpu.memory_space<semaphore_mem>>) {add = true}
        %dma_wait3A_486 = arith.constant 192 : i32
        %dma_wait3A_487 = arith.constant 0 : i32
        %dma_wait3A_488 = tpu.memref_slice %arg10[%dma_wait3A_486, %dma_wait3A_487] : memref<256x128xf32, #tpu.memory_space<vmem>> -> memref<64x128xf32, #tpu.memory_space<vmem>>
        %dma_wait3A_489 = arith.constant 0 : i32
        %dma_wait3A_490 = tpu.memref_slice %arg9[%add3A_282, %run_scoped3A_283, %dma_wait3A_489] : memref<16x2x64xi32, #tpu.memory_space<vmem>> -> memref<1x1x64xi32, #tpu.memory_space<vmem>>
        %dma_wait3A_491 = tpu.memref_squeeze %dma_wait3A_490 : memref<1x1x64xi32, #tpu.memory_space<vmem>> -> memref<64xi32, #tpu.memory_space<vmem>>
        %dma_wait3A_492 = arith.constant 0 : i32
        %dma_wait3A_493 = arith.constant 0 : i32
        %dma_wait3A_494 = tpu.memref_slice %arg7[%dma_wait3A_492, %dma_wait3A_493] : memref<10112x128xf32, #tpu.memory_space<vmem_shared>> -> memref<10112x128xf32, #tpu.memory_space<vmem_shared>>
        tpu.wait_indirect_dma semaphore(%run_scoped3A_476 : memref<!tpu.dma_semaphore, #tpu.memory_space<semaphore_mem>>) src(%dma_wait3A_488 : memref<64x128xf32, #tpu.memory_space<vmem>>) dst(%dma_wait3A_494 : memref<10112x128xf32, #tpu.memory_space<vmem_shared>>)
        tpu.yield
      }) : () -> ()
      %add3A_284 = arith.constant 4 : i32
      %add3A_285 = arith.addi %mul3A_56, %add3A_284 : i32
      %dma_wait3A_286 = arith.constant 0 : i32
      %dma_wait3A_287 = arith.constant 0 : i32
      %dma_wait3A_288 = arith.constant 0 : i32
      %dma_wait3A_289 = tpu.memref_slice %arg10[%dma_wait3A_287, %dma_wait3A_288] : memref<256x128xf32, #tpu.memory_space<vmem>> -> memref<64x128xf32, #tpu.memory_space<vmem>>
      %dma_wait3A_290 = arith.constant 0 : i32
      %dma_wait3A_291 = tpu.memref_slice %arg8[%add3A_285, %dma_wait3A_286, %dma_wait3A_290] : memref<16x2x64xi32, #tpu.memory_space<vmem>> -> memref<1x1x64xi32, #tpu.memory_space<vmem>>
      %dma_wait3A_292 = tpu.memref_squeeze %dma_wait3A_291 : memref<1x1x64xi32, #tpu.memory_space<vmem>> -> memref<64xi32, #tpu.memory_space<vmem>>
      %dma_wait3A_293 = arith.constant 0 : i32
      %dma_wait3A_294 = arith.constant 0 : i32
      %dma_wait3A_295 = tpu.memref_slice %arg2[%dma_wait3A_293, %dma_wait3A_294] : memref<10112x128xf32, #tpu.memory_space<hbm>> -> memref<10112x128xf32, #tpu.memory_space<hbm>>
      tpu.wait_indirect_dma semaphore(%arg11 : memref<!tpu.dma_semaphore, #tpu.memory_space<semaphore_mem>>) src(%dma_wait3A_295 : memref<10112x128xf32, #tpu.memory_space<hbm>>) dst(%dma_wait3A_289 : memref<64x128xf32, #tpu.memory_space<vmem>>)
      %add3A_296 = arith.constant 5 : i32
      %add3A_297 = arith.addi %mul3A_56, %add3A_296 : i32
      %dma_start3A_298 = arith.constant 1 : i32
      %dma_start3A_299 = arith.constant 192 : i32
      %dma_start3A_300 = arith.constant 0 : i32
      %dma_start3A_301 = tpu.memref_slice %arg10[%dma_start3A_299, %dma_start3A_300] : memref<256x128xf32, #tpu.memory_space<vmem>> -> memref<64x128xf32, #tpu.memory_space<vmem>>
      %dma_start3A_302 = arith.constant 0 : i32
      %dma_start3A_303 = tpu.memref_slice %arg8[%add3A_297, %dma_start3A_298, %dma_start3A_302] : memref<16x2x64xi32, #tpu.memory_space<vmem>> -> memref<1x1x64xi32, #tpu.memory_space<vmem>>
      %dma_start3A_304 = tpu.memref_squeeze %dma_start3A_303 : memref<1x1x64xi32, #tpu.memory_space<vmem>> -> memref<64xi32, #tpu.memory_space<vmem>>
      %dma_start3A_305 = arith.constant 0 : i32
      %dma_start3A_306 = arith.constant 0 : i32
      %dma_start3A_307 = tpu.memref_slice %arg2[%dma_start3A_305, %dma_start3A_306] : memref<10112x128xf32, #tpu.memory_space<hbm>> -> memref<10112x128xf32, #tpu.memory_space<hbm>>
      tpu.enqueue_indirect_dma source(%dma_start3A_307 : memref<10112x128xf32, #tpu.memory_space<hbm>>) target(%dma_start3A_301 : memref<64x128xf32, #tpu.memory_space<vmem>>) offsets(%dma_start3A_304 : memref<64xi32, #tpu.memory_space<vmem>>) semaphore(%arg11 : memref<!tpu.dma_semaphore, #tpu.memory_space<semaphore_mem>>)
      %add3A_308 = arith.constant 4 : i32
      %add3A_309 = arith.addi %mul3A_56, %add3A_308 : i32
      %run_scoped3A_310 = arith.constant 0 : i32
      "tpu.region"() ({
        %run_scoped3A_476 = tpu.sem_alloc : memref<!tpu.dma_semaphore, #tpu.memory_space<semaphore_mem>>
        %dma_start3A_477 = arith.constant 0 : i32
        %dma_start3A_478 = arith.constant 0 : i32
        %dma_start3A_479 = tpu.memref_slice %arg10[%dma_start3A_477, %dma_start3A_478] : memref<256x128xf32, #tpu.memory_space<vmem>> -> memref<64x128xf32, #tpu.memory_space<vmem>>
        %dma_start3A_480 = arith.constant 0 : i32
        %dma_start3A_481 = tpu.memref_slice %arg9[%add3A_309, %run_scoped3A_310, %dma_start3A_480] : memref<16x2x64xi32, #tpu.memory_space<vmem>> -> memref<1x1x64xi32, #tpu.memory_space<vmem>>
        %dma_start3A_482 = tpu.memref_squeeze %dma_start3A_481 : memref<1x1x64xi32, #tpu.memory_space<vmem>> -> memref<64xi32, #tpu.memory_space<vmem>>
        %dma_start3A_483 = arith.constant 0 : i32
        %dma_start3A_484 = arith.constant 0 : i32
        %dma_start3A_485 = tpu.memref_slice %arg7[%dma_start3A_483, %dma_start3A_484] : memref<10112x128xf32, #tpu.memory_space<vmem_shared>> -> memref<10112x128xf32, #tpu.memory_space<vmem_shared>>
        tpu.enqueue_indirect_dma source(%dma_start3A_479 : memref<64x128xf32, #tpu.memory_space<vmem>>) target(%dma_start3A_485 : memref<10112x128xf32, #tpu.memory_space<vmem_shared>>) offsets(%dma_start3A_482 : memref<64xi32, #tpu.memory_space<vmem>>) semaphore(%run_scoped3A_476 : memref<!tpu.dma_semaphore, #tpu.memory_space<semaphore_mem>>) {add = true}
        %dma_wait3A_486 = arith.constant 0 : i32
        %dma_wait3A_487 = arith.constant 0 : i32
        %dma_wait3A_488 = tpu.memref_slice %arg10[%dma_wait3A_486, %dma_wait3A_487] : memref<256x128xf32, #tpu.memory_space<vmem>> -> memref<64x128xf32, #tpu.memory_space<vmem>>
        %dma_wait3A_489 = arith.constant 0 : i32
        %dma_wait3A_490 = tpu.memref_slice %arg9[%add3A_309, %run_scoped3A_310, %dma_wait3A_489] : memref<16x2x64xi32, #tpu.memory_space<vmem>> -> memref<1x1x64xi32, #tpu.memory_space<vmem>>
        %dma_wait3A_491 = tpu.memref_squeeze %dma_wait3A_490 : memref<1x1x64xi32, #tpu.memory_space<vmem>> -> memref<64xi32, #tpu.memory_space<vmem>>
        %dma_wait3A_492 = arith.constant 0 : i32
        %dma_wait3A_493 = arith.constant 0 : i32
        %dma_wait3A_494 = tpu.memref_slice %arg7[%dma_wait3A_492, %dma_wait3A_493] : memref<10112x128xf32, #tpu.memory_space<vmem_shared>> -> memref<10112x128xf32, #tpu.memory_space<vmem_shared>>
        tpu.wait_indirect_dma semaphore(%run_scoped3A_476 : memref<!tpu.dma_semaphore, #tpu.memory_space<semaphore_mem>>) src(%dma_wait3A_488 : memref<64x128xf32, #tpu.memory_space<vmem>>) dst(%dma_wait3A_494 : memref<10112x128xf32, #tpu.memory_space<vmem_shared>>)
        tpu.yield
      }) : () -> ()
      %add3A_311 = arith.constant 4 : i32
      %add3A_312 = arith.addi %mul3A_56, %add3A_311 : i32
      %dma_wait3A_313 = arith.constant 1 : i32
      %dma_wait3A_314 = arith.constant 64 : i32
      %dma_wait3A_315 = arith.constant 0 : i32
      %dma_wait3A_316 = tpu.memref_slice %arg10[%dma_wait3A_314, %dma_wait3A_315] : memref<256x128xf32, #tpu.memory_space<vmem>> -> memref<64x128xf32, #tpu.memory_space<vmem>>
      %dma_wait3A_317 = arith.constant 0 : i32
      %dma_wait3A_318 = tpu.memref_slice %arg8[%add3A_312, %dma_wait3A_313, %dma_wait3A_317] : memref<16x2x64xi32, #tpu.memory_space<vmem>> -> memref<1x1x64xi32, #tpu.memory_space<vmem>>
      %dma_wait3A_319 = tpu.memref_squeeze %dma_wait3A_318 : memref<1x1x64xi32, #tpu.memory_space<vmem>> -> memref<64xi32, #tpu.memory_space<vmem>>
      %dma_wait3A_320 = arith.constant 0 : i32
      %dma_wait3A_321 = arith.constant 0 : i32
      %dma_wait3A_322 = tpu.memref_slice %arg2[%dma_wait3A_320, %dma_wait3A_321] : memref<10112x128xf32, #tpu.memory_space<hbm>> -> memref<10112x128xf32, #tpu.memory_space<hbm>>
      tpu.wait_indirect_dma semaphore(%arg11 : memref<!tpu.dma_semaphore, #tpu.memory_space<semaphore_mem>>) src(%dma_wait3A_322 : memref<10112x128xf32, #tpu.memory_space<hbm>>) dst(%dma_wait3A_316 : memref<64x128xf32, #tpu.memory_space<vmem>>)
      %add3A_323 = arith.constant 6 : i32
      %add3A_324 = arith.addi %mul3A_56, %add3A_323 : i32
      %dma_start3A_325 = arith.constant 0 : i32
      %dma_start3A_326 = arith.constant 0 : i32
      %dma_start3A_327 = arith.constant 0 : i32
      %dma_start3A_328 = tpu.memref_slice %arg10[%dma_start3A_326, %dma_start3A_327] : memref<256x128xf32, #tpu.memory_space<vmem>> -> memref<64x128xf32, #tpu.memory_space<vmem>>
      %dma_start3A_329 = arith.constant 0 : i32
      %dma_start3A_330 = tpu.memref_slice %arg8[%add3A_324, %dma_start3A_325, %dma_start3A_329] : memref<16x2x64xi32, #tpu.memory_space<vmem>> -> memref<1x1x64xi32, #tpu.memory_space<vmem>>
      %dma_start3A_331 = tpu.memref_squeeze %dma_start3A_330 : memref<1x1x64xi32, #tpu.memory_space<vmem>> -> memref<64xi32, #tpu.memory_space<vmem>>
      %dma_start3A_332 = arith.constant 0 : i32
      %dma_start3A_333 = arith.constant 0 : i32
      %dma_start3A_334 = tpu.memref_slice %arg2[%dma_start3A_332, %dma_start3A_333] : memref<10112x128xf32, #tpu.memory_space<hbm>> -> memref<10112x128xf32, #tpu.memory_space<hbm>>
      tpu.enqueue_indirect_dma source(%dma_start3A_334 : memref<10112x128xf32, #tpu.memory_space<hbm>>) target(%dma_start3A_328 : memref<64x128xf32, #tpu.memory_space<vmem>>) offsets(%dma_start3A_331 : memref<64xi32, #tpu.memory_space<vmem>>) semaphore(%arg11 : memref<!tpu.dma_semaphore, #tpu.memory_space<semaphore_mem>>)
      %add3A_335 = arith.constant 4 : i32
      %add3A_336 = arith.addi %mul3A_56, %add3A_335 : i32
      %run_scoped3A_337 = arith.constant 1 : i32
      "tpu.region"() ({
        %run_scoped3A_476 = tpu.sem_alloc : memref<!tpu.dma_semaphore, #tpu.memory_space<semaphore_mem>>
        %dma_start3A_477 = arith.constant 64 : i32
        %dma_start3A_478 = arith.constant 0 : i32
        %dma_start3A_479 = tpu.memref_slice %arg10[%dma_start3A_477, %dma_start3A_478] : memref<256x128xf32, #tpu.memory_space<vmem>> -> memref<64x128xf32, #tpu.memory_space<vmem>>
        %dma_start3A_480 = arith.constant 0 : i32
        %dma_start3A_481 = tpu.memref_slice %arg9[%add3A_336, %run_scoped3A_337, %dma_start3A_480] : memref<16x2x64xi32, #tpu.memory_space<vmem>> -> memref<1x1x64xi32, #tpu.memory_space<vmem>>
        %dma_start3A_482 = tpu.memref_squeeze %dma_start3A_481 : memref<1x1x64xi32, #tpu.memory_space<vmem>> -> memref<64xi32, #tpu.memory_space<vmem>>
        %dma_start3A_483 = arith.constant 0 : i32
        %dma_start3A_484 = arith.constant 0 : i32
        %dma_start3A_485 = tpu.memref_slice %arg7[%dma_start3A_483, %dma_start3A_484] : memref<10112x128xf32, #tpu.memory_space<vmem_shared>> -> memref<10112x128xf32, #tpu.memory_space<vmem_shared>>
        tpu.enqueue_indirect_dma source(%dma_start3A_479 : memref<64x128xf32, #tpu.memory_space<vmem>>) target(%dma_start3A_485 : memref<10112x128xf32, #tpu.memory_space<vmem_shared>>) offsets(%dma_start3A_482 : memref<64xi32, #tpu.memory_space<vmem>>) semaphore(%run_scoped3A_476 : memref<!tpu.dma_semaphore, #tpu.memory_space<semaphore_mem>>) {add = true}
        %dma_wait3A_486 = arith.constant 64 : i32
        %dma_wait3A_487 = arith.constant 0 : i32
        %dma_wait3A_488 = tpu.memref_slice %arg10[%dma_wait3A_486, %dma_wait3A_487] : memref<256x128xf32, #tpu.memory_space<vmem>> -> memref<64x128xf32, #tpu.memory_space<vmem>>
        %dma_wait3A_489 = arith.constant 0 : i32
        %dma_wait3A_490 = tpu.memref_slice %arg9[%add3A_336, %run_scoped3A_337, %dma_wait3A_489] : memref<16x2x64xi32, #tpu.memory_space<vmem>> -> memref<1x1x64xi32, #tpu.memory_space<vmem>>
        %dma_wait3A_491 = tpu.memref_squeeze %dma_wait3A_490 : memref<1x1x64xi32, #tpu.memory_space<vmem>> -> memref<64xi32, #tpu.memory_space<vmem>>
        %dma_wait3A_492 = arith.constant 0 : i32
        %dma_wait3A_493 = arith.constant 0 : i32
        %dma_wait3A_494 = tpu.memref_slice %arg7[%dma_wait3A_492, %dma_wait3A_493] : memref<10112x128xf32, #tpu.memory_space<vmem_shared>> -> memref<10112x128xf32, #tpu.memory_space<vmem_shared>>
        tpu.wait_indirect_dma semaphore(%run_scoped3A_476 : memref<!tpu.dma_semaphore, #tpu.memory_space<semaphore_mem>>) src(%dma_wait3A_488 : memref<64x128xf32, #tpu.memory_space<vmem>>) dst(%dma_wait3A_494 : memref<10112x128xf32, #tpu.memory_space<vmem_shared>>)
        tpu.yield
      }) : () -> ()
      %add3A_338 = arith.constant 5 : i32
      %add3A_339 = arith.addi %mul3A_56, %add3A_338 : i32
      %dma_wait3A_340 = arith.constant 0 : i32
      %dma_wait3A_341 = arith.constant 128 : i32
      %dma_wait3A_342 = arith.constant 0 : i32
      %dma_wait3A_343 = tpu.memref_slice %arg10[%dma_wait3A_341, %dma_wait3A_342] : memref<256x128xf32, #tpu.memory_space<vmem>> -> memref<64x128xf32, #tpu.memory_space<vmem>>
      %dma_wait3A_344 = arith.constant 0 : i32
      %dma_wait3A_345 = tpu.memref_slice %arg8[%add3A_339, %dma_wait3A_340, %dma_wait3A_344] : memref<16x2x64xi32, #tpu.memory_space<vmem>> -> memref<1x1x64xi32, #tpu.memory_space<vmem>>
      %dma_wait3A_346 = tpu.memref_squeeze %dma_wait3A_345 : memref<1x1x64xi32, #tpu.memory_space<vmem>> -> memref<64xi32, #tpu.memory_space<vmem>>
      %dma_wait3A_347 = arith.constant 0 : i32
      %dma_wait3A_348 = arith.constant 0 : i32
      %dma_wait3A_349 = tpu.memref_slice %arg2[%dma_wait3A_347, %dma_wait3A_348] : memref<10112x128xf32, #tpu.memory_space<hbm>> -> memref<10112x128xf32, #tpu.memory_space<hbm>>
      tpu.wait_indirect_dma semaphore(%arg11 : memref<!tpu.dma_semaphore, #tpu.memory_space<semaphore_mem>>) src(%dma_wait3A_349 : memref<10112x128xf32, #tpu.memory_space<hbm>>) dst(%dma_wait3A_343 : memref<64x128xf32, #tpu.memory_space<vmem>>)
      %add3A_350 = arith.constant 6 : i32
      %add3A_351 = arith.addi %mul3A_56, %add3A_350 : i32
      %dma_start3A_352 = arith.constant 1 : i32
      %dma_start3A_353 = arith.constant 64 : i32
      %dma_start3A_354 = arith.constant 0 : i32
      %dma_start3A_355 = tpu.memref_slice %arg10[%dma_start3A_353, %dma_start3A_354] : memref<256x128xf32, #tpu.memory_space<vmem>> -> memref<64x128xf32, #tpu.memory_space<vmem>>
      %dma_start3A_356 = arith.constant 0 : i32
      %dma_start3A_357 = tpu.memref_slice %arg8[%add3A_351, %dma_start3A_352, %dma_start3A_356] : memref<16x2x64xi32, #tpu.memory_space<vmem>> -> memref<1x1x64xi32, #tpu.memory_space<vmem>>
      %dma_start3A_358 = tpu.memref_squeeze %dma_start3A_357 : memref<1x1x64xi32, #tpu.memory_space<vmem>> -> memref<64xi32, #tpu.memory_space<vmem>>
      %dma_start3A_359 = arith.constant 0 : i32
      %dma_start3A_360 = arith.constant 0 : i32
      %dma_start3A_361 = tpu.memref_slice %arg2[%dma_start3A_359, %dma_start3A_360] : memref<10112x128xf32, #tpu.memory_space<hbm>> -> memref<10112x128xf32, #tpu.memory_space<hbm>>
      tpu.enqueue_indirect_dma source(%dma_start3A_361 : memref<10112x128xf32, #tpu.memory_space<hbm>>) target(%dma_start3A_355 : memref<64x128xf32, #tpu.memory_space<vmem>>) offsets(%dma_start3A_358 : memref<64xi32, #tpu.memory_space<vmem>>) semaphore(%arg11 : memref<!tpu.dma_semaphore, #tpu.memory_space<semaphore_mem>>)
      %add3A_362 = arith.constant 5 : i32
      %add3A_363 = arith.addi %mul3A_56, %add3A_362 : i32
      %run_scoped3A_364 = arith.constant 0 : i32
      "tpu.region"() ({
        %run_scoped3A_476 = tpu.sem_alloc : memref<!tpu.dma_semaphore, #tpu.memory_space<semaphore_mem>>
        %dma_start3A_477 = arith.constant 128 : i32
        %dma_start3A_478 = arith.constant 0 : i32
        %dma_start3A_479 = tpu.memref_slice %arg10[%dma_start3A_477, %dma_start3A_478] : memref<256x128xf32, #tpu.memory_space<vmem>> -> memref<64x128xf32, #tpu.memory_space<vmem>>
        %dma_start3A_480 = arith.constant 0 : i32
        %dma_start3A_481 = tpu.memref_slice %arg9[%add3A_363, %run_scoped3A_364, %dma_start3A_480] : memref<16x2x64xi32, #tpu.memory_space<vmem>> -> memref<1x1x64xi32, #tpu.memory_space<vmem>>
        %dma_start3A_482 = tpu.memref_squeeze %dma_start3A_481 : memref<1x1x64xi32, #tpu.memory_space<vmem>> -> memref<64xi32, #tpu.memory_space<vmem>>
        %dma_start3A_483 = arith.constant 0 : i32
        %dma_start3A_484 = arith.constant 0 : i32
        %dma_start3A_485 = tpu.memref_slice %arg7[%dma_start3A_483, %dma_start3A_484] : memref<10112x128xf32, #tpu.memory_space<vmem_shared>> -> memref<10112x128xf32, #tpu.memory_space<vmem_shared>>
        tpu.enqueue_indirect_dma source(%dma_start3A_479 : memref<64x128xf32, #tpu.memory_space<vmem>>) target(%dma_start3A_485 : memref<10112x128xf32, #tpu.memory_space<vmem_shared>>) offsets(%dma_start3A_482 : memref<64xi32, #tpu.memory_space<vmem>>) semaphore(%run_scoped3A_476 : memref<!tpu.dma_semaphore, #tpu.memory_space<semaphore_mem>>) {add = true}
        %dma_wait3A_486 = arith.constant 128 : i32
        %dma_wait3A_487 = arith.constant 0 : i32
        %dma_wait3A_488 = tpu.memref_slice %arg10[%dma_wait3A_486, %dma_wait3A_487] : memref<256x128xf32, #tpu.memory_space<vmem>> -> memref<64x128xf32, #tpu.memory_space<vmem>>
        %dma_wait3A_489 = arith.constant 0 : i32
        %dma_wait3A_490 = tpu.memref_slice %arg9[%add3A_363, %run_scoped3A_364, %dma_wait3A_489] : memref<16x2x64xi32, #tpu.memory_space<vmem>> -> memref<1x1x64xi32, #tpu.memory_space<vmem>>
        %dma_wait3A_491 = tpu.memref_squeeze %dma_wait3A_490 : memref<1x1x64xi32, #tpu.memory_space<vmem>> -> memref<64xi32, #tpu.memory_space<vmem>>
        %dma_wait3A_492 = arith.constant 0 : i32
        %dma_wait3A_493 = arith.constant 0 : i32
        %dma_wait3A_494 = tpu.memref_slice %arg7[%dma_wait3A_492, %dma_wait3A_493] : memref<10112x128xf32, #tpu.memory_space<vmem_shared>> -> memref<10112x128xf32, #tpu.memory_space<vmem_shared>>
        tpu.wait_indirect_dma semaphore(%run_scoped3A_476 : memref<!tpu.dma_semaphore, #tpu.memory_space<semaphore_mem>>) src(%dma_wait3A_488 : memref<64x128xf32, #tpu.memory_space<vmem>>) dst(%dma_wait3A_494 : memref<10112x128xf32, #tpu.memory_space<vmem_shared>>)
        tpu.yield
      }) : () -> ()
      %add3A_365 = arith.constant 5 : i32
      %add3A_366 = arith.addi %mul3A_56, %add3A_365 : i32
      %dma_wait3A_367 = arith.constant 1 : i32
      %dma_wait3A_368 = arith.constant 192 : i32
      %dma_wait3A_369 = arith.constant 0 : i32
      %dma_wait3A_370 = tpu.memref_slice %arg10[%dma_wait3A_368, %dma_wait3A_369] : memref<256x128xf32, #tpu.memory_space<vmem>> -> memref<64x128xf32, #tpu.memory_space<vmem>>
      %dma_wait3A_371 = arith.constant 0 : i32
      %dma_wait3A_372 = tpu.memref_slice %arg8[%add3A_366, %dma_wait3A_367, %dma_wait3A_371] : memref<16x2x64xi32, #tpu.memory_space<vmem>> -> memref<1x1x64xi32, #tpu.memory_space<vmem>>
      %dma_wait3A_373 = tpu.memref_squeeze %dma_wait3A_372 : memref<1x1x64xi32, #tpu.memory_space<vmem>> -> memref<64xi32, #tpu.memory_space<vmem>>
      %dma_wait3A_374 = arith.constant 0 : i32
      %dma_wait3A_375 = arith.constant 0 : i32
      %dma_wait3A_376 = tpu.memref_slice %arg2[%dma_wait3A_374, %dma_wait3A_375] : memref<10112x128xf32, #tpu.memory_space<hbm>> -> memref<10112x128xf32, #tpu.memory_space<hbm>>
      tpu.wait_indirect_dma semaphore(%arg11 : memref<!tpu.dma_semaphore, #tpu.memory_space<semaphore_mem>>) src(%dma_wait3A_376 : memref<10112x128xf32, #tpu.memory_space<hbm>>) dst(%dma_wait3A_370 : memref<64x128xf32, #tpu.memory_space<vmem>>)
      %add3A_377 = arith.constant 7 : i32
      %add3A_378 = arith.addi %mul3A_56, %add3A_377 : i32
      %dma_start3A_379 = arith.constant 0 : i32
      %dma_start3A_380 = arith.constant 128 : i32
      %dma_start3A_381 = arith.constant 0 : i32
      %dma_start3A_382 = tpu.memref_slice %arg10[%dma_start3A_380, %dma_start3A_381] : memref<256x128xf32, #tpu.memory_space<vmem>> -> memref<64x128xf32, #tpu.memory_space<vmem>>
      %dma_start3A_383 = arith.constant 0 : i32
      %dma_start3A_384 = tpu.memref_slice %arg8[%add3A_378, %dma_start3A_379, %dma_start3A_383] : memref<16x2x64xi32, #tpu.memory_space<vmem>> -> memref<1x1x64xi32, #tpu.memory_space<vmem>>
      %dma_start3A_385 = tpu.memref_squeeze %dma_start3A_384 : memref<1x1x64xi32, #tpu.memory_space<vmem>> -> memref<64xi32, #tpu.memory_space<vmem>>
      %dma_start3A_386 = arith.constant 0 : i32
      %dma_start3A_387 = arith.constant 0 : i32
      %dma_start3A_388 = tpu.memref_slice %arg2[%dma_start3A_386, %dma_start3A_387] : memref<10112x128xf32, #tpu.memory_space<hbm>> -> memref<10112x128xf32, #tpu.memory_space<hbm>>
      tpu.enqueue_indirect_dma source(%dma_start3A_388 : memref<10112x128xf32, #tpu.memory_space<hbm>>) target(%dma_start3A_382 : memref<64x128xf32, #tpu.memory_space<vmem>>) offsets(%dma_start3A_385 : memref<64xi32, #tpu.memory_space<vmem>>) semaphore(%arg11 : memref<!tpu.dma_semaphore, #tpu.memory_space<semaphore_mem>>)
      %add3A_389 = arith.constant 5 : i32
      %add3A_390 = arith.addi %mul3A_56, %add3A_389 : i32
      %run_scoped3A_391 = arith.constant 1 : i32
      "tpu.region"() ({
        %run_scoped3A_476 = tpu.sem_alloc : memref<!tpu.dma_semaphore, #tpu.memory_space<semaphore_mem>>
        %dma_start3A_477 = arith.constant 192 : i32
        %dma_start3A_478 = arith.constant 0 : i32
        %dma_start3A_479 = tpu.memref_slice %arg10[%dma_start3A_477, %dma_start3A_478] : memref<256x128xf32, #tpu.memory_space<vmem>> -> memref<64x128xf32, #tpu.memory_space<vmem>>
        %dma_start3A_480 = arith.constant 0 : i32
        %dma_start3A_481 = tpu.memref_slice %arg9[%add3A_390, %run_scoped3A_391, %dma_start3A_480] : memref<16x2x64xi32, #tpu.memory_space<vmem>> -> memref<1x1x64xi32, #tpu.memory_space<vmem>>
        %dma_start3A_482 = tpu.memref_squeeze %dma_start3A_481 : memref<1x1x64xi32, #tpu.memory_space<vmem>> -> memref<64xi32, #tpu.memory_space<vmem>>
        %dma_start3A_483 = arith.constant 0 : i32
        %dma_start3A_484 = arith.constant 0 : i32
        %dma_start3A_485 = tpu.memref_slice %arg7[%dma_start3A_483, %dma_start3A_484] : memref<10112x128xf32, #tpu.memory_space<vmem_shared>> -> memref<10112x128xf32, #tpu.memory_space<vmem_shared>>
        tpu.enqueue_indirect_dma source(%dma_start3A_479 : memref<64x128xf32, #tpu.memory_space<vmem>>) target(%dma_start3A_485 : memref<10112x128xf32, #tpu.memory_space<vmem_shared>>) offsets(%dma_start3A_482 : memref<64xi32, #tpu.memory_space<vmem>>) semaphore(%run_scoped3A_476 : memref<!tpu.dma_semaphore, #tpu.memory_space<semaphore_mem>>) {add = true}
        %dma_wait3A_486 = arith.constant 192 : i32
        %dma_wait3A_487 = arith.constant 0 : i32
        %dma_wait3A_488 = tpu.memref_slice %arg10[%dma_wait3A_486, %dma_wait3A_487] : memref<256x128xf32, #tpu.memory_space<vmem>> -> memref<64x128xf32, #tpu.memory_space<vmem>>
        %dma_wait3A_489 = arith.constant 0 : i32
        %dma_wait3A_490 = tpu.memref_slice %arg9[%add3A_390, %run_scoped3A_391, %dma_wait3A_489] : memref<16x2x64xi32, #tpu.memory_space<vmem>> -> memref<1x1x64xi32, #tpu.memory_space<vmem>>
        %dma_wait3A_491 = tpu.memref_squeeze %dma_wait3A_490 : memref<1x1x64xi32, #tpu.memory_space<vmem>> -> memref<64xi32, #tpu.memory_space<vmem>>
        %dma_wait3A_492 = arith.constant 0 : i32
        %dma_wait3A_493 = arith.constant 0 : i32
        %dma_wait3A_494 = tpu.memref_slice %arg7[%dma_wait3A_492, %dma_wait3A_493] : memref<10112x128xf32, #tpu.memory_space<vmem_shared>> -> memref<10112x128xf32, #tpu.memory_space<vmem_shared>>
        tpu.wait_indirect_dma semaphore(%run_scoped3A_476 : memref<!tpu.dma_semaphore, #tpu.memory_space<semaphore_mem>>) src(%dma_wait3A_488 : memref<64x128xf32, #tpu.memory_space<vmem>>) dst(%dma_wait3A_494 : memref<10112x128xf32, #tpu.memory_space<vmem_shared>>)
        tpu.yield
      }) : () -> ()
      %add3A_392 = arith.constant 6 : i32
      %add3A_393 = arith.addi %mul3A_56, %add3A_392 : i32
      %dma_wait3A_394 = arith.constant 0 : i32
      %dma_wait3A_395 = arith.constant 0 : i32
      %dma_wait3A_396 = arith.constant 0 : i32
      %dma_wait3A_397 = tpu.memref_slice %arg10[%dma_wait3A_395, %dma_wait3A_396] : memref<256x128xf32, #tpu.memory_space<vmem>> -> memref<64x128xf32, #tpu.memory_space<vmem>>
      %dma_wait3A_398 = arith.constant 0 : i32
      %dma_wait3A_399 = tpu.memref_slice %arg8[%add3A_393, %dma_wait3A_394, %dma_wait3A_398] : memref<16x2x64xi32, #tpu.memory_space<vmem>> -> memref<1x1x64xi32, #tpu.memory_space<vmem>>
      %dma_wait3A_400 = tpu.memref_squeeze %dma_wait3A_399 : memref<1x1x64xi32, #tpu.memory_space<vmem>> -> memref<64xi32, #tpu.memory_space<vmem>>
      %dma_wait3A_401 = arith.constant 0 : i32
      %dma_wait3A_402 = arith.constant 0 : i32
      %dma_wait3A_403 = tpu.memref_slice %arg2[%dma_wait3A_401, %dma_wait3A_402] : memref<10112x128xf32, #tpu.memory_space<hbm>> -> memref<10112x128xf32, #tpu.memory_space<hbm>>
      tpu.wait_indirect_dma semaphore(%arg11 : memref<!tpu.dma_semaphore, #tpu.memory_space<semaphore_mem>>) src(%dma_wait3A_403 : memref<10112x128xf32, #tpu.memory_space<hbm>>) dst(%dma_wait3A_397 : memref<64x128xf32, #tpu.memory_space<vmem>>)
      %add3A_404 = arith.constant 7 : i32
      %add3A_405 = arith.addi %mul3A_56, %add3A_404 : i32
      %dma_start3A_406 = arith.constant 1 : i32
      %dma_start3A_407 = arith.constant 192 : i32
      %dma_start3A_408 = arith.constant 0 : i32
      %dma_start3A_409 = tpu.memref_slice %arg10[%dma_start3A_407, %dma_start3A_408] : memref<256x128xf32, #tpu.memory_space<vmem>> -> memref<64x128xf32, #tpu.memory_space<vmem>>
      %dma_start3A_410 = arith.constant 0 : i32
      %dma_start3A_411 = tpu.memref_slice %arg8[%add3A_405, %dma_start3A_406, %dma_start3A_410] : memref<16x2x64xi32, #tpu.memory_space<vmem>> -> memref<1x1x64xi32, #tpu.memory_space<vmem>>
      %dma_start3A_412 = tpu.memref_squeeze %dma_start3A_411 : memref<1x1x64xi32, #tpu.memory_space<vmem>> -> memref<64xi32, #tpu.memory_space<vmem>>
      %dma_start3A_413 = arith.constant 0 : i32
      %dma_start3A_414 = arith.constant 0 : i32
      %dma_start3A_415 = tpu.memref_slice %arg2[%dma_start3A_413, %dma_start3A_414] : memref<10112x128xf32, #tpu.memory_space<hbm>> -> memref<10112x128xf32, #tpu.memory_space<hbm>>
      tpu.enqueue_indirect_dma source(%dma_start3A_415 : memref<10112x128xf32, #tpu.memory_space<hbm>>) target(%dma_start3A_409 : memref<64x128xf32, #tpu.memory_space<vmem>>) offsets(%dma_start3A_412 : memref<64xi32, #tpu.memory_space<vmem>>) semaphore(%arg11 : memref<!tpu.dma_semaphore, #tpu.memory_space<semaphore_mem>>)
      %add3A_416 = arith.constant 6 : i32
      %add3A_417 = arith.addi %mul3A_56, %add3A_416 : i32
      %run_scoped3A_418 = arith.constant 0 : i32
      "tpu.region"() ({
        %run_scoped3A_476 = tpu.sem_alloc : memref<!tpu.dma_semaphore, #tpu.memory_space<semaphore_mem>>
        %dma_start3A_477 = arith.constant 0 : i32
        %dma_start3A_478 = arith.constant 0 : i32
        %dma_start3A_479 = tpu.memref_slice %arg10[%dma_start3A_477, %dma_start3A_478] : memref<256x128xf32, #tpu.memory_space<vmem>> -> memref<64x128xf32, #tpu.memory_space<vmem>>
        %dma_start3A_480 = arith.constant 0 : i32
        %dma_start3A_481 = tpu.memref_slice %arg9[%add3A_417, %run_scoped3A_418, %dma_start3A_480] : memref<16x2x64xi32, #tpu.memory_space<vmem>> -> memref<1x1x64xi32, #tpu.memory_space<vmem>>
        %dma_start3A_482 = tpu.memref_squeeze %dma_start3A_481 : memref<1x1x64xi32, #tpu.memory_space<vmem>> -> memref<64xi32, #tpu.memory_space<vmem>>
        %dma_start3A_483 = arith.constant 0 : i32
        %dma_start3A_484 = arith.constant 0 : i32
        %dma_start3A_485 = tpu.memref_slice %arg7[%dma_start3A_483, %dma_start3A_484] : memref<10112x128xf32, #tpu.memory_space<vmem_shared>> -> memref<10112x128xf32, #tpu.memory_space<vmem_shared>>
        tpu.enqueue_indirect_dma source(%dma_start3A_479 : memref<64x128xf32, #tpu.memory_space<vmem>>) target(%dma_start3A_485 : memref<10112x128xf32, #tpu.memory_space<vmem_shared>>) offsets(%dma_start3A_482 : memref<64xi32, #tpu.memory_space<vmem>>) semaphore(%run_scoped3A_476 : memref<!tpu.dma_semaphore, #tpu.memory_space<semaphore_mem>>) {add = true}
        %dma_wait3A_486 = arith.constant 0 : i32
        %dma_wait3A_487 = arith.constant 0 : i32
        %dma_wait3A_488 = tpu.memref_slice %arg10[%dma_wait3A_486, %dma_wait3A_487] : memref<256x128xf32, #tpu.memory_space<vmem>> -> memref<64x128xf32, #tpu.memory_space<vmem>>
        %dma_wait3A_489 = arith.constant 0 : i32
        %dma_wait3A_490 = tpu.memref_slice %arg9[%add3A_417, %run_scoped3A_418, %dma_wait3A_489] : memref<16x2x64xi32, #tpu.memory_space<vmem>> -> memref<1x1x64xi32, #tpu.memory_space<vmem>>
        %dma_wait3A_491 = tpu.memref_squeeze %dma_wait3A_490 : memref<1x1x64xi32, #tpu.memory_space<vmem>> -> memref<64xi32, #tpu.memory_space<vmem>>
        %dma_wait3A_492 = arith.constant 0 : i32
        %dma_wait3A_493 = arith.constant 0 : i32
        %dma_wait3A_494 = tpu.memref_slice %arg7[%dma_wait3A_492, %dma_wait3A_493] : memref<10112x128xf32, #tpu.memory_space<vmem_shared>> -> memref<10112x128xf32, #tpu.memory_space<vmem_shared>>
        tpu.wait_indirect_dma semaphore(%run_scoped3A_476 : memref<!tpu.dma_semaphore, #tpu.memory_space<semaphore_mem>>) src(%dma_wait3A_488 : memref<64x128xf32, #tpu.memory_space<vmem>>) dst(%dma_wait3A_494 : memref<10112x128xf32, #tpu.memory_space<vmem_shared>>)
        tpu.yield
      }) : () -> ()
      %add3A_419 = arith.constant 6 : i32
      %add3A_420 = arith.addi %mul3A_56, %add3A_419 : i32
      %dma_wait3A_421 = arith.constant 1 : i32
      %dma_wait3A_422 = arith.constant 64 : i32
      %dma_wait3A_423 = arith.constant 0 : i32
      %dma_wait3A_424 = tpu.memref_slice %arg10[%dma_wait3A_422, %dma_wait3A_423] : memref<256x128xf32, #tpu.memory_space<vmem>> -> memref<64x128xf32, #tpu.memory_space<vmem>>
      %dma_wait3A_425 = arith.constant 0 : i32
      %dma_wait3A_426 = tpu.memref_slice %arg8[%add3A_420, %dma_wait3A_421, %dma_wait3A_425] : memref<16x2x64xi32, #tpu.memory_space<vmem>> -> memref<1x1x64xi32, #tpu.memory_space<vmem>>
      %dma_wait3A_427 = tpu.memref_squeeze %dma_wait3A_426 : memref<1x1x64xi32, #tpu.memory_space<vmem>> -> memref<64xi32, #tpu.memory_space<vmem>>
      %dma_wait3A_428 = arith.constant 0 : i32
      %dma_wait3A_429 = arith.constant 0 : i32
      %dma_wait3A_430 = tpu.memref_slice %arg2[%dma_wait3A_428, %dma_wait3A_429] : memref<10112x128xf32, #tpu.memory_space<hbm>> -> memref<10112x128xf32, #tpu.memory_space<hbm>>
      tpu.wait_indirect_dma semaphore(%arg11 : memref<!tpu.dma_semaphore, #tpu.memory_space<semaphore_mem>>) src(%dma_wait3A_430 : memref<10112x128xf32, #tpu.memory_space<hbm>>) dst(%dma_wait3A_424 : memref<64x128xf32, #tpu.memory_space<vmem>>)
      %convert_element_type3A_431 = arith.extui %lt3A_67 : i1 to i32
      %cond3A_432 = arith.constant 0 : i32
      %cond3A_433 = arith.cmpi ne, %convert_element_type3A_431, %cond3A_432 : i32
      scf.if %cond3A_433 {
        %dma_wait3A_476 = arith.constant 0 : i32
        %dma_wait3A_477 = arith.constant 0 : i32
        %dma_wait3A_478 = tpu.memref_slice %arg8[%mul3A_59, %dma_wait3A_476, %dma_wait3A_477] : memref<16x2x64xi32, #tpu.memory_space<vmem>> -> memref<8x2x64xi32, #tpu.memory_space<vmem>>
        %dma_wait3A_479 = arith.constant 0 : i32
        %dma_wait3A_480 = arith.constant 0 : i32
        %dma_wait3A_481 = tpu.memref_slice %arg3[%add3A_66, %dma_wait3A_479, %dma_wait3A_480] : memref<2560x2x64xi32, #tpu.memory_space<hbm>> -> memref<8x2x64xi32, #tpu.memory_space<hbm>>
        %dma_wait3A_482 = arith.constant 0 : i32
        %dma_wait3A_483 = arith.constant 0 : i32
        %dma_wait3A_484 = tpu.memref_slice %arg8[%mul3A_59, %dma_wait3A_482, %dma_wait3A_483] : memref<16x2x64xi32, #tpu.memory_space<vmem>> -> memref<8x2x64xi32, #tpu.memory_space<vmem>>
        %dma_wait3A_485 = arith.constant 0 : i32
        %dma_wait3A_486 = arith.constant 0 : i32
        %dma_wait3A_487 = tpu.memref_slice %arg3[%add3A_66, %dma_wait3A_485, %dma_wait3A_486] : memref<2560x2x64xi32, #tpu.memory_space<hbm>> -> memref<8x2x64xi32, #tpu.memory_space<hbm>>
        tpu.wait_dma2 semaphore(%arg12 : memref<!tpu.dma_semaphore, #tpu.memory_space<semaphore_mem>>) src(%dma_wait3A_487 : memref<8x2x64xi32, #tpu.memory_space<hbm>>) dst(%dma_wait3A_484 : memref<8x2x64xi32, #tpu.memory_space<vmem>>)
        %dma_wait3A_488 = arith.constant 0 : i32
        %dma_wait3A_489 = arith.constant 0 : i32
        %dma_wait3A_490 = tpu.memref_slice %arg9[%mul3A_59, %dma_wait3A_488, %dma_wait3A_489] : memref<16x2x64xi32, #tpu.memory_space<vmem>> -> memref<8x2x64xi32, #tpu.memory_space<vmem>>
        %dma_wait3A_491 = arith.constant 0 : i32
        %dma_wait3A_492 = arith.constant 0 : i32
        %dma_wait3A_493 = tpu.memref_slice %arg4[%add3A_66, %dma_wait3A_491, %dma_wait3A_492] : memref<2560x2x64xi32, #tpu.memory_space<hbm>> -> memref<8x2x64xi32, #tpu.memory_space<hbm>>
        %dma_wait3A_494 = arith.constant 0 : i32
        %dma_wait3A_495 = arith.constant 0 : i32
        %dma_wait3A_496 = tpu.memref_slice %arg9[%mul3A_59, %dma_wait3A_494, %dma_wait3A_495] : memref<16x2x64xi32, #tpu.memory_space<vmem>> -> memref<8x2x64xi32, #tpu.memory_space<vmem>>
        %dma_wait3A_497 = arith.constant 0 : i32
        %dma_wait3A_498 = arith.constant 0 : i32
        %dma_wait3A_499 = tpu.memref_slice %arg4[%add3A_66, %dma_wait3A_497, %dma_wait3A_498] : memref<2560x2x64xi32, #tpu.memory_space<hbm>> -> memref<8x2x64xi32, #tpu.memory_space<hbm>>
        tpu.wait_dma2 semaphore(%arg12 : memref<!tpu.dma_semaphore, #tpu.memory_space<semaphore_mem>>) src(%dma_wait3A_499 : memref<8x2x64xi32, #tpu.memory_space<hbm>>) dst(%dma_wait3A_496 : memref<8x2x64xi32, #tpu.memory_space<vmem>>)
      } else {
      }
      %convert_element_type3A_434 = arith.extui %lt3A_67 : i1 to i32
      %cond3A_435 = arith.constant 0 : i32
      %cond3A_436 = arith.cmpi ne, %convert_element_type3A_434, %cond3A_435 : i32
      scf.if %cond3A_436 {
        %add3A_476 = arith.constant 0 : i32
        %add3A_477 = arith.addi %mul3A_59, %add3A_476 : i32
        %dma_start3A_478 = arith.constant 0 : i32
        %dma_start3A_479 = arith.constant 0 : i32
        %dma_start3A_480 = arith.constant 0 : i32
        %dma_start3A_481 = tpu.memref_slice %arg10[%dma_start3A_479, %dma_start3A_480] : memref<256x128xf32, #tpu.memory_space<vmem>> -> memref<64x128xf32, #tpu.memory_space<vmem>>
        %dma_start3A_482 = arith.constant 0 : i32
        %dma_start3A_483 = tpu.memref_slice %arg8[%add3A_477, %dma_start3A_478, %dma_start3A_482] : memref<16x2x64xi32, #tpu.memory_space<vmem>> -> memref<1x1x64xi32, #tpu.memory_space<vmem>>
        %dma_start3A_484 = tpu.memref_squeeze %dma_start3A_483 : memref<1x1x64xi32, #tpu.memory_space<vmem>> -> memref<64xi32, #tpu.memory_space<vmem>>
        %dma_start3A_485 = arith.constant 0 : i32
        %dma_start3A_486 = arith.constant 0 : i32
        %dma_start3A_487 = tpu.memref_slice %arg2[%dma_start3A_485, %dma_start3A_486] : memref<10112x128xf32, #tpu.memory_space<hbm>> -> memref<10112x128xf32, #tpu.memory_space<hbm>>
        tpu.enqueue_indirect_dma source(%dma_start3A_487 : memref<10112x128xf32, #tpu.memory_space<hbm>>) target(%dma_start3A_481 : memref<64x128xf32, #tpu.memory_space<vmem>>) offsets(%dma_start3A_484 : memref<64xi32, #tpu.memory_space<vmem>>) semaphore(%arg11 : memref<!tpu.dma_semaphore, #tpu.memory_space<semaphore_mem>>)
      } else {
      }
      %add3A_437 = arith.constant 6 : i32
      %add3A_438 = arith.addi %mul3A_56, %add3A_437 : i32
      %run_scoped3A_439 = arith.constant 1 : i32
      "tpu.region"() ({
        %run_scoped3A_476 = tpu.sem_alloc : memref<!tpu.dma_semaphore, #tpu.memory_space<semaphore_mem>>
        %dma_start3A_477 = arith.constant 64 : i32
        %dma_start3A_478 = arith.constant 0 : i32
        %dma_start3A_479 = tpu.memref_slice %arg10[%dma_start3A_477, %dma_start3A_478] : memref<256x128xf32, #tpu.memory_space<vmem>> -> memref<64x128xf32, #tpu.memory_space<vmem>>
        %dma_start3A_480 = arith.constant 0 : i32
        %dma_start3A_481 = tpu.memref_slice %arg9[%add3A_438, %run_scoped3A_439, %dma_start3A_480] : memref<16x2x64xi32, #tpu.memory_space<vmem>> -> memref<1x1x64xi32, #tpu.memory_space<vmem>>
        %dma_start3A_482 = tpu.memref_squeeze %dma_start3A_481 : memref<1x1x64xi32, #tpu.memory_space<vmem>> -> memref<64xi32, #tpu.memory_space<vmem>>
        %dma_start3A_483 = arith.constant 0 : i32
        %dma_start3A_484 = arith.constant 0 : i32
        %dma_start3A_485 = tpu.memref_slice %arg7[%dma_start3A_483, %dma_start3A_484] : memref<10112x128xf32, #tpu.memory_space<vmem_shared>> -> memref<10112x128xf32, #tpu.memory_space<vmem_shared>>
        tpu.enqueue_indirect_dma source(%dma_start3A_479 : memref<64x128xf32, #tpu.memory_space<vmem>>) target(%dma_start3A_485 : memref<10112x128xf32, #tpu.memory_space<vmem_shared>>) offsets(%dma_start3A_482 : memref<64xi32, #tpu.memory_space<vmem>>) semaphore(%run_scoped3A_476 : memref<!tpu.dma_semaphore, #tpu.memory_space<semaphore_mem>>) {add = true}
        %dma_wait3A_486 = arith.constant 64 : i32
        %dma_wait3A_487 = arith.constant 0 : i32
        %dma_wait3A_488 = tpu.memref_slice %arg10[%dma_wait3A_486, %dma_wait3A_487] : memref<256x128xf32, #tpu.memory_space<vmem>> -> memref<64x128xf32, #tpu.memory_space<vmem>>
        %dma_wait3A_489 = arith.constant 0 : i32
        %dma_wait3A_490 = tpu.memref_slice %arg9[%add3A_438, %run_scoped3A_439, %dma_wait3A_489] : memref<16x2x64xi32, #tpu.memory_space<vmem>> -> memref<1x1x64xi32, #tpu.memory_space<vmem>>
        %dma_wait3A_491 = tpu.memref_squeeze %dma_wait3A_490 : memref<1x1x64xi32, #tpu.memory_space<vmem>> -> memref<64xi32, #tpu.memory_space<vmem>>
        %dma_wait3A_492 = arith.constant 0 : i32
        %dma_wait3A_493 = arith.constant 0 : i32
        %dma_wait3A_494 = tpu.memref_slice %arg7[%dma_wait3A_492, %dma_wait3A_493] : memref<10112x128xf32, #tpu.memory_space<vmem_shared>> -> memref<10112x128xf32, #tpu.memory_space<vmem_shared>>
        tpu.wait_indirect_dma semaphore(%run_scoped3A_476 : memref<!tpu.dma_semaphore, #tpu.memory_space<semaphore_mem>>) src(%dma_wait3A_488 : memref<64x128xf32, #tpu.memory_space<vmem>>) dst(%dma_wait3A_494 : memref<10112x128xf32, #tpu.memory_space<vmem_shared>>)
        tpu.yield
      }) : () -> ()
      %add3A_440 = arith.constant 7 : i32
      %add3A_441 = arith.addi %mul3A_56, %add3A_440 : i32
      %dma_wait3A_442 = arith.constant 0 : i32
      %dma_wait3A_443 = arith.constant 128 : i32
      %dma_wait3A_444 = arith.constant 0 : i32
      %dma_wait3A_445 = tpu.memref_slice %arg10[%dma_wait3A_443, %dma_wait3A_444] : memref<256x128xf32, #tpu.memory_space<vmem>> -> memref<64x128xf32, #tpu.memory_space<vmem>>
      %dma_wait3A_446 = arith.constant 0 : i32
      %dma_wait3A_447 = tpu.memref_slice %arg8[%add3A_441, %dma_wait3A_442, %dma_wait3A_446] : memref<16x2x64xi32, #tpu.memory_space<vmem>> -> memref<1x1x64xi32, #tpu.memory_space<vmem>>
      %dma_wait3A_448 = tpu.memref_squeeze %dma_wait3A_447 : memref<1x1x64xi32, #tpu.memory_space<vmem>> -> memref<64xi32, #tpu.memory_space<vmem>>
      %dma_wait3A_449 = arith.constant 0 : i32
      %dma_wait3A_450 = arith.constant 0 : i32
      %dma_wait3A_451 = tpu.memref_slice %arg2[%dma_wait3A_449, %dma_wait3A_450] : memref<10112x128xf32, #tpu.memory_space<hbm>> -> memref<10112x128xf32, #tpu.memory_space<hbm>>
      tpu.wait_indirect_dma semaphore(%arg11 : memref<!tpu.dma_semaphore, #tpu.memory_space<semaphore_mem>>) src(%dma_wait3A_451 : memref<10112x128xf32, #tpu.memory_space<hbm>>) dst(%dma_wait3A_445 : memref<64x128xf32, #tpu.memory_space<vmem>>)
      %convert_element_type3A_452 = arith.extui %lt3A_67 : i1 to i32
      %cond3A_453 = arith.constant 0 : i32
      %cond3A_454 = arith.cmpi ne, %convert_element_type3A_452, %cond3A_453 : i32
      scf.if %cond3A_454 {
        %add3A_476 = arith.constant 0 : i32
        %add3A_477 = arith.addi %mul3A_59, %add3A_476 : i32
        %dma_start3A_478 = arith.constant 1 : i32
        %dma_start3A_479 = arith.constant 64 : i32
        %dma_start3A_480 = arith.constant 0 : i32
        %dma_start3A_481 = tpu.memref_slice %arg10[%dma_start3A_479, %dma_start3A_480] : memref<256x128xf32, #tpu.memory_space<vmem>> -> memref<64x128xf32, #tpu.memory_space<vmem>>
        %dma_start3A_482 = arith.constant 0 : i32
        %dma_start3A_483 = tpu.memref_slice %arg8[%add3A_477, %dma_start3A_478, %dma_start3A_482] : memref<16x2x64xi32, #tpu.memory_space<vmem>> -> memref<1x1x64xi32, #tpu.memory_space<vmem>>
        %dma_start3A_484 = tpu.memref_squeeze %dma_start3A_483 : memref<1x1x64xi32, #tpu.memory_space<vmem>> -> memref<64xi32, #tpu.memory_space<vmem>>
        %dma_start3A_485 = arith.constant 0 : i32
        %dma_start3A_486 = arith.constant 0 : i32
        %dma_start3A_487 = tpu.memref_slice %arg2[%dma_start3A_485, %dma_start3A_486] : memref<10112x128xf32, #tpu.memory_space<hbm>> -> memref<10112x128xf32, #tpu.memory_space<hbm>>
        tpu.enqueue_indirect_dma source(%dma_start3A_487 : memref<10112x128xf32, #tpu.memory_space<hbm>>) target(%dma_start3A_481 : memref<64x128xf32, #tpu.memory_space<vmem>>) offsets(%dma_start3A_484 : memref<64xi32, #tpu.memory_space<vmem>>) semaphore(%arg11 : memref<!tpu.dma_semaphore, #tpu.memory_space<semaphore_mem>>)
      } else {
      }
      %add3A_455 = arith.constant 7 : i32
      %add3A_456 = arith.addi %mul3A_56, %add3A_455 : i32
      %run_scoped3A_457 = arith.constant 0 : i32
      "tpu.region"() ({
        %run_scoped3A_476 = tpu.sem_alloc : memref<!tpu.dma_semaphore, #tpu.memory_space<semaphore_mem>>
        %dma_start3A_477 = arith.constant 128 : i32
        %dma_start3A_478 = arith.constant 0 : i32
        %dma_start3A_479 = tpu.memref_slice %arg10[%dma_start3A_477, %dma_start3A_478] : memref<256x128xf32, #tpu.memory_space<vmem>> -> memref<64x128xf32, #tpu.memory_space<vmem>>
        %dma_start3A_480 = arith.constant 0 : i32
        %dma_start3A_481 = tpu.memref_slice %arg9[%add3A_456, %run_scoped3A_457, %dma_start3A_480] : memref<16x2x64xi32, #tpu.memory_space<vmem>> -> memref<1x1x64xi32, #tpu.memory_space<vmem>>
        %dma_start3A_482 = tpu.memref_squeeze %dma_start3A_481 : memref<1x1x64xi32, #tpu.memory_space<vmem>> -> memref<64xi32, #tpu.memory_space<vmem>>
        %dma_start3A_483 = arith.constant 0 : i32
        %dma_start3A_484 = arith.constant 0 : i32
        %dma_start3A_485 = tpu.memref_slice %arg7[%dma_start3A_483, %dma_start3A_484] : memref<10112x128xf32, #tpu.memory_space<vmem_shared>> -> memref<10112x128xf32, #tpu.memory_space<vmem_shared>>
        tpu.enqueue_indirect_dma source(%dma_start3A_479 : memref<64x128xf32, #tpu.memory_space<vmem>>) target(%dma_start3A_485 : memref<10112x128xf32, #tpu.memory_space<vmem_shared>>) offsets(%dma_start3A_482 : memref<64xi32, #tpu.memory_space<vmem>>) semaphore(%run_scoped3A_476 : memref<!tpu.dma_semaphore, #tpu.memory_space<semaphore_mem>>) {add = true}
        %dma_wait3A_486 = arith.constant 128 : i32
        %dma_wait3A_487 = arith.constant 0 : i32
        %dma_wait3A_488 = tpu.memref_slice %arg10[%dma_wait3A_486, %dma_wait3A_487] : memref<256x128xf32, #tpu.memory_space<vmem>> -> memref<64x128xf32, #tpu.memory_space<vmem>>
        %dma_wait3A_489 = arith.constant 0 : i32
        %dma_wait3A_490 = tpu.memref_slice %arg9[%add3A_456, %run_scoped3A_457, %dma_wait3A_489] : memref<16x2x64xi32, #tpu.memory_space<vmem>> -> memref<1x1x64xi32, #tpu.memory_space<vmem>>
        %dma_wait3A_491 = tpu.memref_squeeze %dma_wait3A_490 : memref<1x1x64xi32, #tpu.memory_space<vmem>> -> memref<64xi32, #tpu.memory_space<vmem>>
        %dma_wait3A_492 = arith.constant 0 : i32
        %dma_wait3A_493 = arith.constant 0 : i32
        %dma_wait3A_494 = tpu.memref_slice %arg7[%dma_wait3A_492, %dma_wait3A_493] : memref<10112x128xf32, #tpu.memory_space<vmem_shared>> -> memref<10112x128xf32, #tpu.memory_space<vmem_shared>>
        tpu.wait_indirect_dma semaphore(%run_scoped3A_476 : memref<!tpu.dma_semaphore, #tpu.memory_space<semaphore_mem>>) src(%dma_wait3A_488 : memref<64x128xf32, #tpu.memory_space<vmem>>) dst(%dma_wait3A_494 : memref<10112x128xf32, #tpu.memory_space<vmem_shared>>)
        tpu.yield
      }) : () -> ()
      %add3A_458 = arith.constant 7 : i32
      %add3A_459 = arith.addi %mul3A_56, %add3A_458 : i32
      %dma_wait3A_460 = arith.constant 1 : i32
      %dma_wait3A_461 = arith.constant 192 : i32
      %dma_wait3A_462 = arith.constant 0 : i32
      %dma_wait3A_463 = tpu.memref_slice %arg10[%dma_wait3A_461, %dma_wait3A_462] : memref<256x128xf32, #tpu.memory_space<vmem>> -> memref<64x128xf32, #tpu.memory_space<vmem>>
      %dma_wait3A_464 = arith.constant 0 : i32
      %dma_wait3A_465 = tpu.memref_slice %arg8[%add3A_459, %dma_wait3A_460, %dma_wait3A_464] : memref<16x2x64xi32, #tpu.memory_space<vmem>> -> memref<1x1x64xi32, #tpu.memory_space<vmem>>
      %dma_wait3A_466 = tpu.memref_squeeze %dma_wait3A_465 : memref<1x1x64xi32, #tpu.memory_space<vmem>> -> memref<64xi32, #tpu.memory_space<vmem>>
      %dma_wait3A_467 = arith.constant 0 : i32
      %dma_wait3A_468 = arith.constant 0 : i32
      %dma_wait3A_469 = tpu.memref_slice %arg2[%dma_wait3A_467, %dma_wait3A_468] : memref<10112x128xf32, #tpu.memory_space<hbm>> -> memref<10112x128xf32, #tpu.memory_space<hbm>>
      tpu.wait_indirect_dma semaphore(%arg11 : memref<!tpu.dma_semaphore, #tpu.memory_space<semaphore_mem>>) src(%dma_wait3A_469 : memref<10112x128xf32, #tpu.memory_space<hbm>>) dst(%dma_wait3A_463 : memref<64x128xf32, #tpu.memory_space<vmem>>)
      %convert_element_type3A_470 = arith.extui %lt3A_67 : i1 to i32
      %cond3A_471 = arith.constant 0 : i32
      %cond3A_472 = arith.cmpi ne, %convert_element_type3A_470, %cond3A_471 : i32
      scf.if %cond3A_472 {
        %add3A_476 = arith.constant 1 : i32
        %add3A_477 = arith.addi %mul3A_59, %add3A_476 : i32
        %dma_start3A_478 = arith.constant 0 : i32
        %dma_start3A_479 = arith.constant 128 : i32
        %dma_start3A_480 = arith.constant 0 : i32
        %dma_start3A_481 = tpu.memref_slice %arg10[%dma_start3A_479, %dma_start3A_480] : memref<256x128xf32, #tpu.memory_space<vmem>> -> memref<64x128xf32, #tpu.memory_space<vmem>>
        %dma_start3A_482 = arith.constant 0 : i32
        %dma_start3A_483 = tpu.memref_slice %arg8[%add3A_477, %dma_start3A_478, %dma_start3A_482] : memref<16x2x64xi32, #tpu.memory_space<vmem>> -> memref<1x1x64xi32, #tpu.memory_space<vmem>>
        %dma_start3A_484 = tpu.memref_squeeze %dma_start3A_483 : memref<1x1x64xi32, #tpu.memory_space<vmem>> -> memref<64xi32, #tpu.memory_space<vmem>>
        %dma_start3A_485 = arith.constant 0 : i32
        %dma_start3A_486 = arith.constant 0 : i32
        %dma_start3A_487 = tpu.memref_slice %arg2[%dma_start3A_485, %dma_start3A_486] : memref<10112x128xf32, #tpu.memory_space<hbm>> -> memref<10112x128xf32, #tpu.memory_space<hbm>>
        tpu.enqueue_indirect_dma source(%dma_start3A_487 : memref<10112x128xf32, #tpu.memory_space<hbm>>) target(%dma_start3A_481 : memref<64x128xf32, #tpu.memory_space<vmem>>) offsets(%dma_start3A_484 : memref<64xi32, #tpu.memory_space<vmem>>) semaphore(%arg11 : memref<!tpu.dma_semaphore, #tpu.memory_space<semaphore_mem>>)
      } else {
      }
      %add3A_473 = arith.constant 7 : i32
      %add3A_474 = arith.addi %mul3A_56, %add3A_473 : i32
      %run_scoped3A_475 = arith.constant 1 : i32
      "tpu.region"() ({
        %run_scoped3A_476 = tpu.sem_alloc : memref<!tpu.dma_semaphore, #tpu.memory_space<semaphore_mem>>
        %dma_start3A_477 = arith.constant 192 : i32
        %dma_start3A_478 = arith.constant 0 : i32
        %dma_start3A_479 = tpu.memref_slice %arg10[%dma_start3A_477, %dma_start3A_478] : memref<256x128xf32, #tpu.memory_space<vmem>> -> memref<64x128xf32, #tpu.memory_space<vmem>>
        %dma_start3A_480 = arith.constant 0 : i32
        %dma_start3A_481 = tpu.memref_slice %arg9[%add3A_474, %run_scoped3A_475, %dma_start3A_480] : memref<16x2x64xi32, #tpu.memory_space<vmem>> -> memref<1x1x64xi32, #tpu.memory_space<vmem>>
        %dma_start3A_482 = tpu.memref_squeeze %dma_start3A_481 : memref<1x1x64xi32, #tpu.memory_space<vmem>> -> memref<64xi32, #tpu.memory_space<vmem>>
        %dma_start3A_483 = arith.constant 0 : i32
        %dma_start3A_484 = arith.constant 0 : i32
        %dma_start3A_485 = tpu.memref_slice %arg7[%dma_start3A_483, %dma_start3A_484] : memref<10112x128xf32, #tpu.memory_space<vmem_shared>> -> memref<10112x128xf32, #tpu.memory_space<vmem_shared>>
        tpu.enqueue_indirect_dma source(%dma_start3A_479 : memref<64x128xf32, #tpu.memory_space<vmem>>) target(%dma_start3A_485 : memref<10112x128xf32, #tpu.memory_space<vmem_shared>>) offsets(%dma_start3A_482 : memref<64xi32, #tpu.memory_space<vmem>>) semaphore(%run_scoped3A_476 : memref<!tpu.dma_semaphore, #tpu.memory_space<semaphore_mem>>) {add = true}
        %dma_wait3A_486 = arith.constant 192 : i32
        %dma_wait3A_487 = arith.constant 0 : i32
        %dma_wait3A_488 = tpu.memref_slice %arg10[%dma_wait3A_486, %dma_wait3A_487] : memref<256x128xf32, #tpu.memory_space<vmem>> -> memref<64x128xf32, #tpu.memory_space<vmem>>
        %dma_wait3A_489 = arith.constant 0 : i32
        %dma_wait3A_490 = tpu.memref_slice %arg9[%add3A_474, %run_scoped3A_475, %dma_wait3A_489] : memref<16x2x64xi32, #tpu.memory_space<vmem>> -> memref<1x1x64xi32, #tpu.memory_space<vmem>>
        %dma_wait3A_491 = tpu.memref_squeeze %dma_wait3A_490 : memref<1x1x64xi32, #tpu.memory_space<vmem>> -> memref<64xi32, #tpu.memory_space<vmem>>
        %dma_wait3A_492 = arith.constant 0 : i32
        %dma_wait3A_493 = arith.constant 0 : i32
        %dma_wait3A_494 = tpu.memref_slice %arg7[%dma_wait3A_492, %dma_wait3A_493] : memref<10112x128xf32, #tpu.memory_space<vmem_shared>> -> memref<10112x128xf32, #tpu.memory_space<vmem_shared>>
        tpu.wait_indirect_dma semaphore(%run_scoped3A_476 : memref<!tpu.dma_semaphore, #tpu.memory_space<semaphore_mem>>) src(%dma_wait3A_488 : memref<64x128xf32, #tpu.memory_space<vmem>>) dst(%dma_wait3A_494 : memref<10112x128xf32, #tpu.memory_space<vmem_shared>>)
        tpu.yield
      }) : () -> ()
    }
    %scan3A_47 = arith.constant 10 : i32
    %barrier3A_48 = arith.constant 0 : index
    tpu.barrier barrier_id(%barrier3A_48)
    "tpu.region"() ({
      %run_scoped3A = tpu.sem_alloc : memref<!tpu.dma_semaphore, #tpu.memory_space<semaphore_mem>>
      %dma_start3A_49 = arith.constant 0 : i32
      %dma_start3A_50 = tpu.memref_slice %arg6[%arg0, %mul3A_2, %dma_start3A_49] : memref<2x10112x128xf32, #tpu.memory_space<hbm>> -> memref<1x632x128xf32, #tpu.memory_space<hbm>>
      %dma_start3A_51 = tpu.memref_squeeze %dma_start3A_50 : memref<1x632x128xf32, #tpu.memory_space<hbm>> -> memref<632x128xf32, #tpu.memory_space<hbm>>
      %dma_start3A_52 = arith.constant 0 : i32
      %dma_start3A_53 = tpu.memref_slice %arg7[%mul3A_2, %dma_start3A_52] : memref<10112x128xf32, #tpu.memory_space<vmem_shared>> -> memref<632x128xf32, #tpu.memory_space<vmem_shared>>
      tpu.enqueue_dma source(%dma_start3A_53 : memref<632x128xf32, #tpu.memory_space<vmem_shared>>) target(%dma_start3A_51 : memref<632x128xf32, #tpu.memory_space<hbm>>) target_semaphore(%run_scoped3A : memref<!tpu.dma_semaphore, #tpu.memory_space<semaphore_mem>>)
      %dma_wait3A_54 = arith.constant 0 : i32
      %dma_wait3A_55 = tpu.memref_slice %arg6[%arg0, %mul3A_2, %dma_wait3A_54] : memref<2x10112x128xf32, #tpu.memory_space<hbm>> -> memref<1x632x128xf32, #tpu.memory_space<hbm>>
      %dma_wait3A_56 = tpu.memref_squeeze %dma_wait3A_55 : memref<1x632x128xf32, #tpu.memory_space<hbm>> -> memref<632x128xf32, #tpu.memory_space<hbm>>
      %dma_wait3A_57 = arith.constant 0 : i32
      %dma_wait3A_58 = tpu.memref_slice %arg7[%mul3A_2, %dma_wait3A_57] : memref<10112x128xf32, #tpu.memory_space<vmem_shared>> -> memref<632x128xf32, #tpu.memory_space<vmem_shared>>
      tpu.wait_dma2 semaphore(%run_scoped3A : memref<!tpu.dma_semaphore, #tpu.memory_space<semaphore_mem>>) src(%dma_wait3A_58 : memref<632x128xf32, #tpu.memory_space<vmem_shared>>) dst(%dma_wait3A_56 : memref<632x128xf32, #tpu.memory_space<hbm>>)
      tpu.yield
    }) : () -> ()
    return
  }
}

module attributes {stable_mosaic.version = 14 : i64} {
  func.func @body(%arg0: i32, %arg1: memref<1264x128xf32, #tpu.memory_space<vmem>>, %arg2: memref<128x128xf32, #tpu.memory_space<vmem>>, %arg3: memref<1264x128xf32, #tpu.memory_space<vmem>>) attributes {dimension_semantics = [#tpu.dimension_semantics<arbitrary>], iteration_bounds = array<i64: 8>, scalar_prefetch = 0 : i64, scratch_operands = 0 : i64, tpu.core_type = #tpu.core_type<tc>, window_params = [{transform_indices = @transform_0, window_bounds = array<i64: 1264, 128>}, {pipeline_mode = #tpu.pipeline_mode<synchronous>, transform_indices = @transform_1, window_bounds = array<i64: 128, 128>}, {transform_indices = @transform_2, window_bounds = array<i64: 1264, 128>}]} {
    %get3A = arith.constant 0 : index
    %get3A_0 = arith.constant 0 : index
    %get3A_1 = vector.load %arg1[%get3A, %get3A_0] : memref<1264x128xf32, #tpu.memory_space<vmem>>, vector<1264x128xf32>
    %get3A_2 = arith.constant 0 : index
    %get3A_3 = arith.constant 0 : index
    %get3A_4 = vector.load %arg2[%get3A_2, %get3A_3] : memref<128x128xf32, #tpu.memory_space<vmem>>, vector<128x128xf32>
    %dot_general3A = arith.constant dense<0.000000e+00> : vector<1264x128xf32>
    %dot_general3A_5 = tpu.matmul %get3A_1, %get3A_4, %dot_general3A {dimension_numbers = #tpu.dot_dimension_numbers<[1], [0], [0], [1], [0, 0, 1, 1], [], []>, precision = #tpu.contract_precision<fp32>, transpose_lhs_hint = false} : vector<1264x128xf32>, vector<128x128xf32>, vector<1264x128xf32> -> vector<1264x128xf32>
    %swap3A = arith.constant 0 : index
    %swap3A_6 = arith.constant 0 : index
    %swap3A_7 = vector.load %arg3[%swap3A, %swap3A_6] : memref<1264x128xf32, #tpu.memory_space<vmem>>, vector<1264x128xf32>
    tpu.vector_store %arg3[%swap3A, %swap3A_6], %dot_general3A_5 {strides = array<i32>} : memref<1264x128xf32, #tpu.memory_space<vmem>>, vector<1264x128xf32>,
    return
  }
  func.func @transform_0(%arg0: i32) -> (i32, i32) {
    %c0_i32 = arith.constant 0 : i32
    %c0_i32_0 = arith.constant 0 : i32
    return %arg0, %c0_i32 : i32, i32
  }
  func.func @transform_1(%arg0: i32) -> (i32, i32) {
    %c0_i32 = arith.constant 0 : i32
    %c0_i32_0 = arith.constant 0 : i32
    %c0_i32_1 = arith.constant 0 : i32
    return %c0_i32, %c0_i32_0 : i32, i32
  }
  func.func @transform_2(%arg0: i32) -> (i32, i32) {
    %c0_i32 = arith.constant 0 : i32
    %c0_i32_0 = arith.constant 0 : i32
    return %arg0, %c0_i32 : i32, i32
  }
}

module attributes {stable_mosaic.version = 14 : i64} {
  func.func @body(%arg0: i32, %arg1: memref<2x1264x1xf32, #tpu.memory_space<vmem>>, %arg2: memref<2x1264x1xf32, #tpu.memory_space<vmem>>, %arg3: memref<1264x128xf32, #tpu.memory_space<vmem>>, %arg4: memref<1264x128xf32, #tpu.memory_space<vmem>>, %arg5: memref<1264x1xf32, #tpu.memory_space<vmem>>, %arg6: memref<1264x1xf32, #tpu.memory_space<vmem>>) attributes {dimension_semantics = [#tpu.dimension_semantics<arbitrary>], iteration_bounds = array<i64: 8>, scalar_prefetch = 0 : i64, scratch_operands = 0 : i64, tpu.core_type = #tpu.core_type<tc>, window_params = [{transform_indices = @transform_0, window_bounds = array<i64: 2, 1264, 1>}, {transform_indices = @transform_1, window_bounds = array<i64: 2, 1264, 1>}, {transform_indices = @transform_2, window_bounds = array<i64: 1264, 128>}, {transform_indices = @transform_3, window_bounds = array<i64: 1264, 128>}, {transform_indices = @transform_4, window_bounds = array<i64: 1264, 1>}, {transform_indices = @transform_5, window_bounds = array<i64: 1264, 1>}]} {
    %get3A = arith.constant 0 : index
    %get3A_0 = arith.constant 0 : index
    %get3A_1 = arith.constant 0 : index
    %get3A_2 = vector.load %arg1[%get3A, %get3A_0, %get3A_1] : memref<2x1264x1xf32, #tpu.memory_space<vmem>>, vector<1x1264x1xf32>
    %get3A_3 = vector.shape_cast %get3A_2 : vector<1x1264x1xf32> to vector<1264x1xf32>
    %get3A_4 = arith.constant 1 : index
    %get3A_5 = arith.constant 0 : index
    %get3A_6 = arith.constant 0 : index
    %get3A_7 = vector.load %arg1[%get3A_4, %get3A_5, %get3A_6] : memref<2x1264x1xf32, #tpu.memory_space<vmem>>, vector<1x1264x1xf32>
    %get3A_8 = vector.shape_cast %get3A_7 : vector<1x1264x1xf32> to vector<1264x1xf32>
    %add3A = arith.addf %get3A_3, %get3A_8 : vector<1264x1xf32>
    %get3A_9 = arith.constant 0 : index
    %get3A_10 = arith.constant 0 : index
    %get3A_11 = arith.constant 0 : index
    %get3A_12 = vector.load %arg2[%get3A_9, %get3A_10, %get3A_11] : memref<2x1264x1xf32, #tpu.memory_space<vmem>>, vector<1x1264x1xf32>
    %get3A_13 = vector.shape_cast %get3A_12 : vector<1x1264x1xf32> to vector<1264x1xf32>
    %get3A_14 = arith.constant 1 : index
    %get3A_15 = arith.constant 0 : index
    %get3A_16 = arith.constant 0 : index
    %get3A_17 = vector.load %arg2[%get3A_14, %get3A_15, %get3A_16] : memref<2x1264x1xf32, #tpu.memory_space<vmem>>, vector<1x1264x1xf32>
    %get3A_18 = vector.shape_cast %get3A_17 : vector<1x1264x1xf32> to vector<1264x1xf32>
    %add3A_19 = arith.addf %get3A_13, %get3A_18 : vector<1264x1xf32>
    %gt3A = arith.constant 0.000000e+00 : f32
    %gt3A_20 = vector.broadcast %gt3A : f32 to vector<1264x1xf32>
    %gt3A_21 = arith.cmpf ogt, %add3A, %gt3A_20 : vector<1264x1xf32>
    %max3A = arith.constant 1.000000e+00 : f32
    %max3A_22 = vector.broadcast %max3A : f32 to vector<1264x1xf32>
    %max3A_23 = arith.maximumf %add3A, %max3A_22 : vector<1264x1xf32>
    %rsqrt3A = math.rsqrt %max3A_23 : vector<1264x1xf32>
    %jit3A = arith.constant 0.000000e+00 : f32
    %broadcast_in_dim3A = vector.broadcast %jit3A : f32 to vector<1264x1xf32>
    %select_n3A = arith.select %gt3A_21, %rsqrt3A, %broadcast_in_dim3A : vector<1264x1xi1>, vector<1264x1xf32>
    %gt3A_24 = arith.constant 0.000000e+00 : f32
    %gt3A_25 = vector.broadcast %gt3A_24 : f32 to vector<1264x1xf32>
    %gt3A_26 = arith.cmpf ogt, %add3A_19, %gt3A_25 : vector<1264x1xf32>
    %max3A_27 = arith.constant 1.000000e+00 : f32
    %max3A_28 = vector.broadcast %max3A_27 : f32 to vector<1264x1xf32>
    %max3A_29 = arith.maximumf %add3A_19, %max3A_28 : vector<1264x1xf32>
    %rsqrt3A_30 = math.rsqrt %max3A_29 : vector<1264x1xf32>
    %jit3A_31 = arith.constant 0.000000e+00 : f32
    %broadcast_in_dim3A_32 = vector.broadcast %jit3A_31 : f32 to vector<1264x1xf32>
    %select_n3A_33 = arith.select %gt3A_26, %rsqrt3A_30, %broadcast_in_dim3A_32 : vector<1264x1xi1>, vector<1264x1xf32>
    %swap3A = arith.constant 0 : index
    %swap3A_34 = arith.constant 0 : index
    %swap3A_35 = vector.load %arg5[%swap3A, %swap3A_34] : memref<1264x1xf32, #tpu.memory_space<vmem>>, vector<1264x1xf32>
    tpu.vector_store %arg5[%swap3A, %swap3A_34], %select_n3A {strides = array<i32>} : memref<1264x1xf32, #tpu.memory_space<vmem>>, vector<1264x1xf32>,
    %swap3A_36 = arith.constant 0 : index
    %swap3A_37 = arith.constant 0 : index
    %swap3A_38 = vector.load %arg6[%swap3A_36, %swap3A_37] : memref<1264x1xf32, #tpu.memory_space<vmem>>, vector<1264x1xf32>
    tpu.vector_store %arg6[%swap3A_36, %swap3A_37], %select_n3A_33 {strides = array<i32>} : memref<1264x1xf32, #tpu.memory_space<vmem>>, vector<1264x1xf32>,
    %get3A_39 = arith.constant 0 : index
    %get3A_40 = arith.constant 0 : index
    %get3A_41 = vector.load %arg3[%get3A_39, %get3A_40] : memref<1264x128xf32, #tpu.memory_space<vmem>>, vector<1264x128xf32>
    %mul3A = vector.broadcast %select_n3A : vector<1264x1xf32> to vector<1264x128xf32>
    %mul3A_42 = arith.mulf %get3A_41, %mul3A : vector<1264x128xf32>
    %swap3A_43 = arith.constant 0 : index
    %swap3A_44 = arith.constant 0 : index
    %swap3A_45 = vector.load %arg4[%swap3A_43, %swap3A_44] : memref<1264x128xf32, #tpu.memory_space<vmem>>, vector<1264x128xf32>
    tpu.vector_store %arg4[%swap3A_43, %swap3A_44], %mul3A_42 {strides = array<i32>} : memref<1264x128xf32, #tpu.memory_space<vmem>>, vector<1264x128xf32>,
    return
  }
  func.func @transform_0(%arg0: i32) -> (i32, i32, i32) {
    %c0_i32 = arith.constant 0 : i32
    %c0_i32_0 = arith.constant 0 : i32
    %c0_i32_1 = arith.constant 0 : i32
    return %c0_i32, %arg0, %c0_i32_0 : i32, i32, i32
  }
  func.func @transform_1(%arg0: i32) -> (i32, i32, i32) {
    %c0_i32 = arith.constant 0 : i32
    %c0_i32_0 = arith.constant 0 : i32
    %c0_i32_1 = arith.constant 0 : i32
    return %c0_i32, %arg0, %c0_i32_0 : i32, i32, i32
  }
  func.func @transform_2(%arg0: i32) -> (i32, i32) {
    %c0_i32 = arith.constant 0 : i32
    %c0_i32_0 = arith.constant 0 : i32
    return %arg0, %c0_i32 : i32, i32
  }
  func.func @transform_3(%arg0: i32) -> (i32, i32) {
    %c0_i32 = arith.constant 0 : i32
    %c0_i32_0 = arith.constant 0 : i32
    return %arg0, %c0_i32 : i32, i32
  }
  func.func @transform_4(%arg0: i32) -> (i32, i32) {
    %c0_i32 = arith.constant 0 : i32
    %c0_i32_0 = arith.constant 0 : i32
    return %arg0, %c0_i32 : i32, i32
  }
  func.func @transform_5(%arg0: i32) -> (i32, i32) {
    %c0_i32 = arith.constant 0 : i32
    %c0_i32_0 = arith.constant 0 : i32
    return %arg0, %c0_i32 : i32, i32
  }
}

module attributes {stable_mosaic.version = 14 : i64} {
  func.func @body(%arg0: i32, %arg1: memref<2x1264x128xf32, #tpu.memory_space<vmem>>, %arg2: memref<1264x1xf32, #tpu.memory_space<vmem>>, %arg3: memref<1264x1xf32, #tpu.memory_space<vmem>>, %arg4: memref<1x128xf32, #tpu.memory_space<vmem>>, %arg5: memref<1264x128xf32, #tpu.memory_space<vmem>>) attributes {dimension_semantics = [#tpu.dimension_semantics<arbitrary>], iteration_bounds = array<i64: 8>, scalar_prefetch = 0 : i64, scratch_operands = 0 : i64, tpu.core_type = #tpu.core_type<tc>, window_params = [{transform_indices = @transform_0, window_bounds = array<i64: 2, 1264, 128>}, {transform_indices = @transform_1, window_bounds = array<i64: 1264, 1>}, {transform_indices = @transform_2, window_bounds = array<i64: 1264, 1>}, {pipeline_mode = #tpu.pipeline_mode<synchronous>, transform_indices = @transform_3, window_bounds = array<i64: 1, 128>}, {transform_indices = @transform_4, window_bounds = array<i64: 1264, 128>}]} {
    %get3A = arith.constant 0 : index
    %get3A_0 = arith.constant 0 : index
    %get3A_1 = arith.constant 0 : index
    %get3A_2 = vector.load %arg1[%get3A, %get3A_0, %get3A_1] : memref<2x1264x128xf32, #tpu.memory_space<vmem>>, vector<1x1264x128xf32>
    %get3A_3 = vector.shape_cast %get3A_2 : vector<1x1264x128xf32> to vector<1264x128xf32>
    %get3A_4 = arith.constant 1 : index
    %get3A_5 = arith.constant 0 : index
    %get3A_6 = arith.constant 0 : index
    %get3A_7 = vector.load %arg1[%get3A_4, %get3A_5, %get3A_6] : memref<2x1264x128xf32, #tpu.memory_space<vmem>>, vector<1x1264x128xf32>
    %get3A_8 = vector.shape_cast %get3A_7 : vector<1x1264x128xf32> to vector<1264x128xf32>
    %add3A = arith.addf %get3A_3, %get3A_8 : vector<1264x128xf32>
    %get3A_9 = arith.constant 0 : index
    %get3A_10 = arith.constant 0 : index
    %get3A_11 = vector.load %arg2[%get3A_9, %get3A_10] : memref<1264x1xf32, #tpu.memory_space<vmem>>, vector<1264x1xf32>
    %mul3A = vector.broadcast %get3A_11 : vector<1264x1xf32> to vector<1264x128xf32>
    %mul3A_12 = arith.mulf %add3A, %mul3A : vector<1264x128xf32>
    %get3A_13 = arith.constant 0 : index
    %get3A_14 = arith.constant 0 : index
    %get3A_15 = vector.load %arg4[%get3A_13, %get3A_14] : memref<1x128xf32, #tpu.memory_space<vmem>>, vector<1x128xf32>
    %add3A_16 = vector.broadcast %get3A_15 : vector<1x128xf32> to vector<1264x128xf32>
    %add3A_17 = arith.addf %mul3A_12, %add3A_16 : vector<1264x128xf32>
    %max3A = arith.constant 0.000000e+00 : f32
    %max3A_18 = vector.broadcast %max3A : f32 to vector<1264x128xf32>
    %max3A_19 = arith.maximumf %add3A_17, %max3A_18 : vector<1264x128xf32>
    %get3A_20 = arith.constant 0 : index
    %get3A_21 = arith.constant 0 : index
    %get3A_22 = vector.load %arg3[%get3A_20, %get3A_21] : memref<1264x1xf32, #tpu.memory_space<vmem>>, vector<1264x1xf32>
    %mul3A_23 = vector.broadcast %get3A_22 : vector<1264x1xf32> to vector<1264x128xf32>
    %mul3A_24 = arith.mulf %max3A_19, %mul3A_23 : vector<1264x128xf32>
    %swap3A = arith.constant 0 : index
    %swap3A_25 = arith.constant 0 : index
    %swap3A_26 = vector.load %arg5[%swap3A, %swap3A_25] : memref<1264x128xf32, #tpu.memory_space<vmem>>, vector<1264x128xf32>
    tpu.vector_store %arg5[%swap3A, %swap3A_25], %mul3A_24 {strides = array<i32>} : memref<1264x128xf32, #tpu.memory_space<vmem>>, vector<1264x128xf32>,
    return
  }
  func.func @transform_0(%arg0: i32) -> (i32, i32, i32) {
    %c0_i32 = arith.constant 0 : i32
    %c0_i32_0 = arith.constant 0 : i32
    %c0_i32_1 = arith.constant 0 : i32
    return %c0_i32, %arg0, %c0_i32_0 : i32, i32, i32
  }
  func.func @transform_1(%arg0: i32) -> (i32, i32) {
    %c0_i32 = arith.constant 0 : i32
    %c0_i32_0 = arith.constant 0 : i32
    return %arg0, %c0_i32 : i32, i32
  }
  func.func @transform_2(%arg0: i32) -> (i32, i32) {
    %c0_i32 = arith.constant 0 : i32
    %c0_i32_0 = arith.constant 0 : i32
    return %arg0, %c0_i32 : i32, i32
  }
  func.func @transform_3(%arg0: i32) -> (i32, i32) {
    %c0_i32 = arith.constant 0 : i32
    %c0_i32_0 = arith.constant 0 : i32
    %c0_i32_1 = arith.constant 0 : i32
    return %c0_i32, %c0_i32_0 : i32, i32
  }
  func.func @transform_4(%arg0: i32) -> (i32, i32) {
    %c0_i32 = arith.constant 0 : i32
    %c0_i32_0 = arith.constant 0 : i32
    return %arg0, %c0_i32 : i32, i32
  }
}

module attributes {stable_mosaic.version = 14 : i64} {
  func.func @body(%arg0: i32, %arg1: memref<2x2000x128xf32, #tpu.memory_space<vmem>>, %arg2: memref<2000x1xf32, #tpu.memory_space<vmem>>, %arg3: memref<128x64xf32, #tpu.memory_space<vmem>>, %arg4: memref<1x64xf32, #tpu.memory_space<vmem>>, %arg5: memref<2000x64xf32, #tpu.memory_space<vmem>>) attributes {dimension_semantics = [#tpu.dimension_semantics<arbitrary>], iteration_bounds = array<i64: 5>, scalar_prefetch = 0 : i64, scratch_operands = 0 : i64, tpu.core_type = #tpu.core_type<tc>, window_params = [{transform_indices = @transform_0, window_bounds = array<i64: 2, 2000, 128>}, {transform_indices = @transform_1, window_bounds = array<i64: 2000, 1>}, {pipeline_mode = #tpu.pipeline_mode<synchronous>, transform_indices = @transform_2, window_bounds = array<i64: 128, 64>}, {pipeline_mode = #tpu.pipeline_mode<synchronous>, transform_indices = @transform_3, window_bounds = array<i64: 1, 64>}, {transform_indices = @transform_4, window_bounds = array<i64: 2000, 64>}]} {
    %get3A = arith.constant 0 : index
    %get3A_0 = arith.constant 0 : index
    %get3A_1 = arith.constant 0 : index
    %get3A_2 = vector.load %arg1[%get3A, %get3A_0, %get3A_1] : memref<2x2000x128xf32, #tpu.memory_space<vmem>>, vector<1x2000x128xf32>
    %get3A_3 = vector.shape_cast %get3A_2 : vector<1x2000x128xf32> to vector<2000x128xf32>
    %get3A_4 = arith.constant 1 : index
    %get3A_5 = arith.constant 0 : index
    %get3A_6 = arith.constant 0 : index
    %get3A_7 = vector.load %arg1[%get3A_4, %get3A_5, %get3A_6] : memref<2x2000x128xf32, #tpu.memory_space<vmem>>, vector<1x2000x128xf32>
    %get3A_8 = vector.shape_cast %get3A_7 : vector<1x2000x128xf32> to vector<2000x128xf32>
    %add3A = arith.addf %get3A_3, %get3A_8 : vector<2000x128xf32>
    %get3A_9 = arith.constant 0 : index
    %get3A_10 = arith.constant 0 : index
    %get3A_11 = vector.load %arg2[%get3A_9, %get3A_10] : memref<2000x1xf32, #tpu.memory_space<vmem>>, vector<2000x1xf32>
    %mul3A = vector.broadcast %get3A_11 : vector<2000x1xf32> to vector<2000x128xf32>
    %mul3A_12 = arith.mulf %add3A, %mul3A : vector<2000x128xf32>
    %get3A_13 = arith.constant 0 : index
    %get3A_14 = arith.constant 0 : index
    %get3A_15 = vector.load %arg3[%get3A_13, %get3A_14] : memref<128x64xf32, #tpu.memory_space<vmem>>, vector<128x64xf32>
    %dot_general3A = arith.constant dense<0.000000e+00> : vector<2000x64xf32>
    %dot_general3A_16 = tpu.matmul %mul3A_12, %get3A_15, %dot_general3A {dimension_numbers = #tpu.dot_dimension_numbers<[1], [0], [0], [1], [0, 0, 1, 1], [], []>, precision = #tpu.contract_precision<fp32>, transpose_lhs_hint = false} : vector<2000x128xf32>, vector<128x64xf32>, vector<2000x64xf32> -> vector<2000x64xf32>
    %get3A_17 = arith.constant 0 : index
    %get3A_18 = arith.constant 0 : index
    %get3A_19 = vector.load %arg4[%get3A_17, %get3A_18] : memref<1x64xf32, #tpu.memory_space<vmem>>, vector<1x64xf32>
    %add3A_20 = vector.broadcast %get3A_19 : vector<1x64xf32> to vector<2000x64xf32>
    %add3A_21 = arith.addf %dot_general3A_16, %add3A_20 : vector<2000x64xf32>
    %swap3A = arith.constant 0 : index
    %swap3A_22 = arith.constant 0 : index
    %swap3A_23 = vector.load %arg5[%swap3A, %swap3A_22] : memref<2000x64xf32, #tpu.memory_space<vmem>>, vector<2000x64xf32>
    tpu.vector_store %arg5[%swap3A, %swap3A_22], %add3A_21 {strides = array<i32>} : memref<2000x64xf32, #tpu.memory_space<vmem>>, vector<2000x64xf32>,
    return
  }
  func.func @transform_0(%arg0: i32) -> (i32, i32, i32) {
    %c0_i32 = arith.constant 0 : i32
    %c0_i32_0 = arith.constant 0 : i32
    %c0_i32_1 = arith.constant 0 : i32
    return %c0_i32, %arg0, %c0_i32_0 : i32, i32, i32
  }
  func.func @transform_1(%arg0: i32) -> (i32, i32) {
    %c0_i32 = arith.constant 0 : i32
    %c0_i32_0 = arith.constant 0 : i32
    return %arg0, %c0_i32 : i32, i32
  }
  func.func @transform_2(%arg0: i32) -> (i32, i32) {
    %c0_i32 = arith.constant 0 : i32
    %c0_i32_0 = arith.constant 0 : i32
    %c0_i32_1 = arith.constant 0 : i32
    return %c0_i32, %c0_i32_0 : i32, i32
  }
  func.func @transform_3(%arg0: i32) -> (i32, i32) {
    %c0_i32 = arith.constant 0 : i32
    %c0_i32_0 = arith.constant 0 : i32
    %c0_i32_1 = arith.constant 0 : i32
    return %c0_i32, %c0_i32_0 : i32, i32
  }
  func.func @transform_4(%arg0: i32) -> (i32, i32) {
    %c0_i32 = arith.constant 0 : i32
    %c0_i32_0 = arith.constant 0 : i32
    return %arg0, %c0_i32 : i32, i32
  }
}

</mosaic_0001>

<sc_bundles>
// kernel: kernel.12.cloned.1.call-start
scs
__scs_entry_jumppad:
0x0: {  	(pc) =	sbr.rel $0x88, $3  }
0x1: {  	(tag) =	ssettag $0x0;
	lr =	simm.s32 $0x1  }
0x2: {  	[smem:$0x3F9B] =	sst lr;
	_ =	strace $0xD0000000  }
0x3: {  	_ = 	snop  }
0x4: {  	_ = 	snop  }
0x5: {  	_ = 	snop  }
0x6: {  	_ = 	snop  }
0x7: {  	_ = 	snop  }
__scs_overlays_trampoline_lowered:
0x8: {  	[smem:$0x3FAA] =	sst s0  }
0x9: {  	[smem:$0x3FAB] =	sst s1  }
0xa: {  	[smem:$0x3FAC] =	sst s2  }
0xb: {  	[smem:$0x3FAD] =	sst s3  }
0xc: {  	[smem:$0x3FAE] =	sst s4  }
0xd: {  	[smem:$0x3FAF] =	sst s5  }
0xe: {  	[smem:$0x3FB0] =	sst s6  }
0xf: {  	[smem:$0x3FB1] =	sst s7  }
0x10: {  	[smem:$0x3FB2] =	sst s8  }
0x11: {  	[smem:$0x3FB3] =	sst s9;
	s0 =	simm.s32 @!p0 $0x0  }
0x12: {  	s1 =	sld [smem:$0x3F99];
	s0 =	simm.s32 @p0 $0x1  }
0x13: {  	[smem:$0x3FB4] =	sst s0;
	s0 =	simm.s32 @!p1 $0x0  }
0x14: {  	s2 =	sld [smem:$0x3F98];
	s0 =	simm.s32 @p1 $0x1  }
0x15: {  	[smem:$0x3FB5] =	sst s0;
	s0 =	simm.s32 @!p2 $0x0  }
0x16: {  	s3 =	sld [smem:$0x3FDB];
	s0 =	simm.s32 @p2 $0x1  }
0x17: {  	s4 =	simm.s32 $0x1BF5;
	[smem:$0x3FB7] =	sst s0  }
0x18: {  	s0 =	sld [smem:$0x3F9A];
	_ =	swait.ge [sflag:s4], $0x0  }
0x19: {  	s7 =	sld [smem:$0x3F9B]  }
0x1a: {  	s8 =	sadd.s32 $0xFFFFE003, lr  }
0x1b: {  	s9 =	sadd.s32 $0xFFFFFEF7, lr;
	s5 =	simm.s32 $0xFFFFFFFF;
	p2 =	slt.u32 s8, $0xFFFFF086  }
0x1c: {  	p1 =	slt.u32 s9, $0xF7A;
	s5 =	simm.s32 @!p2 $0x0  }
0x1d: {  	s5 =	simm.s32 @p1 $0x1;
	p0 =	seq.s32 s7, s2  }
0x1e: {  	s7 =	smul.u32 @!p0 $0xF7A, s2;
	p2 =	seq.s32 @!p0 s5, $0x0  }
0x1f: {  	s9 =	smul.u32 $0xF7A, s1;
	s8 =	simm.s32 @!p0 $0x1BF5;
	p2 =	por !p2, p0  }
0x20: {  	[sflag:s8] =	ssyncset.s32 @!p0 $0xFFFFF086;
	s6 =	sadd.s32 @!p0 s3, s7;
	s7 =	simm.s32 @!p0 $0x108  }
0x21: {  	s3 =	sadd.s32 s3, s9;
	s6 =	sadd.s32 @!p0 $0x88, s6;
	s7 =	simm.s32 @p2 $0x1082  }
0x22: {  	[simem:s7], [sflag:s8] =	dma.local @!p0 [hbm:s6], $0xF7A  }
0x23: {  	s9 =	sor.u32 $0xD0000000, s2;
	s6 =	simm.s32 $0x108;
	_ =	swait.ge @!p0 [sflag:s8], $0x0  }
0x24: {  	s3 =	sadd.s32 $0x88, s3;
	s6 =	simm.s32 @!p1 $0x1082;
	[sflag:s4] =	ssyncset.s32 $0xFFFFF086  }
0x25: {  	[simem:s6], [sflag:s4] =	dma.local [hbm:s3], $0xF7A  }
0x26: {  	[smem:$0x3F9B] =	sst s1;
	(tag) =	ssettag s2;
	_ =	strace s9  }
0x27: {  	s1 =	sld [smem:$0x3FAB]  }
0x28: {  	s2 =	sld [smem:$0x3FAC]  }
0x29: {  	s4 =	sld [smem:$0x3FAE]  }
0x2a: {  	p0 =	seq.s32 s5, $0x0;
	s5 =	sld [smem:$0x3FAF]  }
0x2b: {  	s6 =	sld [smem:$0x3FB0]  }
0x2c: {  	s7 =	sld [smem:$0x3FB1]  }
0x2d: {  	s3 =	simm.s32 $0x108;
	s8 =	sld [smem:$0x3FB2]  }
0x2e: {  	s3 =	simm.s32 @!p0 $0x1082;
	s9 =	sld [smem:$0x3FB3]  }
0x2f: {  	lr =	sadd.s32 s0, s3;
	s0 =	sld [smem:$0x3FAA]  }
0x30: {  	s3 =	sld [smem:$0x3FAD]  }
0x31: {  	[smem:$0x3FB6] =	sst s10  }
0x32: {  	s10 =	sld [smem:$0x3FB4];
	_ =	sdelay $0x3  }
0x33: {  	p0 =	seq.s32 s10, $0x1;
	s10 =	sld [smem:$0x3FB6];
	_ =	sdelay $0x3  }
0x34: {  	[smem:$0x3FB6] =	sst s10  }
0x35: {  	s10 =	sld [smem:$0x3FB5];
	_ =	sdelay $0x3  }
0x36: {  	p1 =	seq.s32 s10, $0x1;
	s10 =	sld [smem:$0x3FB6];
	_ =	sdelay $0x3  }
0x37: {  	[smem:$0x3FB6] =	sst s10  }
0x38: {  	s10 =	sld [smem:$0x3FB7]  }
0x39: {  	_ = 	snop;
	(pc) =	sbr.ind lr, $3  }
0x3a: {  	_ = 	snop  }
0x3b: {  	_ = 	snop  }
0x3c: {  	p2 =	seq.s32 s10, $0x1;
	s10 =	sld [smem:$0x3FB6]  }
0x3d: {  	_ =	shalt  }
0x3e: {  	_ =	shalt  }
0x3f: {  	_ =	shalt  }
0x40: {  	_ =	shalt  }
0x41: {  	_ =	shalt  }
0x42: {  	_ =	shalt  }
0x43: {  	_ =	shalt  }
0x44: {  	_ =	shalt  }
0x45: {  	_ =	shalt  }
0x46: {  	_ =	shalt  }
0x47: {  	_ =	shalt  }
0x48: {  	_ =	shalt  }
0x49: {  	_ =	shalt  }
0x4a: {  	_ =	shalt  }
0x4b: {  	_ =	shalt  }
0x4c: {  	_ =	shalt  }
0x4d: {  	_ =	shalt  }
0x4e: {  	_ =	shalt  }
0x4f: {  	_ =	shalt  }
0x50: {  	_ =	shalt  }
0x51: {  	_ =	shalt  }
0x52: {  	_ =	shalt  }
0x53: {  	_ =	shalt  }
0x54: {  	_ =	shalt  }
0x55: {  	_ =	shalt  }
0x56: {  	_ =	shalt  }
0x57: {  	_ =	shalt  }
0x58: {  	_ =	shalt  }
0x59: {  	_ =	shalt  }
0x5a: {  	_ =	shalt  }
0x5b: {  	_ =	shalt  }
0x5c: {  	_ =	shalt  }
0x5d: {  	_ =	shalt  }
0x5e: {  	_ =	shalt  }
0x5f: {  	_ =	shalt  }
0x60: {  	_ =	shalt  }
0x61: {  	_ =	shalt  }
0x62: {  	_ =	shalt  }
0x63: {  	_ =	shalt  }
0x64: {  	_ =	shalt  }
0x65: {  	_ =	shalt  }
0x66: {  	_ =	shalt  }
0x67: {  	_ =	shalt  }
0x68: {  	_ =	shalt  }
0x69: {  	_ =	shalt  }
0x6a: {  	_ =	shalt  }
0x6b: {  	_ =	shalt  }
0x6c: {  	_ =	shalt  }
0x6d: {  	_ =	shalt  }
0x6e: {  	_ =	shalt  }
0x6f: {  	_ =	shalt  }
0x70: {  	_ =	shalt  }
0x71: {  	_ =	shalt  }
0x72: {  	_ =	shalt  }
0x73: {  	_ =	shalt  }
0x74: {  	_ =	shalt  }
0x75: {  	_ =	shalt  }
0x76: {  	_ =	shalt  }
0x77: {  	_ =	shalt  }
0x78: {  	_ =	shalt  }
0x79: {  	_ =	shalt  }
0x7a: {  	_ =	shalt  }
0x7b: {  	_ =	shalt  }
0x7c: {  	_ =	shalt  }
0x7d: {  	_ =	shalt  }
0x7e: {  	_ =	shalt  }
0x7f: {  	_ =	shalt  }
0x80: {  	_ =	shalt  }
0x81: {  	_ =	shalt  }
0x82: {  	_ =	shalt  }
0x83: {  	_ =	shalt  }
0x84: {  	_ =	shalt  }
0x85: {  	_ =	shalt  }
0x86: {  	_ =	shalt  }
0x87: {  	_ =	shalt  }
.Lfunc_end0:
.L_simem_size_0:
called_computation.1_lowered:
.L_overlay_start_0:
0x88: {  	s2 =	sld [smem:$0x3FD9]  }
0x89: {  	s3 =	sld [smem:$0x3FFE];
	_ =	sdelay $0x1  }
0x8a: {  	s1 =	srdreg.scid  }
0x8b: {  	s0 =	sand.u32 $0x1, s1  }
0x8c: {  	s16 =	sshll.u32 s0, $0xA;
	s2 =	sadd.s32 s3, s2  }
0x8d: {  	s2 =	sadd.s32 s2, s16  }
0x8e: {  	[smem:$0x3FC2] =	sst s2  }
0x8f: {  	_ = 	snop  }
0x90: {  	(tm) =	ssettm $0x1  }
0x91: {  	s17 =	sld [smem:$0x3FFB];
	_ =	sdelay $0x3  }
0x92: {  	_ =	strace s17  }
0x93: {  	s2 =	sld [smem:$0x3FFC];
	_ =	sdelay $0x3  }
0x94: {  	_ =	strace s2  }
0x95: {  	s2 =	sld [smem:$0x3FFD];
	_ =	sdelay $0x3  }
0x96: {  	_ =	strace s2  }
0x97: {  	_ =	strace $0x8FFFFFFF  }
0x98: {  	s18 =	sld [smem:$0x3FDB];
	_ =	sdelay $0x1  }
0x99: {  	s19 =	simm.s32 $_scs_section_size  }
0x9a: {  	s4 =	simm.s32 $_size__tile_overlayer_lowered;
	s5 =	simm.s32 $_tile_overlayer_lowered  }
0x9b: {  	s22 =	simm.s32 $0x1BFF;
	s21 =	sshll.u32 s5, $0x1;
	s2 =	sadd.s32 s19, s18  }
0x9c: {  	s6 =	simm.s32 $0x0;
	s20 =	sshll.u32 s4, $0x1;
	s4 =	sadd.s32 s21, s2  }
0x9d: {  	[timem:s6], [sflag:s22] =	dma.local [hbm:s4], s20  }
0x9e: {  	_ =	swait.ge [sflag:s22], s20  }
0x9f: {  	s3 =	ssub.s32 $0x0, s20;
	[sflag:s22] =	ssyncset.done $0x0  }
0xa0: {  	[sflag:s22] =	ssyncadd.s32 s3;
	_ =	sdelay $0x1  }
0xa1: {  	s23 =	simm.s32 $0x1B8B  }
0xa2: {  	_ =	swait.ge [sflag:s23], $0x1  }
0xa3: {  	[sflag:s23] =	ssyncset.done $0x0  }
0xa4: {  	s25 =	simm.s32 $0x1B8E;
	s24 =	sld [smem:$0x3FFE];
	[sflag:s23] =	ssyncadd.s32 $0xFFFFFFFF  }
0xa5: {  	s26 =	simm.s32 $execute0_lowered;
	[smem:$0x3FD2] =	sst s25  }
0xa6: {  	s4 =	sshll.u32 s26, $0x1;
	_ =	strace $0x80000049;
	[dreg:$0x1] =	wrdreg $0xFFFFFFFF  }
0xa7: {  	s28 =	simm.s32 $_size_execute0_lowered;
	s2 =	sadd.s32 s2, s4;
	[dreg:$0x0] =	wrdreg $0x0  }
0xa8: {  	s4 =	sshll.u32 s28, $0x1;
	[dreg:$0x2] =	wrdreg s2  }
0xa9: {  	[dreg:$0x3] =	wrdreg s4  }
0xaa: {  	[dreg:$0x4] =	wrdreg $0xC0  }
0xab: {  	_ =	task [dreg:s6], $0x5FFFF  }
0xac: {  	[dreg:$0x1] =	wrdreg $0xFFFFFFFF  }
0xad: {  	[dreg:$0x0] =	wrdreg $0x60  }
0xae: {  	[dreg:$0x2] =	wrdreg s24  }
0xaf: {  	[dreg:$0x3] =	wrdreg $0x0  }
0xb0: {  	[dreg:$0x4] =	wrdreg $0x9  }
0xb1: {  	_ =	task.clear_ibuf [dreg:s6], $0x5FFFF;
	_ =	strace $0x90000049  }
0xb2: {  	s29 =	simm.s32 $0x9;
	_ =	strace $0x8000004B  }
0xb3: {  	_ =	swait.ge [sflag:s29], $0x1  }
0xb4: {  	[sflag:s29] =	ssyncadd.s32 $0xFFFFFFFF  }
0xb5: {  	_ =	strace $0x9000004B  }
0xb6: {  	_ =	sfence  }
0xb7: {  	s30 =	sld [smem:$0x0];
	_ =	sdelay $0x2  }
0xb8: {  	s31 =	sshll.u32 s1, $0xD;
	s1 =	sshrl.u32 s1, $0x2  }
0xb9: {  	s3 =	sand.u32 $0x4000, s31;
	s1 =	sadd.s32 s1, s30  }
0xba: {  	s0 =	sor.u32 s3, s0;
	s1 =	sshll.u32 s1, $0x11  }
0xbb: {  	s0 =	sor.u32 s1, s0  }
0xbc: {  	s0 =	sadd.s32 $0x8F2B, s0  }
0xbd: {  	[sflag:s0] =	ssyncadd.remote.s32 $0x1  }
0xbe: {  	_ =	sfence.sel $0xFFFF  }
0xbf: {  	[dreg:$0x0] =	wrdreg $0xFFFFFFFF;
	(pc) =	sbr.abs _section_cstart, $3  }
0xc0: {  	[dreg:$0x1] =	wrdreg $0xFFFFFFFF  }
0xc1: {  	_ =	task.clear_ibuf [dreg:s6], $0x2FFFF;
	_ =	strace $0x9FFFFFFF  }
0xc2: {  	(tm) =	ssettm $0x7FFFFFFF  }
0xc3: {  	_ =	shalt  }
tec
execute0_lowered:
.L_overlay_start_1:
0x0: {  	(tag) =	ssettag $0x1  }
0x1: {  	s0 =	rddreg [dreg:$0x0]  }
0x2: {  	s2 =	rddreg [dreg:$0x1];
	s3 =	simm.s32 $0x0;
	s15 =	stileid.u32  }
0x3: {  	s1 =	srdreg.scid;
	s16 =	simm.s32 $0x4;
	s18 =	simm.s32 $0x40  }
0x4: {  	s19 =	simm.s32 $0x15C00;
	s21 =	simm.s32 $0x17C00;
	s5 =	smul.u32 $0x13C00, s15  }
0x5: {  	s28 =	simm.s32 $0x0;
	[smem:$0x7FF] =	sst s3;
	s8 =	smul.u32 $0x4F000, s15  }
0x6: {  	s1 =	sand.u32 $0x1, s1;
	s4 =	sadd.s32 $0x36400, s0;
	s10 =	smul.u32 $0x5000, s15  }
0x7: {  	s13 =	sadd.s32 $0xE400, s0;
	s12 =	sadd.s32 $0x22400, s0;
	s6 =	smul.u32 $0x13C000, s1  }
0x8: {  	_ =	strace $0x8000004A;
	s23 =	ssub.s32 $0x2, s1;
	s9 =	smul.u32 $0x50000, s1  }
0x9: {  	s1 =	sshll.u32 s1, $0x4;
	s7 =	sshrl.u32 s5, $0x3;
	s24 =	sshrl.u32 s23, $0x1  }
0xa: {  	s8 =	sshrl.u32 s8, $0x2;
	s1 =	sor.u32 s15, s1;
	s7 =	sadd.s32 s7, s0  }
0xb: {  	s5 =	sadd.s32 s5, s6;
	s11 =	ssub.s32 s23, s24;
	s14 =	sadd.s32 s8, s2  }
0xc: {  	s1 =	smul.u32 $0xA00, s1;
	s25 =	sadd.s32 s10, s9;
	s23 =	simm.s32 $0x19C00  }
0xd: {  	s24 =	simm.s32 $0x3;
	s5 =	sshrl.u32 s5, $0x3;
	s26 =	sadd.s32 $0x5DC00, s7  }
0xe: {  	s10 =	sor.u32 $0x800, s25;
	s11 =	smax.u32 s11, $0x1;
	s14 =	sshrl.u32 s14, $0x3  }
0xf: {  	s25 =	simm.s32 $0x1;
	s0 =	sadd.s32 s5, s0;
	s5 =	sshll.u32 s15, $0x6  }
0x10: {  	[dreg:$0x3] =	wrdreg s26;
	s30 =	sadd.s32 s13, s1;
	s1 =	sadd.s32 s12, s1  }
0x11: {  	s31 =	sshrl.u32 s10, $0x3;
	s26 =	simm.s32 $0x1BC00;
	[dreg:$0x5] =	wrdreg s30  }
0x12: {  	s29 =	sor.u32 $0x1C03, s5;
	[dreg:$0x6] =	wrdreg s1;
	s10 =	sadd.s32 $0x85400, s0  }
0x13: {  	s12 =	sadd.s32 s31, s12;
	s13 =	sadd.s32 s31, s13;
	[dreg:$0x4] =	wrdreg s29  }
.LBB2_1:
0x14: {  	s0 =	rddreg [dreg:$0x3]  }
0x15: {  	s1 =	rddreg [dreg:$0x4]  }
0x16: {  	[spmem:s14], [sflag:s1] =	dma.local [hbm:s0], $0x2780  }
0x17: {  	s22 =	simm.s32 $0x13C00;
	s0 =	rddreg [dreg:$0x5]  }
0x18: {  	[tilespmem:s22], [sflag:$0x4] =	stream.linear.gather [hbm4b:s0+s3], $0x800, $0x38;
	[tilespmem:$0x1DC00] =	vst v63  }
0x19: {  	_ =	swait.ge [sflag:s16], $0x800  }
0x1a: {  	[sflag:s16] =	ssyncset.done $0x0  }
0x1b: {  	s6 =	simm.s32 $0x14C00;
	s7 =	rddreg [dreg:$0x6];
	[sflag:s16] =	ssyncadd.s32 $0xFFFFF800  }
0x1c: {  	[tilespmem:s6], [sflag:$0x4] =	stream.linear.gather [hbm4b:s7+s3], $0x800, $0x38;
	[tilespmem:$0x1DC00] =	vst v63  }
0x1d: {  	_ =	swait.ge [sflag:s16], $0x800  }
0x1e: {  	[sflag:s16] =	ssyncset.done $0x0  }
0x1f: {  	[sflag:s16] =	ssyncadd.s32 $0xFFFFF800  }
0x20: {  	[tilespmem:s19], [sflag:$0x1] =	stream.indirect.gather [hbm4b:s4+s18], $0x80, s22, s18, $0xb8;
	[tilespmem:$0x1DC00] =	vst v63  }
0x21: {  	s8 =	simm.s32 $0x13C80  }
0x22: {  	[tilespmem:s21], [sflag:$0x1] =	stream.indirect.gather [hbm4b:s4+s18], $0x80, s8, s18, $0xb8;
	[tilespmem:$0x1DC00] =	vst v63  }
0x23: {  	s9 =	simm.s32 $0x13D00;
	s15 =	sand.u32 $0x1, s3  }
0x24: {  	[tilespmem:s23], [sflag:$0x1] =	stream.indirect.gather [hbm4b:s4+s18], $0x80, s9, s18, $0xb8;
	[tilespmem:$0x1DC00] =	vst v63  }
0x25: {  	s6 =	sshll.u32 s15, $0x3;
	_ =	swait.ge [sflag:s24], $0x2780  }
0x26: {  	p0 =	por $0x0, $0x0;
	s0 =	sxor.u32 $0x8, s6;
	[sflag:s24] =	ssyncset.done $0x0  }
0x27: {  	s0 =	sshll.u32 @!p0 s0, $0x8;
	[sflag:s24] =	ssyncadd.s32 $0xFFFFD880  }
0x28: {  	s20 =	simm.s32 @!p0 $0x0;
	s17 =	sadd.s32 @!p0 $0x13C00, s0;
	[bflag:$0x0] =	sbarrier.arrive $0xFFFF  }
0x29: {  	[tilespmem:s17], [sflag:$0x2] =	stream.linear.gather @!p0 [hbm4b:s13+s20], $0x800, $0x38;
	[tilespmem:$0x1DC00] =	vst v63  }
0x2a: {  	s22 =	sadd.s32 @!p0 $0x14C00, s0  }
0x2b: {  	[tilespmem:s22], [sflag:$0x2] =	stream.linear.gather @!p0 [hbm4b:s12+s20], $0x800, $0x38;
	[tilespmem:$0x1DC00] =	vst v63  }
0x2c: {  	_ =	swait.ge [sflag:s25], $0x2000  }
0x2d: {  	s1 =	sshll.u32 s15, $0xB;
	[sflag:s25] =	ssyncset.done $0x0  }
0x2e: {  	s7 =	sadd.s32 $0x13D80, s1;
	[sflag:s25] =	ssyncadd.s32 $0xFFFFE000  }
0x2f: {  	[tilespmem:s26], [sflag:$0x1] =	stream.indirect.gather [hbm4b:s4+s18], $0x80, s7, s18, $0xb8;
	[tilespmem:$0x1DC00] =	vst v63  }
0x30: {  	s8 =	sadd.s32 $0x14C00, s1  }
0x31: {  	[spmem:s2] =	stream.indirect.scatter.add.f32 [tilespmem:s19], [sflag:$0x4], $0x80, s8, s18, $0xb8;
	[tilespmem:$0x1DC00] =	vst v63  }
0x32: {  	_ =	swait.ge [sflag:s16], $0x2000  }
0x33: {  	[sflag:s16] =	ssyncset.done $0x0  }
0x34: {  	[sflag:s16] =	ssyncadd.s32 $0xFFFFE000  }
0x35: {  	_ =	swait.ge [sflag:s25], $0x2000  }
0x36: {  	[sflag:s25] =	ssyncset.done $0x0  }
0x37: {  	s9 =	sadd.s32 $0x13E00, s1;
	[sflag:s25] =	ssyncadd.s32 $0xFFFFE000  }
0x38: {  	[tilespmem:s19], [sflag:$0x1] =	stream.indirect.gather [hbm4b:s4+s18], $0x80, s9, s18, $0xb8;
	[tilespmem:$0x1DC00] =	vst v63  }
0x39: {  	s15 =	sadd.s32 $0x14C80, s1  }
0x3a: {  	[spmem:s2] =	stream.indirect.scatter.add.f32 [tilespmem:s21], [sflag:$0x4], $0x80, s15, s18, $0xb8;
	[tilespmem:$0x1DC00] =	vst v63  }
0x3b: {  	_ =	swait.ge [sflag:s16], $0x2000  }
0x3c: {  	[sflag:s16] =	ssyncset.done $0x0  }
0x3d: {  	[sflag:s16] =	ssyncadd.s32 $0xFFFFE000  }
0x3e: {  	_ =	swait.ge [sflag:s25], $0x2000  }
0x3f: {  	[sflag:s25] =	ssyncset.done $0x0  }
0x40: {  	s22 =	sadd.s32 $0x13E80, s1;
	[sflag:s25] =	ssyncadd.s32 $0xFFFFE000  }
0x41: {  	[tilespmem:s21], [sflag:$0x1] =	stream.indirect.gather [hbm4b:s4+s18], $0x80, s22, s18, $0xb8;
	[tilespmem:$0x1DC00] =	vst v63  }
0x42: {  	s6 =	sadd.s32 $0x14D00, s1  }
0x43: {  	[spmem:s2] =	stream.indirect.scatter.add.f32 [tilespmem:s23], [sflag:$0x4], $0x80, s6, s18, $0xb8;
	[tilespmem:$0x1DC00] =	vst v63  }
0x44: {  	_ =	swait.ge [sflag:s16], $0x2000  }
0x45: {  	[sflag:s16] =	ssyncset.done $0x0  }
0x46: {  	[sflag:s16] =	ssyncadd.s32 $0xFFFFE000  }
0x47: {  	_ =	swait.ge [sflag:s25], $0x2000  }
0x48: {  	[sflag:s25] =	ssyncset.done $0x0  }
0x49: {  	s7 =	sadd.s32 $0x13F00, s1;
	[sflag:s25] =	ssyncadd.s32 $0xFFFFE000  }
0x4a: {  	[tilespmem:s23], [sflag:$0x1] =	stream.indirect.gather [hbm4b:s4+s18], $0x80, s7, s18, $0xb8;
	[tilespmem:$0x1DC00] =	vst v63  }
0x4b: {  	s8 =	sadd.s32 $0x14D80, s1  }
0x4c: {  	[spmem:s2] =	stream.indirect.scatter.add.f32 [tilespmem:s26], [sflag:$0x4], $0x80, s8, s18, $0xb8;
	[tilespmem:$0x1DC00] =	vst v63  }
0x4d: {  	_ =	swait.ge [sflag:s16], $0x2000  }
0x4e: {  	[sflag:s16] =	ssyncset.done $0x0  }
0x4f: {  	[sflag:s16] =	ssyncadd.s32 $0xFFFFE000  }
0x50: {  	_ =	swait.ge [sflag:s25], $0x2000  }
0x51: {  	[sflag:s25] =	ssyncset.done $0x0  }
0x52: {  	s9 =	sadd.s32 $0x13F80, s1;
	[sflag:s25] =	ssyncadd.s32 $0xFFFFE000  }
0x53: {  	[tilespmem:s26], [sflag:$0x1] =	stream.indirect.gather [hbm4b:s4+s18], $0x80, s9, s18, $0xb8;
	[tilespmem:$0x1DC00] =	vst v63  }
0x54: {  	s15 =	sadd.s32 $0x14E00, s1  }
0x55: {  	[spmem:s2] =	stream.indirect.scatter.add.f32 [tilespmem:s19], [sflag:$0x4], $0x80, s15, s18, $0xb8;
	[tilespmem:$0x1DC00] =	vst v63  }
0x56: {  	_ =	swait.ge [sflag:s16], $0x2000  }
0x57: {  	[sflag:s16] =	ssyncset.done $0x0  }
0x58: {  	[sflag:s16] =	ssyncadd.s32 $0xFFFFE000  }
0x59: {  	_ =	swait.ge [sflag:s25], $0x2000  }
0x5a: {  	[sflag:s25] =	ssyncset.done $0x0  }
0x5b: {  	s22 =	sor.u32 $0x14000, s1;
	[sflag:s25] =	ssyncadd.s32 $0xFFFFE000  }
0x5c: {  	[tilespmem:s19], [sflag:$0x1] =	stream.indirect.gather [hbm4b:s4+s18], $0x80, s22, s18, $0xb8;
	[tilespmem:$0x1DC00] =	vst v63  }
0x5d: {  	s6 =	sadd.s32 $0x14E80, s1  }
0x5e: {  	[spmem:s2] =	stream.indirect.scatter.add.f32 [tilespmem:s21], [sflag:$0x4], $0x80, s6, s18, $0xb8;
	[tilespmem:$0x1DC00] =	vst v63  }
0x5f: {  	_ =	swait.ge [sflag:s16], $0x2000  }
0x60: {  	[sflag:s16] =	ssyncset.done $0x0  }
0x61: {  	[sflag:s16] =	ssyncadd.s32 $0xFFFFE000  }
0x62: {  	_ =	swait.ge [sflag:s25], $0x2000  }
0x63: {  	[sflag:s25] =	ssyncset.done $0x0  }
0x64: {  	s7 =	sadd.s32 $0x14080, s1;
	[sflag:s25] =	ssyncadd.s32 $0xFFFFE000  }
0x65: {  	[tilespmem:s21], [sflag:$0x1] =	stream.indirect.gather [hbm4b:s4+s18], $0x80, s7, s18, $0xb8;
	[tilespmem:$0x1DC00] =	vst v63  }
0x66: {  	s8 =	sadd.s32 $0x14F00, s1  }
0x67: {  	[spmem:s2] =	stream.indirect.scatter.add.f32 [tilespmem:s23], [sflag:$0x4], $0x80, s8, s18, $0xb8;
	[tilespmem:$0x1DC00] =	vst v63  }
0x68: {  	_ =	swait.ge [sflag:s16], $0x2000  }
0x69: {  	[sflag:s16] =	ssyncset.done $0x0  }
0x6a: {  	[sflag:s16] =	ssyncadd.s32 $0xFFFFE000  }
0x6b: {  	_ =	swait.ge [sflag:s25], $0x2000  }
0x6c: {  	[sflag:s25] =	ssyncset.done $0x0  }
0x6d: {  	s9 =	sadd.s32 $0x14100, s1;
	[sflag:s25] =	ssyncadd.s32 $0xFFFFE000  }
0x6e: {  	[tilespmem:s23], [sflag:$0x1] =	stream.indirect.gather [hbm4b:s4+s18], $0x80, s9, s18, $0xb8;
	[tilespmem:$0x1DC00] =	vst v63  }
0x6f: {  	s15 =	sadd.s32 $0x14F80, s1  }
0x70: {  	[spmem:s2] =	stream.indirect.scatter.add.f32 [tilespmem:s26], [sflag:$0x4], $0x80, s15, s18, $0xb8;
	[tilespmem:$0x1DC00] =	vst v63  }
0x71: {  	_ =	swait.ge [sflag:s16], $0x2000  }
0x72: {  	[sflag:s16] =	ssyncset.done $0x0  }
0x73: {  	[sflag:s16] =	ssyncadd.s32 $0xFFFFE000  }
0x74: {  	_ =	swait.ge [sflag:s25], $0x2000  }
0x75: {  	[sflag:s25] =	ssyncset.done $0x0  }
0x76: {  	s22 =	sadd.s32 $0x14180, s1;
	[sflag:s25] =	ssyncadd.s32 $0xFFFFE000  }
0x77: {  	[tilespmem:s26], [sflag:$0x1] =	stream.indirect.gather [hbm4b:s4+s18], $0x80, s22, s18, $0xb8;
	[tilespmem:$0x1DC00] =	vst v63  }
0x78: {  	s6 =	sor.u32 $0x15000, s1  }
0x79: {  	[spmem:s2] =	stream.indirect.scatter.add.f32 [tilespmem:s19], [sflag:$0x4], $0x80, s6, s18, $0xb8;
	[tilespmem:$0x1DC00] =	vst v63  }
0x7a: {  	_ =	swait.ge [sflag:s16], $0x2000  }
0x7b: {  	[sflag:s16] =	ssyncset.done $0x0  }
0x7c: {  	[sflag:s16] =	ssyncadd.s32 $0xFFFFE000  }
0x7d: {  	_ =	swait.ge [sflag:s25], $0x2000  }
0x7e: {  	[sflag:s25] =	ssyncset.done $0x0  }
0x7f: {  	s7 =	sadd.s32 $0x14200, s1;
	[sflag:s25] =	ssyncadd.s32 $0xFFFFE000  }
0x80: {  	[tilespmem:s19], [sflag:$0x1] =	stream.indirect.gather [hbm4b:s4+s18], $0x80, s7, s18, $0xb8;
	[tilespmem:$0x1DC00] =	vst v63  }
0x81: {  	s8 =	sadd.s32 $0x15080, s1  }
0x82: {  	[spmem:s2] =	stream.indirect.scatter.add.f32 [tilespmem:s21], [sflag:$0x4], $0x80, s8, s18, $0xb8;
	[tilespmem:$0x1DC00] =	vst v63  }
0x83: {  	_ =	swait.ge [sflag:s16], $0x2000  }
0x84: {  	[sflag:s16] =	ssyncset.done $0x0  }
0x85: {  	[sflag:s16] =	ssyncadd.s32 $0xFFFFE000  }
0x86: {  	_ =	swait.ge [sflag:s25], $0x2000  }
0x87: {  	[sflag:s25] =	ssyncset.done $0x0  }
0x88: {  	s9 =	sadd.s32 $0x14280, s1;
	[sflag:s25] =	ssyncadd.s32 $0xFFFFE000  }
0x89: {  	[tilespmem:s21], [sflag:$0x1] =	stream.indirect.gather [hbm4b:s4+s18], $0x80, s9, s18, $0xb8;
	[tilespmem:$0x1DC00] =	vst v63  }
0x8a: {  	s15 =	sadd.s32 $0x15100, s1  }
0x8b: {  	[spmem:s2] =	stream.indirect.scatter.add.f32 [tilespmem:s23], [sflag:$0x4], $0x80, s15, s18, $0xb8;
	[tilespmem:$0x1DC00] =	vst v63  }
0x8c: {  	_ =	swait.ge [sflag:s16], $0x2000  }
0x8d: {  	[sflag:s16] =	ssyncset.done $0x0  }
0x8e: {  	[sflag:s16] =	ssyncadd.s32 $0xFFFFE000  }
0x8f: {  	_ =	swait.ge [sflag:s25], $0x2000  }
0x90: {  	[sflag:s25] =	ssyncset.done $0x0  }
0x91: {  	s22 =	sadd.s32 $0x14300, s1;
	[sflag:s25] =	ssyncadd.s32 $0xFFFFE000  }
0x92: {  	[tilespmem:s23], [sflag:$0x1] =	stream.indirect.gather [hbm4b:s4+s18], $0x80, s22, s18, $0xb8;
	[tilespmem:$0x1DC00] =	vst v63  }
0x93: {  	s6 =	sadd.s32 $0x15180, s1  }
0x94: {  	[spmem:s2] =	stream.indirect.scatter.add.f32 [tilespmem:s26], [sflag:$0x4], $0x80, s6, s18, $0xb8;
	[tilespmem:$0x1DC00] =	vst v63  }
0x95: {  	_ =	swait.ge [sflag:s16], $0x2000  }
0x96: {  	[sflag:s16] =	ssyncset.done $0x0  }
0x97: {  	[sflag:s16] =	ssyncadd.s32 $0xFFFFE000  }
0x98: {  	_ =	swait.ge [sflag:s25], $0x2000  }
0x99: {  	[sflag:s25] =	ssyncset.done $0x0  }
0x9a: {  	s7 =	sadd.s32 $0x14380, s1;
	[sflag:s25] =	ssyncadd.s32 $0xFFFFE000  }
0x9b: {  	[tilespmem:s26], [sflag:$0x1] =	stream.indirect.gather [hbm4b:s4+s18], $0x80, s7, s18, $0xb8;
	[tilespmem:$0x1DC00] =	vst v63  }
0x9c: {  	s8 =	sadd.s32 $0x15200, s1  }
0x9d: {  	[spmem:s2] =	stream.indirect.scatter.add.f32 [tilespmem:s19], [sflag:$0x4], $0x80, s8, s18, $0xb8;
	[tilespmem:$0x1DC00] =	vst v63  }
0x9e: {  	_ =	swait.ge [sflag:s16], $0x2000  }
0x9f: {  	[sflag:s16] =	ssyncset.done $0x0  }
0xa0: {  	[sflag:s16] =	ssyncadd.s32 $0xFFFFE000  }
0xa1: {  	_ =	swait.ge [sflag:s25], $0x2000  }
0xa2: {  	s30 =	simm.s32 @p0 $0x40;
	s20 =	sor.u32 $0x680, s1;
	[sflag:s25] =	ssyncset.done $0x0  }
0xa3: {  	s29 =	sadd.s32 @p0 $0x14C00, s20;
	s22 =	simm.s32 @p0 $0x17C00;
	[sflag:s25] =	ssyncadd.s32 $0xFFFFE000  }
0xa4: {  	[spmem:s2] =	stream.indirect.scatter.add.f32 @p0 [tilespmem:s22], [sflag:$0x4], $0x80, s29, s30, $0xb8;
	[tilespmem:$0x1DC00] =	vst v63  }
0xa5: {  	s22 =	simm.s32 @p0 $0x4  }
0xa6: {  	_ =	swait.ge @p0 [sflag:s22], $0x2000  }
0xa7: {  	[sflag:s22] =	ssyncset.done @p0 $0x0  }
0xa8: {  	[sflag:s22] =	ssyncadd.s32 @p0 $0xFFFFE000;
	s22 =	simm.s32 @p0 $0x1  }
0xa9: {  	_ =	swait.ge @p0 [sflag:s22], $0x2000  }
0xaa: {  	[sflag:s22] =	ssyncset.done @p0 $0x0  }
0xab: {  	[sflag:s22] =	ssyncadd.s32 @p0 $0xFFFFE000;
	s22 =	simm.s32 @!p0 $0x2  }
0xac: {  	_ =	swait.ge @!p0 [sflag:s22], $0x800  }
0xad: {  	[sflag:s22] =	ssyncset.done @!p0 $0x0  }
0xae: {  	[sflag:s22] =	ssyncadd.s32 @!p0 $0xFFFFF800  }
0xaf: {  	_ =	swait.ge @!p0 [sflag:s22], $0x800  }
0xb0: {  	[sflag:s22] =	ssyncset.done @!p0 $0x0  }
0xb1: {  	s29 =	simm.s32 @!p0 $0x15C00;
	[sflag:s22] =	ssyncadd.s32 @!p0 $0xFFFFF800;
	s22 =	simm.s32 @!p0 $0x40  }
0xb2: {  	[tilespmem:s29], [sflag:$0x1] =	stream.indirect.gather @!p0 [hbm4b:s4+s22], $0x80, s17, s22, $0xb8;
	[tilespmem:$0x1DC00] =	vst v63  }
0xb3: {  	s17 =	sadd.s32 @!p0 $0x14C00, s20;
	s20 =	simm.s32 @!p0 $0x17C00;
	s29 =	simm.s32 @!p0 $0x4  }
0xb4: {  	[spmem:s2] =	stream.indirect.scatter.add.f32 @!p0 [tilespmem:s20], [sflag:$0x4], $0x80, s17, s22, $0xb8;
	[tilespmem:$0x1DC00] =	vst v63  }
0xb5: {  	_ =	swait.ge @!p0 [sflag:s29], $0x2000  }
0xb6: {  	[sflag:s29] =	ssyncset.done @!p0 $0x0  }
0xb7: {  	s17 =	simm.s32 @!p0 $0x1;
	[sflag:s29] =	ssyncadd.s32 @!p0 $0xFFFFE000  }
0xb8: {  	_ =	swait.ge @!p0 [sflag:s17], $0x2000  }
0xb9: {  	[sflag:s17] =	ssyncset.done @!p0 $0x0  }
0xba: {  	s0 =	sadd.s32 @!p0 $0x13C80, s0;
	s29 =	sor.u32 $0x700, s1;
	[sflag:s17] =	ssyncadd.s32 @!p0 $0xFFFFE000  }
0xbb: {  	[tilespmem:s20], [sflag:$0x1] =	stream.indirect.gather @!p0 [hbm4b:s4+s22], $0x80, s0, s22, $0xb8;
	[tilespmem:$0x1DC00] =	vst v63  }
0xbc: {  	s9 =	sadd.s32 $0x14C00, s29  }
0xbd: {  	[spmem:s2] =	stream.indirect.scatter.add.f32 [tilespmem:s23], [sflag:$0x4], $0x80, s9, s18, $0xb8;
	[tilespmem:$0x1DC00] =	vst v63  }
0xbe: {  	_ =	swait.ge [sflag:s16], $0x2000  }
0xbf: {  	s15 =	simm.s32 $0x1;
	[sflag:s16] =	ssyncset.done $0x0  }
0xc0: {  	s31 =	sadd.s32 $0x100, s13;
	s17 =	sand.u32 $0x1, s15;
	[sflag:s16] =	ssyncadd.s32 $0xFFFFE000  }
0xc1: {  	s0 =	ssub.s32 @!p0 $0x14500, s1;
	s20 =	simm.s32 @!p0 $0x19C00;
	_ =	swait.ge [sflag:s25], $0x2000  }
0xc2: {  	s1 =	sor.u32 $0x780, s1;
	s29 =	sshll.u32 s17, $0xB;
	[sflag:s25] =	ssyncset.done $0x0  }
0xc3: {  	s17 =	sshll.u32 s17, $0x3;
	s1 =	sadd.s32 $0x14C00, s1;
	[sflag:s25] =	ssyncadd.s32 $0xFFFFE000  }
0xc4: {  	[tilespmem:s20], [sflag:$0x1] =	stream.indirect.gather @!p0 [hbm4b:s4+s22], $0x80, s0, s22, $0xb8;
	[tilespmem:$0x1DC00] =	vst v63  }
0xc5: {  	s17 =	sxor.u32 $0x8, s17;
	s30 =	sor.u32 $0x700, s29;
	s0 =	simm.s32 $0x2  }
0xc6: {  	[spmem:s2] =	stream.indirect.scatter.add.f32 [tilespmem:s26], [sflag:$0x4], $0x80, s1, s18, $0xb8;
	[tilespmem:$0x1DC00] =	vst v63  }
0xc7: {  	p0 =	por $0x0, $0x0;
	s1 =	sadd.s32 $0x100, s12;
	_ =	swait.ge [sflag:s16], $0x2000  }
.LBB2_2:
0xc8: {  	s20 =	sshll.u32 @!p0 s17, $0x8  }
0xc9: {  	[sflag:s16] =	ssyncset.done $0x0;
	s17 =	smov.u32 s0;
	s0 =	sadd.s32 $0x1, s0  }
0xca: {  	s15 =	simm.s32 @!p0 $0x0;
	s22 =	sadd.s32 @!p0 $0x13C00, s20;
	[sflag:s16] =	ssyncadd.s32 $0xFFFFE000  }
0xcb: {  	[tilespmem:s22], [sflag:$0x2] =	stream.linear.gather @!p0 [hbm4b:s31+s15], $0x800, $0x38;
	[tilespmem:$0x1DC00] =	vst v63  }
0xcc: {  	p1 =	sne.s32 s0, $0xA;
	s6 =	sadd.s32 @!p0 $0x14C00, s20  }
0xcd: {  	[tilespmem:s6], [sflag:$0x2] =	stream.linear.gather @!p0 [hbm4b:s1+s15], $0x800, $0x38;
	[tilespmem:$0x1DC00] =	vst v63  }
0xce: {  	_ =	swait.ge [sflag:s25], $0x2000  }
0xcf: {  	[sflag:s25] =	ssyncset.done $0x0  }
0xd0: {  	s6 =	sadd.s32 $0x13D80, s29;
	[sflag:s25] =	ssyncadd.s32 $0xFFFFE000  }
0xd1: {  	[tilespmem:s26], [sflag:$0x1] =	stream.indirect.gather [hbm4b:s4+s18], $0x80, s6, s18, $0xb8;
	[tilespmem:$0x1DC00] =	vst v63  }
0xd2: {  	s6 =	sadd.s32 $0x14C00, s29  }
0xd3: {  	[spmem:s2] =	stream.indirect.scatter.add.f32 [tilespmem:s19], [sflag:$0x4], $0x80, s6, s18, $0xb8;
	[tilespmem:$0x1DC00] =	vst v63  }
0xd4: {  	_ =	swait.ge [sflag:s16], $0x2000  }
0xd5: {  	[sflag:s16] =	ssyncset.done $0x0  }
0xd6: {  	[sflag:s16] =	ssyncadd.s32 $0xFFFFE000  }
0xd7: {  	_ =	swait.ge [sflag:s25], $0x2000  }
0xd8: {  	[sflag:s25] =	ssyncset.done $0x0  }
0xd9: {  	s6 =	sadd.s32 $0x13E00, s29;
	[sflag:s25] =	ssyncadd.s32 $0xFFFFE000  }
0xda: {  	[tilespmem:s19], [sflag:$0x1] =	stream.indirect.gather [hbm4b:s4+s18], $0x80, s6, s18, $0xb8;
	[tilespmem:$0x1DC00] =	vst v63  }
0xdb: {  	s6 =	sadd.s32 $0x14C80, s29  }
0xdc: {  	[spmem:s2] =	stream.indirect.scatter.add.f32 [tilespmem:s21], [sflag:$0x4], $0x80, s6, s18, $0xb8;
	[tilespmem:$0x1DC00] =	vst v63  }
0xdd: {  	_ =	swait.ge [sflag:s16], $0x2000  }
0xde: {  	[sflag:s16] =	ssyncset.done $0x0  }
0xdf: {  	[sflag:s16] =	ssyncadd.s32 $0xFFFFE000  }
0xe0: {  	_ =	swait.ge [sflag:s25], $0x2000  }
0xe1: {  	[sflag:s25] =	ssyncset.done $0x0  }
0xe2: {  	s6 =	sadd.s32 $0x13E80, s29;
	[sflag:s25] =	ssyncadd.s32 $0xFFFFE000  }
0xe3: {  	[tilespmem:s21], [sflag:$0x1] =	stream.indirect.gather [hbm4b:s4+s18], $0x80, s6, s18, $0xb8;
	[tilespmem:$0x1DC00] =	vst v63  }
0xe4: {  	s6 =	sadd.s32 $0x14D00, s29  }
0xe5: {  	[spmem:s2] =	stream.indirect.scatter.add.f32 [tilespmem:s23], [sflag:$0x4], $0x80, s6, s18, $0xb8;
	[tilespmem:$0x1DC00] =	vst v63  }
0xe6: {  	_ =	swait.ge [sflag:s16], $0x2000  }
0xe7: {  	[sflag:s16] =	ssyncset.done $0x0  }
0xe8: {  	[sflag:s16] =	ssyncadd.s32 $0xFFFFE000  }
0xe9: {  	_ =	swait.ge [sflag:s25], $0x2000  }
0xea: {  	[sflag:s25] =	ssyncset.done $0x0  }
0xeb: {  	s6 =	sadd.s32 $0x13F00, s29;
	[sflag:s25] =	ssyncadd.s32 $0xFFFFE000  }
0xec: {  	[tilespmem:s23], [sflag:$0x1] =	stream.indirect.gather [hbm4b:s4+s18], $0x80, s6, s18, $0xb8;
	[tilespmem:$0x1DC00] =	vst v63  }
0xed: {  	s6 =	sadd.s32 $0x14D80, s29  }
0xee: {  	[spmem:s2] =	stream.indirect.scatter.add.f32 [tilespmem:s26], [sflag:$0x4], $0x80, s6, s18, $0xb8;
	[tilespmem:$0x1DC00] =	vst v63  }
0xef: {  	_ =	swait.ge [sflag:s16], $0x2000  }
0xf0: {  	[sflag:s16] =	ssyncset.done $0x0  }
0xf1: {  	[sflag:s16] =	ssyncadd.s32 $0xFFFFE000  }
0xf2: {  	_ =	swait.ge [sflag:s25], $0x2000  }
0xf3: {  	[sflag:s25] =	ssyncset.done $0x0  }
0xf4: {  	s6 =	sadd.s32 $0x13F80, s29;
	[sflag:s25] =	ssyncadd.s32 $0xFFFFE000  }
0xf5: {  	[tilespmem:s26], [sflag:$0x1] =	stream.indirect.gather [hbm4b:s4+s18], $0x80, s6, s18, $0xb8;
	[tilespmem:$0x1DC00] =	vst v63  }
0xf6: {  	s6 =	sadd.s32 $0x14E00, s29  }
0xf7: {  	[spmem:s2] =	stream.indirect.scatter.add.f32 [tilespmem:s19], [sflag:$0x4], $0x80, s6, s18, $0xb8;
	[tilespmem:$0x1DC00] =	vst v63  }
0xf8: {  	_ =	swait.ge [sflag:s16], $0x2000  }
0xf9: {  	[sflag:s16] =	ssyncset.done $0x0  }
0xfa: {  	[sflag:s16] =	ssyncadd.s32 $0xFFFFE000  }
0xfb: {  	_ =	swait.ge [sflag:s25], $0x2000  }
0xfc: {  	[sflag:s25] =	ssyncset.done $0x0  }
0xfd: {  	s6 =	sor.u32 $0x14000, s29;
	[sflag:s25] =	ssyncadd.s32 $0xFFFFE000  }
0xfe: {  	[tilespmem:s19], [sflag:$0x1] =	stream.indirect.gather [hbm4b:s4+s18], $0x80, s6, s18, $0xb8;
	[tilespmem:$0x1DC00] =	vst v63  }
0xff: {  	s6 =	sadd.s32 $0x14E80, s29  }
0x100: {  	[spmem:s2] =	stream.indirect.scatter.add.f32 [tilespmem:s21], [sflag:$0x4], $0x80, s6, s18, $0xb8;
	[tilespmem:$0x1DC00] =	vst v63  }
0x101: {  	_ =	swait.ge [sflag:s16], $0x2000  }
0x102: {  	[sflag:s16] =	ssyncset.done $0x0  }
0x103: {  	[sflag:s16] =	ssyncadd.s32 $0xFFFFE000  }
0x104: {  	_ =	swait.ge [sflag:s25], $0x2000  }
0x105: {  	[sflag:s25] =	ssyncset.done $0x0  }
0x106: {  	s6 =	sadd.s32 $0x14080, s29;
	[sflag:s25] =	ssyncadd.s32 $0xFFFFE000  }
0x107: {  	[tilespmem:s21], [sflag:$0x1] =	stream.indirect.gather [hbm4b:s4+s18], $0x80, s6, s18, $0xb8;
	[tilespmem:$0x1DC00] =	vst v63  }
0x108: {  	s6 =	sadd.s32 $0x14F00, s29  }
0x109: {  	[spmem:s2] =	stream.indirect.scatter.add.f32 [tilespmem:s23], [sflag:$0x4], $0x80, s6, s18, $0xb8;
	[tilespmem:$0x1DC00] =	vst v63  }
0x10a: {  	_ =	swait.ge [sflag:s16], $0x2000  }
0x10b: {  	[sflag:s16] =	ssyncset.done $0x0  }
0x10c: {  	[sflag:s16] =	ssyncadd.s32 $0xFFFFE000  }
0x10d: {  	_ =	swait.ge [sflag:s25], $0x2000  }
0x10e: {  	[sflag:s25] =	ssyncset.done $0x0  }
0x10f: {  	s6 =	sadd.s32 $0x14100, s29;
	[sflag:s25] =	ssyncadd.s32 $0xFFFFE000  }
0x110: {  	[tilespmem:s23], [sflag:$0x1] =	stream.indirect.gather [hbm4b:s4+s18], $0x80, s6, s18, $0xb8;
	[tilespmem:$0x1DC00] =	vst v63  }
0x111: {  	s6 =	sadd.s32 $0x14F80, s29  }
0x112: {  	[spmem:s2] =	stream.indirect.scatter.add.f32 [tilespmem:s26], [sflag:$0x4], $0x80, s6, s18, $0xb8;
	[tilespmem:$0x1DC00] =	vst v63  }
0x113: {  	_ =	swait.ge [sflag:s16], $0x2000  }
0x114: {  	[sflag:s16] =	ssyncset.done $0x0  }
0x115: {  	[sflag:s16] =	ssyncadd.s32 $0xFFFFE000  }
0x116: {  	_ =	swait.ge [sflag:s25], $0x2000  }
0x117: {  	[sflag:s25] =	ssyncset.done $0x0  }
0x118: {  	s6 =	sadd.s32 $0x14180, s29;
	[sflag:s25] =	ssyncadd.s32 $0xFFFFE000  }
0x119: {  	[tilespmem:s26], [sflag:$0x1] =	stream.indirect.gather [hbm4b:s4+s18], $0x80, s6, s18, $0xb8;
	[tilespmem:$0x1DC00] =	vst v63  }
0x11a: {  	s6 =	sor.u32 $0x15000, s29  }
0x11b: {  	[spmem:s2] =	stream.indirect.scatter.add.f32 [tilespmem:s19], [sflag:$0x4], $0x80, s6, s18, $0xb8;
	[tilespmem:$0x1DC00] =	vst v63  }
0x11c: {  	_ =	swait.ge [sflag:s16], $0x2000  }
0x11d: {  	[sflag:s16] =	ssyncset.done $0x0  }
0x11e: {  	[sflag:s16] =	ssyncadd.s32 $0xFFFFE000  }
0x11f: {  	_ =	swait.ge [sflag:s25], $0x2000  }
0x120: {  	[sflag:s25] =	ssyncset.done $0x0  }
0x121: {  	s6 =	sadd.s32 $0x14200, s29;
	[sflag:s25] =	ssyncadd.s32 $0xFFFFE000  }
0x122: {  	[tilespmem:s19], [sflag:$0x1] =	stream.indirect.gather [hbm4b:s4+s18], $0x80, s6, s18, $0xb8;
	[tilespmem:$0x1DC00] =	vst v63  }
0x123: {  	s6 =	sadd.s32 $0x15080, s29  }
0x124: {  	[spmem:s2] =	stream.indirect.scatter.add.f32 [tilespmem:s21], [sflag:$0x4], $0x80, s6, s18, $0xb8;
	[tilespmem:$0x1DC00] =	vst v63  }
0x125: {  	_ =	swait.ge [sflag:s16], $0x2000  }
0x126: {  	[sflag:s16] =	ssyncset.done $0x0  }
0x127: {  	[sflag:s16] =	ssyncadd.s32 $0xFFFFE000  }
0x128: {  	_ =	swait.ge [sflag:s25], $0x2000  }
0x129: {  	[sflag:s25] =	ssyncset.done $0x0  }
0x12a: {  	s6 =	sadd.s32 $0x14280, s29;
	[sflag:s25] =	ssyncadd.s32 $0xFFFFE000  }
0x12b: {  	[tilespmem:s21], [sflag:$0x1] =	stream.indirect.gather [hbm4b:s4+s18], $0x80, s6, s18, $0xb8;
	[tilespmem:$0x1DC00] =	vst v63  }
0x12c: {  	s6 =	sadd.s32 $0x15100, s29  }
0x12d: {  	[spmem:s2] =	stream.indirect.scatter.add.f32 [tilespmem:s23], [sflag:$0x4], $0x80, s6, s18, $0xb8;
	[tilespmem:$0x1DC00] =	vst v63  }
0x12e: {  	_ =	swait.ge [sflag:s16], $0x2000  }
0x12f: {  	[sflag:s16] =	ssyncset.done $0x0  }
0x130: {  	[sflag:s16] =	ssyncadd.s32 $0xFFFFE000  }
0x131: {  	_ =	swait.ge [sflag:s25], $0x2000  }
0x132: {  	[sflag:s25] =	ssyncset.done $0x0  }
0x133: {  	s6 =	sadd.s32 $0x14300, s29;
	[sflag:s25] =	ssyncadd.s32 $0xFFFFE000  }
0x134: {  	[tilespmem:s23], [sflag:$0x1] =	stream.indirect.gather [hbm4b:s4+s18], $0x80, s6, s18, $0xb8;
	[tilespmem:$0x1DC00] =	vst v63  }
0x135: {  	s6 =	sadd.s32 $0x15180, s29  }
0x136: {  	[spmem:s2] =	stream.indirect.scatter.add.f32 [tilespmem:s26], [sflag:$0x4], $0x80, s6, s18, $0xb8;
	[tilespmem:$0x1DC00] =	vst v63  }
0x137: {  	_ =	swait.ge [sflag:s16], $0x2000  }
0x138: {  	[sflag:s16] =	ssyncset.done $0x0  }
0x139: {  	[sflag:s16] =	ssyncadd.s32 $0xFFFFE000  }
0x13a: {  	_ =	swait.ge [sflag:s25], $0x2000  }
0x13b: {  	[sflag:s25] =	ssyncset.done $0x0  }
0x13c: {  	s6 =	sadd.s32 $0x14380, s29;
	[sflag:s25] =	ssyncadd.s32 $0xFFFFE000  }
0x13d: {  	[tilespmem:s26], [sflag:$0x1] =	stream.indirect.gather [hbm4b:s4+s18], $0x80, s6, s18, $0xb8;
	[tilespmem:$0x1DC00] =	vst v63  }
0x13e: {  	s6 =	sadd.s32 $0x15200, s29  }
0x13f: {  	[spmem:s2] =	stream.indirect.scatter.add.f32 [tilespmem:s19], [sflag:$0x4], $0x80, s6, s18, $0xb8;
	[tilespmem:$0x1DC00] =	vst v63  }
0x140: {  	_ =	swait.ge [sflag:s16], $0x2000  }
0x141: {  	[sflag:s16] =	ssyncset.done $0x0  }
0x142: {  	[sflag:s16] =	ssyncadd.s32 $0xFFFFE000  }
0x143: {  	s6 =	simm.s32 @p0 $0x4;
	_ =	swait.ge [sflag:s25], $0x2000  }
0x144: {  	s7 =	simm.s32 @p0 $0x17C00;
	s15 =	sor.u32 $0x680, s29;
	[sflag:s25] =	ssyncset.done $0x0  }
0x145: {  	s9 =	simm.s32 @p0 $0x40;
	s8 =	sadd.s32 @p0 $0x14C00, s15;
	[sflag:s25] =	ssyncadd.s32 $0xFFFFE000  }
0x146: {  	[spmem:s2] =	stream.indirect.scatter.add.f32 @p0 [tilespmem:s7], [sflag:$0x4], $0x80, s8, s9, $0xb8;
	[tilespmem:$0x1DC00] =	vst v63  }
0x147: {  	_ =	swait.ge @p0 [sflag:s6], $0x2000  }
0x148: {  	[sflag:s6] =	ssyncset.done @p0 $0x0  }
0x149: {  	[sflag:s6] =	ssyncadd.s32 @p0 $0xFFFFE000;
	s6 =	simm.s32 @p0 $0x1  }
0x14a: {  	_ =	swait.ge @p0 [sflag:s6], $0x2000  }
0x14b: {  	[sflag:s6] =	ssyncset.done @p0 $0x0  }
0x14c: {  	[sflag:s6] =	ssyncadd.s32 @p0 $0xFFFFE000;
	s6 =	simm.s32 @!p0 $0x2  }
0x14d: {  	_ =	swait.ge @!p0 [sflag:s6], $0x800  }
0x14e: {  	[sflag:s6] =	ssyncset.done @!p0 $0x0  }
0x14f: {  	[sflag:s6] =	ssyncadd.s32 @!p0 $0xFFFFF800  }
0x150: {  	_ =	swait.ge @!p0 [sflag:s6], $0x800  }
0x151: {  	[sflag:s6] =	ssyncset.done @!p0 $0x0  }
0x152: {  	s7 =	simm.s32 @!p0 $0x15C00;
	[sflag:s6] =	ssyncadd.s32 @!p0 $0xFFFFF800;
	s6 =	simm.s32 @!p0 $0x40  }
0x153: {  	[tilespmem:s7], [sflag:$0x1] =	stream.indirect.gather @!p0 [hbm4b:s4+s6], $0x80, s22, s6, $0xb8;
	[tilespmem:$0x1DC00] =	vst v63  }
0x154: {  	s8 =	simm.s32 @!p0 $0x17C00;
	s9 =	simm.s32 @!p0 $0x4;
	s7 =	sadd.s32 @!p0 $0x14C00, s15  }
0x155: {  	[spmem:s2] =	stream.indirect.scatter.add.f32 @!p0 [tilespmem:s8], [sflag:$0x4], $0x80, s7, s6, $0xb8;
	[tilespmem:$0x1DC00] =	vst v63  }
0x156: {  	_ =	swait.ge @!p0 [sflag:s9], $0x2000  }
0x157: {  	[sflag:s9] =	ssyncset.done @!p0 $0x0  }
0x158: {  	s7 =	simm.s32 @!p0 $0x1;
	[sflag:s9] =	ssyncadd.s32 @!p0 $0xFFFFE000  }
0x159: {  	_ =	swait.ge @!p0 [sflag:s7], $0x2000  }
0x15a: {  	[sflag:s7] =	ssyncset.done @!p0 $0x0  }
0x15b: {  	[sflag:s7] =	ssyncadd.s32 @!p0 $0xFFFFE000;
	s7 =	sadd.s32 @!p0 $0x13C80, s20  }
0x15c: {  	[tilespmem:s8], [sflag:$0x1] =	stream.indirect.gather @!p0 [hbm4b:s4+s6], $0x80, s7, s6, $0xb8;
	[tilespmem:$0x1DC00] =	vst v63  }
0x15d: {  	s7 =	sadd.s32 $0x14C00, s30  }
0x15e: {  	[spmem:s2] =	stream.indirect.scatter.add.f32 [tilespmem:s23], [sflag:$0x4], $0x80, s7, s18, $0xb8;
	[tilespmem:$0x1DC00] =	vst v63  }
0x15f: {  	_ =	swait.ge [sflag:s16], $0x2000  }
0x160: {  	[sflag:s16] =	ssyncset.done $0x0  }
0x161: {  	[sflag:s16] =	ssyncadd.s32 $0xFFFFE000  }
0x162: {  	_ =	swait.ge [sflag:s25], $0x2000  }
0x163: {  	s31 =	sadd.s32 $0x100, s31;
	s7 =	sor.u32 $0x780, s29;
	[sflag:s25] =	ssyncset.done $0x0  }
0x164: {  	s9 =	simm.s32 @!p0 $0x19C00;
	s8 =	ssub.s32 @!p0 $0x14500, s29;
	[sflag:s25] =	ssyncadd.s32 $0xFFFFE000  }
0x165: {  	[tilespmem:s9], [sflag:$0x1] =	stream.indirect.gather @!p0 [hbm4b:s4+s6], $0x80, s8, s6, $0xb8;
	[tilespmem:$0x1DC00] =	vst v63  }
.Ltmp0:
0x166: {  	_ = 	snop;
	(pc) =	sbr.rel @p1 .LBB2_2-.Ltmp0, $4  }
0x167: {  	s7 =	sadd.s32 $0x14C00, s7;
	s6 =	sand.u32 $0x1, s17;
	p0 =	seq.s32 s17, $0x9  }
0x168: {  	s1 =	sadd.s32 $0x100, s1;
	s29 =	sshll.u32 s6, $0xB;
	s6 =	sshll.u32 s6, $0x3  }
0x169: {  	[spmem:s2] =	stream.indirect.scatter.add.f32 [tilespmem:s26], [sflag:$0x4], $0x80, s7, s18, $0xb8;
	[tilespmem:$0x1DC00] =	vst v63  }
0x16a: {  	s17 =	sxor.u32 $0x8, s6;
	s30 =	sor.u32 $0x700, s29;
	_ =	swait.ge [sflag:s16], $0x2000  }
0x16b: {  	s0 =	sshll.u32 @!p0 s17, $0x8;
	[sflag:s16] =	ssyncset.done $0x0  }
0x16c: {  	s6 =	simm.s32 @!p0 $0x0;
	s17 =	sadd.s32 @!p0 $0x13C00, s0;
	[sflag:s16] =	ssyncadd.s32 $0xFFFFE000  }
0x16d: {  	[tilespmem:s17], [sflag:$0x2] =	stream.linear.gather @!p0 [hbm4b:s31+s6], $0x800, $0x38;
	[tilespmem:$0x1DC00] =	vst v63  }
0x16e: {  	s7 =	sadd.s32 @!p0 $0x14C00, s0  }
0x16f: {  	[tilespmem:s7], [sflag:$0x2] =	stream.linear.gather @!p0 [hbm4b:s1+s6], $0x800, $0x38;
	[tilespmem:$0x1DC00] =	vst v63  }
0x170: {  	_ =	swait.ge [sflag:s25], $0x2000  }
0x171: {  	[sflag:s25] =	ssyncset.done $0x0  }
0x172: {  	s15 =	sadd.s32 $0x13D80, s29;
	[sflag:s25] =	ssyncadd.s32 $0xFFFFE000  }
0x173: {  	[tilespmem:s26], [sflag:$0x1] =	stream.indirect.gather [hbm4b:s4+s18], $0x80, s15, s18, $0xb8;
	[tilespmem:$0x1DC00] =	vst v63  }
0x174: {  	s20 =	sadd.s32 $0x14C00, s29  }
0x175: {  	[spmem:s2] =	stream.indirect.scatter.add.f32 [tilespmem:s19], [sflag:$0x4], $0x80, s20, s18, $0xb8;
	[tilespmem:$0x1DC00] =	vst v63  }
0x176: {  	_ =	swait.ge [sflag:s16], $0x2000  }
0x177: {  	[sflag:s16] =	ssyncset.done $0x0  }
0x178: {  	[sflag:s16] =	ssyncadd.s32 $0xFFFFE000  }
0x179: {  	_ =	swait.ge [sflag:s25], $0x2000  }
0x17a: {  	[sflag:s25] =	ssyncset.done $0x0  }
0x17b: {  	s22 =	sadd.s32 $0x13E00, s29;
	[sflag:s25] =	ssyncadd.s32 $0xFFFFE000  }
0x17c: {  	[tilespmem:s19], [sflag:$0x1] =	stream.indirect.gather [hbm4b:s4+s18], $0x80, s22, s18, $0xb8;
	[tilespmem:$0x1DC00] =	vst v63  }
0x17d: {  	s31 =	sadd.s32 $0x14C80, s29  }
0x17e: {  	[spmem:s2] =	stream.indirect.scatter.add.f32 [tilespmem:s21], [sflag:$0x4], $0x80, s31, s18, $0xb8;
	[tilespmem:$0x1DC00] =	vst v63  }
0x17f: {  	_ =	swait.ge [sflag:s16], $0x2000  }
0x180: {  	[sflag:s16] =	ssyncset.done $0x0  }
0x181: {  	[sflag:s16] =	ssyncadd.s32 $0xFFFFE000  }
0x182: {  	_ =	swait.ge [sflag:s25], $0x2000  }
0x183: {  	[sflag:s25] =	ssyncset.done $0x0  }
0x184: {  	s6 =	sadd.s32 $0x13E80, s29;
	[sflag:s25] =	ssyncadd.s32 $0xFFFFE000  }
0x185: {  	[tilespmem:s21], [sflag:$0x1] =	stream.indirect.gather [hbm4b:s4+s18], $0x80, s6, s18, $0xb8;
	[tilespmem:$0x1DC00] =	vst v63  }
0x186: {  	s7 =	sadd.s32 $0x14D00, s29  }
0x187: {  	[spmem:s2] =	stream.indirect.scatter.add.f32 [tilespmem:s23], [sflag:$0x4], $0x80, s7, s18, $0xb8;
	[tilespmem:$0x1DC00] =	vst v63  }
0x188: {  	_ =	swait.ge [sflag:s16], $0x2000  }
0x189: {  	[sflag:s16] =	ssyncset.done $0x0  }
0x18a: {  	[sflag:s16] =	ssyncadd.s32 $0xFFFFE000  }
0x18b: {  	_ =	swait.ge [sflag:s25], $0x2000  }
0x18c: {  	[sflag:s25] =	ssyncset.done $0x0  }
0x18d: {  	s8 =	sadd.s32 $0x13F00, s29;
	[sflag:s25] =	ssyncadd.s32 $0xFFFFE000  }
0x18e: {  	[tilespmem:s23], [sflag:$0x1] =	stream.indirect.gather [hbm4b:s4+s18], $0x80, s8, s18, $0xb8;
	[tilespmem:$0x1DC00] =	vst v63  }
0x18f: {  	s9 =	sadd.s32 $0x14D80, s29  }
0x190: {  	[spmem:s2] =	stream.indirect.scatter.add.f32 [tilespmem:s26], [sflag:$0x4], $0x80, s9, s18, $0xb8;
	[tilespmem:$0x1DC00] =	vst v63  }
0x191: {  	_ =	swait.ge [sflag:s16], $0x2000  }
0x192: {  	[sflag:s16] =	ssyncset.done $0x0  }
0x193: {  	[sflag:s16] =	ssyncadd.s32 $0xFFFFE000  }
0x194: {  	_ =	swait.ge [sflag:s25], $0x2000  }
0x195: {  	[sflag:s25] =	ssyncset.done $0x0  }
0x196: {  	s15 =	sadd.s32 $0x13F80, s29;
	[sflag:s25] =	ssyncadd.s32 $0xFFFFE000  }
0x197: {  	[tilespmem:s26], [sflag:$0x1] =	stream.indirect.gather [hbm4b:s4+s18], $0x80, s15, s18, $0xb8;
	[tilespmem:$0x1DC00] =	vst v63  }
0x198: {  	s20 =	sadd.s32 $0x14E00, s29  }
0x199: {  	[spmem:s2] =	stream.indirect.scatter.add.f32 [tilespmem:s19], [sflag:$0x4], $0x80, s20, s18, $0xb8;
	[tilespmem:$0x1DC00] =	vst v63  }
0x19a: {  	_ =	swait.ge [sflag:s16], $0x2000  }
0x19b: {  	[sflag:s16] =	ssyncset.done $0x0  }
0x19c: {  	[sflag:s16] =	ssyncadd.s32 $0xFFFFE000  }
0x19d: {  	_ =	swait.ge [sflag:s25], $0x2000  }
0x19e: {  	[sflag:s25] =	ssyncset.done $0x0  }
0x19f: {  	s22 =	sor.u32 $0x14000, s29;
	[sflag:s25] =	ssyncadd.s32 $0xFFFFE000  }
0x1a0: {  	[tilespmem:s19], [sflag:$0x1] =	stream.indirect.gather [hbm4b:s4+s18], $0x80, s22, s18, $0xb8;
	[tilespmem:$0x1DC00] =	vst v63  }
0x1a1: {  	s31 =	sadd.s32 $0x14E80, s29  }
0x1a2: {  	[spmem:s2] =	stream.indirect.scatter.add.f32 [tilespmem:s21], [sflag:$0x4], $0x80, s31, s18, $0xb8;
	[tilespmem:$0x1DC00] =	vst v63  }
0x1a3: {  	_ =	swait.ge [sflag:s16], $0x2000  }
0x1a4: {  	[sflag:s16] =	ssyncset.done $0x0  }
0x1a5: {  	[sflag:s16] =	ssyncadd.s32 $0xFFFFE000  }
0x1a6: {  	_ =	swait.ge [sflag:s25], $0x2000  }
0x1a7: {  	[sflag:s25] =	ssyncset.done $0x0  }
0x1a8: {  	s6 =	sadd.s32 $0x14080, s29;
	[sflag:s25] =	ssyncadd.s32 $0xFFFFE000  }
0x1a9: {  	[tilespmem:s21], [sflag:$0x1] =	stream.indirect.gather [hbm4b:s4+s18], $0x80, s6, s18, $0xb8;
	[tilespmem:$0x1DC00] =	vst v63  }
0x1aa: {  	s7 =	sadd.s32 $0x14F00, s29  }
0x1ab: {  	[spmem:s2] =	stream.indirect.scatter.add.f32 [tilespmem:s23], [sflag:$0x4], $0x80, s7, s18, $0xb8;
	[tilespmem:$0x1DC00] =	vst v63  }
0x1ac: {  	_ =	swait.ge [sflag:s16], $0x2000  }
0x1ad: {  	[sflag:s16] =	ssyncset.done $0x0  }
0x1ae: {  	[sflag:s16] =	ssyncadd.s32 $0xFFFFE000  }
0x1af: {  	_ =	swait.ge [sflag:s25], $0x2000  }
0x1b0: {  	[sflag:s25] =	ssyncset.done $0x0  }
0x1b1: {  	s8 =	sadd.s32 $0x14100, s29;
	[sflag:s25] =	ssyncadd.s32 $0xFFFFE000  }
0x1b2: {  	[tilespmem:s23], [sflag:$0x1] =	stream.indirect.gather [hbm4b:s4+s18], $0x80, s8, s18, $0xb8;
	[tilespmem:$0x1DC00] =	vst v63  }
0x1b3: {  	s9 =	sadd.s32 $0x14F80, s29  }
0x1b4: {  	[spmem:s2] =	stream.indirect.scatter.add.f32 [tilespmem:s26], [sflag:$0x4], $0x80, s9, s18, $0xb8;
	[tilespmem:$0x1DC00] =	vst v63  }
0x1b5: {  	_ =	swait.ge [sflag:s16], $0x2000  }
0x1b6: {  	[sflag:s16] =	ssyncset.done $0x0  }
0x1b7: {  	[sflag:s16] =	ssyncadd.s32 $0xFFFFE000  }
0x1b8: {  	_ =	swait.ge [sflag:s25], $0x2000  }
0x1b9: {  	[sflag:s25] =	ssyncset.done $0x0  }
0x1ba: {  	s15 =	sadd.s32 $0x14180, s29;
	[sflag:s25] =	ssyncadd.s32 $0xFFFFE000  }
0x1bb: {  	[tilespmem:s26], [sflag:$0x1] =	stream.indirect.gather [hbm4b:s4+s18], $0x80, s15, s18, $0xb8;
	[tilespmem:$0x1DC00] =	vst v63  }
0x1bc: {  	s20 =	sor.u32 $0x15000, s29  }
0x1bd: {  	[spmem:s2] =	stream.indirect.scatter.add.f32 [tilespmem:s19], [sflag:$0x4], $0x80, s20, s18, $0xb8;
	[tilespmem:$0x1DC00] =	vst v63  }
0x1be: {  	_ =	swait.ge [sflag:s16], $0x2000  }
0x1bf: {  	[sflag:s16] =	ssyncset.done $0x0  }
0x1c0: {  	[sflag:s16] =	ssyncadd.s32 $0xFFFFE000  }
0x1c1: {  	_ =	swait.ge [sflag:s25], $0x2000  }
0x1c2: {  	[sflag:s25] =	ssyncset.done $0x0  }
0x1c3: {  	s22 =	sadd.s32 $0x14200, s29;
	[sflag:s25] =	ssyncadd.s32 $0xFFFFE000  }
0x1c4: {  	[tilespmem:s19], [sflag:$0x1] =	stream.indirect.gather [hbm4b:s4+s18], $0x80, s22, s18, $0xb8;
	[tilespmem:$0x1DC00] =	vst v63  }
0x1c5: {  	s31 =	sadd.s32 $0x15080, s29  }
0x1c6: {  	[spmem:s2] =	stream.indirect.scatter.add.f32 [tilespmem:s21], [sflag:$0x4], $0x80, s31, s18, $0xb8;
	[tilespmem:$0x1DC00] =	vst v63  }
0x1c7: {  	_ =	swait.ge [sflag:s16], $0x2000  }
0x1c8: {  	[sflag:s16] =	ssyncset.done $0x0  }
0x1c9: {  	[sflag:s16] =	ssyncadd.s32 $0xFFFFE000  }
0x1ca: {  	_ =	swait.ge [sflag:s25], $0x2000  }
0x1cb: {  	[sflag:s25] =	ssyncset.done $0x0  }
0x1cc: {  	s6 =	sadd.s32 $0x14280, s29;
	[sflag:s25] =	ssyncadd.s32 $0xFFFFE000  }
0x1cd: {  	[tilespmem:s21], [sflag:$0x1] =	stream.indirect.gather [hbm4b:s4+s18], $0x80, s6, s18, $0xb8;
	[tilespmem:$0x1DC00] =	vst v63  }
0x1ce: {  	s7 =	sadd.s32 $0x15100, s29  }
0x1cf: {  	[spmem:s2] =	stream.indirect.scatter.add.f32 [tilespmem:s23], [sflag:$0x4], $0x80, s7, s18, $0xb8;
	[tilespmem:$0x1DC00] =	vst v63  }
0x1d0: {  	_ =	swait.ge [sflag:s16], $0x2000  }
0x1d1: {  	[sflag:s16] =	ssyncset.done $0x0  }
0x1d2: {  	[sflag:s16] =	ssyncadd.s32 $0xFFFFE000  }
0x1d3: {  	_ =	swait.ge [sflag:s25], $0x2000  }
0x1d4: {  	[sflag:s25] =	ssyncset.done $0x0  }
0x1d5: {  	s8 =	sadd.s32 $0x14300, s29;
	[sflag:s25] =	ssyncadd.s32 $0xFFFFE000  }
0x1d6: {  	[tilespmem:s23], [sflag:$0x1] =	stream.indirect.gather [hbm4b:s4+s18], $0x80, s8, s18, $0xb8;
	[tilespmem:$0x1DC00] =	vst v63  }
0x1d7: {  	s9 =	sadd.s32 $0x15180, s29  }
0x1d8: {  	[spmem:s2] =	stream.indirect.scatter.add.f32 [tilespmem:s26], [sflag:$0x4], $0x80, s9, s18, $0xb8;
	[tilespmem:$0x1DC00] =	vst v63  }
0x1d9: {  	_ =	swait.ge [sflag:s16], $0x2000  }
0x1da: {  	[sflag:s16] =	ssyncset.done $0x0  }
0x1db: {  	[sflag:s16] =	ssyncadd.s32 $0xFFFFE000  }
0x1dc: {  	_ =	swait.ge [sflag:s25], $0x2000  }
0x1dd: {  	[sflag:s25] =	ssyncset.done $0x0  }
0x1de: {  	s15 =	sadd.s32 $0x14380, s29;
	[sflag:s25] =	ssyncadd.s32 $0xFFFFE000  }
0x1df: {  	[tilespmem:s26], [sflag:$0x1] =	stream.indirect.gather [hbm4b:s4+s18], $0x80, s15, s18, $0xb8;
	[tilespmem:$0x1DC00] =	vst v63  }
0x1e0: {  	s20 =	sadd.s32 $0x15200, s29  }
0x1e1: {  	[spmem:s2] =	stream.indirect.scatter.add.f32 [tilespmem:s19], [sflag:$0x4], $0x80, s20, s18, $0xb8;
	[tilespmem:$0x1DC00] =	vst v63  }
0x1e2: {  	_ =	swait.ge [sflag:s16], $0x2000  }
0x1e3: {  	[sflag:s16] =	ssyncset.done $0x0  }
0x1e4: {  	[sflag:s16] =	ssyncadd.s32 $0xFFFFE000  }
0x1e5: {  	s1 =	simm.s32 @p0 $0x4;
	_ =	swait.ge [sflag:s25], $0x2000  }
0x1e6: {  	s6 =	sor.u32 $0x680, s29;
	s7 =	simm.s32 @p0 $0x17C00;
	[sflag:s25] =	ssyncset.done $0x0  }
0x1e7: {  	s8 =	sadd.s32 @p0 $0x14C00, s6;
	s9 =	simm.s32 @p0 $0x40;
	[sflag:s25] =	ssyncadd.s32 $0xFFFFE000  }
0x1e8: {  	[spmem:s2] =	stream.indirect.scatter.add.f32 @p0 [tilespmem:s7], [sflag:$0x4], $0x80, s8, s9, $0xb8;
	[tilespmem:$0x1DC00] =	vst v63  }
0x1e9: {  	_ =	swait.ge @p0 [sflag:s1], $0x2000  }
0x1ea: {  	[sflag:s1] =	ssyncset.done @p0 $0x0  }
0x1eb: {  	[sflag:s1] =	ssyncadd.s32 @p0 $0xFFFFE000;
	s1 =	simm.s32 @p0 $0x1  }
0x1ec: {  	_ =	swait.ge @p0 [sflag:s1], $0x2000  }
0x1ed: {  	[sflag:s1] =	ssyncset.done @p0 $0x0  }
0x1ee: {  	[sflag:s1] =	ssyncadd.s32 @p0 $0xFFFFE000;
	s1 =	simm.s32 @!p0 $0x2  }
0x1ef: {  	_ =	swait.ge @!p0 [sflag:s1], $0x800  }
0x1f0: {  	[sflag:s1] =	ssyncset.done @!p0 $0x0  }
0x1f1: {  	[sflag:s1] =	ssyncadd.s32 @!p0 $0xFFFFF800  }
0x1f2: {  	_ =	swait.ge @!p0 [sflag:s1], $0x800  }
0x1f3: {  	[sflag:s1] =	ssyncset.done @!p0 $0x0  }
0x1f4: {  	s7 =	simm.s32 @!p0 $0x15C00;
	[sflag:s1] =	ssyncadd.s32 @!p0 $0xFFFFF800;
	s1 =	simm.s32 @!p0 $0x40  }
0x1f5: {  	[tilespmem:s7], [sflag:$0x1] =	stream.indirect.gather @!p0 [hbm4b:s4+s1], $0x80, s17, s1, $0xb8;
	[tilespmem:$0x1DC00] =	vst v63  }
0x1f6: {  	s6 =	sadd.s32 @!p0 $0x14C00, s6;
	s8 =	simm.s32 @!p0 $0x4;
	s7 =	simm.s32 @!p0 $0x17C00  }
0x1f7: {  	[spmem:s2] =	stream.indirect.scatter.add.f32 @!p0 [tilespmem:s7], [sflag:$0x4], $0x80, s6, s1, $0xb8;
	[tilespmem:$0x1DC00] =	vst v63  }
0x1f8: {  	_ =	swait.ge @!p0 [sflag:s8], $0x2000  }
0x1f9: {  	[sflag:s8] =	ssyncset.done @!p0 $0x0  }
0x1fa: {  	s6 =	simm.s32 @!p0 $0x1;
	[sflag:s8] =	ssyncadd.s32 @!p0 $0xFFFFE000  }
0x1fb: {  	_ =	swait.ge @!p0 [sflag:s6], $0x2000  }
0x1fc: {  	[sflag:s6] =	ssyncset.done @!p0 $0x0  }
0x1fd: {  	s0 =	sadd.s32 @!p0 $0x13C80, s0;
	[sflag:s6] =	ssyncadd.s32 @!p0 $0xFFFFE000  }
0x1fe: {  	[tilespmem:s7], [sflag:$0x1] =	stream.indirect.gather @!p0 [hbm4b:s4+s1], $0x80, s0, s1, $0xb8;
	[tilespmem:$0x1DC00] =	vst v63  }
0x1ff: {  	s22 =	sadd.s32 $0x14C00, s30  }
0x200: {  	[spmem:s2] =	stream.indirect.scatter.add.f32 [tilespmem:s23], [sflag:$0x4], $0x80, s22, s18, $0xb8;
	[tilespmem:$0x1DC00] =	vst v63  }
0x201: {  	_ =	swait.ge [sflag:s16], $0x2000  }
0x202: {  	[sflag:s16] =	ssyncset.done $0x0  }
0x203: {  	[sflag:s16] =	ssyncadd.s32 $0xFFFFE000  }
0x204: {  	_ =	swait.ge [sflag:s25], $0x2000  }
0x205: {  	s30 =	sor.u32 $0x780, s29;
	[sflag:s25] =	ssyncset.done $0x0  }
0x206: {  	s6 =	ssub.s32 @!p0 $0x14500, s29;
	s7 =	simm.s32 @!p0 $0x19C00;
	[sflag:s25] =	ssyncadd.s32 $0xFFFFE000  }
0x207: {  	[tilespmem:s7], [sflag:$0x1] =	stream.indirect.gather @!p0 [hbm4b:s4+s1], $0x80, s6, s1, $0xb8;
	[tilespmem:$0x1DC00] =	vst v63  }
0x208: {  	s0 =	sadd.s32 $0x14C00, s30  }
0x209: {  	[spmem:s2] =	stream.indirect.scatter.add.f32 [tilespmem:s26], [sflag:$0x4], $0x80, s0, s18, $0xb8;
	[tilespmem:$0x1DC00] =	vst v63  }
0x20a: {  	_ =	swait.ge [sflag:s16], $0x2000  }
0x20b: {  	s28 =	sadd.s32 $0x1, s28;
	[sflag:s16] =	ssyncset.done $0x0  }
0x20c: {  	p0 =	sne.s32 s28, s11;
	[sflag:s16] =	ssyncadd.s32 $0xFFFFE000  }
.Ltmp1:
0x20d: {  	s31 =	sor.u32 $0x1C04, s5;
	[bflag:$0x0] =	sbarrier.arrive $0xFFFF;
	(pc) =	sbr.rel @p0 .LBB2_1-.Ltmp1, $4  }
0x20e: {  	[hbm:s10], [sflag:s31] =	dma.local [spmem:s14], $0x2780  }
0x20f: {  	_ =	swait.ge [sflag:s16], $0x2780  }
0x210: {  	[sflag:s16] =	ssyncset.done $0x0  }
0x211: {  	[sflag:s16] =	ssyncadd.s32 $0xFFFFD880  }
0x212: {  	_ =	sfence.sel $0x180000  }
0x213: {  	[bflag:$0x0] =	sbarrier.arrive $0xFFFF  }
0x214: {  	_ =	strace $0x9000004A  }
0x215: {  	s0 =	stileid.u32;
	[bflag:$0x2] =	sbarrier.arrive $0xFFFF  }
0x216: {  	p0 =	sne.s32 s0, $0x0;
	s0 =	rddreg [dreg:$0x2]  }
0x217: {  	s0 =	sadd.s32 @!p0 $0x100000, s0  }
0x218: {  	[sflag:s0] =	ssyncadd.tile.s32 @!p0 $0x1;
	_ =	shalt  }
.Lfunc_end2:
_tile_overlayer_lowered:
.L_overlay_start_2:
0x219: {  	(tag) =	ssettag $0x2  }
0x21a: {  	s0 =	rddreg [dreg:$0x0];
	s2 =	stileid.u32  }
0x21b: {  	s1 =	rddreg [dreg:$0x1];
	p0 =	sne.s32 s2, $0x0  }
0x21c: {  	s3 =	rddreg [dreg:$0x2];
	[bflag:$0x3] =	sbarrier.arrive $0xFFFF;
	s2 =	simm.s32 @!p0 $0x1C04  }
0x21d: {  	[timem:s3], [sflag:s2] =	dma.local @!p0 [hbm:s0], s1  }
0x21e: {  	s0 =	simm.s32 @!p0 $0x4  }
0x21f: {  	_ =	swait.ge @!p0 [sflag:s0], s1  }
0x220: {  	s1 =	ssub.s32 @!p0 $0x0, s1;
	[sflag:s0] =	ssyncset.done @!p0 $0x0  }
0x221: {  	[sflag:s0] =	ssyncadd.s32 @!p0 s1  }
0x222: {  	[bflag:$0x3] =	sbarrier.arrive $0xFFFF  }
0x223: {  	_ =	shalt  }

// kernel: kernel.15.cloned.1.call-start
scs
__scs_entry_jumppad:
0x0: {  	(pc) =	sbr.rel $0x88, $3  }
0x1: {  	(tag) =	ssettag $0x0;
	lr =	simm.s32 $0x1  }
0x2: {  	[smem:$0x3F9B] =	sst lr;
	_ =	strace $0xD0000000  }
0x3: {  	_ = 	snop  }
0x4: {  	_ = 	snop  }
0x5: {  	_ = 	snop  }
0x6: {  	_ = 	snop  }
0x7: {  	_ = 	snop  }
__scs_overlays_trampoline_lowered:
0x8: {  	[smem:$0x3FAA] =	sst s0  }
0x9: {  	[smem:$0x3FAB] =	sst s1  }
0xa: {  	[smem:$0x3FAC] =	sst s2  }
0xb: {  	[smem:$0x3FAD] =	sst s3  }
0xc: {  	[smem:$0x3FAE] =	sst s4  }
0xd: {  	[smem:$0x3FAF] =	sst s5  }
0xe: {  	[smem:$0x3FB0] =	sst s6  }
0xf: {  	[smem:$0x3FB1] =	sst s7  }
0x10: {  	[smem:$0x3FB2] =	sst s8  }
0x11: {  	[smem:$0x3FB3] =	sst s9;
	s0 =	simm.s32 @!p0 $0x0  }
0x12: {  	s1 =	sld [smem:$0x3F99];
	s0 =	simm.s32 @p0 $0x1  }
0x13: {  	[smem:$0x3FB4] =	sst s0;
	s0 =	simm.s32 @!p1 $0x0  }
0x14: {  	s2 =	sld [smem:$0x3F98];
	s0 =	simm.s32 @p1 $0x1  }
0x15: {  	[smem:$0x3FB5] =	sst s0;
	s0 =	simm.s32 @!p2 $0x0  }
0x16: {  	s3 =	sld [smem:$0x3FDB];
	s0 =	simm.s32 @p2 $0x1  }
0x17: {  	s4 =	simm.s32 $0x1BF5;
	[smem:$0x3FB7] =	sst s0  }
0x18: {  	s0 =	sld [smem:$0x3F9A];
	_ =	swait.ge [sflag:s4], $0x0  }
0x19: {  	s7 =	sld [smem:$0x3F9B]  }
0x1a: {  	s8 =	sadd.s32 $0xFFFFE003, lr  }
0x1b: {  	s9 =	sadd.s32 $0xFFFFFEF7, lr;
	s5 =	simm.s32 $0xFFFFFFFF;
	p2 =	slt.u32 s8, $0xFFFFF086  }
0x1c: {  	p1 =	slt.u32 s9, $0xF7A;
	s5 =	simm.s32 @!p2 $0x0  }
0x1d: {  	s5 =	simm.s32 @p1 $0x1;
	p0 =	seq.s32 s7, s2  }
0x1e: {  	s7 =	smul.u32 @!p0 $0xF7A, s2;
	p2 =	seq.s32 @!p0 s5, $0x0  }
0x1f: {  	s9 =	smul.u32 $0xF7A, s1;
	s8 =	simm.s32 @!p0 $0x1BF5;
	p2 =	por !p2, p0  }
0x20: {  	[sflag:s8] =	ssyncset.s32 @!p0 $0xFFFFF086;
	s6 =	sadd.s32 @!p0 s3, s7;
	s7 =	simm.s32 @!p0 $0x108  }
0x21: {  	s3 =	sadd.s32 s3, s9;
	s6 =	sadd.s32 @!p0 $0x88, s6;
	s7 =	simm.s32 @p2 $0x1082  }
0x22: {  	[simem:s7], [sflag:s8] =	dma.local @!p0 [hbm:s6], $0xF7A  }
0x23: {  	s9 =	sor.u32 $0xD0000000, s2;
	s6 =	simm.s32 $0x108;
	_ =	swait.ge @!p0 [sflag:s8], $0x0  }
0x24: {  	s3 =	sadd.s32 $0x88, s3;
	s6 =	simm.s32 @!p1 $0x1082;
	[sflag:s4] =	ssyncset.s32 $0xFFFFF086  }
0x25: {  	[simem:s6], [sflag:s4] =	dma.local [hbm:s3], $0xF7A  }
0x26: {  	[smem:$0x3F9B] =	sst s1;
	(tag) =	ssettag s2;
	_ =	strace s9  }
0x27: {  	s1 =	sld [smem:$0x3FAB]  }
0x28: {  	s2 =	sld [smem:$0x3FAC]  }
0x29: {  	s4 =	sld [smem:$0x3FAE]  }
0x2a: {  	p0 =	seq.s32 s5, $0x0;
	s5 =	sld [smem:$0x3FAF]  }
0x2b: {  	s6 =	sld [smem:$0x3FB0]  }
0x2c: {  	s7 =	sld [smem:$0x3FB1]  }
0x2d: {  	s3 =	simm.s32 $0x108;
	s8 =	sld [smem:$0x3FB2]  }
0x2e: {  	s3 =	simm.s32 @!p0 $0x1082;
	s9 =	sld [smem:$0x3FB3]  }
0x2f: {  	lr =	sadd.s32 s0, s3;
	s0 =	sld [smem:$0x3FAA]  }
0x30: {  	s3 =	sld [smem:$0x3FAD]  }
0x31: {  	[smem:$0x3FB6] =	sst s10  }
0x32: {  	s10 =	sld [smem:$0x3FB4];
	_ =	sdelay $0x3  }
0x33: {  	p0 =	seq.s32 s10, $0x1;
	s10 =	sld [smem:$0x3FB6];
	_ =	sdelay $0x3  }
0x34: {  	[smem:$0x3FB6] =	sst s10  }
0x35: {  	s10 =	sld [smem:$0x3FB5];
	_ =	sdelay $0x3  }
0x36: {  	p1 =	seq.s32 s10, $0x1;
	s10 =	sld [smem:$0x3FB6];
	_ =	sdelay $0x3  }
0x37: {  	[smem:$0x3FB6] =	sst s10  }
0x38: {  	s10 =	sld [smem:$0x3FB7]  }
0x39: {  	_ = 	snop;
	(pc) =	sbr.ind lr, $3  }
0x3a: {  	_ = 	snop  }
0x3b: {  	_ = 	snop  }
0x3c: {  	p2 =	seq.s32 s10, $0x1;
	s10 =	sld [smem:$0x3FB6]  }
0x3d: {  	_ =	shalt  }
0x3e: {  	_ =	shalt  }
0x3f: {  	_ =	shalt  }
0x40: {  	_ =	shalt  }
0x41: {  	_ =	shalt  }
0x42: {  	_ =	shalt  }
0x43: {  	_ =	shalt  }
0x44: {  	_ =	shalt  }
0x45: {  	_ =	shalt  }
0x46: {  	_ =	shalt  }
0x47: {  	_ =	shalt  }
0x48: {  	_ =	shalt  }
0x49: {  	_ =	shalt  }
0x4a: {  	_ =	shalt  }
0x4b: {  	_ =	shalt  }
0x4c: {  	_ =	shalt  }
0x4d: {  	_ =	shalt  }
0x4e: {  	_ =	shalt  }
0x4f: {  	_ =	shalt  }
0x50: {  	_ =	shalt  }
0x51: {  	_ =	shalt  }
0x52: {  	_ =	shalt  }
0x53: {  	_ =	shalt  }
0x54: {  	_ =	shalt  }
0x55: {  	_ =	shalt  }
0x56: {  	_ =	shalt  }
0x57: {  	_ =	shalt  }
0x58: {  	_ =	shalt  }
0x59: {  	_ =	shalt  }
0x5a: {  	_ =	shalt  }
0x5b: {  	_ =	shalt  }
0x5c: {  	_ =	shalt  }
0x5d: {  	_ =	shalt  }
0x5e: {  	_ =	shalt  }
0x5f: {  	_ =	shalt  }
0x60: {  	_ =	shalt  }
0x61: {  	_ =	shalt  }
0x62: {  	_ =	shalt  }
0x63: {  	_ =	shalt  }
0x64: {  	_ =	shalt  }
0x65: {  	_ =	shalt  }
0x66: {  	_ =	shalt  }
0x67: {  	_ =	shalt  }
0x68: {  	_ =	shalt  }
0x69: {  	_ =	shalt  }
0x6a: {  	_ =	shalt  }
0x6b: {  	_ =	shalt  }
0x6c: {  	_ =	shalt  }
0x6d: {  	_ =	shalt  }
0x6e: {  	_ =	shalt  }
0x6f: {  	_ =	shalt  }
0x70: {  	_ =	shalt  }
0x71: {  	_ =	shalt  }
0x72: {  	_ =	shalt  }
0x73: {  	_ =	shalt  }
0x74: {  	_ =	shalt  }
0x75: {  	_ =	shalt  }
0x76: {  	_ =	shalt  }
0x77: {  	_ =	shalt  }
0x78: {  	_ =	shalt  }
0x79: {  	_ =	shalt  }
0x7a: {  	_ =	shalt  }
0x7b: {  	_ =	shalt  }
0x7c: {  	_ =	shalt  }
0x7d: {  	_ =	shalt  }
0x7e: {  	_ =	shalt  }
0x7f: {  	_ =	shalt  }
0x80: {  	_ =	shalt  }
0x81: {  	_ =	shalt  }
0x82: {  	_ =	shalt  }
0x83: {  	_ =	shalt  }
0x84: {  	_ =	shalt  }
0x85: {  	_ =	shalt  }
0x86: {  	_ =	shalt  }
0x87: {  	_ =	shalt  }
.Lfunc_end0:
.L_simem_size_0:
called_computation.2_lowered:
.L_overlay_start_0:
0x88: {  	s2 =	sld [smem:$0x3FD9]  }
0x89: {  	s3 =	sld [smem:$0x3FFE];
	_ =	sdelay $0x1  }
0x8a: {  	s1 =	srdreg.scid  }
0x8b: {  	s0 =	sand.u32 $0x1, s1  }
0x8c: {  	s16 =	sshll.u32 s0, $0xA;
	s2 =	sadd.s32 s3, s2  }
0x8d: {  	s2 =	sadd.s32 s2, s16  }
0x8e: {  	[smem:$0x3FC2] =	sst s2  }
0x8f: {  	_ = 	snop  }
0x90: {  	(tm) =	ssettm $0x1  }
0x91: {  	s17 =	sld [smem:$0x3FFB];
	_ =	sdelay $0x3  }
0x92: {  	_ =	strace s17  }
0x93: {  	s2 =	sld [smem:$0x3FFC];
	_ =	sdelay $0x3  }
0x94: {  	_ =	strace s2  }
0x95: {  	s2 =	sld [smem:$0x3FFD];
	_ =	sdelay $0x3  }
0x96: {  	_ =	strace s2  }
0x97: {  	_ =	strace $0x8FFFFFFF  }
0x98: {  	s18 =	sld [smem:$0x3FDB];
	_ =	sdelay $0x1  }
0x99: {  	s19 =	simm.s32 $_scs_section_size  }
0x9a: {  	s4 =	simm.s32 $_size__tile_overlayer_lowered;
	s5 =	simm.s32 $_tile_overlayer_lowered  }
0x9b: {  	s22 =	simm.s32 $0x1BFF;
	s21 =	sshll.u32 s5, $0x1;
	s2 =	sadd.s32 s19, s18  }
0x9c: {  	s6 =	simm.s32 $0x0;
	s20 =	sshll.u32 s4, $0x1;
	s4 =	sadd.s32 s21, s2  }
0x9d: {  	[timem:s6], [sflag:s22] =	dma.local [hbm:s4], s20  }
0x9e: {  	_ =	swait.ge [sflag:s22], s20  }
0x9f: {  	s3 =	ssub.s32 $0x0, s20;
	[sflag:s22] =	ssyncset.done $0x0  }
0xa0: {  	[sflag:s22] =	ssyncadd.s32 s3;
	_ =	sdelay $0x1  }
0xa1: {  	s23 =	simm.s32 $0x1B8B  }
0xa2: {  	_ =	swait.ge [sflag:s23], $0x1  }
0xa3: {  	[sflag:s23] =	ssyncset.done $0x0  }
0xa4: {  	s25 =	simm.s32 $0x1B8E;
	s24 =	sld [smem:$0x3FFE];
	[sflag:s23] =	ssyncadd.s32 $0xFFFFFFFF  }
0xa5: {  	s26 =	simm.s32 $execute0_lowered;
	[smem:$0x3FD2] =	sst s25  }
0xa6: {  	s4 =	sshll.u32 s26, $0x1;
	_ =	strace $0x8000004C;
	[dreg:$0x1] =	wrdreg $0xFFFFFFFF  }
0xa7: {  	s28 =	simm.s32 $_size_execute0_lowered;
	s2 =	sadd.s32 s2, s4;
	[dreg:$0x0] =	wrdreg $0x0  }
0xa8: {  	s4 =	sshll.u32 s28, $0x1;
	[dreg:$0x2] =	wrdreg s2  }
0xa9: {  	[dreg:$0x3] =	wrdreg s4  }
0xaa: {  	[dreg:$0x4] =	wrdreg $0xC0  }
0xab: {  	_ =	task [dreg:s6], $0x5FFFF  }
0xac: {  	[dreg:$0x1] =	wrdreg $0xFFFFFFFF  }
0xad: {  	[dreg:$0x0] =	wrdreg $0x60  }
0xae: {  	[dreg:$0x2] =	wrdreg s24  }
0xaf: {  	[dreg:$0x3] =	wrdreg $0x0  }
0xb0: {  	[dreg:$0x4] =	wrdreg $0x9  }
0xb1: {  	_ =	task.clear_ibuf [dreg:s6], $0x5FFFF;
	_ =	strace $0x9000004C  }
0xb2: {  	s29 =	simm.s32 $0x9;
	_ =	strace $0x8000004E  }
0xb3: {  	_ =	swait.ge [sflag:s29], $0x1  }
0xb4: {  	[sflag:s29] =	ssyncadd.s32 $0xFFFFFFFF  }
0xb5: {  	_ =	strace $0x9000004E  }
0xb6: {  	_ =	sfence  }
0xb7: {  	s30 =	sld [smem:$0x0];
	_ =	sdelay $0x2  }
0xb8: {  	s31 =	sshll.u32 s1, $0xD;
	s1 =	sshrl.u32 s1, $0x2  }
0xb9: {  	s3 =	sand.u32 $0x4000, s31;
	s1 =	sadd.s32 s1, s30  }
0xba: {  	s0 =	sor.u32 s3, s0;
	s1 =	sshll.u32 s1, $0x11  }
0xbb: {  	s0 =	sor.u32 s1, s0  }
0xbc: {  	s0 =	sadd.s32 $0x8F2B, s0  }
0xbd: {  	[sflag:s0] =	ssyncadd.remote.s32 $0x1  }
0xbe: {  	_ =	sfence.sel $0xFFFF  }
0xbf: {  	[dreg:$0x0] =	wrdreg $0xFFFFFFFF;
	(pc) =	sbr.abs _section_cstart, $3  }
0xc0: {  	[dreg:$0x1] =	wrdreg $0xFFFFFFFF  }
0xc1: {  	_ =	task.clear_ibuf [dreg:s6], $0x2FFFF;
	_ =	strace $0x9FFFFFFF  }
0xc2: {  	(tm) =	ssettm $0x7FFFFFFF  }
0xc3: {  	_ =	shalt  }
tec
execute0_lowered:
.L_overlay_start_1:
0x0: {  	(tag) =	ssettag $0x1  }
0x1: {  	s0 =	rddreg [dreg:$0x0]  }
0x2: {  	s2 =	rddreg [dreg:$0x1];
	s3 =	simm.s32 $0x0;
	s15 =	stileid.u32  }
0x3: {  	s1 =	srdreg.scid;
	s16 =	simm.s32 $0x4;
	s18 =	simm.s32 $0x40  }
0x4: {  	s19 =	simm.s32 $0x15C00;
	s21 =	simm.s32 $0x17C00;
	s5 =	smul.u32 $0x13C00, s15  }
0x5: {  	s28 =	simm.s32 $0x0;
	[smem:$0x7FF] =	sst s3;
	s8 =	smul.u32 $0x4F000, s15  }
0x6: {  	s1 =	sand.u32 $0x1, s1;
	s4 =	sadd.s32 $0x36400, s0;
	s10 =	smul.u32 $0x5000, s15  }
0x7: {  	s13 =	sadd.s32 $0xE400, s0;
	s12 =	sadd.s32 $0x22400, s0;
	s6 =	smul.u32 $0x13C000, s1  }
0x8: {  	_ =	strace $0x8000004D;
	s23 =	ssub.s32 $0x2, s1;
	s9 =	smul.u32 $0x50000, s1  }
0x9: {  	s1 =	sshll.u32 s1, $0x4;
	s7 =	sshrl.u32 s5, $0x3;
	s24 =	sshrl.u32 s23, $0x1  }
0xa: {  	s8 =	sshrl.u32 s8, $0x2;
	s1 =	sor.u32 s15, s1;
	s7 =	sadd.s32 s7, s0  }
0xb: {  	s5 =	sadd.s32 s5, s6;
	s11 =	ssub.s32 s23, s24;
	s14 =	sadd.s32 s8, s2  }
0xc: {  	s1 =	smul.u32 $0xA00, s1;
	s25 =	sadd.s32 s10, s9;
	s23 =	simm.s32 $0x19C00  }
0xd: {  	s24 =	simm.s32 $0x3;
	s5 =	sshrl.u32 s5, $0x3;
	s26 =	sadd.s32 $0x5DC00, s7  }
0xe: {  	s10 =	sor.u32 $0x800, s25;
	s11 =	smax.u32 s11, $0x1;
	s14 =	sshrl.u32 s14, $0x3  }
0xf: {  	s25 =	simm.s32 $0x1;
	s0 =	sadd.s32 s5, s0;
	s5 =	sshll.u32 s15, $0x6  }
0x10: {  	[dreg:$0x3] =	wrdreg s26;
	s30 =	sadd.s32 s13, s1;
	s1 =	sadd.s32 s12, s1  }
0x11: {  	s31 =	sshrl.u32 s10, $0x3;
	s26 =	simm.s32 $0x1BC00;
	[dreg:$0x5] =	wrdreg s30  }
0x12: {  	s29 =	sor.u32 $0x1C03, s5;
	[dreg:$0x6] =	wrdreg s1;
	s10 =	sadd.s32 $0x85400, s0  }
0x13: {  	s12 =	sadd.s32 s31, s12;
	s13 =	sadd.s32 s31, s13;
	[dreg:$0x4] =	wrdreg s29  }
.LBB2_1:
0x14: {  	s0 =	rddreg [dreg:$0x3]  }
0x15: {  	s1 =	rddreg [dreg:$0x4]  }
0x16: {  	[spmem:s14], [sflag:s1] =	dma.local [hbm:s0], $0x2780  }
0x17: {  	s22 =	simm.s32 $0x13C00;
	s0 =	rddreg [dreg:$0x5]  }
0x18: {  	[tilespmem:s22], [sflag:$0x4] =	stream.linear.gather [hbm4b:s0+s3], $0x800, $0x38;
	[tilespmem:$0x1DC00] =	vst v63  }
0x19: {  	_ =	swait.ge [sflag:s16], $0x800  }
0x1a: {  	[sflag:s16] =	ssyncset.done $0x0  }
0x1b: {  	s6 =	simm.s32 $0x14C00;
	s7 =	rddreg [dreg:$0x6];
	[sflag:s16] =	ssyncadd.s32 $0xFFFFF800  }
0x1c: {  	[tilespmem:s6], [sflag:$0x4] =	stream.linear.gather [hbm4b:s7+s3], $0x800, $0x38;
	[tilespmem:$0x1DC00] =	vst v63  }
0x1d: {  	_ =	swait.ge [sflag:s16], $0x800  }
0x1e: {  	[sflag:s16] =	ssyncset.done $0x0  }
0x1f: {  	[sflag:s16] =	ssyncadd.s32 $0xFFFFF800  }
0x20: {  	[tilespmem:s19], [sflag:$0x1] =	stream.indirect.gather [hbm4b:s4+s18], $0x80, s22, s18, $0xb8;
	[tilespmem:$0x1DC00] =	vst v63  }
0x21: {  	s8 =	simm.s32 $0x13C80  }
0x22: {  	[tilespmem:s21], [sflag:$0x1] =	stream.indirect.gather [hbm4b:s4+s18], $0x80, s8, s18, $0xb8;
	[tilespmem:$0x1DC00] =	vst v63  }
0x23: {  	s9 =	simm.s32 $0x13D00;
	s15 =	sand.u32 $0x1, s3  }
0x24: {  	[tilespmem:s23], [sflag:$0x1] =	stream.indirect.gather [hbm4b:s4+s18], $0x80, s9, s18, $0xb8;
	[tilespmem:$0x1DC00] =	vst v63  }
0x25: {  	s6 =	sshll.u32 s15, $0x3;
	_ =	swait.ge [sflag:s24], $0x2780  }
0x26: {  	p0 =	por $0x0, $0x0;
	s0 =	sxor.u32 $0x8, s6;
	[sflag:s24] =	ssyncset.done $0x0  }
0x27: {  	s0 =	sshll.u32 @!p0 s0, $0x8;
	[sflag:s24] =	ssyncadd.s32 $0xFFFFD880  }
0x28: {  	s20 =	simm.s32 @!p0 $0x0;
	s17 =	sadd.s32 @!p0 $0x13C00, s0;
	[bflag:$0x0] =	sbarrier.arrive $0xFFFF  }
0x29: {  	[tilespmem:s17], [sflag:$0x2] =	stream.linear.gather @!p0 [hbm4b:s13+s20], $0x800, $0x38;
	[tilespmem:$0x1DC00] =	vst v63  }
0x2a: {  	s22 =	sadd.s32 @!p0 $0x14C00, s0  }
0x2b: {  	[tilespmem:s22], [sflag:$0x2] =	stream.linear.gather @!p0 [hbm4b:s12+s20], $0x800, $0x38;
	[tilespmem:$0x1DC00] =	vst v63  }
0x2c: {  	_ =	swait.ge [sflag:s25], $0x2000  }
0x2d: {  	s1 =	sshll.u32 s15, $0xB;
	[sflag:s25] =	ssyncset.done $0x0  }
0x2e: {  	s7 =	sadd.s32 $0x13D80, s1;
	[sflag:s25] =	ssyncadd.s32 $0xFFFFE000  }
0x2f: {  	[tilespmem:s26], [sflag:$0x1] =	stream.indirect.gather [hbm4b:s4+s18], $0x80, s7, s18, $0xb8;
	[tilespmem:$0x1DC00] =	vst v63  }
0x30: {  	s8 =	sadd.s32 $0x14C00, s1  }
0x31: {  	[spmem:s2] =	stream.indirect.scatter.add.f32 [tilespmem:s19], [sflag:$0x4], $0x80, s8, s18, $0xb8;
	[tilespmem:$0x1DC00] =	vst v63  }
0x32: {  	_ =	swait.ge [sflag:s16], $0x2000  }
0x33: {  	[sflag:s16] =	ssyncset.done $0x0  }
0x34: {  	[sflag:s16] =	ssyncadd.s32 $0xFFFFE000  }
0x35: {  	_ =	swait.ge [sflag:s25], $0x2000  }
0x36: {  	[sflag:s25] =	ssyncset.done $0x0  }
0x37: {  	s9 =	sadd.s32 $0x13E00, s1;
	[sflag:s25] =	ssyncadd.s32 $0xFFFFE000  }
0x38: {  	[tilespmem:s19], [sflag:$0x1] =	stream.indirect.gather [hbm4b:s4+s18], $0x80, s9, s18, $0xb8;
	[tilespmem:$0x1DC00] =	vst v63  }
0x39: {  	s15 =	sadd.s32 $0x14C80, s1  }
0x3a: {  	[spmem:s2] =	stream.indirect.scatter.add.f32 [tilespmem:s21], [sflag:$0x4], $0x80, s15, s18, $0xb8;
	[tilespmem:$0x1DC00] =	vst v63  }
0x3b: {  	_ =	swait.ge [sflag:s16], $0x2000  }
0x3c: {  	[sflag:s16] =	ssyncset.done $0x0  }
0x3d: {  	[sflag:s16] =	ssyncadd.s32 $0xFFFFE000  }
0x3e: {  	_ =	swait.ge [sflag:s25], $0x2000  }
0x3f: {  	[sflag:s25] =	ssyncset.done $0x0  }
0x40: {  	s22 =	sadd.s32 $0x13E80, s1;
	[sflag:s25] =	ssyncadd.s32 $0xFFFFE000  }
0x41: {  	[tilespmem:s21], [sflag:$0x1] =	stream.indirect.gather [hbm4b:s4+s18], $0x80, s22, s18, $0xb8;
	[tilespmem:$0x1DC00] =	vst v63  }
0x42: {  	s6 =	sadd.s32 $0x14D00, s1  }
0x43: {  	[spmem:s2] =	stream.indirect.scatter.add.f32 [tilespmem:s23], [sflag:$0x4], $0x80, s6, s18, $0xb8;
	[tilespmem:$0x1DC00] =	vst v63  }
0x44: {  	_ =	swait.ge [sflag:s16], $0x2000  }
0x45: {  	[sflag:s16] =	ssyncset.done $0x0  }
0x46: {  	[sflag:s16] =	ssyncadd.s32 $0xFFFFE000  }
0x47: {  	_ =	swait.ge [sflag:s25], $0x2000  }
0x48: {  	[sflag:s25] =	ssyncset.done $0x0  }
0x49: {  	s7 =	sadd.s32 $0x13F00, s1;
	[sflag:s25] =	ssyncadd.s32 $0xFFFFE000  }
0x4a: {  	[tilespmem:s23], [sflag:$0x1] =	stream.indirect.gather [hbm4b:s4+s18], $0x80, s7, s18, $0xb8;
	[tilespmem:$0x1DC00] =	vst v63  }
0x4b: {  	s8 =	sadd.s32 $0x14D80, s1  }
0x4c: {  	[spmem:s2] =	stream.indirect.scatter.add.f32 [tilespmem:s26], [sflag:$0x4], $0x80, s8, s18, $0xb8;
	[tilespmem:$0x1DC00] =	vst v63  }
0x4d: {  	_ =	swait.ge [sflag:s16], $0x2000  }
0x4e: {  	[sflag:s16] =	ssyncset.done $0x0  }
0x4f: {  	[sflag:s16] =	ssyncadd.s32 $0xFFFFE000  }
0x50: {  	_ =	swait.ge [sflag:s25], $0x2000  }
0x51: {  	[sflag:s25] =	ssyncset.done $0x0  }
0x52: {  	s9 =	sadd.s32 $0x13F80, s1;
	[sflag:s25] =	ssyncadd.s32 $0xFFFFE000  }
0x53: {  	[tilespmem:s26], [sflag:$0x1] =	stream.indirect.gather [hbm4b:s4+s18], $0x80, s9, s18, $0xb8;
	[tilespmem:$0x1DC00] =	vst v63  }
0x54: {  	s15 =	sadd.s32 $0x14E00, s1  }
0x55: {  	[spmem:s2] =	stream.indirect.scatter.add.f32 [tilespmem:s19], [sflag:$0x4], $0x80, s15, s18, $0xb8;
	[tilespmem:$0x1DC00] =	vst v63  }
0x56: {  	_ =	swait.ge [sflag:s16], $0x2000  }
0x57: {  	[sflag:s16] =	ssyncset.done $0x0  }
0x58: {  	[sflag:s16] =	ssyncadd.s32 $0xFFFFE000  }
0x59: {  	_ =	swait.ge [sflag:s25], $0x2000  }
0x5a: {  	[sflag:s25] =	ssyncset.done $0x0  }
0x5b: {  	s22 =	sor.u32 $0x14000, s1;
	[sflag:s25] =	ssyncadd.s32 $0xFFFFE000  }
0x5c: {  	[tilespmem:s19], [sflag:$0x1] =	stream.indirect.gather [hbm4b:s4+s18], $0x80, s22, s18, $0xb8;
	[tilespmem:$0x1DC00] =	vst v63  }
0x5d: {  	s6 =	sadd.s32 $0x14E80, s1  }
0x5e: {  	[spmem:s2] =	stream.indirect.scatter.add.f32 [tilespmem:s21], [sflag:$0x4], $0x80, s6, s18, $0xb8;
	[tilespmem:$0x1DC00] =	vst v63  }
0x5f: {  	_ =	swait.ge [sflag:s16], $0x2000  }
0x60: {  	[sflag:s16] =	ssyncset.done $0x0  }
0x61: {  	[sflag:s16] =	ssyncadd.s32 $0xFFFFE000  }
0x62: {  	_ =	swait.ge [sflag:s25], $0x2000  }
0x63: {  	[sflag:s25] =	ssyncset.done $0x0  }
0x64: {  	s7 =	sadd.s32 $0x14080, s1;
	[sflag:s25] =	ssyncadd.s32 $0xFFFFE000  }
0x65: {  	[tilespmem:s21], [sflag:$0x1] =	stream.indirect.gather [hbm4b:s4+s18], $0x80, s7, s18, $0xb8;
	[tilespmem:$0x1DC00] =	vst v63  }
0x66: {  	s8 =	sadd.s32 $0x14F00, s1  }
0x67: {  	[spmem:s2] =	stream.indirect.scatter.add.f32 [tilespmem:s23], [sflag:$0x4], $0x80, s8, s18, $0xb8;
	[tilespmem:$0x1DC00] =	vst v63  }
0x68: {  	_ =	swait.ge [sflag:s16], $0x2000  }
0x69: {  	[sflag:s16] =	ssyncset.done $0x0  }
0x6a: {  	[sflag:s16] =	ssyncadd.s32 $0xFFFFE000  }
0x6b: {  	_ =	swait.ge [sflag:s25], $0x2000  }
0x6c: {  	[sflag:s25] =	ssyncset.done $0x0  }
0x6d: {  	s9 =	sadd.s32 $0x14100, s1;
	[sflag:s25] =	ssyncadd.s32 $0xFFFFE000  }
0x6e: {  	[tilespmem:s23], [sflag:$0x1] =	stream.indirect.gather [hbm4b:s4+s18], $0x80, s9, s18, $0xb8;
	[tilespmem:$0x1DC00] =	vst v63  }
0x6f: {  	s15 =	sadd.s32 $0x14F80, s1  }
0x70: {  	[spmem:s2] =	stream.indirect.scatter.add.f32 [tilespmem:s26], [sflag:$0x4], $0x80, s15, s18, $0xb8;
	[tilespmem:$0x1DC00] =	vst v63  }
0x71: {  	_ =	swait.ge [sflag:s16], $0x2000  }
0x72: {  	[sflag:s16] =	ssyncset.done $0x0  }
0x73: {  	[sflag:s16] =	ssyncadd.s32 $0xFFFFE000  }
0x74: {  	_ =	swait.ge [sflag:s25], $0x2000  }
0x75: {  	[sflag:s25] =	ssyncset.done $0x0  }
0x76: {  	s22 =	sadd.s32 $0x14180, s1;
	[sflag:s25] =	ssyncadd.s32 $0xFFFFE000  }
0x77: {  	[tilespmem:s26], [sflag:$0x1] =	stream.indirect.gather [hbm4b:s4+s18], $0x80, s22, s18, $0xb8;
	[tilespmem:$0x1DC00] =	vst v63  }
0x78: {  	s6 =	sor.u32 $0x15000, s1  }
0x79: {  	[spmem:s2] =	stream.indirect.scatter.add.f32 [tilespmem:s19], [sflag:$0x4], $0x80, s6, s18, $0xb8;
	[tilespmem:$0x1DC00] =	vst v63  }
0x7a: {  	_ =	swait.ge [sflag:s16], $0x2000  }
0x7b: {  	[sflag:s16] =	ssyncset.done $0x0  }
0x7c: {  	[sflag:s16] =	ssyncadd.s32 $0xFFFFE000  }
0x7d: {  	_ =	swait.ge [sflag:s25], $0x2000  }
0x7e: {  	[sflag:s25] =	ssyncset.done $0x0  }
0x7f: {  	s7 =	sadd.s32 $0x14200, s1;
	[sflag:s25] =	ssyncadd.s32 $0xFFFFE000  }
0x80: {  	[tilespmem:s19], [sflag:$0x1] =	stream.indirect.gather [hbm4b:s4+s18], $0x80, s7, s18, $0xb8;
	[tilespmem:$0x1DC00] =	vst v63  }
0x81: {  	s8 =	sadd.s32 $0x15080, s1  }
0x82: {  	[spmem:s2] =	stream.indirect.scatter.add.f32 [tilespmem:s21], [sflag:$0x4], $0x80, s8, s18, $0xb8;
	[tilespmem:$0x1DC00] =	vst v63  }
0x83: {  	_ =	swait.ge [sflag:s16], $0x2000  }
0x84: {  	[sflag:s16] =	ssyncset.done $0x0  }
0x85: {  	[sflag:s16] =	ssyncadd.s32 $0xFFFFE000  }
0x86: {  	_ =	swait.ge [sflag:s25], $0x2000  }
0x87: {  	[sflag:s25] =	ssyncset.done $0x0  }
0x88: {  	s9 =	sadd.s32 $0x14280, s1;
	[sflag:s25] =	ssyncadd.s32 $0xFFFFE000  }
0x89: {  	[tilespmem:s21], [sflag:$0x1] =	stream.indirect.gather [hbm4b:s4+s18], $0x80, s9, s18, $0xb8;
	[tilespmem:$0x1DC00] =	vst v63  }
0x8a: {  	s15 =	sadd.s32 $0x15100, s1  }
0x8b: {  	[spmem:s2] =	stream.indirect.scatter.add.f32 [tilespmem:s23], [sflag:$0x4], $0x80, s15, s18, $0xb8;
	[tilespmem:$0x1DC00] =	vst v63  }
0x8c: {  	_ =	swait.ge [sflag:s16], $0x2000  }
0x8d: {  	[sflag:s16] =	ssyncset.done $0x0  }
0x8e: {  	[sflag:s16] =	ssyncadd.s32 $0xFFFFE000  }
0x8f: {  	_ =	swait.ge [sflag:s25], $0x2000  }
0x90: {  	[sflag:s25] =	ssyncset.done $0x0  }
0x91: {  	s22 =	sadd.s32 $0x14300, s1;
	[sflag:s25] =	ssyncadd.s32 $0xFFFFE000  }
0x92: {  	[tilespmem:s23], [sflag:$0x1] =	stream.indirect.gather [hbm4b:s4+s18], $0x80, s22, s18, $0xb8;
	[tilespmem:$0x1DC00] =	vst v63  }
0x93: {  	s6 =	sadd.s32 $0x15180, s1  }
0x94: {  	[spmem:s2] =	stream.indirect.scatter.add.f32 [tilespmem:s26], [sflag:$0x4], $0x80, s6, s18, $0xb8;
	[tilespmem:$0x1DC00] =	vst v63  }
0x95: {  	_ =	swait.ge [sflag:s16], $0x2000  }
0x96: {  	[sflag:s16] =	ssyncset.done $0x0  }
0x97: {  	[sflag:s16] =	ssyncadd.s32 $0xFFFFE000  }
0x98: {  	_ =	swait.ge [sflag:s25], $0x2000  }
0x99: {  	[sflag:s25] =	ssyncset.done $0x0  }
0x9a: {  	s7 =	sadd.s32 $0x14380, s1;
	[sflag:s25] =	ssyncadd.s32 $0xFFFFE000  }
0x9b: {  	[tilespmem:s26], [sflag:$0x1] =	stream.indirect.gather [hbm4b:s4+s18], $0x80, s7, s18, $0xb8;
	[tilespmem:$0x1DC00] =	vst v63  }
0x9c: {  	s8 =	sadd.s32 $0x15200, s1  }
0x9d: {  	[spmem:s2] =	stream.indirect.scatter.add.f32 [tilespmem:s19], [sflag:$0x4], $0x80, s8, s18, $0xb8;
	[tilespmem:$0x1DC00] =	vst v63  }
0x9e: {  	_ =	swait.ge [sflag:s16], $0x2000  }
0x9f: {  	[sflag:s16] =	ssyncset.done $0x0  }
0xa0: {  	[sflag:s16] =	ssyncadd.s32 $0xFFFFE000  }
0xa1: {  	_ =	swait.ge [sflag:s25], $0x2000  }
0xa2: {  	s30 =	simm.s32 @p0 $0x40;
	s20 =	sor.u32 $0x680, s1;
	[sflag:s25] =	ssyncset.done $0x0  }
0xa3: {  	s29 =	sadd.s32 @p0 $0x14C00, s20;
	s22 =	simm.s32 @p0 $0x17C00;
	[sflag:s25] =	ssyncadd.s32 $0xFFFFE000  }
0xa4: {  	[spmem:s2] =	stream.indirect.scatter.add.f32 @p0 [tilespmem:s22], [sflag:$0x4], $0x80, s29, s30, $0xb8;
	[tilespmem:$0x1DC00] =	vst v63  }
0xa5: {  	s22 =	simm.s32 @p0 $0x4  }
0xa6: {  	_ =	swait.ge @p0 [sflag:s22], $0x2000  }
0xa7: {  	[sflag:s22] =	ssyncset.done @p0 $0x0  }
0xa8: {  	[sflag:s22] =	ssyncadd.s32 @p0 $0xFFFFE000;
	s22 =	simm.s32 @p0 $0x1  }
0xa9: {  	_ =	swait.ge @p0 [sflag:s22], $0x2000  }
0xaa: {  	[sflag:s22] =	ssyncset.done @p0 $0x0  }
0xab: {  	[sflag:s22] =	ssyncadd.s32 @p0 $0xFFFFE000;
	s22 =	simm.s32 @!p0 $0x2  }
0xac: {  	_ =	swait.ge @!p0 [sflag:s22], $0x800  }
0xad: {  	[sflag:s22] =	ssyncset.done @!p0 $0x0  }
0xae: {  	[sflag:s22] =	ssyncadd.s32 @!p0 $0xFFFFF800  }
0xaf: {  	_ =	swait.ge @!p0 [sflag:s22], $0x800  }
0xb0: {  	[sflag:s22] =	ssyncset.done @!p0 $0x0  }
0xb1: {  	s29 =	simm.s32 @!p0 $0x15C00;
	[sflag:s22] =	ssyncadd.s32 @!p0 $0xFFFFF800;
	s22 =	simm.s32 @!p0 $0x40  }
0xb2: {  	[tilespmem:s29], [sflag:$0x1] =	stream.indirect.gather @!p0 [hbm4b:s4+s22], $0x80, s17, s22, $0xb8;
	[tilespmem:$0x1DC00] =	vst v63  }
0xb3: {  	s17 =	sadd.s32 @!p0 $0x14C00, s20;
	s20 =	simm.s32 @!p0 $0x17C00;
	s29 =	simm.s32 @!p0 $0x4  }
0xb4: {  	[spmem:s2] =	stream.indirect.scatter.add.f32 @!p0 [tilespmem:s20], [sflag:$0x4], $0x80, s17, s22, $0xb8;
	[tilespmem:$0x1DC00] =	vst v63  }
0xb5: {  	_ =	swait.ge @!p0 [sflag:s29], $0x2000  }
0xb6: {  	[sflag:s29] =	ssyncset.done @!p0 $0x0  }
0xb7: {  	s17 =	simm.s32 @!p0 $0x1;
	[sflag:s29] =	ssyncadd.s32 @!p0 $0xFFFFE000  }
0xb8: {  	_ =	swait.ge @!p0 [sflag:s17], $0x2000  }
0xb9: {  	[sflag:s17] =	ssyncset.done @!p0 $0x0  }
0xba: {  	s0 =	sadd.s32 @!p0 $0x13C80, s0;
	s29 =	sor.u32 $0x700, s1;
	[sflag:s17] =	ssyncadd.s32 @!p0 $0xFFFFE000  }
0xbb: {  	[tilespmem:s20], [sflag:$0x1] =	stream.indirect.gather @!p0 [hbm4b:s4+s22], $0x80, s0, s22, $0xb8;
	[tilespmem:$0x1DC00] =	vst v63  }
0xbc: {  	s9 =	sadd.s32 $0x14C00, s29  }
0xbd: {  	[spmem:s2] =	stream.indirect.scatter.add.f32 [tilespmem:s23], [sflag:$0x4], $0x80, s9, s18, $0xb8;
	[tilespmem:$0x1DC00] =	vst v63  }
0xbe: {  	_ =	swait.ge [sflag:s16], $0x2000  }
0xbf: {  	s15 =	simm.s32 $0x1;
	[sflag:s16] =	ssyncset.done $0x0  }
0xc0: {  	s31 =	sadd.s32 $0x100, s13;
	s17 =	sand.u32 $0x1, s15;
	[sflag:s16] =	ssyncadd.s32 $0xFFFFE000  }
0xc1: {  	s0 =	ssub.s32 @!p0 $0x14500, s1;
	s20 =	simm.s32 @!p0 $0x19C00;
	_ =	swait.ge [sflag:s25], $0x2000  }
0xc2: {  	s1 =	sor.u32 $0x780, s1;
	s29 =	sshll.u32 s17, $0xB;
	[sflag:s25] =	ssyncset.done $0x0  }
0xc3: {  	s17 =	sshll.u32 s17, $0x3;
	s1 =	sadd.s32 $0x14C00, s1;
	[sflag:s25] =	ssyncadd.s32 $0xFFFFE000  }
0xc4: {  	[tilespmem:s20], [sflag:$0x1] =	stream.indirect.gather @!p0 [hbm4b:s4+s22], $0x80, s0, s22, $0xb8;
	[tilespmem:$0x1DC00] =	vst v63  }
0xc5: {  	s17 =	sxor.u32 $0x8, s17;
	s30 =	sor.u32 $0x700, s29;
	s0 =	simm.s32 $0x2  }
0xc6: {  	[spmem:s2] =	stream.indirect.scatter.add.f32 [tilespmem:s26], [sflag:$0x4], $0x80, s1, s18, $0xb8;
	[tilespmem:$0x1DC00] =	vst v63  }
0xc7: {  	p0 =	por $0x0, $0x0;
	s1 =	sadd.s32 $0x100, s12;
	_ =	swait.ge [sflag:s16], $0x2000  }
.LBB2_2:
0xc8: {  	s20 =	sshll.u32 @!p0 s17, $0x8  }
0xc9: {  	[sflag:s16] =	ssyncset.done $0x0;
	s17 =	smov.u32 s0;
	s0 =	sadd.s32 $0x1, s0  }
0xca: {  	s15 =	simm.s32 @!p0 $0x0;
	s22 =	sadd.s32 @!p0 $0x13C00, s20;
	[sflag:s16] =	ssyncadd.s32 $0xFFFFE000  }
0xcb: {  	[tilespmem:s22], [sflag:$0x2] =	stream.linear.gather @!p0 [hbm4b:s31+s15], $0x800, $0x38;
	[tilespmem:$0x1DC00] =	vst v63  }
0xcc: {  	p1 =	sne.s32 s0, $0xA;
	s6 =	sadd.s32 @!p0 $0x14C00, s20  }
0xcd: {  	[tilespmem:s6], [sflag:$0x2] =	stream.linear.gather @!p0 [hbm4b:s1+s15], $0x800, $0x38;
	[tilespmem:$0x1DC00] =	vst v63  }
0xce: {  	_ =	swait.ge [sflag:s25], $0x2000  }
0xcf: {  	[sflag:s25] =	ssyncset.done $0x0  }
0xd0: {  	s6 =	sadd.s32 $0x13D80, s29;
	[sflag:s25] =	ssyncadd.s32 $0xFFFFE000  }
0xd1: {  	[tilespmem:s26], [sflag:$0x1] =	stream.indirect.gather [hbm4b:s4+s18], $0x80, s6, s18, $0xb8;
	[tilespmem:$0x1DC00] =	vst v63  }
0xd2: {  	s6 =	sadd.s32 $0x14C00, s29  }
0xd3: {  	[spmem:s2] =	stream.indirect.scatter.add.f32 [tilespmem:s19], [sflag:$0x4], $0x80, s6, s18, $0xb8;
	[tilespmem:$0x1DC00] =	vst v63  }
0xd4: {  	_ =	swait.ge [sflag:s16], $0x2000  }
0xd5: {  	[sflag:s16] =	ssyncset.done $0x0  }
0xd6: {  	[sflag:s16] =	ssyncadd.s32 $0xFFFFE000  }
0xd7: {  	_ =	swait.ge [sflag:s25], $0x2000  }
0xd8: {  	[sflag:s25] =	ssyncset.done $0x0  }
0xd9: {  	s6 =	sadd.s32 $0x13E00, s29;
	[sflag:s25] =	ssyncadd.s32 $0xFFFFE000  }
0xda: {  	[tilespmem:s19], [sflag:$0x1] =	stream.indirect.gather [hbm4b:s4+s18], $0x80, s6, s18, $0xb8;
	[tilespmem:$0x1DC00] =	vst v63  }
0xdb: {  	s6 =	sadd.s32 $0x14C80, s29  }
0xdc: {  	[spmem:s2] =	stream.indirect.scatter.add.f32 [tilespmem:s21], [sflag:$0x4], $0x80, s6, s18, $0xb8;
	[tilespmem:$0x1DC00] =	vst v63  }
0xdd: {  	_ =	swait.ge [sflag:s16], $0x2000  }
0xde: {  	[sflag:s16] =	ssyncset.done $0x0  }
0xdf: {  	[sflag:s16] =	ssyncadd.s32 $0xFFFFE000  }
0xe0: {  	_ =	swait.ge [sflag:s25], $0x2000  }
0xe1: {  	[sflag:s25] =	ssyncset.done $0x0  }
0xe2: {  	s6 =	sadd.s32 $0x13E80, s29;
	[sflag:s25] =	ssyncadd.s32 $0xFFFFE000  }
0xe3: {  	[tilespmem:s21], [sflag:$0x1] =	stream.indirect.gather [hbm4b:s4+s18], $0x80, s6, s18, $0xb8;
	[tilespmem:$0x1DC00] =	vst v63  }
0xe4: {  	s6 =	sadd.s32 $0x14D00, s29  }
0xe5: {  	[spmem:s2] =	stream.indirect.scatter.add.f32 [tilespmem:s23], [sflag:$0x4], $0x80, s6, s18, $0xb8;
	[tilespmem:$0x1DC00] =	vst v63  }
0xe6: {  	_ =	swait.ge [sflag:s16], $0x2000  }
0xe7: {  	[sflag:s16] =	ssyncset.done $0x0  }
0xe8: {  	[sflag:s16] =	ssyncadd.s32 $0xFFFFE000  }
0xe9: {  	_ =	swait.ge [sflag:s25], $0x2000  }
0xea: {  	[sflag:s25] =	ssyncset.done $0x0  }
0xeb: {  	s6 =	sadd.s32 $0x13F00, s29;
	[sflag:s25] =	ssyncadd.s32 $0xFFFFE000  }
0xec: {  	[tilespmem:s23], [sflag:$0x1] =	stream.indirect.gather [hbm4b:s4+s18], $0x80, s6, s18, $0xb8;
	[tilespmem:$0x1DC00] =	vst v63  }
0xed: {  	s6 =	sadd.s32 $0x14D80, s29  }
0xee: {  	[spmem:s2] =	stream.indirect.scatter.add.f32 [tilespmem:s26], [sflag:$0x4], $0x80, s6, s18, $0xb8;
	[tilespmem:$0x1DC00] =	vst v63  }
0xef: {  	_ =	swait.ge [sflag:s16], $0x2000  }
0xf0: {  	[sflag:s16] =	ssyncset.done $0x0  }
0xf1: {  	[sflag:s16] =	ssyncadd.s32 $0xFFFFE000  }
0xf2: {  	_ =	swait.ge [sflag:s25], $0x2000  }
0xf3: {  	[sflag:s25] =	ssyncset.done $0x0  }
0xf4: {  	s6 =	sadd.s32 $0x13F80, s29;
	[sflag:s25] =	ssyncadd.s32 $0xFFFFE000  }
0xf5: {  	[tilespmem:s26], [sflag:$0x1] =	stream.indirect.gather [hbm4b:s4+s18], $0x80, s6, s18, $0xb8;
	[tilespmem:$0x1DC00] =	vst v63  }
0xf6: {  	s6 =	sadd.s32 $0x14E00, s29  }
0xf7: {  	[spmem:s2] =	stream.indirect.scatter.add.f32 [tilespmem:s19], [sflag:$0x4], $0x80, s6, s18, $0xb8;
	[tilespmem:$0x1DC00] =	vst v63  }
0xf8: {  	_ =	swait.ge [sflag:s16], $0x2000  }
0xf9: {  	[sflag:s16] =	ssyncset.done $0x0  }
0xfa: {  	[sflag:s16] =	ssyncadd.s32 $0xFFFFE000  }
0xfb: {  	_ =	swait.ge [sflag:s25], $0x2000  }
0xfc: {  	[sflag:s25] =	ssyncset.done $0x0  }
0xfd: {  	s6 =	sor.u32 $0x14000, s29;
	[sflag:s25] =	ssyncadd.s32 $0xFFFFE000  }
0xfe: {  	[tilespmem:s19], [sflag:$0x1] =	stream.indirect.gather [hbm4b:s4+s18], $0x80, s6, s18, $0xb8;
	[tilespmem:$0x1DC00] =	vst v63  }
0xff: {  	s6 =	sadd.s32 $0x14E80, s29  }
0x100: {  	[spmem:s2] =	stream.indirect.scatter.add.f32 [tilespmem:s21], [sflag:$0x4], $0x80, s6, s18, $0xb8;
	[tilespmem:$0x1DC00] =	vst v63  }
0x101: {  	_ =	swait.ge [sflag:s16], $0x2000  }
0x102: {  	[sflag:s16] =	ssyncset.done $0x0  }
0x103: {  	[sflag:s16] =	ssyncadd.s32 $0xFFFFE000  }
0x104: {  	_ =	swait.ge [sflag:s25], $0x2000  }
0x105: {  	[sflag:s25] =	ssyncset.done $0x0  }
0x106: {  	s6 =	sadd.s32 $0x14080, s29;
	[sflag:s25] =	ssyncadd.s32 $0xFFFFE000  }
0x107: {  	[tilespmem:s21], [sflag:$0x1] =	stream.indirect.gather [hbm4b:s4+s18], $0x80, s6, s18, $0xb8;
	[tilespmem:$0x1DC00] =	vst v63  }
0x108: {  	s6 =	sadd.s32 $0x14F00, s29  }
0x109: {  	[spmem:s2] =	stream.indirect.scatter.add.f32 [tilespmem:s23], [sflag:$0x4], $0x80, s6, s18, $0xb8;
	[tilespmem:$0x1DC00] =	vst v63  }
0x10a: {  	_ =	swait.ge [sflag:s16], $0x2000  }
0x10b: {  	[sflag:s16] =	ssyncset.done $0x0  }
0x10c: {  	[sflag:s16] =	ssyncadd.s32 $0xFFFFE000  }
0x10d: {  	_ =	swait.ge [sflag:s25], $0x2000  }
0x10e: {  	[sflag:s25] =	ssyncset.done $0x0  }
0x10f: {  	s6 =	sadd.s32 $0x14100, s29;
	[sflag:s25] =	ssyncadd.s32 $0xFFFFE000  }
0x110: {  	[tilespmem:s23], [sflag:$0x1] =	stream.indirect.gather [hbm4b:s4+s18], $0x80, s6, s18, $0xb8;
	[tilespmem:$0x1DC00] =	vst v63  }
0x111: {  	s6 =	sadd.s32 $0x14F80, s29  }
0x112: {  	[spmem:s2] =	stream.indirect.scatter.add.f32 [tilespmem:s26], [sflag:$0x4], $0x80, s6, s18, $0xb8;
	[tilespmem:$0x1DC00] =	vst v63  }
0x113: {  	_ =	swait.ge [sflag:s16], $0x2000  }
0x114: {  	[sflag:s16] =	ssyncset.done $0x0  }
0x115: {  	[sflag:s16] =	ssyncadd.s32 $0xFFFFE000  }
0x116: {  	_ =	swait.ge [sflag:s25], $0x2000  }
0x117: {  	[sflag:s25] =	ssyncset.done $0x0  }
0x118: {  	s6 =	sadd.s32 $0x14180, s29;
	[sflag:s25] =	ssyncadd.s32 $0xFFFFE000  }
0x119: {  	[tilespmem:s26], [sflag:$0x1] =	stream.indirect.gather [hbm4b:s4+s18], $0x80, s6, s18, $0xb8;
	[tilespmem:$0x1DC00] =	vst v63  }
0x11a: {  	s6 =	sor.u32 $0x15000, s29  }
0x11b: {  	[spmem:s2] =	stream.indirect.scatter.add.f32 [tilespmem:s19], [sflag:$0x4], $0x80, s6, s18, $0xb8;
	[tilespmem:$0x1DC00] =	vst v63  }
0x11c: {  	_ =	swait.ge [sflag:s16], $0x2000  }
0x11d: {  	[sflag:s16] =	ssyncset.done $0x0  }
0x11e: {  	[sflag:s16] =	ssyncadd.s32 $0xFFFFE000  }
0x11f: {  	_ =	swait.ge [sflag:s25], $0x2000  }
0x120: {  	[sflag:s25] =	ssyncset.done $0x0  }
0x121: {  	s6 =	sadd.s32 $0x14200, s29;
	[sflag:s25] =	ssyncadd.s32 $0xFFFFE000  }
0x122: {  	[tilespmem:s19], [sflag:$0x1] =	stream.indirect.gather [hbm4b:s4+s18], $0x80, s6, s18, $0xb8;
	[tilespmem:$0x1DC00] =	vst v63  }
0x123: {  	s6 =	sadd.s32 $0x15080, s29  }
0x124: {  	[spmem:s2] =	stream.indirect.scatter.add.f32 [tilespmem:s21], [sflag:$0x4], $0x80, s6, s18, $0xb8;
	[tilespmem:$0x1DC00] =	vst v63  }
0x125: {  	_ =	swait.ge [sflag:s16], $0x2000  }
0x126: {  	[sflag:s16] =	ssyncset.done $0x0  }
0x127: {  	[sflag:s16] =	ssyncadd.s32 $0xFFFFE000  }
0x128: {  	_ =	swait.ge [sflag:s25], $0x2000  }
0x129: {  	[sflag:s25] =	ssyncset.done $0x0  }
0x12a: {  	s6 =	sadd.s32 $0x14280, s29;
	[sflag:s25] =	ssyncadd.s32 $0xFFFFE000  }
0x12b: {  	[tilespmem:s21], [sflag:$0x1] =	stream.indirect.gather [hbm4b:s4+s18], $0x80, s6, s18, $0xb8;
	[tilespmem:$0x1DC00] =	vst v63  }
0x12c: {  	s6 =	sadd.s32 $0x15100, s29  }
0x12d: {  	[spmem:s2] =	stream.indirect.scatter.add.f32 [tilespmem:s23], [sflag:$0x4], $0x80, s6, s18, $0xb8;
	[tilespmem:$0x1DC00] =	vst v63  }
0x12e: {  	_ =	swait.ge [sflag:s16], $0x2000  }
0x12f: {  	[sflag:s16] =	ssyncset.done $0x0  }
0x130: {  	[sflag:s16] =	ssyncadd.s32 $0xFFFFE000  }
0x131: {  	_ =	swait.ge [sflag:s25], $0x2000  }
0x132: {  	[sflag:s25] =	ssyncset.done $0x0  }
0x133: {  	s6 =	sadd.s32 $0x14300, s29;
	[sflag:s25] =	ssyncadd.s32 $0xFFFFE000  }
0x134: {  	[tilespmem:s23], [sflag:$0x1] =	stream.indirect.gather [hbm4b:s4+s18], $0x80, s6, s18, $0xb8;
	[tilespmem:$0x1DC00] =	vst v63  }
0x135: {  	s6 =	sadd.s32 $0x15180, s29  }
0x136: {  	[spmem:s2] =	stream.indirect.scatter.add.f32 [tilespmem:s26], [sflag:$0x4], $0x80, s6, s18, $0xb8;
	[tilespmem:$0x1DC00] =	vst v63  }
0x137: {  	_ =	swait.ge [sflag:s16], $0x2000  }
0x138: {  	[sflag:s16] =	ssyncset.done $0x0  }
0x139: {  	[sflag:s16] =	ssyncadd.s32 $0xFFFFE000  }
0x13a: {  	_ =	swait.ge [sflag:s25], $0x2000  }
0x13b: {  	[sflag:s25] =	ssyncset.done $0x0  }
0x13c: {  	s6 =	sadd.s32 $0x14380, s29;
	[sflag:s25] =	ssyncadd.s32 $0xFFFFE000  }
0x13d: {  	[tilespmem:s26], [sflag:$0x1] =	stream.indirect.gather [hbm4b:s4+s18], $0x80, s6, s18, $0xb8;
	[tilespmem:$0x1DC00] =	vst v63  }
0x13e: {  	s6 =	sadd.s32 $0x15200, s29  }
0x13f: {  	[spmem:s2] =	stream.indirect.scatter.add.f32 [tilespmem:s19], [sflag:$0x4], $0x80, s6, s18, $0xb8;
	[tilespmem:$0x1DC00] =	vst v63  }
0x140: {  	_ =	swait.ge [sflag:s16], $0x2000  }
0x141: {  	[sflag:s16] =	ssyncset.done $0x0  }
0x142: {  	[sflag:s16] =	ssyncadd.s32 $0xFFFFE000  }
0x143: {  	s6 =	simm.s32 @p0 $0x4;
	_ =	swait.ge [sflag:s25], $0x2000  }
0x144: {  	s7 =	simm.s32 @p0 $0x17C00;
	s15 =	sor.u32 $0x680, s29;
	[sflag:s25] =	ssyncset.done $0x0  }
0x145: {  	s9 =	simm.s32 @p0 $0x40;
	s8 =	sadd.s32 @p0 $0x14C00, s15;
	[sflag:s25] =	ssyncadd.s32 $0xFFFFE000  }
0x146: {  	[spmem:s2] =	stream.indirect.scatter.add.f32 @p0 [tilespmem:s7], [sflag:$0x4], $0x80, s8, s9, $0xb8;
	[tilespmem:$0x1DC00] =	vst v63  }
0x147: {  	_ =	swait.ge @p0 [sflag:s6], $0x2000  }
0x148: {  	[sflag:s6] =	ssyncset.done @p0 $0x0  }
0x149: {  	[sflag:s6] =	ssyncadd.s32 @p0 $0xFFFFE000;
	s6 =	simm.s32 @p0 $0x1  }
0x14a: {  	_ =	swait.ge @p0 [sflag:s6], $0x2000  }
0x14b: {  	[sflag:s6] =	ssyncset.done @p0 $0x0  }
0x14c: {  	[sflag:s6] =	ssyncadd.s32 @p0 $0xFFFFE000;
	s6 =	simm.s32 @!p0 $0x2  }
0x14d: {  	_ =	swait.ge @!p0 [sflag:s6], $0x800  }
0x14e: {  	[sflag:s6] =	ssyncset.done @!p0 $0x0  }
0x14f: {  	[sflag:s6] =	ssyncadd.s32 @!p0 $0xFFFFF800  }
0x150: {  	_ =	swait.ge @!p0 [sflag:s6], $0x800  }
0x151: {  	[sflag:s6] =	ssyncset.done @!p0 $0x0  }
0x152: {  	s7 =	simm.s32 @!p0 $0x15C00;
	[sflag:s6] =	ssyncadd.s32 @!p0 $0xFFFFF800;
	s6 =	simm.s32 @!p0 $0x40  }
0x153: {  	[tilespmem:s7], [sflag:$0x1] =	stream.indirect.gather @!p0 [hbm4b:s4+s6], $0x80, s22, s6, $0xb8;
	[tilespmem:$0x1DC00] =	vst v63  }
0x154: {  	s8 =	simm.s32 @!p0 $0x17C00;
	s9 =	simm.s32 @!p0 $0x4;
	s7 =	sadd.s32 @!p0 $0x14C00, s15  }
0x155: {  	[spmem:s2] =	stream.indirect.scatter.add.f32 @!p0 [tilespmem:s8], [sflag:$0x4], $0x80, s7, s6, $0xb8;
	[tilespmem:$0x1DC00] =	vst v63  }
0x156: {  	_ =	swait.ge @!p0 [sflag:s9], $0x2000  }
0x157: {  	[sflag:s9] =	ssyncset.done @!p0 $0x0  }
0x158: {  	s7 =	simm.s32 @!p0 $0x1;
	[sflag:s9] =	ssyncadd.s32 @!p0 $0xFFFFE000  }
0x159: {  	_ =	swait.ge @!p0 [sflag:s7], $0x2000  }
0x15a: {  	[sflag:s7] =	ssyncset.done @!p0 $0x0  }
0x15b: {  	[sflag:s7] =	ssyncadd.s32 @!p0 $0xFFFFE000;
	s7 =	sadd.s32 @!p0 $0x13C80, s20  }
0x15c: {  	[tilespmem:s8], [sflag:$0x1] =	stream.indirect.gather @!p0 [hbm4b:s4+s6], $0x80, s7, s6, $0xb8;
	[tilespmem:$0x1DC00] =	vst v63  }
0x15d: {  	s7 =	sadd.s32 $0x14C00, s30  }
0x15e: {  	[spmem:s2] =	stream.indirect.scatter.add.f32 [tilespmem:s23], [sflag:$0x4], $0x80, s7, s18, $0xb8;
	[tilespmem:$0x1DC00] =	vst v63  }
0x15f: {  	_ =	swait.ge [sflag:s16], $0x2000  }
0x160: {  	[sflag:s16] =	ssyncset.done $0x0  }
0x161: {  	[sflag:s16] =	ssyncadd.s32 $0xFFFFE000  }
0x162: {  	_ =	swait.ge [sflag:s25], $0x2000  }
0x163: {  	s31 =	sadd.s32 $0x100, s31;
	s7 =	sor.u32 $0x780, s29;
	[sflag:s25] =	ssyncset.done $0x0  }
0x164: {  	s9 =	simm.s32 @!p0 $0x19C00;
	s8 =	ssub.s32 @!p0 $0x14500, s29;
	[sflag:s25] =	ssyncadd.s32 $0xFFFFE000  }
0x165: {  	[tilespmem:s9], [sflag:$0x1] =	stream.indirect.gather @!p0 [hbm4b:s4+s6], $0x80, s8, s6, $0xb8;
	[tilespmem:$0x1DC00] =	vst v63  }
.Ltmp0:
0x166: {  	_ = 	snop;
	(pc) =	sbr.rel @p1 .LBB2_2-.Ltmp0, $4  }
0x167: {  	s7 =	sadd.s32 $0x14C00, s7;
	s6 =	sand.u32 $0x1, s17;
	p0 =	seq.s32 s17, $0x9  }
0x168: {  	s1 =	sadd.s32 $0x100, s1;
	s29 =	sshll.u32 s6, $0xB;
	s6 =	sshll.u32 s6, $0x3  }
0x169: {  	[spmem:s2] =	stream.indirect.scatter.add.f32 [tilespmem:s26], [sflag:$0x4], $0x80, s7, s18, $0xb8;
	[tilespmem:$0x1DC00] =	vst v63  }
0x16a: {  	s17 =	sxor.u32 $0x8, s6;
	s30 =	sor.u32 $0x700, s29;
	_ =	swait.ge [sflag:s16], $0x2000  }
0x16b: {  	s0 =	sshll.u32 @!p0 s17, $0x8;
	[sflag:s16] =	ssyncset.done $0x0  }
0x16c: {  	s6 =	simm.s32 @!p0 $0x0;
	s17 =	sadd.s32 @!p0 $0x13C00, s0;
	[sflag:s16] =	ssyncadd.s32 $0xFFFFE000  }
0x16d: {  	[tilespmem:s17], [sflag:$0x2] =	stream.linear.gather @!p0 [hbm4b:s31+s6], $0x800, $0x38;
	[tilespmem:$0x1DC00] =	vst v63  }
0x16e: {  	s7 =	sadd.s32 @!p0 $0x14C00, s0  }
0x16f: {  	[tilespmem:s7], [sflag:$0x2] =	stream.linear.gather @!p0 [hbm4b:s1+s6], $0x800, $0x38;
	[tilespmem:$0x1DC00] =	vst v63  }
0x170: {  	_ =	swait.ge [sflag:s25], $0x2000  }
0x171: {  	[sflag:s25] =	ssyncset.done $0x0  }
0x172: {  	s15 =	sadd.s32 $0x13D80, s29;
	[sflag:s25] =	ssyncadd.s32 $0xFFFFE000  }
0x173: {  	[tilespmem:s26], [sflag:$0x1] =	stream.indirect.gather [hbm4b:s4+s18], $0x80, s15, s18, $0xb8;
	[tilespmem:$0x1DC00] =	vst v63  }
0x174: {  	s20 =	sadd.s32 $0x14C00, s29  }
0x175: {  	[spmem:s2] =	stream.indirect.scatter.add.f32 [tilespmem:s19], [sflag:$0x4], $0x80, s20, s18, $0xb8;
	[tilespmem:$0x1DC00] =	vst v63  }
0x176: {  	_ =	swait.ge [sflag:s16], $0x2000  }
0x177: {  	[sflag:s16] =	ssyncset.done $0x0  }
0x178: {  	[sflag:s16] =	ssyncadd.s32 $0xFFFFE000  }
0x179: {  	_ =	swait.ge [sflag:s25], $0x2000  }
0x17a: {  	[sflag:s25] =	ssyncset.done $0x0  }
0x17b: {  	s22 =	sadd.s32 $0x13E00, s29;
	[sflag:s25] =	ssyncadd.s32 $0xFFFFE000  }
0x17c: {  	[tilespmem:s19], [sflag:$0x1] =	stream.indirect.gather [hbm4b:s4+s18], $0x80, s22, s18, $0xb8;
	[tilespmem:$0x1DC00] =	vst v63  }
0x17d: {  	s31 =	sadd.s32 $0x14C80, s29  }
0x17e: {  	[spmem:s2] =	stream.indirect.scatter.add.f32 [tilespmem:s21], [sflag:$0x4], $0x80, s31, s18, $0xb8;
	[tilespmem:$0x1DC00] =	vst v63  }
0x17f: {  	_ =	swait.ge [sflag:s16], $0x2000  }
0x180: {  	[sflag:s16] =	ssyncset.done $0x0  }
0x181: {  	[sflag:s16] =	ssyncadd.s32 $0xFFFFE000  }
0x182: {  	_ =	swait.ge [sflag:s25], $0x2000  }
0x183: {  	[sflag:s25] =	ssyncset.done $0x0  }
0x184: {  	s6 =	sadd.s32 $0x13E80, s29;
	[sflag:s25] =	ssyncadd.s32 $0xFFFFE000  }
0x185: {  	[tilespmem:s21], [sflag:$0x1] =	stream.indirect.gather [hbm4b:s4+s18], $0x80, s6, s18, $0xb8;
	[tilespmem:$0x1DC00] =	vst v63  }
0x186: {  	s7 =	sadd.s32 $0x14D00, s29  }
0x187: {  	[spmem:s2] =	stream.indirect.scatter.add.f32 [tilespmem:s23], [sflag:$0x4], $0x80, s7, s18, $0xb8;
	[tilespmem:$0x1DC00] =	vst v63  }
0x188: {  	_ =	swait.ge [sflag:s16], $0x2000  }
0x189: {  	[sflag:s16] =	ssyncset.done $0x0  }
0x18a: {  	[sflag:s16] =	ssyncadd.s32 $0xFFFFE000  }
0x18b: {  	_ =	swait.ge [sflag:s25], $0x2000  }
0x18c: {  	[sflag:s25] =	ssyncset.done $0x0  }
0x18d: {  	s8 =	sadd.s32 $0x13F00, s29;
	[sflag:s25] =	ssyncadd.s32 $0xFFFFE000  }
0x18e: {  	[tilespmem:s23], [sflag:$0x1] =	stream.indirect.gather [hbm4b:s4+s18], $0x80, s8, s18, $0xb8;
	[tilespmem:$0x1DC00] =	vst v63  }
0x18f: {  	s9 =	sadd.s32 $0x14D80, s29  }
0x190: {  	[spmem:s2] =	stream.indirect.scatter.add.f32 [tilespmem:s26], [sflag:$0x4], $0x80, s9, s18, $0xb8;
	[tilespmem:$0x1DC00] =	vst v63  }
0x191: {  	_ =	swait.ge [sflag:s16], $0x2000  }
0x192: {  	[sflag:s16] =	ssyncset.done $0x0  }
0x193: {  	[sflag:s16] =	ssyncadd.s32 $0xFFFFE000  }
0x194: {  	_ =	swait.ge [sflag:s25], $0x2000  }
0x195: {  	[sflag:s25] =	ssyncset.done $0x0  }
0x196: {  	s15 =	sadd.s32 $0x13F80, s29;
	[sflag:s25] =	ssyncadd.s32 $0xFFFFE000  }
0x197: {  	[tilespmem:s26], [sflag:$0x1] =	stream.indirect.gather [hbm4b:s4+s18], $0x80, s15, s18, $0xb8;
	[tilespmem:$0x1DC00] =	vst v63  }
0x198: {  	s20 =	sadd.s32 $0x14E00, s29  }
0x199: {  	[spmem:s2] =	stream.indirect.scatter.add.f32 [tilespmem:s19], [sflag:$0x4], $0x80, s20, s18, $0xb8;
	[tilespmem:$0x1DC00] =	vst v63  }
0x19a: {  	_ =	swait.ge [sflag:s16], $0x2000  }
0x19b: {  	[sflag:s16] =	ssyncset.done $0x0  }
0x19c: {  	[sflag:s16] =	ssyncadd.s32 $0xFFFFE000  }
0x19d: {  	_ =	swait.ge [sflag:s25], $0x2000  }
0x19e: {  	[sflag:s25] =	ssyncset.done $0x0  }
0x19f: {  	s22 =	sor.u32 $0x14000, s29;
	[sflag:s25] =	ssyncadd.s32 $0xFFFFE000  }
0x1a0: {  	[tilespmem:s19], [sflag:$0x1] =	stream.indirect.gather [hbm4b:s4+s18], $0x80, s22, s18, $0xb8;
	[tilespmem:$0x1DC00] =	vst v63  }
0x1a1: {  	s31 =	sadd.s32 $0x14E80, s29  }
0x1a2: {  	[spmem:s2] =	stream.indirect.scatter.add.f32 [tilespmem:s21], [sflag:$0x4], $0x80, s31, s18, $0xb8;
	[tilespmem:$0x1DC00] =	vst v63  }
0x1a3: {  	_ =	swait.ge [sflag:s16], $0x2000  }
0x1a4: {  	[sflag:s16] =	ssyncset.done $0x0  }
0x1a5: {  	[sflag:s16] =	ssyncadd.s32 $0xFFFFE000  }
0x1a6: {  	_ =	swait.ge [sflag:s25], $0x2000  }
0x1a7: {  	[sflag:s25] =	ssyncset.done $0x0  }
0x1a8: {  	s6 =	sadd.s32 $0x14080, s29;
	[sflag:s25] =	ssyncadd.s32 $0xFFFFE000  }
0x1a9: {  	[tilespmem:s21], [sflag:$0x1] =	stream.indirect.gather [hbm4b:s4+s18], $0x80, s6, s18, $0xb8;
	[tilespmem:$0x1DC00] =	vst v63  }
0x1aa: {  	s7 =	sadd.s32 $0x14F00, s29  }
0x1ab: {  	[spmem:s2] =	stream.indirect.scatter.add.f32 [tilespmem:s23], [sflag:$0x4], $0x80, s7, s18, $0xb8;
	[tilespmem:$0x1DC00] =	vst v63  }
0x1ac: {  	_ =	swait.ge [sflag:s16], $0x2000  }
0x1ad: {  	[sflag:s16] =	ssyncset.done $0x0  }
0x1ae: {  	[sflag:s16] =	ssyncadd.s32 $0xFFFFE000  }
0x1af: {  	_ =	swait.ge [sflag:s25], $0x2000  }
0x1b0: {  	[sflag:s25] =	ssyncset.done $0x0  }
0x1b1: {  	s8 =	sadd.s32 $0x14100, s29;
	[sflag:s25] =	ssyncadd.s32 $0xFFFFE000  }
0x1b2: {  	[tilespmem:s23], [sflag:$0x1] =	stream.indirect.gather [hbm4b:s4+s18], $0x80, s8, s18, $0xb8;
	[tilespmem:$0x1DC00] =	vst v63  }
0x1b3: {  	s9 =	sadd.s32 $0x14F80, s29  }
0x1b4: {  	[spmem:s2] =	stream.indirect.scatter.add.f32 [tilespmem:s26], [sflag:$0x4], $0x80, s9, s18, $0xb8;
	[tilespmem:$0x1DC00] =	vst v63  }
0x1b5: {  	_ =	swait.ge [sflag:s16], $0x2000  }
0x1b6: {  	[sflag:s16] =	ssyncset.done $0x0  }
0x1b7: {  	[sflag:s16] =	ssyncadd.s32 $0xFFFFE000  }
0x1b8: {  	_ =	swait.ge [sflag:s25], $0x2000  }
0x1b9: {  	[sflag:s25] =	ssyncset.done $0x0  }
0x1ba: {  	s15 =	sadd.s32 $0x14180, s29;
	[sflag:s25] =	ssyncadd.s32 $0xFFFFE000  }
0x1bb: {  	[tilespmem:s26], [sflag:$0x1] =	stream.indirect.gather [hbm4b:s4+s18], $0x80, s15, s18, $0xb8;
	[tilespmem:$0x1DC00] =	vst v63  }
0x1bc: {  	s20 =	sor.u32 $0x15000, s29  }
0x1bd: {  	[spmem:s2] =	stream.indirect.scatter.add.f32 [tilespmem:s19], [sflag:$0x4], $0x80, s20, s18, $0xb8;
	[tilespmem:$0x1DC00] =	vst v63  }
0x1be: {  	_ =	swait.ge [sflag:s16], $0x2000  }
0x1bf: {  	[sflag:s16] =	ssyncset.done $0x0  }
0x1c0: {  	[sflag:s16] =	ssyncadd.s32 $0xFFFFE000  }
0x1c1: {  	_ =	swait.ge [sflag:s25], $0x2000  }
0x1c2: {  	[sflag:s25] =	ssyncset.done $0x0  }
0x1c3: {  	s22 =	sadd.s32 $0x14200, s29;
	[sflag:s25] =	ssyncadd.s32 $0xFFFFE000  }
0x1c4: {  	[tilespmem:s19], [sflag:$0x1] =	stream.indirect.gather [hbm4b:s4+s18], $0x80, s22, s18, $0xb8;
	[tilespmem:$0x1DC00] =	vst v63  }
0x1c5: {  	s31 =	sadd.s32 $0x15080, s29  }
0x1c6: {  	[spmem:s2] =	stream.indirect.scatter.add.f32 [tilespmem:s21], [sflag:$0x4], $0x80, s31, s18, $0xb8;
	[tilespmem:$0x1DC00] =	vst v63  }
0x1c7: {  	_ =	swait.ge [sflag:s16], $0x2000  }
0x1c8: {  	[sflag:s16] =	ssyncset.done $0x0  }
0x1c9: {  	[sflag:s16] =	ssyncadd.s32 $0xFFFFE000  }
0x1ca: {  	_ =	swait.ge [sflag:s25], $0x2000  }
0x1cb: {  	[sflag:s25] =	ssyncset.done $0x0  }
0x1cc: {  	s6 =	sadd.s32 $0x14280, s29;
	[sflag:s25] =	ssyncadd.s32 $0xFFFFE000  }
0x1cd: {  	[tilespmem:s21], [sflag:$0x1] =	stream.indirect.gather [hbm4b:s4+s18], $0x80, s6, s18, $0xb8;
	[tilespmem:$0x1DC00] =	vst v63  }
0x1ce: {  	s7 =	sadd.s32 $0x15100, s29  }
0x1cf: {  	[spmem:s2] =	stream.indirect.scatter.add.f32 [tilespmem:s23], [sflag:$0x4], $0x80, s7, s18, $0xb8;
	[tilespmem:$0x1DC00] =	vst v63  }
0x1d0: {  	_ =	swait.ge [sflag:s16], $0x2000  }
0x1d1: {  	[sflag:s16] =	ssyncset.done $0x0  }
0x1d2: {  	[sflag:s16] =	ssyncadd.s32 $0xFFFFE000  }
0x1d3: {  	_ =	swait.ge [sflag:s25], $0x2000  }
0x1d4: {  	[sflag:s25] =	ssyncset.done $0x0  }
0x1d5: {  	s8 =	sadd.s32 $0x14300, s29;
	[sflag:s25] =	ssyncadd.s32 $0xFFFFE000  }
0x1d6: {  	[tilespmem:s23], [sflag:$0x1] =	stream.indirect.gather [hbm4b:s4+s18], $0x80, s8, s18, $0xb8;
	[tilespmem:$0x1DC00] =	vst v63  }
0x1d7: {  	s9 =	sadd.s32 $0x15180, s29  }
0x1d8: {  	[spmem:s2] =	stream.indirect.scatter.add.f32 [tilespmem:s26], [sflag:$0x4], $0x80, s9, s18, $0xb8;
	[tilespmem:$0x1DC00] =	vst v63  }
0x1d9: {  	_ =	swait.ge [sflag:s16], $0x2000  }
0x1da: {  	[sflag:s16] =	ssyncset.done $0x0  }
0x1db: {  	[sflag:s16] =	ssyncadd.s32 $0xFFFFE000  }
0x1dc: {  	_ =	swait.ge [sflag:s25], $0x2000  }
0x1dd: {  	[sflag:s25] =	ssyncset.done $0x0  }
0x1de: {  	s15 =	sadd.s32 $0x14380, s29;
	[sflag:s25] =	ssyncadd.s32 $0xFFFFE000  }
0x1df: {  	[tilespmem:s26], [sflag:$0x1] =	stream.indirect.gather [hbm4b:s4+s18], $0x80, s15, s18, $0xb8;
	[tilespmem:$0x1DC00] =	vst v63  }
0x1e0: {  	s20 =	sadd.s32 $0x15200, s29  }
0x1e1: {  	[spmem:s2] =	stream.indirect.scatter.add.f32 [tilespmem:s19], [sflag:$0x4], $0x80, s20, s18, $0xb8;
	[tilespmem:$0x1DC00] =	vst v63  }
0x1e2: {  	_ =	swait.ge [sflag:s16], $0x2000  }
0x1e3: {  	[sflag:s16] =	ssyncset.done $0x0  }
0x1e4: {  	[sflag:s16] =	ssyncadd.s32 $0xFFFFE000  }
0x1e5: {  	s1 =	simm.s32 @p0 $0x4;
	_ =	swait.ge [sflag:s25], $0x2000  }
0x1e6: {  	s6 =	sor.u32 $0x680, s29;
	s7 =	simm.s32 @p0 $0x17C00;
	[sflag:s25] =	ssyncset.done $0x0  }
0x1e7: {  	s8 =	sadd.s32 @p0 $0x14C00, s6;
	s9 =	simm.s32 @p0 $0x40;
	[sflag:s25] =	ssyncadd.s32 $0xFFFFE000  }
0x1e8: {  	[spmem:s2] =	stream.indirect.scatter.add.f32 @p0 [tilespmem:s7], [sflag:$0x4], $0x80, s8, s9, $0xb8;
	[tilespmem:$0x1DC00] =	vst v63  }
0x1e9: {  	_ =	swait.ge @p0 [sflag:s1], $0x2000  }
0x1ea: {  	[sflag:s1] =	ssyncset.done @p0 $0x0  }
0x1eb: {  	[sflag:s1] =	ssyncadd.s32 @p0 $0xFFFFE000;
	s1 =	simm.s32 @p0 $0x1  }
0x1ec: {  	_ =	swait.ge @p0 [sflag:s1], $0x2000  }
0x1ed: {  	[sflag:s1] =	ssyncset.done @p0 $0x0  }
0x1ee: {  	[sflag:s1] =	ssyncadd.s32 @p0 $0xFFFFE000;
	s1 =	simm.s32 @!p0 $0x2  }
0x1ef: {  	_ =	swait.ge @!p0 [sflag:s1], $0x800  }
0x1f0: {  	[sflag:s1] =	ssyncset.done @!p0 $0x0  }
0x1f1: {  	[sflag:s1] =	ssyncadd.s32 @!p0 $0xFFFFF800  }
0x1f2: {  	_ =	swait.ge @!p0 [sflag:s1], $0x800  }
0x1f3: {  	[sflag:s1] =	ssyncset.done @!p0 $0x0  }
0x1f4: {  	s7 =	simm.s32 @!p0 $0x15C00;
	[sflag:s1] =	ssyncadd.s32 @!p0 $0xFFFFF800;
	s1 =	simm.s32 @!p0 $0x40  }
0x1f5: {  	[tilespmem:s7], [sflag:$0x1] =	stream.indirect.gather @!p0 [hbm4b:s4+s1], $0x80, s17, s1, $0xb8;
	[tilespmem:$0x1DC00] =	vst v63  }
0x1f6: {  	s6 =	sadd.s32 @!p0 $0x14C00, s6;
	s8 =	simm.s32 @!p0 $0x4;
	s7 =	simm.s32 @!p0 $0x17C00  }
0x1f7: {  	[spmem:s2] =	stream.indirect.scatter.add.f32 @!p0 [tilespmem:s7], [sflag:$0x4], $0x80, s6, s1, $0xb8;
	[tilespmem:$0x1DC00] =	vst v63  }
0x1f8: {  	_ =	swait.ge @!p0 [sflag:s8], $0x2000  }
0x1f9: {  	[sflag:s8] =	ssyncset.done @!p0 $0x0  }
0x1fa: {  	s6 =	simm.s32 @!p0 $0x1;
	[sflag:s8] =	ssyncadd.s32 @!p0 $0xFFFFE000  }
0x1fb: {  	_ =	swait.ge @!p0 [sflag:s6], $0x2000  }
0x1fc: {  	[sflag:s6] =	ssyncset.done @!p0 $0x0  }
0x1fd: {  	s0 =	sadd.s32 @!p0 $0x13C80, s0;
	[sflag:s6] =	ssyncadd.s32 @!p0 $0xFFFFE000  }
0x1fe: {  	[tilespmem:s7], [sflag:$0x1] =	stream.indirect.gather @!p0 [hbm4b:s4+s1], $0x80, s0, s1, $0xb8;
	[tilespmem:$0x1DC00] =	vst v63  }
0x1ff: {  	s22 =	sadd.s32 $0x14C00, s30  }
0x200: {  	[spmem:s2] =	stream.indirect.scatter.add.f32 [tilespmem:s23], [sflag:$0x4], $0x80, s22, s18, $0xb8;
	[tilespmem:$0x1DC00] =	vst v63  }
0x201: {  	_ =	swait.ge [sflag:s16], $0x2000  }
0x202: {  	[sflag:s16] =	ssyncset.done $0x0  }
0x203: {  	[sflag:s16] =	ssyncadd.s32 $0xFFFFE000  }
0x204: {  	_ =	swait.ge [sflag:s25], $0x2000  }
0x205: {  	s30 =	sor.u32 $0x780, s29;
	[sflag:s25] =	ssyncset.done $0x0  }
0x206: {  	s6 =	ssub.s32 @!p0 $0x14500, s29;
	s7 =	simm.s32 @!p0 $0x19C00;
	[sflag:s25] =	ssyncadd.s32 $0xFFFFE000  }
0x207: {  	[tilespmem:s7], [sflag:$0x1] =	stream.indirect.gather @!p0 [hbm4b:s4+s1], $0x80, s6, s1, $0xb8;
	[tilespmem:$0x1DC00] =	vst v63  }
0x208: {  	s0 =	sadd.s32 $0x14C00, s30  }
0x209: {  	[spmem:s2] =	stream.indirect.scatter.add.f32 [tilespmem:s26], [sflag:$0x4], $0x80, s0, s18, $0xb8;
	[tilespmem:$0x1DC00] =	vst v63  }
0x20a: {  	_ =	swait.ge [sflag:s16], $0x2000  }
0x20b: {  	s28 =	sadd.s32 $0x1, s28;
	[sflag:s16] =	ssyncset.done $0x0  }
0x20c: {  	p0 =	sne.s32 s28, s11;
	[sflag:s16] =	ssyncadd.s32 $0xFFFFE000  }
.Ltmp1:
0x20d: {  	s31 =	sor.u32 $0x1C04, s5;
	[bflag:$0x0] =	sbarrier.arrive $0xFFFF;
	(pc) =	sbr.rel @p0 .LBB2_1-.Ltmp1, $4  }
0x20e: {  	[hbm:s10], [sflag:s31] =	dma.local [spmem:s14], $0x2780  }
0x20f: {  	_ =	swait.ge [sflag:s16], $0x2780  }
0x210: {  	[sflag:s16] =	ssyncset.done $0x0  }
0x211: {  	[sflag:s16] =	ssyncadd.s32 $0xFFFFD880  }
0x212: {  	_ =	sfence.sel $0x180000  }
0x213: {  	[bflag:$0x0] =	sbarrier.arrive $0xFFFF  }
0x214: {  	_ =	strace $0x9000004D  }
0x215: {  	s0 =	stileid.u32;
	[bflag:$0x2] =	sbarrier.arrive $0xFFFF  }
0x216: {  	p0 =	sne.s32 s0, $0x0;
	s0 =	rddreg [dreg:$0x2]  }
0x217: {  	s0 =	sadd.s32 @!p0 $0x100000, s0  }
0x218: {  	[sflag:s0] =	ssyncadd.tile.s32 @!p0 $0x1;
	_ =	shalt  }
.Lfunc_end2:
_tile_overlayer_lowered:
.L_overlay_start_2:
0x219: {  	(tag) =	ssettag $0x2  }
0x21a: {  	s0 =	rddreg [dreg:$0x0];
	s2 =	stileid.u32  }
0x21b: {  	s1 =	rddreg [dreg:$0x1];
	p0 =	sne.s32 s2, $0x0  }
0x21c: {  	s3 =	rddreg [dreg:$0x2];
	[bflag:$0x3] =	sbarrier.arrive $0xFFFF;
	s2 =	simm.s32 @!p0 $0x1C04  }
0x21d: {  	[timem:s3], [sflag:s2] =	dma.local @!p0 [hbm:s0], s1  }
0x21e: {  	s0 =	simm.s32 @!p0 $0x4  }
0x21f: {  	_ =	swait.ge @!p0 [sflag:s0], s1  }
0x220: {  	s1 =	ssub.s32 @!p0 $0x0, s1;
	[sflag:s0] =	ssyncset.done @!p0 $0x0  }
0x221: {  	[sflag:s0] =	ssyncadd.s32 @!p0 s1  }
0x222: {  	[bflag:$0x3] =	sbarrier.arrive $0xFFFF  }
0x223: {  	_ =	shalt  }

// kernel: kernel.9.cloned.1.call-start
scs
__scs_entry_jumppad:
0x0: {  	(pc) =	sbr.rel $0x88, $3  }
0x1: {  	(tag) =	ssettag $0x0;
	lr =	simm.s32 $0x1  }
0x2: {  	[smem:$0x3F9B] =	sst lr;
	_ =	strace $0xD0000000  }
0x3: {  	_ = 	snop  }
0x4: {  	_ = 	snop  }
0x5: {  	_ = 	snop  }
0x6: {  	_ = 	snop  }
0x7: {  	_ = 	snop  }
__scs_overlays_trampoline_lowered:
0x8: {  	[smem:$0x3FAA] =	sst s0  }
0x9: {  	[smem:$0x3FAB] =	sst s1  }
0xa: {  	[smem:$0x3FAC] =	sst s2  }
0xb: {  	[smem:$0x3FAD] =	sst s3  }
0xc: {  	[smem:$0x3FAE] =	sst s4  }
0xd: {  	[smem:$0x3FAF] =	sst s5  }
0xe: {  	[smem:$0x3FB0] =	sst s6  }
0xf: {  	[smem:$0x3FB1] =	sst s7  }
0x10: {  	[smem:$0x3FB2] =	sst s8  }
0x11: {  	[smem:$0x3FB3] =	sst s9;
	s0 =	simm.s32 @!p0 $0x0  }
0x12: {  	s1 =	sld [smem:$0x3F99];
	s0 =	simm.s32 @p0 $0x1  }
0x13: {  	[smem:$0x3FB4] =	sst s0;
	s0 =	simm.s32 @!p1 $0x0  }
0x14: {  	s2 =	sld [smem:$0x3F98];
	s0 =	simm.s32 @p1 $0x1  }
0x15: {  	[smem:$0x3FB5] =	sst s0;
	s0 =	simm.s32 @!p2 $0x0  }
0x16: {  	s3 =	sld [smem:$0x3FDB];
	s0 =	simm.s32 @p2 $0x1  }
0x17: {  	s4 =	simm.s32 $0x1BF5;
	[smem:$0x3FB7] =	sst s0  }
0x18: {  	s0 =	sld [smem:$0x3F9A];
	_ =	swait.ge [sflag:s4], $0x0  }
0x19: {  	s7 =	sld [smem:$0x3F9B]  }
0x1a: {  	s8 =	sadd.s32 $0xFFFFE003, lr  }
0x1b: {  	s9 =	sadd.s32 $0xFFFFFEF7, lr;
	s5 =	simm.s32 $0xFFFFFFFF;
	p2 =	slt.u32 s8, $0xFFFFF086  }
0x1c: {  	p1 =	slt.u32 s9, $0xF7A;
	s5 =	simm.s32 @!p2 $0x0  }
0x1d: {  	s5 =	simm.s32 @p1 $0x1;
	p0 =	seq.s32 s7, s2  }
0x1e: {  	s7 =	smul.u32 @!p0 $0xF7A, s2;
	p2 =	seq.s32 @!p0 s5, $0x0  }
0x1f: {  	s9 =	smul.u32 $0xF7A, s1;
	s8 =	simm.s32 @!p0 $0x1BF5;
	p2 =	por !p2, p0  }
0x20: {  	[sflag:s8] =	ssyncset.s32 @!p0 $0xFFFFF086;
	s6 =	sadd.s32 @!p0 s3, s7;
	s7 =	simm.s32 @!p0 $0x108  }
0x21: {  	s3 =	sadd.s32 s3, s9;
	s6 =	sadd.s32 @!p0 $0x88, s6;
	s7 =	simm.s32 @p2 $0x1082  }
0x22: {  	[simem:s7], [sflag:s8] =	dma.local @!p0 [hbm:s6], $0xF7A  }
0x23: {  	s9 =	sor.u32 $0xD0000000, s2;
	s6 =	simm.s32 $0x108;
	_ =	swait.ge @!p0 [sflag:s8], $0x0  }
0x24: {  	s3 =	sadd.s32 $0x88, s3;
	s6 =	simm.s32 @!p1 $0x1082;
	[sflag:s4] =	ssyncset.s32 $0xFFFFF086  }
0x25: {  	[simem:s6], [sflag:s4] =	dma.local [hbm:s3], $0xF7A  }
0x26: {  	[smem:$0x3F9B] =	sst s1;
	(tag) =	ssettag s2;
	_ =	strace s9  }
0x27: {  	s1 =	sld [smem:$0x3FAB]  }
0x28: {  	s2 =	sld [smem:$0x3FAC]  }
0x29: {  	s4 =	sld [smem:$0x3FAE]  }
0x2a: {  	p0 =	seq.s32 s5, $0x0;
	s5 =	sld [smem:$0x3FAF]  }
0x2b: {  	s6 =	sld [smem:$0x3FB0]  }
0x2c: {  	s7 =	sld [smem:$0x3FB1]  }
0x2d: {  	s3 =	simm.s32 $0x108;
	s8 =	sld [smem:$0x3FB2]  }
0x2e: {  	s3 =	simm.s32 @!p0 $0x1082;
	s9 =	sld [smem:$0x3FB3]  }
0x2f: {  	lr =	sadd.s32 s0, s3;
	s0 =	sld [smem:$0x3FAA]  }
0x30: {  	s3 =	sld [smem:$0x3FAD]  }
0x31: {  	[smem:$0x3FB6] =	sst s10  }
0x32: {  	s10 =	sld [smem:$0x3FB4];
	_ =	sdelay $0x3  }
0x33: {  	p0 =	seq.s32 s10, $0x1;
	s10 =	sld [smem:$0x3FB6];
	_ =	sdelay $0x3  }
0x34: {  	[smem:$0x3FB6] =	sst s10  }
0x35: {  	s10 =	sld [smem:$0x3FB5];
	_ =	sdelay $0x3  }
0x36: {  	p1 =	seq.s32 s10, $0x1;
	s10 =	sld [smem:$0x3FB6];
	_ =	sdelay $0x3  }
0x37: {  	[smem:$0x3FB6] =	sst s10  }
0x38: {  	s10 =	sld [smem:$0x3FB7]  }
0x39: {  	_ = 	snop;
	(pc) =	sbr.ind lr, $3  }
0x3a: {  	_ = 	snop  }
0x3b: {  	_ = 	snop  }
0x3c: {  	p2 =	seq.s32 s10, $0x1;
	s10 =	sld [smem:$0x3FB6]  }
0x3d: {  	_ =	shalt  }
0x3e: {  	_ =	shalt  }
0x3f: {  	_ =	shalt  }
0x40: {  	_ =	shalt  }
0x41: {  	_ =	shalt  }
0x42: {  	_ =	shalt  }
0x43: {  	_ =	shalt  }
0x44: {  	_ =	shalt  }
0x45: {  	_ =	shalt  }
0x46: {  	_ =	shalt  }
0x47: {  	_ =	shalt  }
0x48: {  	_ =	shalt  }
0x49: {  	_ =	shalt  }
0x4a: {  	_ =	shalt  }
0x4b: {  	_ =	shalt  }
0x4c: {  	_ =	shalt  }
0x4d: {  	_ =	shalt  }
0x4e: {  	_ =	shalt  }
0x4f: {  	_ =	shalt  }
0x50: {  	_ =	shalt  }
0x51: {  	_ =	shalt  }
0x52: {  	_ =	shalt  }
0x53: {  	_ =	shalt  }
0x54: {  	_ =	shalt  }
0x55: {  	_ =	shalt  }
0x56: {  	_ =	shalt  }
0x57: {  	_ =	shalt  }
0x58: {  	_ =	shalt  }
0x59: {  	_ =	shalt  }
0x5a: {  	_ =	shalt  }
0x5b: {  	_ =	shalt  }
0x5c: {  	_ =	shalt  }
0x5d: {  	_ =	shalt  }
0x5e: {  	_ =	shalt  }
0x5f: {  	_ =	shalt  }
0x60: {  	_ =	shalt  }
0x61: {  	_ =	shalt  }
0x62: {  	_ =	shalt  }
0x63: {  	_ =	shalt  }
0x64: {  	_ =	shalt  }
0x65: {  	_ =	shalt  }
0x66: {  	_ =	shalt  }
0x67: {  	_ =	shalt  }
0x68: {  	_ =	shalt  }
0x69: {  	_ =	shalt  }
0x6a: {  	_ =	shalt  }
0x6b: {  	_ =	shalt  }
0x6c: {  	_ =	shalt  }
0x6d: {  	_ =	shalt  }
0x6e: {  	_ =	shalt  }
0x6f: {  	_ =	shalt  }
0x70: {  	_ =	shalt  }
0x71: {  	_ =	shalt  }
0x72: {  	_ =	shalt  }
0x73: {  	_ =	shalt  }
0x74: {  	_ =	shalt  }
0x75: {  	_ =	shalt  }
0x76: {  	_ =	shalt  }
0x77: {  	_ =	shalt  }
0x78: {  	_ =	shalt  }
0x79: {  	_ =	shalt  }
0x7a: {  	_ =	shalt  }
0x7b: {  	_ =	shalt  }
0x7c: {  	_ =	shalt  }
0x7d: {  	_ =	shalt  }
0x7e: {  	_ =	shalt  }
0x7f: {  	_ =	shalt  }
0x80: {  	_ =	shalt  }
0x81: {  	_ =	shalt  }
0x82: {  	_ =	shalt  }
0x83: {  	_ =	shalt  }
0x84: {  	_ =	shalt  }
0x85: {  	_ =	shalt  }
0x86: {  	_ =	shalt  }
0x87: {  	_ =	shalt  }
.Lfunc_end0:
.L_simem_size_0:
called_computation_lowered:
.L_overlay_start_0:
0x88: {  	s2 =	sld [smem:$0x3FD9]  }
0x89: {  	s3 =	sld [smem:$0x3FFE];
	_ =	sdelay $0x1  }
0x8a: {  	s1 =	srdreg.scid  }
0x8b: {  	s0 =	sand.u32 $0x1, s1  }
0x8c: {  	s17 =	sshll.u32 s0, $0xA;
	s2 =	sadd.s32 s3, s2  }
0x8d: {  	s2 =	sadd.s32 s2, s17  }
0x8e: {  	[smem:$0x3FC2] =	sst s2  }
0x8f: {  	_ = 	snop  }
0x90: {  	s2 =	sld [smem:$0x3FD0];
	(tm) =	ssettm $0x1  }
0x91: {  	s18 =	sld [smem:$0x3FFB];
	_ =	sdelay $0x3  }
0x92: {  	_ =	strace s18  }
0x93: {  	s3 =	sld [smem:$0x3FFC];
	_ =	sdelay $0x3  }
0x94: {  	_ =	strace s3  }
0x95: {  	s3 =	sld [smem:$0x3FFD];
	_ =	sdelay $0x3  }
0x96: {  	_ =	strace s3  }
0x97: {  	_ =	strace $0x8FFFFFFF  }
0x98: {  	s19 =	sld [smem:$0x3FDB];
	_ =	sdelay $0x1  }
0x99: {  	s4 =	simm.s32 $_scs_section_size  }
0x9a: {  	s5 =	simm.s32 $_size__tile_overlayer_lowered;
	s6 =	simm.s32 $_tile_overlayer_lowered  }
0x9b: {  	s22 =	simm.s32 $0x1BFF;
	s21 =	sshll.u32 s6, $0x1;
	s3 =	sadd.s32 s4, s19  }
0x9c: {  	s7 =	simm.s32 $0x0;
	s20 =	sshll.u32 s5, $0x1;
	s5 =	sadd.s32 s21, s3  }
0x9d: {  	[timem:s7], [sflag:s22] =	dma.local [hbm:s5], s20  }
0x9e: {  	_ =	swait.ge [sflag:s22], s20  }
0x9f: {  	s4 =	ssub.s32 $0x0, s20;
	[sflag:s22] =	ssyncset.done $0x0  }
0xa0: {  	[sflag:s22] =	ssyncadd.s32 s4;
	_ =	sdelay $0x1  }
0xa1: {  	s23 =	simm.s32 $0x1B8B  }
0xa2: {  	_ =	swait.ge [sflag:s23], $0x1  }
0xa3: {  	[sflag:s23] =	ssyncset.done $0x0  }
0xa4: {  	s25 =	simm.s32 $0x1B8E;
	s24 =	sld [smem:$0x3FFE];
	[sflag:s23] =	ssyncadd.s32 $0xFFFFFFFF  }
0xa5: {  	s26 =	simm.s32 $execute0_lowered;
	[smem:$0x3FD2] =	sst s25  }
0xa6: {  	s5 =	sshll.u32 s26, $0x1;
	_ =	strace $0x80000046;
	[dreg:$0x1] =	wrdreg $0xFFFFFFFF  }
0xa7: {  	s28 =	simm.s32 $_size_execute0_lowered;
	s3 =	sadd.s32 s3, s5;
	[dreg:$0x0] =	wrdreg $0x0  }
0xa8: {  	s5 =	sshll.u32 s28, $0x1;
	[dreg:$0x2] =	wrdreg s3  }
0xa9: {  	[dreg:$0x3] =	wrdreg s5  }
0xaa: {  	[dreg:$0x4] =	wrdreg $0xC0  }
0xab: {  	_ =	task [dreg:s7], $0x5FFFF  }
0xac: {  	[dreg:$0x1] =	wrdreg $0xFFFFFFFF  }
0xad: {  	[dreg:$0x0] =	wrdreg $0x60  }
0xae: {  	[dreg:$0x2] =	wrdreg s24  }
0xaf: {  	[dreg:$0x3] =	wrdreg s2  }
0xb0: {  	[dreg:$0x4] =	wrdreg $0x0  }
0xb1: {  	[dreg:$0x5] =	wrdreg $0x2780  }
0xb2: {  	[dreg:$0x6] =	wrdreg $0x9  }
0xb3: {  	_ =	task.clear_ibuf [dreg:s7], $0x7FFFF;
	_ =	strace $0x90000046  }
0xb4: {  	s29 =	simm.s32 $0x9;
	_ =	strace $0x80000048  }
0xb5: {  	_ =	swait.ge [sflag:s29], $0x1  }
0xb6: {  	[sflag:s29] =	ssyncadd.s32 $0xFFFFFFFF  }
0xb7: {  	_ =	strace $0x90000048  }
0xb8: {  	_ =	sfence  }
0xb9: {  	s30 =	sld [smem:$0x0];
	_ =	sdelay $0x2  }
0xba: {  	s31 =	sshll.u32 s1, $0xD;
	s1 =	sshrl.u32 s1, $0x2  }
0xbb: {  	s3 =	sand.u32 $0x4000, s31;
	s1 =	sadd.s32 s1, s30  }
0xbc: {  	s0 =	sor.u32 s3, s0;
	s1 =	sshll.u32 s1, $0x11  }
0xbd: {  	s0 =	sor.u32 s1, s0  }
0xbe: {  	s0 =	sadd.s32 $0x8F2B, s0  }
0xbf: {  	[sflag:s0] =	ssyncadd.remote.s32 $0x1  }
0xc0: {  	_ =	sfence.sel $0xFFFF  }
0xc1: {  	[dreg:$0x0] =	wrdreg $0xFFFFFFFF;
	(pc) =	sbr.abs _section_cstart, $3  }
0xc2: {  	[dreg:$0x1] =	wrdreg $0xFFFFFFFF  }
0xc3: {  	_ =	task.clear_ibuf [dreg:s7], $0x2FFFF;
	_ =	strace $0x9FFFFFFF  }
0xc4: {  	(tm) =	ssettm $0x7FFFFFFF  }
0xc5: {  	_ =	shalt  }
tec
execute0_lowered:
.L_overlay_start_1:
0x0: {  	(tag) =	ssettag $0x1  }
0x1: {  	s0 =	rddreg [dreg:$0x0]  }
0x2: {  	s11 =	rddreg [dreg:$0x1]  }
0x3: {  	s1 =	rddreg [dreg:$0x2]  }
0x4: {  	s2 =	rddreg [dreg:$0x3];
	s3 =	srdreg.scid  }
0x5: {  	s13 =	stileid.u32;
	s15 =	simm.s32 $0x14F0;
	s16 =	simm.s32 $0x2  }
0x6: {  	s19 =	simm.s32 $0x80;
	s20 =	simm.s32 $0x1570;
	s21 =	simm.s32 $0x15F0  }
0x7: {  	s22 =	simm.s32 $0x1670;
	s23 =	simm.s32 $0x16F0;
	s24 =	simm.s32 $0x1770  }
0x8: {  	s25 =	simm.s32 $0x17F0;
	s26 =	simm.s32 $0x1870;
	s28 =	simm.s32 $0x0  }
0x9: {  	s4 =	sand.u32 $0x1, s3;
	s3 =	simm.s32 $0x0;
	s12 =	sadd.s32 $0x2800, s0  }
0xa: {  	s14 =	smul.u32 $0xA, s13;
	p0 =	sne.s32 s13, $0x0;
	s6 =	sshll.u32 s4, $0x4  }
0xb: {  	[smem:$0x7FF] =	sst s3;
	s8 =	ssub.s32 $0x2, s4;
	s9 =	smul.u32 $0xA0, s4  }
0xc: {  	s4 =	sadd.s32 $0xCE00, s0;
	s5 =	sor.u32 s13, s6;
	_ =	strace $0x80000047  }
0xd: {  	s10 =	sshrl.u32 s8, $0x1;
	s13 =	sshrl.u32 @!p0 s1, $0x3;
	s7 =	smul.u32 $0x500, s5  }
0xe: {  	s5 =	sadd.s32 $0xC800, s0;
	s0 =	sadd.s32 s6, s0;
	s10 =	ssub.s32 s8, s10  }
0xf: {  	s14 =	sadd.s32 s14, s9;
	s8 =	sadd.s32 $0xD000, s0;
	s9 =	sadd.s32 $0xDA00, s0  }
0x10: {  	s31 =	sshll.u32 s14, $0x7;
	s10 =	smax.u32 s10, $0x1;
	s14 =	sshrl.u32 @!p0 s2, $0x3  }
0x11: {  	s6 =	sadd.s32 s12, s7;
	s12 =	sadd.s32 s31, s12;
	s0 =	sadd.s32 s31, s11  }
0x12: {  	s7 =	sadd.s32 s11, s7;
	s11 =	sadd.s32 $0x80, s12;
	s12 =	sadd.s32 $0x80, s0  }
.LBB2_1:
0x13: {  	s0 =	simm.s32 @!p0 $0x1C02;
	s29 =	simm.s32 @!p0 $0x2  }
0x14: {  	[spmem:s13], [sflag:s0] =	dma.local @!p0 [hbm:s5], $0x4F0  }
0x15: {  	_ =	swait.ge @!p0 [sflag:s29], $0x4F0  }
0x16: {  	[sflag:s29] =	ssyncset.done @!p0 $0x0  }
0x17: {  	[sflag:s29] =	ssyncadd.s32 @!p0 $0xFFFFFB10  }
0x18: {  	[spmem:s14], [sflag:s0] =	dma.local @!p0 [hbm:s5], $0x4F0  }
0x19: {  	_ =	swait.ge @!p0 [sflag:s29], $0x4F0  }
0x1a: {  	[sflag:s29] =	ssyncset.done @!p0 $0x0  }
0x1b: {  	[sflag:s29] =	ssyncadd.s32 @!p0 $0xFFFFFB10  }
0x1c: {  	[tilespmem:s15], [sflag:$0x2] =	stream.linear.gather [hbm4b:s4+s3], $0x400, $0x38;
	[tilespmem:$0x18F0] =	vst v63  }
0x1d: {  	_ =	swait.ge [sflag:s16], $0x400  }
0x1e: {  	[sflag:s16] =	ssyncset.done $0x0  }
0x1f: {  	s17 =	simm.s32 $0x4F0;
	[sflag:s16] =	ssyncadd.s32 $0xFFFFFC00  }
0x20: {  	[tilespmem:s17], [sflag:$0x2] =	stream.linear.gather [hbm4b:s6+s3], $0x400, $0x38;
	[tilespmem:$0x18F0] =	vst v63  }
0x21: {  	_ =	swait.ge [sflag:s16], $0x400  }
0x22: {  	[sflag:s16] =	ssyncset.done $0x0  }
0x23: {  	s18 =	simm.s32 $0xCF0;
	[sflag:s16] =	ssyncadd.s32 $0xFFFFFC00  }
0x24: {  	[tilespmem:s18], [sflag:$0x2] =	stream.linear.gather [hbm4b:s7+s3], $0x400, $0x38;
	[tilespmem:$0x18F0] =	vst v63  }
0x25: {  	_ =	swait.ge [sflag:s16], $0x400  }
0x26: {  	[sflag:s16] =	ssyncset.done $0x0  }
0x27: {  	s30 =	smov.u32 s11;
	[sflag:s16] =	ssyncadd.s32 $0xFFFFFC00  }
0x28: {  	s31 =	simm.s32 $0x0;
	s29 =	smov.u32 s12;
	[bflag:$0x0] =	sbarrier.arrive $0xFFFF  }
.LBB2_2:
0x29: {  	s0 =	sand.u32 $0x400, s31;
	p1 =	seq.s32 s31, $0x2400  }
0x2a: {  	s17 =	ssub.s32 @!p1 $0x8F0, s0;
	s18 =	simm.s32 @!p1 $0x0  }
0x2b: {  	[tilespmem:s17], [sflag:$0x1] =	stream.linear.gather @!p1 [hbm4b:s30+s18], $0x400, $0x38;
	[tilespmem:$0x18F0] =	vst v63  }
0x2c: {  	s17 =	ssub.s32 @!p1 $0x10F0, s0  }
0x2d: {  	[tilespmem:s17], [sflag:$0x1] =	stream.linear.gather @!p1 [hbm4b:s29+s18], $0x400, $0x38;
	[tilespmem:$0x18F0] =	vst v63  }
0x2e: {  	s18 =	sadd.s32 $0x4F0, s0  }
0x2f: {  	[spmem:s1] =	stream.indirect.scatter.add.f32 [tilespmem:s15], [sflag:$0x2], $0x1, s18, s19, $0xb8;
	[tilespmem:$0x18F0] =	vst v63  }
0x30: {  	_ =	swait.ge [sflag:s16], $0x80  }
0x31: {  	[sflag:s16] =	ssyncset.done $0x0  }
0x32: {  	s18 =	sadd.s32 $0xCF0, s0;
	[sflag:s16] =	ssyncadd.s32 $0xFFFFFF80  }
0x33: {  	[spmem:s2] =	stream.indirect.scatter.add.f32 [tilespmem:s15], [sflag:$0x2], $0x1, s18, s19, $0xb8;
	[tilespmem:$0x18F0] =	vst v63  }
0x34: {  	_ =	swait.ge [sflag:s16], $0x80  }
0x35: {  	[sflag:s16] =	ssyncset.done $0x0  }
0x36: {  	s18 =	sadd.s32 $0x570, s0;
	[sflag:s16] =	ssyncadd.s32 $0xFFFFFF80  }
0x37: {  	[spmem:s1] =	stream.indirect.scatter.add.f32 [tilespmem:s20], [sflag:$0x2], $0x1, s18, s19, $0xb8;
	[tilespmem:$0x18F0] =	vst v63  }
0x38: {  	_ =	swait.ge [sflag:s16], $0x80  }
0x39: {  	[sflag:s16] =	ssyncset.done $0x0  }
0x3a: {  	s18 =	sadd.s32 $0xD70, s0;
	[sflag:s16] =	ssyncadd.s32 $0xFFFFFF80  }
0x3b: {  	[spmem:s2] =	stream.indirect.scatter.add.f32 [tilespmem:s20], [sflag:$0x2], $0x1, s18, s19, $0xb8;
	[tilespmem:$0x18F0] =	vst v63  }
0x3c: {  	_ =	swait.ge [sflag:s16], $0x80  }
0x3d: {  	[sflag:s16] =	ssyncset.done $0x0  }
0x3e: {  	s18 =	sadd.s32 $0x5F0, s0;
	[sflag:s16] =	ssyncadd.s32 $0xFFFFFF80  }
0x3f: {  	[spmem:s1] =	stream.indirect.scatter.add.f32 [tilespmem:s21], [sflag:$0x2], $0x1, s18, s19, $0xb8;
	[tilespmem:$0x18F0] =	vst v63  }
0x40: {  	_ =	swait.ge [sflag:s16], $0x80  }
0x41: {  	[sflag:s16] =	ssyncset.done $0x0  }
0x42: {  	s18 =	sadd.s32 $0xDF0, s0;
	[sflag:s16] =	ssyncadd.s32 $0xFFFFFF80  }
0x43: {  	[spmem:s2] =	stream.indirect.scatter.add.f32 [tilespmem:s21], [sflag:$0x2], $0x1, s18, s19, $0xb8;
	[tilespmem:$0x18F0] =	vst v63  }
0x44: {  	_ =	swait.ge [sflag:s16], $0x80  }
0x45: {  	[sflag:s16] =	ssyncset.done $0x0  }
0x46: {  	s18 =	sadd.s32 $0x670, s0;
	[sflag:s16] =	ssyncadd.s32 $0xFFFFFF80  }
0x47: {  	[spmem:s1] =	stream.indirect.scatter.add.f32 [tilespmem:s22], [sflag:$0x2], $0x1, s18, s19, $0xb8;
	[tilespmem:$0x18F0] =	vst v63  }
0x48: {  	_ =	swait.ge [sflag:s16], $0x80  }
0x49: {  	[sflag:s16] =	ssyncset.done $0x0  }
0x4a: {  	s18 =	sadd.s32 $0xE70, s0;
	[sflag:s16] =	ssyncadd.s32 $0xFFFFFF80  }
0x4b: {  	[spmem:s2] =	stream.indirect.scatter.add.f32 [tilespmem:s22], [sflag:$0x2], $0x1, s18, s19, $0xb8;
	[tilespmem:$0x18F0] =	vst v63  }
0x4c: {  	_ =	swait.ge [sflag:s16], $0x80  }
0x4d: {  	[sflag:s16] =	ssyncset.done $0x0  }
0x4e: {  	s18 =	sadd.s32 $0x6F0, s0;
	[sflag:s16] =	ssyncadd.s32 $0xFFFFFF80  }
0x4f: {  	[spmem:s1] =	stream.indirect.scatter.add.f32 [tilespmem:s23], [sflag:$0x2], $0x1, s18, s19, $0xb8;
	[tilespmem:$0x18F0] =	vst v63  }
0x50: {  	_ =	swait.ge [sflag:s16], $0x80  }
0x51: {  	[sflag:s16] =	ssyncset.done $0x0  }
0x52: {  	s18 =	sadd.s32 $0xEF0, s0;
	[sflag:s16] =	ssyncadd.s32 $0xFFFFFF80  }
0x53: {  	[spmem:s2] =	stream.indirect.scatter.add.f32 [tilespmem:s23], [sflag:$0x2], $0x1, s18, s19, $0xb8;
	[tilespmem:$0x18F0] =	vst v63  }
0x54: {  	_ =	swait.ge [sflag:s16], $0x80  }
0x55: {  	[sflag:s16] =	ssyncset.done $0x0  }
0x56: {  	s18 =	sadd.s32 $0x770, s0;
	[sflag:s16] =	ssyncadd.s32 $0xFFFFFF80  }
0x57: {  	[spmem:s1] =	stream.indirect.scatter.add.f32 [tilespmem:s24], [sflag:$0x2], $0x1, s18, s19, $0xb8;
	[tilespmem:$0x18F0] =	vst v63  }
0x58: {  	_ =	swait.ge [sflag:s16], $0x80  }
0x59: {  	[sflag:s16] =	ssyncset.done $0x0  }
0x5a: {  	s18 =	sadd.s32 $0xF70, s0;
	[sflag:s16] =	ssyncadd.s32 $0xFFFFFF80  }
0x5b: {  	[spmem:s2] =	stream.indirect.scatter.add.f32 [tilespmem:s24], [sflag:$0x2], $0x1, s18, s19, $0xb8;
	[tilespmem:$0x18F0] =	vst v63  }
0x5c: {  	_ =	swait.ge [sflag:s16], $0x80  }
0x5d: {  	[sflag:s16] =	ssyncset.done $0x0  }
0x5e: {  	s18 =	sadd.s32 $0x7F0, s0;
	[sflag:s16] =	ssyncadd.s32 $0xFFFFFF80  }
0x5f: {  	[spmem:s1] =	stream.indirect.scatter.add.f32 [tilespmem:s25], [sflag:$0x2], $0x1, s18, s19, $0xb8;
	[tilespmem:$0x18F0] =	vst v63  }
0x60: {  	_ =	swait.ge [sflag:s16], $0x80  }
0x61: {  	[sflag:s16] =	ssyncset.done $0x0  }
0x62: {  	s18 =	sadd.s32 $0xFF0, s0;
	[sflag:s16] =	ssyncadd.s32 $0xFFFFFF80  }
0x63: {  	[spmem:s2] =	stream.indirect.scatter.add.f32 [tilespmem:s25], [sflag:$0x2], $0x1, s18, s19, $0xb8;
	[tilespmem:$0x18F0] =	vst v63  }
0x64: {  	_ =	swait.ge [sflag:s16], $0x80  }
0x65: {  	[sflag:s16] =	ssyncset.done $0x0  }
0x66: {  	s18 =	sadd.s32 $0x870, s0;
	[sflag:s16] =	ssyncadd.s32 $0xFFFFFF80  }
0x67: {  	[spmem:s1] =	stream.indirect.scatter.add.f32 [tilespmem:s26], [sflag:$0x2], $0x1, s18, s19, $0xb8;
	[tilespmem:$0x18F0] =	vst v63  }
0x68: {  	_ =	swait.ge [sflag:s16], $0x80  }
0x69: {  	[sflag:s16] =	ssyncset.done $0x0  }
0x6a: {  	s0 =	sadd.s32 $0x1070, s0;
	[sflag:s16] =	ssyncadd.s32 $0xFFFFFF80  }
0x6b: {  	[spmem:s2] =	stream.indirect.scatter.add.f32 [tilespmem:s26], [sflag:$0x2], $0x1, s0, s19, $0xb8;
	[tilespmem:$0x18F0] =	vst v63  }
0x6c: {  	_ =	swait.ge [sflag:s16], $0x80  }
0x6d: {  	s31 =	sadd.s32 @!p1 $0x400, s31;
	[sflag:s16] =	ssyncset.done $0x0  }
0x6e: {  	p2 =	sne.s32 @!p1 s31, $0x2800;
	s0 =	simm.s32 @!p1 $0x1;
	[sflag:s16] =	ssyncadd.s32 $0xFFFFFF80  }
0x6f: {  	p2 =	por p1, !p2;
	_ =	swait.ge @!p1 [sflag:s0], $0x400  }
.Ltmp0:
0x70: {  	[sflag:s0] =	ssyncset.done @!p1 $0x0;
	(pc) =	sbr.rel @!p2 .LBB2_2-.Ltmp0, $4  }
0x71: {  	[sflag:s0] =	ssyncadd.s32 @!p1 $0xFFFFFC00  }
0x72: {  	_ =	swait.ge @!p1 [sflag:s0], $0x400  }
0x73: {  	[sflag:s0] =	ssyncset.done @!p1 $0x0  }
0x74: {  	s30 =	sadd.s32 @!p1 $0x80, s30;
	s29 =	sadd.s32 @!p1 $0x80, s29;
	[sflag:s0] =	ssyncadd.s32 @!p1 $0xFFFFFC00  }
0x75: {  	[bflag:$0x0] =	sbarrier.arrive $0xFFFF;
	s0 =	simm.s32 @!p0 $0x1;
	s17 =	simm.s32 @!p0 $0x20  }
0x76: {  	s18 =	simm.s32 @!p0 $0x10;
	s29 =	simm.s32 @!p0 $0x1C02;
	s30 =	simm.s32 @!p0 $0x2  }
0x77: {  	[hbm:s8@s17], [sflag:s29] =	dma.strided @!p0 [spmem:s13@s18], $0x4F0, s0, $0x10   }
0x78: {  	s28 =	sadd.s32 $0x1, s28;
	_ =	swait.ge @!p0 [sflag:s30], $0x4F0  }
0x79: {  	p1 =	sne.s32 s28, s10;
	[sflag:s30] =	ssyncset.done @!p0 $0x0  }
.Ltmp1:
0x7a: {  	[sflag:s30] =	ssyncadd.s32 @!p0 $0xFFFFFB10;
	(pc) =	sbr.rel @p1 .LBB2_1-.Ltmp1, $4  }
0x7b: {  	[hbm:s9@s17], [sflag:s29] =	dma.strided @!p0 [spmem:s14@s18], $0x4F0, s0, $0x10   }
0x7c: {  	_ =	swait.ge @!p0 [sflag:s30], $0x4F0  }
0x7d: {  	[sflag:s30] =	ssyncset.done @!p0 $0x0  }
0x7e: {  	[sflag:s30] =	ssyncadd.s32 @!p0 $0xFFFFFB10  }
0x7f: {  	_ =	sfence.sel $0x180000  }
0x80: {  	[bflag:$0x0] =	sbarrier.arrive $0xFFFF  }
0x81: {  	_ =	strace $0x90000047  }
0x82: {  	[bflag:$0x2] =	sbarrier.arrive $0xFFFF  }
0x83: {  	s0 =	rddreg [dreg:$0x4]  }
0x84: {  	s0 =	sadd.s32 @!p0 $0x100000, s0  }
0x85: {  	[sflag:s0] =	ssyncadd.tile.s32 @!p0 $0x1;
	_ =	shalt  }
.Lfunc_end2:
_tile_overlayer_lowered:
.L_overlay_start_2:
0x86: {  	(tag) =	ssettag $0x2  }
0x87: {  	s0 =	rddreg [dreg:$0x0];
	s2 =	stileid.u32  }
0x88: {  	s1 =	rddreg [dreg:$0x1];
	p0 =	sne.s32 s2, $0x0  }
0x89: {  	s3 =	rddreg [dreg:$0x2];
	[bflag:$0x3] =	sbarrier.arrive $0xFFFF;
	s2 =	simm.s32 @!p0 $0x1C02  }
0x8a: {  	[timem:s3], [sflag:s2] =	dma.local @!p0 [hbm:s0], s1  }
0x8b: {  	s0 =	simm.s32 @!p0 $0x2  }
0x8c: {  	_ =	swait.ge @!p0 [sflag:s0], s1  }
0x8d: {  	s1 =	ssub.s32 @!p0 $0x0, s1;
	[sflag:s0] =	ssyncset.done @!p0 $0x0  }
0x8e: {  	[sflag:s0] =	ssyncadd.s32 @!p0 s1  }
0x8f: {  	[bflag:$0x3] =	sbarrier.arrive $0xFFFF  }
0x90: {  	_ =	shalt  }

</sc_bundles>
